<compile_context>
chip_gen: v7x
topology: tpu7x:2x2x1
jax: 0.10.2.dev20260603
libtpu: 0.0.44.dev20260713+nightly
codegen_flags: <defaults>
</compile_context>

<pallas_src>
import jax
import jax.numpy as jnp
from jax import lax
from jax.experimental import pallas as pl
from jax.experimental.pallas import tpu as pltpu
from jax.experimental.pallas import tpu_sc as plsc

N = 10000
NC = 2
NS = 16
NW = NC * NS
C = 128
NGB = 2
NIB = 4
ZC = 64
CHUNKS = 80
EPT = C * CHUNKS
E_PAD = NW * EPT
R = 10240
RPT = R // NS


def _make_sc_agg(D, with_counts):
    mesh = plsc.VectorSubcoreMesh(core_axis_name="c", subcore_axis_name="s")
    out_type = [jax.ShapeDtypeStruct((NC, R, D), jnp.float32)]
    scratch = (
        [pltpu.VMEM_SHARED((R, D), jnp.float32)]
        + [pltpu.VMEM((2, C), jnp.int32)] * NIB
        + [pltpu.VMEM((C, D), jnp.float32)] * NGB
        + [pltpu.SemaphoreType.DMA] * NIB
        + [pltpu.SemaphoreType.DMA] * NGB
        + [pltpu.VMEM((ZC, D), jnp.float32)]
    )
    if with_counts:
        out_type.append(jax.ShapeDtypeStruct((NC * R,), jnp.float32))
        scratch += [
            pltpu.VMEM_SHARED((R,), jnp.float32),
            pltpu.VMEM((C,), jnp.float32),
        ]

    def body(x_hbm, edges_hbm, zf_hbm, *rest):
        if with_counts:
            (zc_hbm, ones_hbm, out_hbm, cnt_hbm, acc, *bufs) = rest
            *bufs, cacc, ones_v = bufs
        else:
            (out_hbm, acc, *bufs) = rest
        ibs = tuple(bufs[:NIB])
        gbs = tuple(bufs[NIB:NIB + NGB])
        isems = tuple(bufs[NIB + NGB:2 * NIB + NGB])
        gsems = tuple(bufs[2 * NIB + NGB:2 * NIB + 2 * NGB])
        zbuf = bufs[2 * NIB + 2 * NGB]
        c = lax.axis_index("c")
        s = lax.axis_index("s")
        row0 = s * RPT
        cbase = (c * NS + s) * CHUNKS

        def idx_wait(q):
            pltpu.make_async_copy(edges_hbm.at[0], ibs[q], isems[q]).wait()

        def gather_start(q, g):
            pltpu.async_copy(x_hbm.at[ibs[q].at[0]], gbs[g], gsems[g])

        for b in range(NIB):
            pltpu.async_copy(edges_hbm.at[cbase + b], ibs[b], isems[b])
        for g in range(NGB):
            idx_wait(g)
            gather_start(g, g)
        pltpu.sync_copy(zf_hbm, zbuf)
        for k in range(RPT // ZC):
            pltpu.sync_copy(zbuf, acc.at[pl.ds(row0 + k * ZC, ZC)])
        if with_counts:
            pltpu.sync_copy(zc_hbm, ones_v)
            for k in range(RPT // C):
                pltpu.sync_copy(ones_v, cacc.at[pl.ds(row0 + k * C, C)])
            pltpu.sync_copy(ones_hbm, ones_v)
        plsc.subcore_barrier()

        def process(b, cid_next, start_next, refill):
            g = b % NGB
            pltpu.make_async_copy(
                x_hbm.at[ibs[b].at[0]], gbs[g], gsems[g]).wait()
            pltpu.sync_copy(gbs[g], acc.at[ibs[b].at[1]], add=True)
            if with_counts:
                pltpu.sync_copy(ones_v, cacc.at[ibs[b].at[1]], add=True)
            if refill:
                pltpu.async_copy(edges_hbm.at[cid_next], ibs[b], isems[b])
            if start_next:
                q = (b + NGB) % NIB
                idx_wait(q)
                gather_start(q, g)

        def step(j, carry):
            for b in range(NIB):
                process(b, cbase + NIB * j + b + NIB, True, True)
            return carry

        lax.fori_loop(0, CHUNKS // NIB - 1, step, 0)
        for b in range(NIB):
            process(b, 0, b < NGB, False)
        plsc.subcore_barrier()
        for k in range(RPT // C):
            g = k % NGB
            if k >= NGB:
                pltpu.make_async_copy(
                    gbs[g], out_hbm.at[c, pl.ds(row0, C)], gsems[g]).wait()
            pltpu.sync_copy(acc.at[pl.ds(row0 + k * C, C)], gbs[g])
            pltpu.async_copy(gbs[g], out_hbm.at[c, pl.ds(row0 + k * C, C)],
                             gsems[g])
        for g in range(NGB):
            pltpu.make_async_copy(
                gbs[g], out_hbm.at[c, pl.ds(row0, C)], gsems[g]).wait()
        if with_counts:
            for k in range(RPT // C):
                pltpu.sync_copy(cacc.at[pl.ds(row0 + k * C, C)], ones_v)
                pltpu.sync_copy(ones_v,
                                cnt_hbm.at[pl.ds(c * R + row0 + k * C, C)])

    return pl.kernel(body, out_type=out_type, scratch_types=scratch, mesh=mesh)


_sc_agg128c = _make_sc_agg(128, True)
_sc_agg128 = _make_sc_agg(128, False)

_BLK = 1000
_GRID = N // _BLK


def _row_spec(d):
    return pl.BlockSpec((_BLK, d), lambda i: (i, 0))


def _part_spec(d, core):
    return pl.BlockSpec((1, _BLK, d), lambda i, c=core: (c, i, 0))


def _full_spec(shape):
    nd = len(shape)
    return pl.BlockSpec(shape, lambda i: (0,) * nd)


def _mean(pa, pb, inv):
    return (pa[0] + pb[0]) * inv[...]


def _tc1_body(x, pa, pb, cn, wl, b, wr, h1_ref):
    mean = _mean(pa, pb, cn)
    h1_ref[...] = (jnp.dot(mean, wl[...], preferred_element_type=jnp.float32)
                   + b[...]
                   + jnp.dot(x[...], wr[...],
                             preferred_element_type=jnp.float32))


def _tc2_body(h1, pa, pb, cn, wl, b, wr, w3, h2_ref, p3_ref):
    mean = _mean(pa, pb, cn)
    h2 = (jnp.dot(mean, wl[...], preferred_element_type=jnp.float32)
          + b[...]
          + jnp.dot(h1[...], wr[...], preferred_element_type=jnp.float32))
    h2_ref[...] = h2
    p3_ref[...] = jnp.dot(h2, w3[...], preferred_element_type=jnp.float32)


def _tc3_body(h2, pa, pb, cn, b, wr, h3_ref):
    mean = _mean(pa, pb, cn)
    h3_ref[...] = (mean + b[...]
                   + jnp.dot(h2[...], wr[...],
                             preferred_element_type=jnp.float32))


def kernel(x, edge_index, W1_l, b1, W1_r, W2_l, b2, W2_r, W3_l, b3, W3_r):
    src = edge_index[0].astype(jnp.int32)
    dst = edge_index[1].astype(jnp.int32)
    pad = E_PAD - src.shape[0]
    pidx = jnp.arange(pad, dtype=jnp.int32)
    src_p = jnp.concatenate([src, (pidx * 131) % N])
    dst_p = jnp.concatenate([dst, N + pidx % (R - N)])
    edges = jnp.stack([src_p.reshape(-1, C), dst_p.reshape(-1, C)], axis=1)

    zf128 = jnp.zeros((ZC, 128), jnp.float32)
    zc1 = jnp.zeros((C,), jnp.float32)
    ones1 = jnp.ones((C,), jnp.float32)

    w1l = W1_l.T
    w1r = W1_r.T
    w2l = W2_l.T
    w2r = W2_r.T
    w3l = W3_l.T
    w3r = W3_r.T
    b1r = b1.reshape(1, -1)
    b2r = b2.reshape(1, -1)
    b3r = b3.reshape(1, -1)

    agg1, cnt_flat = _sc_agg128c(x, edges, zf128, zc1, ones1)
    cnt_tot = cnt_flat[:N] + cnt_flat[R:R + N]
    inv = (1.0 / jnp.maximum(cnt_tot, 1.0))[:, None]

    cnt_spec = pl.BlockSpec((_BLK, 1), lambda i: (i, 0))

    h1 = pl.pallas_call(
        _tc1_body,
        grid=(_GRID,),
        in_specs=[_row_spec(128), _part_spec(128, 0), _part_spec(128, 1),
                  cnt_spec,
                  _full_spec((128, 128)), _full_spec((1, 128)),
                  _full_spec((128, 128))],
        out_specs=_row_spec(128),
        out_shape=jax.ShapeDtypeStruct((N, 128), jnp.float32),
    )(x, agg1, agg1, inv, w1l, b1r, w1r)

    (agg2,) = _sc_agg128(h1, edges, zf128)

    h2, p3 = pl.pallas_call(
        _tc2_body,
        grid=(_GRID,),
        in_specs=[_row_spec(128), _part_spec(128, 0), _part_spec(128, 1),
                  cnt_spec,
                  _full_spec((128, 64)), _full_spec((1, 64)),
                  _full_spec((128, 64)), _full_spec((64, 128))],
        out_specs=[_row_spec(64), _row_spec(128)],
        out_shape=[jax.ShapeDtypeStruct((N, 64), jnp.float32),
                   jax.ShapeDtypeStruct((N, 128), jnp.float32)],
    )(h1, agg2, agg2, inv, w2l, b2r, w2r, w3l)

    (agg3,) = _sc_agg128(p3, edges, zf128)

    h3 = pl.pallas_call(
        _tc3_body,
        grid=(_GRID,),
        in_specs=[_row_spec(64), _part_spec(128, 0), _part_spec(128, 1),
                  cnt_spec,
                  _full_spec((1, 128)), _full_spec((64, 128))],
        out_specs=_row_spec(128),
        out_shape=jax.ShapeDtypeStruct((N, 128), jnp.float32),
    )(h2, agg3, agg3, inv, b3r, w3r)

    return h3

# --- scband reference (transcript-rebuilt; emitter-appended) ---
"""Pipeline reference for scband-sequential-sageconv-21689584844955 (READ-ONLY COPY).

The authoritative reference and input builder live on the scoring server;
editing this copy changes nothing except your own understanding.
"""

import jax, jax.numpy as jnp
import numpy as np

N_NODES = 10000
N_EDGES = 320000
D_IN = 128
D_HID = 64
D_OUT = 128

def _glorot(key, shape):
    fan_in, fan_out = shape[1], shape[0]
    limit = (6.0 / (fan_in + fan_out)) ** 0.5
    return jax.random.uniform(key, shape, dtype=jnp.float32, minval=-limit, maxval=limit)

def setup_inputs(seed: int = 0) -> dict:
    key = jax.random.key(seed)
    ks = jax.random.split(key, 10)
    x = jax.random.normal(ks[0], (N_NODES, D_IN), dtype=jnp.float32)
    edge_index = jax.random.randint(ks[1], (2, N_EDGES), 0, N_NODES, dtype=jnp.int64)
    # conv1: 128 -> 128
    W1_l = _glorot(ks[2], (D_IN, D_IN))
    b1 = jnp.zeros((D_IN,), dtype=jnp.float32)
    W1_r = _glorot(ks[3], (D_IN, D_IN))
    # conv2: 128 -> 64
    W2_l = _glorot(ks[4], (D_HID, D_IN))
    b2 = jnp.zeros((D_HID,), dtype=jnp.float32)
    W2_r = _glorot(ks[5], (D_HID, D_IN))
    # conv3: 64 -> 128
    W3_l = _glorot(ks[6], (D_OUT, D_HID))
    b3 = jnp.zeros((D_OUT,), dtype=jnp.float32)
    W3_r = _glorot(ks[7], (D_OUT, D_HID))
    return {"x": x, "edge_index": edge_index,
            "W1_l": W1_l, "b1": b1, "W1_r": W1_r,
            "W2_l": W2_l, "b2": b2, "W2_r": W2_r,
            "W3_l": W3_l, "b3": b3, "W3_r": W3_r}

def _sage_conv(x, src, dst, W_l, b_l, W_r, num_nodes):
    # PyG SAGEConv with mean aggregation:
    # out = lin_l(mean_{j in N(i)} x_j) + lin_r(x_i)
    msgs = jnp.take(x, src, axis=0)
    agg = jax.ops.segment_sum(msgs, dst, num_segments=num_nodes)
    cnt = jax.ops.segment_sum(jnp.ones((src.shape[0],), dtype=x.dtype), dst, num_segments=num_nodes)
    mean = agg / jnp.clip(cnt, 1.0, None)[:, None]
    return mean @ W_l.T + b_l + x @ W_r.T

def reference(x, edge_index, W1_l, b1, W1_r, W2_l, b2, W2_r, W3_l, b3, W3_r):
    src = edge_index[0]
    dst = edge_index[1]
    n = x.shape[0]
    h = _sage_conv(x, src, dst, W1_l, b1, W1_r, n)
    h = _sage_conv(h, src, dst, W2_l, b2, W2_r, n)
    h = _sage_conv(h, src, dst, W3_l, b3, W3_r, n)
    return h

if __name__ == "__main__":
    import jax
    _d = setup_inputs()
    print(jax.jit(kernel)(*tuple(_d.values())))

</pallas_src>

<mosaic_0001>
#map = affine_map<(d0, d1) -> (0, 0)>
#map1 = affine_map<(d0, d1) -> (0, 0, 0)>
#map2 = affine_map<(d0, d1) -> (0)>
module attributes {stable_mosaic.version = 14 : i64} {
  func.func @body(%arg0: i32, %arg1: i32, %arg2: memref<10000x128xf32, #tpu.memory_space<hbm>>, %arg3: memref<2560x2x128xi32, #tpu.memory_space<hbm>>, %arg4: memref<64x128xf32, #tpu.memory_space<hbm>>, %arg5: memref<128xf32, #tpu.memory_space<hbm>>, %arg6: memref<128xf32, #tpu.memory_space<hbm>>, %arg7: memref<2x10240x128xf32, #tpu.memory_space<hbm>>, %arg8: memref<20480xf32, #tpu.memory_space<hbm>>, %arg9: memref<10240x128xf32, #tpu.memory_space<vmem_shared>>, %arg10: memref<2x128xi32, #tpu.memory_space<vmem>>, %arg11: memref<2x128xi32, #tpu.memory_space<vmem>>, %arg12: memref<2x128xi32, #tpu.memory_space<vmem>>, %arg13: memref<2x128xi32, #tpu.memory_space<vmem>>, %arg14: memref<128x128xf32, #tpu.memory_space<vmem>>, %arg15: memref<128x128xf32, #tpu.memory_space<vmem>>, %arg16: memref<!tpu.dma_semaphore, #tpu.memory_space<semaphore_mem>>, %arg17: memref<!tpu.dma_semaphore, #tpu.memory_space<semaphore_mem>>, %arg18: memref<!tpu.dma_semaphore, #tpu.memory_space<semaphore_mem>>, %arg19: memref<!tpu.dma_semaphore, #tpu.memory_space<semaphore_mem>>, %arg20: memref<!tpu.dma_semaphore, #tpu.memory_space<semaphore_mem>>, %arg21: memref<!tpu.dma_semaphore, #tpu.memory_space<semaphore_mem>>, %arg22: memref<64x128xf32, #tpu.memory_space<vmem>>, %arg23: memref<10240xf32, #tpu.memory_space<vmem_shared>>, %arg24: memref<128xf32, #tpu.memory_space<vmem>>) attributes {dimension_semantics = [#tpu.dimension_semantics<core_parallel>, #tpu.dimension_semantics<subcore_parallel>], iteration_bounds = array<i64: 2, 16>, scalar_prefetch = 0 : i64, scratch_operands = 16 : i64, tpu.core_type = #tpu.core_type<sc_vector_subcore>, window_params = [{transform_indices = #map}, {transform_indices = #map1}, {transform_indices = #map}, {transform_indices = #map2}, {transform_indices = #map2}, {transform_indices = #map1}, {transform_indices = #map2}]} {
    %mul3A = arith.constant 640 : i32
    %mul3A_0 = arith.muli %arg1, %mul3A : i32
    %mul3A_1 = arith.constant 16 : i32
    %mul3A_2 = arith.muli %arg0, %mul3A_1 : i32
    %add3A = arith.addi %mul3A_2, %arg1 : i32
    %mul3A_3 = arith.constant 80 : i32
    %mul3A_4 = arith.muli %add3A, %mul3A_3 : i32
    %add3A_5 = arith.constant 0 : i32
    %add3A_6 = arith.addi %mul3A_4, %add3A_5 : i32
    %dma_start3A = arith.constant 0 : i32
    %dma_start3A_7 = arith.constant 0 : i32
    %dma_start3A_8 = tpu.memref_slice %arg3[%add3A_6, %dma_start3A, %dma_start3A_7] : memref<2560x2x128xi32, #tpu.memory_space<hbm>> -> memref<1x2x128xi32, #tpu.memory_space<hbm>>
    %dma_start3A_9 = tpu.memref_squeeze %dma_start3A_8 : memref<1x2x128xi32, #tpu.memory_space<hbm>> -> memref<2x128xi32, #tpu.memory_space<hbm>>
    %dma_start3A_10 = arith.constant 0 : i32
    %dma_start3A_11 = arith.constant 0 : i32
    %dma_start3A_12 = tpu.memref_slice %arg3[%add3A_6, %dma_start3A_10, %dma_start3A_11] : memref<2560x2x128xi32, #tpu.memory_space<hbm>> -> memref<1x2x128xi32, #tpu.memory_space<hbm>>
    %dma_start3A_13 = tpu.memref_squeeze %dma_start3A_12 : memref<1x2x128xi32, #tpu.memory_space<hbm>> -> memref<2x128xi32, #tpu.memory_space<hbm>>
    tpu.enqueue_dma source(%dma_start3A_13 : memref<2x128xi32, #tpu.memory_space<hbm>>) target(%arg10 : memref<2x128xi32, #tpu.memory_space<vmem>>) target_semaphore(%arg16 : memref<!tpu.dma_semaphore, #tpu.memory_space<semaphore_mem>>)
    %add3A_14 = arith.constant 1 : i32
    %add3A_15 = arith.addi %mul3A_4, %add3A_14 : i32
    %dma_start3A_16 = arith.constant 0 : i32
    %dma_start3A_17 = arith.constant 0 : i32
    %dma_start3A_18 = tpu.memref_slice %arg3[%add3A_15, %dma_start3A_16, %dma_start3A_17] : memref<2560x2x128xi32, #tpu.memory_space<hbm>> -> memref<1x2x128xi32, #tpu.memory_space<hbm>>
    %dma_start3A_19 = tpu.memref_squeeze %dma_start3A_18 : memref<1x2x128xi32, #tpu.memory_space<hbm>> -> memref<2x128xi32, #tpu.memory_space<hbm>>
    %dma_start3A_20 = arith.constant 0 : i32
    %dma_start3A_21 = arith.constant 0 : i32
    %dma_start3A_22 = tpu.memref_slice %arg3[%add3A_15, %dma_start3A_20, %dma_start3A_21] : memref<2560x2x128xi32, #tpu.memory_space<hbm>> -> memref<1x2x128xi32, #tpu.memory_space<hbm>>
    %dma_start3A_23 = tpu.memref_squeeze %dma_start3A_22 : memref<1x2x128xi32, #tpu.memory_space<hbm>> -> memref<2x128xi32, #tpu.memory_space<hbm>>
    tpu.enqueue_dma source(%dma_start3A_23 : memref<2x128xi32, #tpu.memory_space<hbm>>) target(%arg11 : memref<2x128xi32, #tpu.memory_space<vmem>>) target_semaphore(%arg17 : memref<!tpu.dma_semaphore, #tpu.memory_space<semaphore_mem>>)
    %add3A_24 = arith.constant 2 : i32
    %add3A_25 = arith.addi %mul3A_4, %add3A_24 : i32
    %dma_start3A_26 = arith.constant 0 : i32
    %dma_start3A_27 = arith.constant 0 : i32
    %dma_start3A_28 = tpu.memref_slice %arg3[%add3A_25, %dma_start3A_26, %dma_start3A_27] : memref<2560x2x128xi32, #tpu.memory_space<hbm>> -> memref<1x2x128xi32, #tpu.memory_space<hbm>>
    %dma_start3A_29 = tpu.memref_squeeze %dma_start3A_28 : memref<1x2x128xi32, #tpu.memory_space<hbm>> -> memref<2x128xi32, #tpu.memory_space<hbm>>
    %dma_start3A_30 = arith.constant 0 : i32
    %dma_start3A_31 = arith.constant 0 : i32
    %dma_start3A_32 = tpu.memref_slice %arg3[%add3A_25, %dma_start3A_30, %dma_start3A_31] : memref<2560x2x128xi32, #tpu.memory_space<hbm>> -> memref<1x2x128xi32, #tpu.memory_space<hbm>>
    %dma_start3A_33 = tpu.memref_squeeze %dma_start3A_32 : memref<1x2x128xi32, #tpu.memory_space<hbm>> -> memref<2x128xi32, #tpu.memory_space<hbm>>
    tpu.enqueue_dma source(%dma_start3A_33 : memref<2x128xi32, #tpu.memory_space<hbm>>) target(%arg12 : memref<2x128xi32, #tpu.memory_space<vmem>>) target_semaphore(%arg18 : memref<!tpu.dma_semaphore, #tpu.memory_space<semaphore_mem>>)
    %add3A_34 = arith.constant 3 : i32
    %add3A_35 = arith.addi %mul3A_4, %add3A_34 : i32
    %dma_start3A_36 = arith.constant 0 : i32
    %dma_start3A_37 = arith.constant 0 : i32
    %dma_start3A_38 = tpu.memref_slice %arg3[%add3A_35, %dma_start3A_36, %dma_start3A_37] : memref<2560x2x128xi32, #tpu.memory_space<hbm>> -> memref<1x2x128xi32, #tpu.memory_space<hbm>>
    %dma_start3A_39 = tpu.memref_squeeze %dma_start3A_38 : memref<1x2x128xi32, #tpu.memory_space<hbm>> -> memref<2x128xi32, #tpu.memory_space<hbm>>
    %dma_start3A_40 = arith.constant 0 : i32
    %dma_start3A_41 = arith.constant 0 : i32
    %dma_start3A_42 = tpu.memref_slice %arg3[%add3A_35, %dma_start3A_40, %dma_start3A_41] : memref<2560x2x128xi32, #tpu.memory_space<hbm>> -> memref<1x2x128xi32, #tpu.memory_space<hbm>>
    %dma_start3A_43 = tpu.memref_squeeze %dma_start3A_42 : memref<1x2x128xi32, #tpu.memory_space<hbm>> -> memref<2x128xi32, #tpu.memory_space<hbm>>
    tpu.enqueue_dma source(%dma_start3A_43 : memref<2x128xi32, #tpu.memory_space<hbm>>) target(%arg13 : memref<2x128xi32, #tpu.memory_space<vmem>>) target_semaphore(%arg19 : memref<!tpu.dma_semaphore, #tpu.memory_space<semaphore_mem>>)
    %dma_wait3A = arith.constant 0 : i32
    %dma_wait3A_44 = arith.constant 0 : i32
    %dma_wait3A_45 = arith.constant 0 : i32
    %dma_wait3A_46 = tpu.memref_slice %arg3[%dma_wait3A, %dma_wait3A_44, %dma_wait3A_45] : memref<2560x2x128xi32, #tpu.memory_space<hbm>> -> memref<1x2x128xi32, #tpu.memory_space<hbm>>
    %dma_wait3A_47 = tpu.memref_squeeze %dma_wait3A_46 : memref<1x2x128xi32, #tpu.memory_space<hbm>> -> memref<2x128xi32, #tpu.memory_space<hbm>>
    %dma_wait3A_48 = arith.constant 0 : i32
    %dma_wait3A_49 = arith.constant 0 : i32
    %dma_wait3A_50 = tpu.memref_slice %arg3[%dma_wait3A, %dma_wait3A_48, %dma_wait3A_49] : memref<2560x2x128xi32, #tpu.memory_space<hbm>> -> memref<1x2x128xi32, #tpu.memory_space<hbm>>
    %dma_wait3A_51 = tpu.memref_squeeze %dma_wait3A_50 : memref<1x2x128xi32, #tpu.memory_space<hbm>> -> memref<2x128xi32, #tpu.memory_space<hbm>>
    tpu.wait_dma2 semaphore(%arg16 : memref<!tpu.dma_semaphore, #tpu.memory_space<semaphore_mem>>) src(%dma_wait3A_51 : memref<2x128xi32, #tpu.memory_space<hbm>>) dst(%arg10 : memref<2x128xi32, #tpu.memory_space<vmem>>)
    %dma_start3A_52 = arith.constant 0 : i32
    %dma_start3A_53 = arith.constant 0 : i32
    %dma_start3A_54 = tpu.memref_slice %arg10[%dma_start3A_52, %dma_start3A_53] : memref<2x128xi32, #tpu.memory_space<vmem>> -> memref<1x128xi32, #tpu.memory_space<vmem>>
    %dma_start3A_55 = tpu.memref_squeeze %dma_start3A_54 : memref<1x128xi32, #tpu.memory_space<vmem>> -> memref<128xi32, #tpu.memory_space<vmem>>
    %dma_start3A_56 = arith.constant 0 : i32
    %dma_start3A_57 = arith.constant 0 : i32
    %dma_start3A_58 = tpu.memref_slice %arg2[%dma_start3A_56, %dma_start3A_57] : memref<10000x128xf32, #tpu.memory_space<hbm>> -> memref<10000x128xf32, #tpu.memory_space<hbm>>
    tpu.enqueue_indirect_dma source(%dma_start3A_58 : memref<10000x128xf32, #tpu.memory_space<hbm>>) target(%arg14 : memref<128x128xf32, #tpu.memory_space<vmem>>) offsets(%dma_start3A_55 : memref<128xi32, #tpu.memory_space<vmem>>) semaphore(%arg20 : memref<!tpu.dma_semaphore, #tpu.memory_space<semaphore_mem>>)
    %dma_wait3A_59 = arith.constant 0 : i32
    %dma_wait3A_60 = arith.constant 0 : i32
    %dma_wait3A_61 = arith.constant 0 : i32
    %dma_wait3A_62 = tpu.memref_slice %arg3[%dma_wait3A_59, %dma_wait3A_60, %dma_wait3A_61] : memref<2560x2x128xi32, #tpu.memory_space<hbm>> -> memref<1x2x128xi32, #tpu.memory_space<hbm>>
    %dma_wait3A_63 = tpu.memref_squeeze %dma_wait3A_62 : memref<1x2x128xi32, #tpu.memory_space<hbm>> -> memref<2x128xi32, #tpu.memory_space<hbm>>
    %dma_wait3A_64 = arith.constant 0 : i32
    %dma_wait3A_65 = arith.constant 0 : i32
    %dma_wait3A_66 = tpu.memref_slice %arg3[%dma_wait3A_59, %dma_wait3A_64, %dma_wait3A_65] : memref<2560x2x128xi32, #tpu.memory_space<hbm>> -> memref<1x2x128xi32, #tpu.memory_space<hbm>>
    %dma_wait3A_67 = tpu.memref_squeeze %dma_wait3A_66 : memref<1x2x128xi32, #tpu.memory_space<hbm>> -> memref<2x128xi32, #tpu.memory_space<hbm>>
    tpu.wait_dma2 semaphore(%arg17 : memref<!tpu.dma_semaphore, #tpu.memory_space<semaphore_mem>>) src(%dma_wait3A_67 : memref<2x128xi32, #tpu.memory_space<hbm>>) dst(%arg11 : memref<2x128xi32, #tpu.memory_space<vmem>>)
    %dma_start3A_68 = arith.constant 0 : i32
    %dma_start3A_69 = arith.constant 0 : i32
    %dma_start3A_70 = tpu.memref_slice %arg11[%dma_start3A_68, %dma_start3A_69] : memref<2x128xi32, #tpu.memory_space<vmem>> -> memref<1x128xi32, #tpu.memory_space<vmem>>
    %dma_start3A_71 = tpu.memref_squeeze %dma_start3A_70 : memref<1x128xi32, #tpu.memory_space<vmem>> -> memref<128xi32, #tpu.memory_space<vmem>>
    %dma_start3A_72 = arith.constant 0 : i32
    %dma_start3A_73 = arith.constant 0 : i32
    %dma_start3A_74 = tpu.memref_slice %arg2[%dma_start3A_72, %dma_start3A_73] : memref<10000x128xf32, #tpu.memory_space<hbm>> -> memref<10000x128xf32, #tpu.memory_space<hbm>>
    tpu.enqueue_indirect_dma source(%dma_start3A_74 : memref<10000x128xf32, #tpu.memory_space<hbm>>) target(%arg15 : memref<128x128xf32, #tpu.memory_space<vmem>>) offsets(%dma_start3A_71 : memref<128xi32, #tpu.memory_space<vmem>>) semaphore(%arg21 : memref<!tpu.dma_semaphore, #tpu.memory_space<semaphore_mem>>)
    "tpu.region"() ({
      %run_scoped3A_293 = tpu.sem_alloc : memref<!tpu.dma_semaphore, #tpu.memory_space<semaphore_mem>>
      tpu.enqueue_dma source(%arg4 : memref<64x128xf32, #tpu.memory_space<hbm>>) target(%arg22 : memref<64x128xf32, #tpu.memory_space<vmem>>) target_semaphore(%run_scoped3A_293 : memref<!tpu.dma_semaphore, #tpu.memory_space<semaphore_mem>>)
      tpu.wait_dma2 semaphore(%run_scoped3A_293 : memref<!tpu.dma_semaphore, #tpu.memory_space<semaphore_mem>>) src(%arg4 : memref<64x128xf32, #tpu.memory_space<hbm>>) dst(%arg22 : memref<64x128xf32, #tpu.memory_space<vmem>>)
      tpu.yield
    }) : () -> ()
    %add3A_75 = arith.constant 0 : i32
    %add3A_76 = arith.addi %mul3A_0, %add3A_75 : i32
    "tpu.region"() ({
      %run_scoped3A_293 = tpu.sem_alloc : memref<!tpu.dma_semaphore, #tpu.memory_space<semaphore_mem>>
      %dma_start3A_294 = arith.constant 0 : i32
      %dma_start3A_295 = tpu.memref_slice %arg9[%add3A_76, %dma_start3A_294] : memref<10240x128xf32, #tpu.memory_space<vmem_shared>> -> memref<64x128xf32, #tpu.memory_space<vmem_shared>>
      %dma_start3A_296 = arith.constant 0 : i32
      %dma_start3A_297 = tpu.memref_slice %arg9[%add3A_76, %dma_start3A_296] : memref<10240x128xf32, #tpu.memory_space<vmem_shared>> -> memref<64x128xf32, #tpu.memory_space<vmem_shared>>
      tpu.enqueue_dma source(%arg22 : memref<64x128xf32, #tpu.memory_space<vmem>>) target(%dma_start3A_297 : memref<64x128xf32, #tpu.memory_space<vmem_shared>>) target_semaphore(%run_scoped3A_293 : memref<!tpu.dma_semaphore, #tpu.memory_space<semaphore_mem>>)
      %dma_wait3A_298 = arith.constant 0 : i32
      %dma_wait3A_299 = tpu.memref_slice %arg9[%add3A_76, %dma_wait3A_298] : memref<10240x128xf32, #tpu.memory_space<vmem_shared>> -> memref<64x128xf32, #tpu.memory_space<vmem_shared>>
      %dma_wait3A_300 = arith.constant 0 : i32
      %dma_wait3A_301 = tpu.memref_slice %arg9[%add3A_76, %dma_wait3A_300] : memref<10240x128xf32, #tpu.memory_space<vmem_shared>> -> memref<64x128xf32, #tpu.memory_space<vmem_shared>>
      tpu.wait_dma2 semaphore(%run_scoped3A_293 : memref<!tpu.dma_semaphore, #tpu.memory_space<semaphore_mem>>) src(%arg22 : memref<64x128xf32, #tpu.memory_space<vmem>>) dst(%dma_wait3A_301 : memref<64x128xf32, #tpu.memory_space<vmem_shared>>)
      tpu.yield
    }) : () -> ()
    %add3A_77 = arith.constant 64 : i32
    %add3A_78 = arith.addi %mul3A_0, %add3A_77 : i32
    "tpu.region"() ({
      %run_scoped3A_293 = tpu.sem_alloc : memref<!tpu.dma_semaphore, #tpu.memory_space<semaphore_mem>>
      %dma_start3A_294 = arith.constant 0 : i32
      %dma_start3A_295 = tpu.memref_slice %arg9[%add3A_78, %dma_start3A_294] : memref<10240x128xf32, #tpu.memory_space<vmem_shared>> -> memref<64x128xf32, #tpu.memory_space<vmem_shared>>
      %dma_start3A_296 = arith.constant 0 : i32
      %dma_start3A_297 = tpu.memref_slice %arg9[%add3A_78, %dma_start3A_296] : memref<10240x128xf32, #tpu.memory_space<vmem_shared>> -> memref<64x128xf32, #tpu.memory_space<vmem_shared>>
      tpu.enqueue_dma source(%arg22 : memref<64x128xf32, #tpu.memory_space<vmem>>) target(%dma_start3A_297 : memref<64x128xf32, #tpu.memory_space<vmem_shared>>) target_semaphore(%run_scoped3A_293 : memref<!tpu.dma_semaphore, #tpu.memory_space<semaphore_mem>>)
      %dma_wait3A_298 = arith.constant 0 : i32
      %dma_wait3A_299 = tpu.memref_slice %arg9[%add3A_78, %dma_wait3A_298] : memref<10240x128xf32, #tpu.memory_space<vmem_shared>> -> memref<64x128xf32, #tpu.memory_space<vmem_shared>>
      %dma_wait3A_300 = arith.constant 0 : i32
      %dma_wait3A_301 = tpu.memref_slice %arg9[%add3A_78, %dma_wait3A_300] : memref<10240x128xf32, #tpu.memory_space<vmem_shared>> -> memref<64x128xf32, #tpu.memory_space<vmem_shared>>
      tpu.wait_dma2 semaphore(%run_scoped3A_293 : memref<!tpu.dma_semaphore, #tpu.memory_space<semaphore_mem>>) src(%arg22 : memref<64x128xf32, #tpu.memory_space<vmem>>) dst(%dma_wait3A_301 : memref<64x128xf32, #tpu.memory_space<vmem_shared>>)
      tpu.yield
    }) : () -> ()
    %add3A_79 = arith.constant 128 : i32
    %add3A_80 = arith.addi %mul3A_0, %add3A_79 : i32
    "tpu.region"() ({
      %run_scoped3A_293 = tpu.sem_alloc : memref<!tpu.dma_semaphore, #tpu.memory_space<semaphore_mem>>
      %dma_start3A_294 = arith.constant 0 : i32
      %dma_start3A_295 = tpu.memref_slice %arg9[%add3A_80, %dma_start3A_294] : memref<10240x128xf32, #tpu.memory_space<vmem_shared>> -> memref<64x128xf32, #tpu.memory_space<vmem_shared>>
      %dma_start3A_296 = arith.constant 0 : i32
      %dma_start3A_297 = tpu.memref_slice %arg9[%add3A_80, %dma_start3A_296] : memref<10240x128xf32, #tpu.memory_space<vmem_shared>> -> memref<64x128xf32, #tpu.memory_space<vmem_shared>>
      tpu.enqueue_dma source(%arg22 : memref<64x128xf32, #tpu.memory_space<vmem>>) target(%dma_start3A_297 : memref<64x128xf32, #tpu.memory_space<vmem_shared>>) target_semaphore(%run_scoped3A_293 : memref<!tpu.dma_semaphore, #tpu.memory_space<semaphore_mem>>)
      %dma_wait3A_298 = arith.constant 0 : i32
      %dma_wait3A_299 = tpu.memref_slice %arg9[%add3A_80, %dma_wait3A_298] : memref<10240x128xf32, #tpu.memory_space<vmem_shared>> -> memref<64x128xf32, #tpu.memory_space<vmem_shared>>
      %dma_wait3A_300 = arith.constant 0 : i32
      %dma_wait3A_301 = tpu.memref_slice %arg9[%add3A_80, %dma_wait3A_300] : memref<10240x128xf32, #tpu.memory_space<vmem_shared>> -> memref<64x128xf32, #tpu.memory_space<vmem_shared>>
      tpu.wait_dma2 semaphore(%run_scoped3A_293 : memref<!tpu.dma_semaphore, #tpu.memory_space<semaphore_mem>>) src(%arg22 : memref<64x128xf32, #tpu.memory_space<vmem>>) dst(%dma_wait3A_301 : memref<64x128xf32, #tpu.memory_space<vmem_shared>>)
      tpu.yield
    }) : () -> ()
    %add3A_81 = arith.constant 192 : i32
    %add3A_82 = arith.addi %mul3A_0, %add3A_81 : i32
    "tpu.region"() ({
      %run_scoped3A_293 = tpu.sem_alloc : memref<!tpu.dma_semaphore, #tpu.memory_space<semaphore_mem>>
      %dma_start3A_294 = arith.constant 0 : i32
      %dma_start3A_295 = tpu.memref_slice %arg9[%add3A_82, %dma_start3A_294] : memref<10240x128xf32, #tpu.memory_space<vmem_shared>> -> memref<64x128xf32, #tpu.memory_space<vmem_shared>>
      %dma_start3A_296 = arith.constant 0 : i32
      %dma_start3A_297 = tpu.memref_slice %arg9[%add3A_82, %dma_start3A_296] : memref<10240x128xf32, #tpu.memory_space<vmem_shared>> -> memref<64x128xf32, #tpu.memory_space<vmem_shared>>
      tpu.enqueue_dma source(%arg22 : memref<64x128xf32, #tpu.memory_space<vmem>>) target(%dma_start3A_297 : memref<64x128xf32, #tpu.memory_space<vmem_shared>>) target_semaphore(%run_scoped3A_293 : memref<!tpu.dma_semaphore, #tpu.memory_space<semaphore_mem>>)
      %dma_wait3A_298 = arith.constant 0 : i32
      %dma_wait3A_299 = tpu.memref_slice %arg9[%add3A_82, %dma_wait3A_298] : memref<10240x128xf32, #tpu.memory_space<vmem_shared>> -> memref<64x128xf32, #tpu.memory_space<vmem_shared>>
      %dma_wait3A_300 = arith.constant 0 : i32
      %dma_wait3A_301 = tpu.memref_slice %arg9[%add3A_82, %dma_wait3A_300] : memref<10240x128xf32, #tpu.memory_space<vmem_shared>> -> memref<64x128xf32, #tpu.memory_space<vmem_shared>>
      tpu.wait_dma2 semaphore(%run_scoped3A_293 : memref<!tpu.dma_semaphore, #tpu.memory_space<semaphore_mem>>) src(%arg22 : memref<64x128xf32, #tpu.memory_space<vmem>>) dst(%dma_wait3A_301 : memref<64x128xf32, #tpu.memory_space<vmem_shared>>)
      tpu.yield
    }) : () -> ()
    %add3A_83 = arith.constant 256 : i32
    %add3A_84 = arith.addi %mul3A_0, %add3A_83 : i32
    "tpu.region"() ({
      %run_scoped3A_293 = tpu.sem_alloc : memref<!tpu.dma_semaphore, #tpu.memory_space<semaphore_mem>>
      %dma_start3A_294 = arith.constant 0 : i32
      %dma_start3A_295 = tpu.memref_slice %arg9[%add3A_84, %dma_start3A_294] : memref<10240x128xf32, #tpu.memory_space<vmem_shared>> -> memref<64x128xf32, #tpu.memory_space<vmem_shared>>
      %dma_start3A_296 = arith.constant 0 : i32
      %dma_start3A_297 = tpu.memref_slice %arg9[%add3A_84, %dma_start3A_296] : memref<10240x128xf32, #tpu.memory_space<vmem_shared>> -> memref<64x128xf32, #tpu.memory_space<vmem_shared>>
      tpu.enqueue_dma source(%arg22 : memref<64x128xf32, #tpu.memory_space<vmem>>) target(%dma_start3A_297 : memref<64x128xf32, #tpu.memory_space<vmem_shared>>) target_semaphore(%run_scoped3A_293 : memref<!tpu.dma_semaphore, #tpu.memory_space<semaphore_mem>>)
      %dma_wait3A_298 = arith.constant 0 : i32
      %dma_wait3A_299 = tpu.memref_slice %arg9[%add3A_84, %dma_wait3A_298] : memref<10240x128xf32, #tpu.memory_space<vmem_shared>> -> memref<64x128xf32, #tpu.memory_space<vmem_shared>>
      %dma_wait3A_300 = arith.constant 0 : i32
      %dma_wait3A_301 = tpu.memref_slice %arg9[%add3A_84, %dma_wait3A_300] : memref<10240x128xf32, #tpu.memory_space<vmem_shared>> -> memref<64x128xf32, #tpu.memory_space<vmem_shared>>
      tpu.wait_dma2 semaphore(%run_scoped3A_293 : memref<!tpu.dma_semaphore, #tpu.memory_space<semaphore_mem>>) src(%arg22 : memref<64x128xf32, #tpu.memory_space<vmem>>) dst(%dma_wait3A_301 : memref<64x128xf32, #tpu.memory_space<vmem_shared>>)
      tpu.yield
    }) : () -> ()
    %add3A_85 = arith.constant 320 : i32
    %add3A_86 = arith.addi %mul3A_0, %add3A_85 : i32
    "tpu.region"() ({
      %run_scoped3A_293 = tpu.sem_alloc : memref<!tpu.dma_semaphore, #tpu.memory_space<semaphore_mem>>
      %dma_start3A_294 = arith.constant 0 : i32
      %dma_start3A_295 = tpu.memref_slice %arg9[%add3A_86, %dma_start3A_294] : memref<10240x128xf32, #tpu.memory_space<vmem_shared>> -> memref<64x128xf32, #tpu.memory_space<vmem_shared>>
      %dma_start3A_296 = arith.constant 0 : i32
      %dma_start3A_297 = tpu.memref_slice %arg9[%add3A_86, %dma_start3A_296] : memref<10240x128xf32, #tpu.memory_space<vmem_shared>> -> memref<64x128xf32, #tpu.memory_space<vmem_shared>>
      tpu.enqueue_dma source(%arg22 : memref<64x128xf32, #tpu.memory_space<vmem>>) target(%dma_start3A_297 : memref<64x128xf32, #tpu.memory_space<vmem_shared>>) target_semaphore(%run_scoped3A_293 : memref<!tpu.dma_semaphore, #tpu.memory_space<semaphore_mem>>)
      %dma_wait3A_298 = arith.constant 0 : i32
      %dma_wait3A_299 = tpu.memref_slice %arg9[%add3A_86, %dma_wait3A_298] : memref<10240x128xf32, #tpu.memory_space<vmem_shared>> -> memref<64x128xf32, #tpu.memory_space<vmem_shared>>
      %dma_wait3A_300 = arith.constant 0 : i32
      %dma_wait3A_301 = tpu.memref_slice %arg9[%add3A_86, %dma_wait3A_300] : memref<10240x128xf32, #tpu.memory_space<vmem_shared>> -> memref<64x128xf32, #tpu.memory_space<vmem_shared>>
      tpu.wait_dma2 semaphore(%run_scoped3A_293 : memref<!tpu.dma_semaphore, #tpu.memory_space<semaphore_mem>>) src(%arg22 : memref<64x128xf32, #tpu.memory_space<vmem>>) dst(%dma_wait3A_301 : memref<64x128xf32, #tpu.memory_space<vmem_shared>>)
      tpu.yield
    }) : () -> ()
    %add3A_87 = arith.constant 384 : i32
    %add3A_88 = arith.addi %mul3A_0, %add3A_87 : i32
    "tpu.region"() ({
      %run_scoped3A_293 = tpu.sem_alloc : memref<!tpu.dma_semaphore, #tpu.memory_space<semaphore_mem>>
      %dma_start3A_294 = arith.constant 0 : i32
      %dma_start3A_295 = tpu.memref_slice %arg9[%add3A_88, %dma_start3A_294] : memref<10240x128xf32, #tpu.memory_space<vmem_shared>> -> memref<64x128xf32, #tpu.memory_space<vmem_shared>>
      %dma_start3A_296 = arith.constant 0 : i32
      %dma_start3A_297 = tpu.memref_slice %arg9[%add3A_88, %dma_start3A_296] : memref<10240x128xf32, #tpu.memory_space<vmem_shared>> -> memref<64x128xf32, #tpu.memory_space<vmem_shared>>
      tpu.enqueue_dma source(%arg22 : memref<64x128xf32, #tpu.memory_space<vmem>>) target(%dma_start3A_297 : memref<64x128xf32, #tpu.memory_space<vmem_shared>>) target_semaphore(%run_scoped3A_293 : memref<!tpu.dma_semaphore, #tpu.memory_space<semaphore_mem>>)
      %dma_wait3A_298 = arith.constant 0 : i32
      %dma_wait3A_299 = tpu.memref_slice %arg9[%add3A_88, %dma_wait3A_298] : memref<10240x128xf32, #tpu.memory_space<vmem_shared>> -> memref<64x128xf32, #tpu.memory_space<vmem_shared>>
      %dma_wait3A_300 = arith.constant 0 : i32
      %dma_wait3A_301 = tpu.memref_slice %arg9[%add3A_88, %dma_wait3A_300] : memref<10240x128xf32, #tpu.memory_space<vmem_shared>> -> memref<64x128xf32, #tpu.memory_space<vmem_shared>>
      tpu.wait_dma2 semaphore(%run_scoped3A_293 : memref<!tpu.dma_semaphore, #tpu.memory_space<semaphore_mem>>) src(%arg22 : memref<64x128xf32, #tpu.memory_space<vmem>>) dst(%dma_wait3A_301 : memref<64x128xf32, #tpu.memory_space<vmem_shared>>)
      tpu.yield
    }) : () -> ()
    %add3A_89 = arith.constant 448 : i32
    %add3A_90 = arith.addi %mul3A_0, %add3A_89 : i32
    "tpu.region"() ({
      %run_scoped3A_293 = tpu.sem_alloc : memref<!tpu.dma_semaphore, #tpu.memory_space<semaphore_mem>>
      %dma_start3A_294 = arith.constant 0 : i32
      %dma_start3A_295 = tpu.memref_slice %arg9[%add3A_90, %dma_start3A_294] : memref<10240x128xf32, #tpu.memory_space<vmem_shared>> -> memref<64x128xf32, #tpu.memory_space<vmem_shared>>
      %dma_start3A_296 = arith.constant 0 : i32
      %dma_start3A_297 = tpu.memref_slice %arg9[%add3A_90, %dma_start3A_296] : memref<10240x128xf32, #tpu.memory_space<vmem_shared>> -> memref<64x128xf32, #tpu.memory_space<vmem_shared>>
      tpu.enqueue_dma source(%arg22 : memref<64x128xf32, #tpu.memory_space<vmem>>) target(%dma_start3A_297 : memref<64x128xf32, #tpu.memory_space<vmem_shared>>) target_semaphore(%run_scoped3A_293 : memref<!tpu.dma_semaphore, #tpu.memory_space<semaphore_mem>>)
      %dma_wait3A_298 = arith.constant 0 : i32
      %dma_wait3A_299 = tpu.memref_slice %arg9[%add3A_90, %dma_wait3A_298] : memref<10240x128xf32, #tpu.memory_space<vmem_shared>> -> memref<64x128xf32, #tpu.memory_space<vmem_shared>>
      %dma_wait3A_300 = arith.constant 0 : i32
      %dma_wait3A_301 = tpu.memref_slice %arg9[%add3A_90, %dma_wait3A_300] : memref<10240x128xf32, #tpu.memory_space<vmem_shared>> -> memref<64x128xf32, #tpu.memory_space<vmem_shared>>
      tpu.wait_dma2 semaphore(%run_scoped3A_293 : memref<!tpu.dma_semaphore, #tpu.memory_space<semaphore_mem>>) src(%arg22 : memref<64x128xf32, #tpu.memory_space<vmem>>) dst(%dma_wait3A_301 : memref<64x128xf32, #tpu.memory_space<vmem_shared>>)
      tpu.yield
    }) : () -> ()
    %add3A_91 = arith.constant 512 : i32
    %add3A_92 = arith.addi %mul3A_0, %add3A_91 : i32
    "tpu.region"() ({
      %run_scoped3A_293 = tpu.sem_alloc : memref<!tpu.dma_semaphore, #tpu.memory_space<semaphore_mem>>
      %dma_start3A_294 = arith.constant 0 : i32
      %dma_start3A_295 = tpu.memref_slice %arg9[%add3A_92, %dma_start3A_294] : memref<10240x128xf32, #tpu.memory_space<vmem_shared>> -> memref<64x128xf32, #tpu.memory_space<vmem_shared>>
      %dma_start3A_296 = arith.constant 0 : i32
      %dma_start3A_297 = tpu.memref_slice %arg9[%add3A_92, %dma_start3A_296] : memref<10240x128xf32, #tpu.memory_space<vmem_shared>> -> memref<64x128xf32, #tpu.memory_space<vmem_shared>>
      tpu.enqueue_dma source(%arg22 : memref<64x128xf32, #tpu.memory_space<vmem>>) target(%dma_start3A_297 : memref<64x128xf32, #tpu.memory_space<vmem_shared>>) target_semaphore(%run_scoped3A_293 : memref<!tpu.dma_semaphore, #tpu.memory_space<semaphore_mem>>)
      %dma_wait3A_298 = arith.constant 0 : i32
      %dma_wait3A_299 = tpu.memref_slice %arg9[%add3A_92, %dma_wait3A_298] : memref<10240x128xf32, #tpu.memory_space<vmem_shared>> -> memref<64x128xf32, #tpu.memory_space<vmem_shared>>
      %dma_wait3A_300 = arith.constant 0 : i32
      %dma_wait3A_301 = tpu.memref_slice %arg9[%add3A_92, %dma_wait3A_300] : memref<10240x128xf32, #tpu.memory_space<vmem_shared>> -> memref<64x128xf32, #tpu.memory_space<vmem_shared>>
      tpu.wait_dma2 semaphore(%run_scoped3A_293 : memref<!tpu.dma_semaphore, #tpu.memory_space<semaphore_mem>>) src(%arg22 : memref<64x128xf32, #tpu.memory_space<vmem>>) dst(%dma_wait3A_301 : memref<64x128xf32, #tpu.memory_space<vmem_shared>>)
      tpu.yield
    }) : () -> ()
    %add3A_93 = arith.constant 576 : i32
    %add3A_94 = arith.addi %mul3A_0, %add3A_93 : i32
    "tpu.region"() ({
      %run_scoped3A_293 = tpu.sem_alloc : memref<!tpu.dma_semaphore, #tpu.memory_space<semaphore_mem>>
      %dma_start3A_294 = arith.constant 0 : i32
      %dma_start3A_295 = tpu.memref_slice %arg9[%add3A_94, %dma_start3A_294] : memref<10240x128xf32, #tpu.memory_space<vmem_shared>> -> memref<64x128xf32, #tpu.memory_space<vmem_shared>>
      %dma_start3A_296 = arith.constant 0 : i32
      %dma_start3A_297 = tpu.memref_slice %arg9[%add3A_94, %dma_start3A_296] : memref<10240x128xf32, #tpu.memory_space<vmem_shared>> -> memref<64x128xf32, #tpu.memory_space<vmem_shared>>
      tpu.enqueue_dma source(%arg22 : memref<64x128xf32, #tpu.memory_space<vmem>>) target(%dma_start3A_297 : memref<64x128xf32, #tpu.memory_space<vmem_shared>>) target_semaphore(%run_scoped3A_293 : memref<!tpu.dma_semaphore, #tpu.memory_space<semaphore_mem>>)
      %dma_wait3A_298 = arith.constant 0 : i32
      %dma_wait3A_299 = tpu.memref_slice %arg9[%add3A_94, %dma_wait3A_298] : memref<10240x128xf32, #tpu.memory_space<vmem_shared>> -> memref<64x128xf32, #tpu.memory_space<vmem_shared>>
      %dma_wait3A_300 = arith.constant 0 : i32
      %dma_wait3A_301 = tpu.memref_slice %arg9[%add3A_94, %dma_wait3A_300] : memref<10240x128xf32, #tpu.memory_space<vmem_shared>> -> memref<64x128xf32, #tpu.memory_space<vmem_shared>>
      tpu.wait_dma2 semaphore(%run_scoped3A_293 : memref<!tpu.dma_semaphore, #tpu.memory_space<semaphore_mem>>) src(%arg22 : memref<64x128xf32, #tpu.memory_space<vmem>>) dst(%dma_wait3A_301 : memref<64x128xf32, #tpu.memory_space<vmem_shared>>)
      tpu.yield
    }) : () -> ()
    "tpu.region"() ({
      %run_scoped3A_293 = tpu.sem_alloc : memref<!tpu.dma_semaphore, #tpu.memory_space<semaphore_mem>>
      tpu.enqueue_dma source(%arg5 : memref<128xf32, #tpu.memory_space<hbm>>) target(%arg24 : memref<128xf32, #tpu.memory_space<vmem>>) target_semaphore(%run_scoped3A_293 : memref<!tpu.dma_semaphore, #tpu.memory_space<semaphore_mem>>)
      tpu.wait_dma2 semaphore(%run_scoped3A_293 : memref<!tpu.dma_semaphore, #tpu.memory_space<semaphore_mem>>) src(%arg5 : memref<128xf32, #tpu.memory_space<hbm>>) dst(%arg24 : memref<128xf32, #tpu.memory_space<vmem>>)
      tpu.yield
    }) : () -> ()
    %add3A_95 = arith.constant 0 : i32
    %add3A_96 = arith.addi %mul3A_0, %add3A_95 : i32
    "tpu.region"() ({
      %run_scoped3A_293 = tpu.sem_alloc : memref<!tpu.dma_semaphore, #tpu.memory_space<semaphore_mem>>
      %dma_start3A_294 = tpu.memref_slice %arg23[%add3A_96] : memref<10240xf32, #tpu.memory_space<vmem_shared>> -> memref<128xf32, #tpu.memory_space<vmem_shared>>
      %dma_start3A_295 = tpu.memref_slice %arg23[%add3A_96] : memref<10240xf32, #tpu.memory_space<vmem_shared>> -> memref<128xf32, #tpu.memory_space<vmem_shared>>
      tpu.enqueue_dma source(%arg24 : memref<128xf32, #tpu.memory_space<vmem>>) target(%dma_start3A_295 : memref<128xf32, #tpu.memory_space<vmem_shared>>) target_semaphore(%run_scoped3A_293 : memref<!tpu.dma_semaphore, #tpu.memory_space<semaphore_mem>>)
      %dma_wait3A_296 = tpu.memref_slice %arg23[%add3A_96] : memref<10240xf32, #tpu.memory_space<vmem_shared>> -> memref<128xf32, #tpu.memory_space<vmem_shared>>
      %dma_wait3A_297 = tpu.memref_slice %arg23[%add3A_96] : memref<10240xf32, #tpu.memory_space<vmem_shared>> -> memref<128xf32, #tpu.memory_space<vmem_shared>>
      tpu.wait_dma2 semaphore(%run_scoped3A_293 : memref<!tpu.dma_semaphore, #tpu.memory_space<semaphore_mem>>) src(%arg24 : memref<128xf32, #tpu.memory_space<vmem>>) dst(%dma_wait3A_297 : memref<128xf32, #tpu.memory_space<vmem_shared>>)
      tpu.yield
    }) : () -> ()
    %add3A_97 = arith.constant 128 : i32
    %add3A_98 = arith.addi %mul3A_0, %add3A_97 : i32
    "tpu.region"() ({
      %run_scoped3A_293 = tpu.sem_alloc : memref<!tpu.dma_semaphore, #tpu.memory_space<semaphore_mem>>
      %dma_start3A_294 = tpu.memref_slice %arg23[%add3A_98] : memref<10240xf32, #tpu.memory_space<vmem_shared>> -> memref<128xf32, #tpu.memory_space<vmem_shared>>
      %dma_start3A_295 = tpu.memref_slice %arg23[%add3A_98] : memref<10240xf32, #tpu.memory_space<vmem_shared>> -> memref<128xf32, #tpu.memory_space<vmem_shared>>
      tpu.enqueue_dma source(%arg24 : memref<128xf32, #tpu.memory_space<vmem>>) target(%dma_start3A_295 : memref<128xf32, #tpu.memory_space<vmem_shared>>) target_semaphore(%run_scoped3A_293 : memref<!tpu.dma_semaphore, #tpu.memory_space<semaphore_mem>>)
      %dma_wait3A_296 = tpu.memref_slice %arg23[%add3A_98] : memref<10240xf32, #tpu.memory_space<vmem_shared>> -> memref<128xf32, #tpu.memory_space<vmem_shared>>
      %dma_wait3A_297 = tpu.memref_slice %arg23[%add3A_98] : memref<10240xf32, #tpu.memory_space<vmem_shared>> -> memref<128xf32, #tpu.memory_space<vmem_shared>>
      tpu.wait_dma2 semaphore(%run_scoped3A_293 : memref<!tpu.dma_semaphore, #tpu.memory_space<semaphore_mem>>) src(%arg24 : memref<128xf32, #tpu.memory_space<vmem>>) dst(%dma_wait3A_297 : memref<128xf32, #tpu.memory_space<vmem_shared>>)
      tpu.yield
    }) : () -> ()
    %add3A_99 = arith.constant 256 : i32
    %add3A_100 = arith.addi %mul3A_0, %add3A_99 : i32
    "tpu.region"() ({
      %run_scoped3A_293 = tpu.sem_alloc : memref<!tpu.dma_semaphore, #tpu.memory_space<semaphore_mem>>
      %dma_start3A_294 = tpu.memref_slice %arg23[%add3A_100] : memref<10240xf32, #tpu.memory_space<vmem_shared>> -> memref<128xf32, #tpu.memory_space<vmem_shared>>
      %dma_start3A_295 = tpu.memref_slice %arg23[%add3A_100] : memref<10240xf32, #tpu.memory_space<vmem_shared>> -> memref<128xf32, #tpu.memory_space<vmem_shared>>
      tpu.enqueue_dma source(%arg24 : memref<128xf32, #tpu.memory_space<vmem>>) target(%dma_start3A_295 : memref<128xf32, #tpu.memory_space<vmem_shared>>) target_semaphore(%run_scoped3A_293 : memref<!tpu.dma_semaphore, #tpu.memory_space<semaphore_mem>>)
      %dma_wait3A_296 = tpu.memref_slice %arg23[%add3A_100] : memref<10240xf32, #tpu.memory_space<vmem_shared>> -> memref<128xf32, #tpu.memory_space<vmem_shared>>
      %dma_wait3A_297 = tpu.memref_slice %arg23[%add3A_100] : memref<10240xf32, #tpu.memory_space<vmem_shared>> -> memref<128xf32, #tpu.memory_space<vmem_shared>>
      tpu.wait_dma2 semaphore(%run_scoped3A_293 : memref<!tpu.dma_semaphore, #tpu.memory_space<semaphore_mem>>) src(%arg24 : memref<128xf32, #tpu.memory_space<vmem>>) dst(%dma_wait3A_297 : memref<128xf32, #tpu.memory_space<vmem_shared>>)
      tpu.yield
    }) : () -> ()
    %add3A_101 = arith.constant 384 : i32
    %add3A_102 = arith.addi %mul3A_0, %add3A_101 : i32
    "tpu.region"() ({
      %run_scoped3A_293 = tpu.sem_alloc : memref<!tpu.dma_semaphore, #tpu.memory_space<semaphore_mem>>
      %dma_start3A_294 = tpu.memref_slice %arg23[%add3A_102] : memref<10240xf32, #tpu.memory_space<vmem_shared>> -> memref<128xf32, #tpu.memory_space<vmem_shared>>
      %dma_start3A_295 = tpu.memref_slice %arg23[%add3A_102] : memref<10240xf32, #tpu.memory_space<vmem_shared>> -> memref<128xf32, #tpu.memory_space<vmem_shared>>
      tpu.enqueue_dma source(%arg24 : memref<128xf32, #tpu.memory_space<vmem>>) target(%dma_start3A_295 : memref<128xf32, #tpu.memory_space<vmem_shared>>) target_semaphore(%run_scoped3A_293 : memref<!tpu.dma_semaphore, #tpu.memory_space<semaphore_mem>>)
      %dma_wait3A_296 = tpu.memref_slice %arg23[%add3A_102] : memref<10240xf32, #tpu.memory_space<vmem_shared>> -> memref<128xf32, #tpu.memory_space<vmem_shared>>
      %dma_wait3A_297 = tpu.memref_slice %arg23[%add3A_102] : memref<10240xf32, #tpu.memory_space<vmem_shared>> -> memref<128xf32, #tpu.memory_space<vmem_shared>>
      tpu.wait_dma2 semaphore(%run_scoped3A_293 : memref<!tpu.dma_semaphore, #tpu.memory_space<semaphore_mem>>) src(%arg24 : memref<128xf32, #tpu.memory_space<vmem>>) dst(%dma_wait3A_297 : memref<128xf32, #tpu.memory_space<vmem_shared>>)
      tpu.yield
    }) : () -> ()
    %add3A_103 = arith.constant 512 : i32
    %add3A_104 = arith.addi %mul3A_0, %add3A_103 : i32
    "tpu.region"() ({
      %run_scoped3A_293 = tpu.sem_alloc : memref<!tpu.dma_semaphore, #tpu.memory_space<semaphore_mem>>
      %dma_start3A_294 = tpu.memref_slice %arg23[%add3A_104] : memref<10240xf32, #tpu.memory_space<vmem_shared>> -> memref<128xf32, #tpu.memory_space<vmem_shared>>
      %dma_start3A_295 = tpu.memref_slice %arg23[%add3A_104] : memref<10240xf32, #tpu.memory_space<vmem_shared>> -> memref<128xf32, #tpu.memory_space<vmem_shared>>
      tpu.enqueue_dma source(%arg24 : memref<128xf32, #tpu.memory_space<vmem>>) target(%dma_start3A_295 : memref<128xf32, #tpu.memory_space<vmem_shared>>) target_semaphore(%run_scoped3A_293 : memref<!tpu.dma_semaphore, #tpu.memory_space<semaphore_mem>>)
      %dma_wait3A_296 = tpu.memref_slice %arg23[%add3A_104] : memref<10240xf32, #tpu.memory_space<vmem_shared>> -> memref<128xf32, #tpu.memory_space<vmem_shared>>
      %dma_wait3A_297 = tpu.memref_slice %arg23[%add3A_104] : memref<10240xf32, #tpu.memory_space<vmem_shared>> -> memref<128xf32, #tpu.memory_space<vmem_shared>>
      tpu.wait_dma2 semaphore(%run_scoped3A_293 : memref<!tpu.dma_semaphore, #tpu.memory_space<semaphore_mem>>) src(%arg24 : memref<128xf32, #tpu.memory_space<vmem>>) dst(%dma_wait3A_297 : memref<128xf32, #tpu.memory_space<vmem_shared>>)
      tpu.yield
    }) : () -> ()
    "tpu.region"() ({
      %run_scoped3A_293 = tpu.sem_alloc : memref<!tpu.dma_semaphore, #tpu.memory_space<semaphore_mem>>
      tpu.enqueue_dma source(%arg6 : memref<128xf32, #tpu.memory_space<hbm>>) target(%arg24 : memref<128xf32, #tpu.memory_space<vmem>>) target_semaphore(%run_scoped3A_293 : memref<!tpu.dma_semaphore, #tpu.memory_space<semaphore_mem>>)
      tpu.wait_dma2 semaphore(%run_scoped3A_293 : memref<!tpu.dma_semaphore, #tpu.memory_space<semaphore_mem>>) src(%arg6 : memref<128xf32, #tpu.memory_space<hbm>>) dst(%arg24 : memref<128xf32, #tpu.memory_space<vmem>>)
      tpu.yield
    }) : () -> ()
    %barrier3A = arith.constant 0 : index
    tpu.barrier barrier_id(%barrier3A)
    %scan3A = arith.constant 0 : i32
    %scan3A_105 = arith.constant 0 : i32
    %scan3A_106 = arith.constant 19 : i32
    %scan3A_107 = arith.addi %scan3A_105, %scan3A_106 : i32
    %scan3A_108 = arith.constant 1 : i32
    scf.for %scan3A_293 = %scan3A_105 to %scan3A_107 step %scan3A_108  : i32 {
      %mul3A_294 = arith.constant 4 : i32
      %mul3A_295 = arith.muli %mul3A_294, %scan3A_293 : i32
      %add3A_296 = arith.addi %mul3A_4, %mul3A_295 : i32
      %add3A_297 = arith.constant 0 : i32
      %add3A_298 = arith.addi %add3A_296, %add3A_297 : i32
      %add3A_299 = arith.constant 4 : i32
      %add3A_300 = arith.addi %add3A_298, %add3A_299 : i32
      %dma_wait3A_301 = arith.constant 0 : i32
      %dma_wait3A_302 = arith.constant 0 : i32
      %dma_wait3A_303 = tpu.memref_slice %arg10[%dma_wait3A_301, %dma_wait3A_302] : memref<2x128xi32, #tpu.memory_space<vmem>> -> memref<1x128xi32, #tpu.memory_space<vmem>>
      %dma_wait3A_304 = tpu.memref_squeeze %dma_wait3A_303 : memref<1x128xi32, #tpu.memory_space<vmem>> -> memref<128xi32, #tpu.memory_space<vmem>>
      %dma_wait3A_305 = arith.constant 0 : i32
      %dma_wait3A_306 = arith.constant 0 : i32
      %dma_wait3A_307 = tpu.memref_slice %arg2[%dma_wait3A_305, %dma_wait3A_306] : memref<10000x128xf32, #tpu.memory_space<hbm>> -> memref<10000x128xf32, #tpu.memory_space<hbm>>
      tpu.wait_indirect_dma semaphore(%arg20 : memref<!tpu.dma_semaphore, #tpu.memory_space<semaphore_mem>>) src(%dma_wait3A_307 : memref<10000x128xf32, #tpu.memory_space<hbm>>) dst(%arg14 : memref<128x128xf32, #tpu.memory_space<vmem>>)
      %run_scoped3A_308 = arith.constant 1 : i32
      "tpu.region"() ({
        %run_scoped3A_454 = tpu.sem_alloc : memref<!tpu.dma_semaphore, #tpu.memory_space<semaphore_mem>>
        %dma_start3A_455 = arith.constant 0 : i32
        %dma_start3A_456 = tpu.memref_slice %arg10[%run_scoped3A_308, %dma_start3A_455] : memref<2x128xi32, #tpu.memory_space<vmem>> -> memref<1x128xi32, #tpu.memory_space<vmem>>
        %dma_start3A_457 = tpu.memref_squeeze %dma_start3A_456 : memref<1x128xi32, #tpu.memory_space<vmem>> -> memref<128xi32, #tpu.memory_space<vmem>>
        %dma_start3A_458 = arith.constant 0 : i32
        %dma_start3A_459 = arith.constant 0 : i32
        %dma_start3A_460 = tpu.memref_slice %arg9[%dma_start3A_458, %dma_start3A_459] : memref<10240x128xf32, #tpu.memory_space<vmem_shared>> -> memref<10240x128xf32, #tpu.memory_space<vmem_shared>>
        tpu.enqueue_indirect_dma source(%arg14 : memref<128x128xf32, #tpu.memory_space<vmem>>) target(%dma_start3A_460 : memref<10240x128xf32, #tpu.memory_space<vmem_shared>>) offsets(%dma_start3A_457 : memref<128xi32, #tpu.memory_space<vmem>>) semaphore(%run_scoped3A_454 : memref<!tpu.dma_semaphore, #tpu.memory_space<semaphore_mem>>) {add = true}
        %dma_wait3A_461 = arith.constant 0 : i32
        %dma_wait3A_462 = tpu.memref_slice %arg10[%run_scoped3A_308, %dma_wait3A_461] : memref<2x128xi32, #tpu.memory_space<vmem>> -> memref<1x128xi32, #tpu.memory_space<vmem>>
        %dma_wait3A_463 = tpu.memref_squeeze %dma_wait3A_462 : memref<1x128xi32, #tpu.memory_space<vmem>> -> memref<128xi32, #tpu.memory_space<vmem>>
        %dma_wait3A_464 = arith.constant 0 : i32
        %dma_wait3A_465 = arith.constant 0 : i32
        %dma_wait3A_466 = tpu.memref_slice %arg9[%dma_wait3A_464, %dma_wait3A_465] : memref<10240x128xf32, #tpu.memory_space<vmem_shared>> -> memref<10240x128xf32, #tpu.memory_space<vmem_shared>>
        tpu.wait_indirect_dma semaphore(%run_scoped3A_454 : memref<!tpu.dma_semaphore, #tpu.memory_space<semaphore_mem>>) src(%arg14 : memref<128x128xf32, #tpu.memory_space<vmem>>) dst(%dma_wait3A_466 : memref<10240x128xf32, #tpu.memory_space<vmem_shared>>)
        tpu.yield
      }) : () -> ()
      %run_scoped3A_309 = arith.constant 1 : i32
      "tpu.region"() ({
        %run_scoped3A_454 = tpu.sem_alloc : memref<!tpu.dma_semaphore, #tpu.memory_space<semaphore_mem>>
        %dma_start3A_455 = arith.constant 0 : i32
        %dma_start3A_456 = tpu.memref_slice %arg10[%run_scoped3A_309, %dma_start3A_455] : memref<2x128xi32, #tpu.memory_space<vmem>> -> memref<1x128xi32, #tpu.memory_space<vmem>>
        %dma_start3A_457 = tpu.memref_squeeze %dma_start3A_456 : memref<1x128xi32, #tpu.memory_space<vmem>> -> memref<128xi32, #tpu.memory_space<vmem>>
        %dma_start3A_458 = arith.constant 0 : i32
        %dma_start3A_459 = tpu.memref_slice %arg23[%dma_start3A_458] : memref<10240xf32, #tpu.memory_space<vmem_shared>> -> memref<10240xf32, #tpu.memory_space<vmem_shared>>
        tpu.enqueue_indirect_dma source(%arg24 : memref<128xf32, #tpu.memory_space<vmem>>) target(%dma_start3A_459 : memref<10240xf32, #tpu.memory_space<vmem_shared>>) offsets(%dma_start3A_457 : memref<128xi32, #tpu.memory_space<vmem>>) semaphore(%run_scoped3A_454 : memref<!tpu.dma_semaphore, #tpu.memory_space<semaphore_mem>>) {add = true}
        %dma_wait3A_460 = arith.constant 0 : i32
        %dma_wait3A_461 = tpu.memref_slice %arg10[%run_scoped3A_309, %dma_wait3A_460] : memref<2x128xi32, #tpu.memory_space<vmem>> -> memref<1x128xi32, #tpu.memory_space<vmem>>
        %dma_wait3A_462 = tpu.memref_squeeze %dma_wait3A_461 : memref<1x128xi32, #tpu.memory_space<vmem>> -> memref<128xi32, #tpu.memory_space<vmem>>
        %dma_wait3A_463 = arith.constant 0 : i32
        %dma_wait3A_464 = tpu.memref_slice %arg23[%dma_wait3A_463] : memref<10240xf32, #tpu.memory_space<vmem_shared>> -> memref<10240xf32, #tpu.memory_space<vmem_shared>>
        tpu.wait_indirect_dma semaphore(%run_scoped3A_454 : memref<!tpu.dma_semaphore, #tpu.memory_space<semaphore_mem>>) src(%arg24 : memref<128xf32, #tpu.memory_space<vmem>>) dst(%dma_wait3A_464 : memref<10240xf32, #tpu.memory_space<vmem_shared>>)
        tpu.yield
      }) : () -> ()
      %dma_start3A_310 = arith.constant 0 : i32
      %dma_start3A_311 = arith.constant 0 : i32
      %dma_start3A_312 = tpu.memref_slice %arg3[%add3A_300, %dma_start3A_310, %dma_start3A_311] : memref<2560x2x128xi32, #tpu.memory_space<hbm>> -> memref<1x2x128xi32, #tpu.memory_space<hbm>>
      %dma_start3A_313 = tpu.memref_squeeze %dma_start3A_312 : memref<1x2x128xi32, #tpu.memory_space<hbm>> -> memref<2x128xi32, #tpu.memory_space<hbm>>
      %dma_start3A_314 = arith.constant 0 : i32
      %dma_start3A_315 = arith.constant 0 : i32
      %dma_start3A_316 = tpu.memref_slice %arg3[%add3A_300, %dma_start3A_314, %dma_start3A_315] : memref<2560x2x128xi32, #tpu.memory_space<hbm>> -> memref<1x2x128xi32, #tpu.memory_space<hbm>>
      %dma_start3A_317 = tpu.memref_squeeze %dma_start3A_316 : memref<1x2x128xi32, #tpu.memory_space<hbm>> -> memref<2x128xi32, #tpu.memory_space<hbm>>
      tpu.enqueue_dma source(%dma_start3A_317 : memref<2x128xi32, #tpu.memory_space<hbm>>) target(%arg10 : memref<2x128xi32, #tpu.memory_space<vmem>>) target_semaphore(%arg16 : memref<!tpu.dma_semaphore, #tpu.memory_space<semaphore_mem>>)
      %dma_wait3A_318 = arith.constant 0 : i32
      %dma_wait3A_319 = arith.constant 0 : i32
      %dma_wait3A_320 = arith.constant 0 : i32
      %dma_wait3A_321 = tpu.memref_slice %arg3[%dma_wait3A_318, %dma_wait3A_319, %dma_wait3A_320] : memref<2560x2x128xi32, #tpu.memory_space<hbm>> -> memref<1x2x128xi32, #tpu.memory_space<hbm>>
      %dma_wait3A_322 = tpu.memref_squeeze %dma_wait3A_321 : memref<1x2x128xi32, #tpu.memory_space<hbm>> -> memref<2x128xi32, #tpu.memory_space<hbm>>
      %dma_wait3A_323 = arith.constant 0 : i32
      %dma_wait3A_324 = arith.constant 0 : i32
      %dma_wait3A_325 = tpu.memref_slice %arg3[%dma_wait3A_318, %dma_wait3A_323, %dma_wait3A_324] : memref<2560x2x128xi32, #tpu.memory_space<hbm>> -> memref<1x2x128xi32, #tpu.memory_space<hbm>>
      %dma_wait3A_326 = tpu.memref_squeeze %dma_wait3A_325 : memref<1x2x128xi32, #tpu.memory_space<hbm>> -> memref<2x128xi32, #tpu.memory_space<hbm>>
      tpu.wait_dma2 semaphore(%arg18 : memref<!tpu.dma_semaphore, #tpu.memory_space<semaphore_mem>>) src(%dma_wait3A_326 : memref<2x128xi32, #tpu.memory_space<hbm>>) dst(%arg12 : memref<2x128xi32, #tpu.memory_space<vmem>>)
      %dma_start3A_327 = arith.constant 0 : i32
      %dma_start3A_328 = arith.constant 0 : i32
      %dma_start3A_329 = tpu.memref_slice %arg12[%dma_start3A_327, %dma_start3A_328] : memref<2x128xi32, #tpu.memory_space<vmem>> -> memref<1x128xi32, #tpu.memory_space<vmem>>
      %dma_start3A_330 = tpu.memref_squeeze %dma_start3A_329 : memref<1x128xi32, #tpu.memory_space<vmem>> -> memref<128xi32, #tpu.memory_space<vmem>>
      %dma_start3A_331 = arith.constant 0 : i32
      %dma_start3A_332 = arith.constant 0 : i32
      %dma_start3A_333 = tpu.memref_slice %arg2[%dma_start3A_331, %dma_start3A_332] : memref<10000x128xf32, #tpu.memory_space<hbm>> -> memref<10000x128xf32, #tpu.memory_space<hbm>>
      tpu.enqueue_indirect_dma source(%dma_start3A_333 : memref<10000x128xf32, #tpu.memory_space<hbm>>) target(%arg14 : memref<128x128xf32, #tpu.memory_space<vmem>>) offsets(%dma_start3A_330 : memref<128xi32, #tpu.memory_space<vmem>>) semaphore(%arg20 : memref<!tpu.dma_semaphore, #tpu.memory_space<semaphore_mem>>)
      %mul3A_334 = arith.constant 4 : i32
      %mul3A_335 = arith.muli %mul3A_334, %scan3A_293 : i32
      %add3A_336 = arith.addi %mul3A_4, %mul3A_335 : i32
      %add3A_337 = arith.constant 1 : i32
      %add3A_338 = arith.addi %add3A_336, %add3A_337 : i32
      %add3A_339 = arith.constant 4 : i32
      %add3A_340 = arith.addi %add3A_338, %add3A_339 : i32
      %dma_wait3A_341 = arith.constant 0 : i32
      %dma_wait3A_342 = arith.constant 0 : i32
      %dma_wait3A_343 = tpu.memref_slice %arg11[%dma_wait3A_341, %dma_wait3A_342] : memref<2x128xi32, #tpu.memory_space<vmem>> -> memref<1x128xi32, #tpu.memory_space<vmem>>
      %dma_wait3A_344 = tpu.memref_squeeze %dma_wait3A_343 : memref<1x128xi32, #tpu.memory_space<vmem>> -> memref<128xi32, #tpu.memory_space<vmem>>
      %dma_wait3A_345 = arith.constant 0 : i32
      %dma_wait3A_346 = arith.constant 0 : i32
      %dma_wait3A_347 = tpu.memref_slice %arg2[%dma_wait3A_345, %dma_wait3A_346] : memref<10000x128xf32, #tpu.memory_space<hbm>> -> memref<10000x128xf32, #tpu.memory_space<hbm>>
      tpu.wait_indirect_dma semaphore(%arg21 : memref<!tpu.dma_semaphore, #tpu.memory_space<semaphore_mem>>) src(%dma_wait3A_347 : memref<10000x128xf32, #tpu.memory_space<hbm>>) dst(%arg15 : memref<128x128xf32, #tpu.memory_space<vmem>>)
      %run_scoped3A_348 = arith.constant 1 : i32
      "tpu.region"() ({
        %run_scoped3A_454 = tpu.sem_alloc : memref<!tpu.dma_semaphore, #tpu.memory_space<semaphore_mem>>
        %dma_start3A_455 = arith.constant 0 : i32
        %dma_start3A_456 = tpu.memref_slice %arg11[%run_scoped3A_348, %dma_start3A_455] : memref<2x128xi32, #tpu.memory_space<vmem>> -> memref<1x128xi32, #tpu.memory_space<vmem>>
        %dma_start3A_457 = tpu.memref_squeeze %dma_start3A_456 : memref<1x128xi32, #tpu.memory_space<vmem>> -> memref<128xi32, #tpu.memory_space<vmem>>
        %dma_start3A_458 = arith.constant 0 : i32
        %dma_start3A_459 = arith.constant 0 : i32
        %dma_start3A_460 = tpu.memref_slice %arg9[%dma_start3A_458, %dma_start3A_459] : memref<10240x128xf32, #tpu.memory_space<vmem_shared>> -> memref<10240x128xf32, #tpu.memory_space<vmem_shared>>
        tpu.enqueue_indirect_dma source(%arg15 : memref<128x128xf32, #tpu.memory_space<vmem>>) target(%dma_start3A_460 : memref<10240x128xf32, #tpu.memory_space<vmem_shared>>) offsets(%dma_start3A_457 : memref<128xi32, #tpu.memory_space<vmem>>) semaphore(%run_scoped3A_454 : memref<!tpu.dma_semaphore, #tpu.memory_space<semaphore_mem>>) {add = true}
        %dma_wait3A_461 = arith.constant 0 : i32
        %dma_wait3A_462 = tpu.memref_slice %arg11[%run_scoped3A_348, %dma_wait3A_461] : memref<2x128xi32, #tpu.memory_space<vmem>> -> memref<1x128xi32, #tpu.memory_space<vmem>>
        %dma_wait3A_463 = tpu.memref_squeeze %dma_wait3A_462 : memref<1x128xi32, #tpu.memory_space<vmem>> -> memref<128xi32, #tpu.memory_space<vmem>>
        %dma_wait3A_464 = arith.constant 0 : i32
        %dma_wait3A_465 = arith.constant 0 : i32
        %dma_wait3A_466 = tpu.memref_slice %arg9[%dma_wait3A_464, %dma_wait3A_465] : memref<10240x128xf32, #tpu.memory_space<vmem_shared>> -> memref<10240x128xf32, #tpu.memory_space<vmem_shared>>
        tpu.wait_indirect_dma semaphore(%run_scoped3A_454 : memref<!tpu.dma_semaphore, #tpu.memory_space<semaphore_mem>>) src(%arg15 : memref<128x128xf32, #tpu.memory_space<vmem>>) dst(%dma_wait3A_466 : memref<10240x128xf32, #tpu.memory_space<vmem_shared>>)
        tpu.yield
      }) : () -> ()
      %run_scoped3A_349 = arith.constant 1 : i32
      "tpu.region"() ({
        %run_scoped3A_454 = tpu.sem_alloc : memref<!tpu.dma_semaphore, #tpu.memory_space<semaphore_mem>>
        %dma_start3A_455 = arith.constant 0 : i32
        %dma_start3A_456 = tpu.memref_slice %arg11[%run_scoped3A_349, %dma_start3A_455] : memref<2x128xi32, #tpu.memory_space<vmem>> -> memref<1x128xi32, #tpu.memory_space<vmem>>
        %dma_start3A_457 = tpu.memref_squeeze %dma_start3A_456 : memref<1x128xi32, #tpu.memory_space<vmem>> -> memref<128xi32, #tpu.memory_space<vmem>>
        %dma_start3A_458 = arith.constant 0 : i32
        %dma_start3A_459 = tpu.memref_slice %arg23[%dma_start3A_458] : memref<10240xf32, #tpu.memory_space<vmem_shared>> -> memref<10240xf32, #tpu.memory_space<vmem_shared>>
        tpu.enqueue_indirect_dma source(%arg24 : memref<128xf32, #tpu.memory_space<vmem>>) target(%dma_start3A_459 : memref<10240xf32, #tpu.memory_space<vmem_shared>>) offsets(%dma_start3A_457 : memref<128xi32, #tpu.memory_space<vmem>>) semaphore(%run_scoped3A_454 : memref<!tpu.dma_semaphore, #tpu.memory_space<semaphore_mem>>) {add = true}
        %dma_wait3A_460 = arith.constant 0 : i32
        %dma_wait3A_461 = tpu.memref_slice %arg11[%run_scoped3A_349, %dma_wait3A_460] : memref<2x128xi32, #tpu.memory_space<vmem>> -> memref<1x128xi32, #tpu.memory_space<vmem>>
        %dma_wait3A_462 = tpu.memref_squeeze %dma_wait3A_461 : memref<1x128xi32, #tpu.memory_space<vmem>> -> memref<128xi32, #tpu.memory_space<vmem>>
        %dma_wait3A_463 = arith.constant 0 : i32
        %dma_wait3A_464 = tpu.memref_slice %arg23[%dma_wait3A_463] : memref<10240xf32, #tpu.memory_space<vmem_shared>> -> memref<10240xf32, #tpu.memory_space<vmem_shared>>
        tpu.wait_indirect_dma semaphore(%run_scoped3A_454 : memref<!tpu.dma_semaphore, #tpu.memory_space<semaphore_mem>>) src(%arg24 : memref<128xf32, #tpu.memory_space<vmem>>) dst(%dma_wait3A_464 : memref<10240xf32, #tpu.memory_space<vmem_shared>>)
        tpu.yield
      }) : () -> ()
      %dma_start3A_350 = arith.constant 0 : i32
      %dma_start3A_351 = arith.constant 0 : i32
      %dma_start3A_352 = tpu.memref_slice %arg3[%add3A_340, %dma_start3A_350, %dma_start3A_351] : memref<2560x2x128xi32, #tpu.memory_space<hbm>> -> memref<1x2x128xi32, #tpu.memory_space<hbm>>
      %dma_start3A_353 = tpu.memref_squeeze %dma_start3A_352 : memref<1x2x128xi32, #tpu.memory_space<hbm>> -> memref<2x128xi32, #tpu.memory_space<hbm>>
      %dma_start3A_354 = arith.constant 0 : i32
      %dma_start3A_355 = arith.constant 0 : i32
      %dma_start3A_356 = tpu.memref_slice %arg3[%add3A_340, %dma_start3A_354, %dma_start3A_355] : memref<2560x2x128xi32, #tpu.memory_space<hbm>> -> memref<1x2x128xi32, #tpu.memory_space<hbm>>
      %dma_start3A_357 = tpu.memref_squeeze %dma_start3A_356 : memref<1x2x128xi32, #tpu.memory_space<hbm>> -> memref<2x128xi32, #tpu.memory_space<hbm>>
      tpu.enqueue_dma source(%dma_start3A_357 : memref<2x128xi32, #tpu.memory_space<hbm>>) target(%arg11 : memref<2x128xi32, #tpu.memory_space<vmem>>) target_semaphore(%arg17 : memref<!tpu.dma_semaphore, #tpu.memory_space<semaphore_mem>>)
      %dma_wait3A_358 = arith.constant 0 : i32
      %dma_wait3A_359 = arith.constant 0 : i32
      %dma_wait3A_360 = arith.constant 0 : i32
      %dma_wait3A_361 = tpu.memref_slice %arg3[%dma_wait3A_358, %dma_wait3A_359, %dma_wait3A_360] : memref<2560x2x128xi32, #tpu.memory_space<hbm>> -> memref<1x2x128xi32, #tpu.memory_space<hbm>>
      %dma_wait3A_362 = tpu.memref_squeeze %dma_wait3A_361 : memref<1x2x128xi32, #tpu.memory_space<hbm>> -> memref<2x128xi32, #tpu.memory_space<hbm>>
      %dma_wait3A_363 = arith.constant 0 : i32
      %dma_wait3A_364 = arith.constant 0 : i32
      %dma_wait3A_365 = tpu.memref_slice %arg3[%dma_wait3A_358, %dma_wait3A_363, %dma_wait3A_364] : memref<2560x2x128xi32, #tpu.memory_space<hbm>> -> memref<1x2x128xi32, #tpu.memory_space<hbm>>
      %dma_wait3A_366 = tpu.memref_squeeze %dma_wait3A_365 : memref<1x2x128xi32, #tpu.memory_space<hbm>> -> memref<2x128xi32, #tpu.memory_space<hbm>>
      tpu.wait_dma2 semaphore(%arg19 : memref<!tpu.dma_semaphore, #tpu.memory_space<semaphore_mem>>) src(%dma_wait3A_366 : memref<2x128xi32, #tpu.memory_space<hbm>>) dst(%arg13 : memref<2x128xi32, #tpu.memory_space<vmem>>)
      %dma_start3A_367 = arith.constant 0 : i32
      %dma_start3A_368 = arith.constant 0 : i32
      %dma_start3A_369 = tpu.memref_slice %arg13[%dma_start3A_367, %dma_start3A_368] : memref<2x128xi32, #tpu.memory_space<vmem>> -> memref<1x128xi32, #tpu.memory_space<vmem>>
      %dma_start3A_370 = tpu.memref_squeeze %dma_start3A_369 : memref<1x128xi32, #tpu.memory_space<vmem>> -> memref<128xi32, #tpu.memory_space<vmem>>
      %dma_start3A_371 = arith.constant 0 : i32
      %dma_start3A_372 = arith.constant 0 : i32
      %dma_start3A_373 = tpu.memref_slice %arg2[%dma_start3A_371, %dma_start3A_372] : memref<10000x128xf32, #tpu.memory_space<hbm>> -> memref<10000x128xf32, #tpu.memory_space<hbm>>
      tpu.enqueue_indirect_dma source(%dma_start3A_373 : memref<10000x128xf32, #tpu.memory_space<hbm>>) target(%arg15 : memref<128x128xf32, #tpu.memory_space<vmem>>) offsets(%dma_start3A_370 : memref<128xi32, #tpu.memory_space<vmem>>) semaphore(%arg21 : memref<!tpu.dma_semaphore, #tpu.memory_space<semaphore_mem>>)
      %mul3A_374 = arith.constant 4 : i32
      %mul3A_375 = arith.muli %mul3A_374, %scan3A_293 : i32
      %add3A_376 = arith.addi %mul3A_4, %mul3A_375 : i32
      %add3A_377 = arith.constant 2 : i32
      %add3A_378 = arith.addi %add3A_376, %add3A_377 : i32
      %add3A_379 = arith.constant 4 : i32
      %add3A_380 = arith.addi %add3A_378, %add3A_379 : i32
      %dma_wait3A_381 = arith.constant 0 : i32
      %dma_wait3A_382 = arith.constant 0 : i32
      %dma_wait3A_383 = tpu.memref_slice %arg12[%dma_wait3A_381, %dma_wait3A_382] : memref<2x128xi32, #tpu.memory_space<vmem>> -> memref<1x128xi32, #tpu.memory_space<vmem>>
      %dma_wait3A_384 = tpu.memref_squeeze %dma_wait3A_383 : memref<1x128xi32, #tpu.memory_space<vmem>> -> memref<128xi32, #tpu.memory_space<vmem>>
      %dma_wait3A_385 = arith.constant 0 : i32
      %dma_wait3A_386 = arith.constant 0 : i32
      %dma_wait3A_387 = tpu.memref_slice %arg2[%dma_wait3A_385, %dma_wait3A_386] : memref<10000x128xf32, #tpu.memory_space<hbm>> -> memref<10000x128xf32, #tpu.memory_space<hbm>>
      tpu.wait_indirect_dma semaphore(%arg20 : memref<!tpu.dma_semaphore, #tpu.memory_space<semaphore_mem>>) src(%dma_wait3A_387 : memref<10000x128xf32, #tpu.memory_space<hbm>>) dst(%arg14 : memref<128x128xf32, #tpu.memory_space<vmem>>)
      %run_scoped3A_388 = arith.constant 1 : i32
      "tpu.region"() ({
        %run_scoped3A_454 = tpu.sem_alloc : memref<!tpu.dma_semaphore, #tpu.memory_space<semaphore_mem>>
        %dma_start3A_455 = arith.constant 0 : i32
        %dma_start3A_456 = tpu.memref_slice %arg12[%run_scoped3A_388, %dma_start3A_455] : memref<2x128xi32, #tpu.memory_space<vmem>> -> memref<1x128xi32, #tpu.memory_space<vmem>>
        %dma_start3A_457 = tpu.memref_squeeze %dma_start3A_456 : memref<1x128xi32, #tpu.memory_space<vmem>> -> memref<128xi32, #tpu.memory_space<vmem>>
        %dma_start3A_458 = arith.constant 0 : i32
        %dma_start3A_459 = arith.constant 0 : i32
        %dma_start3A_460 = tpu.memref_slice %arg9[%dma_start3A_458, %dma_start3A_459] : memref<10240x128xf32, #tpu.memory_space<vmem_shared>> -> memref<10240x128xf32, #tpu.memory_space<vmem_shared>>
        tpu.enqueue_indirect_dma source(%arg14 : memref<128x128xf32, #tpu.memory_space<vmem>>) target(%dma_start3A_460 : memref<10240x128xf32, #tpu.memory_space<vmem_shared>>) offsets(%dma_start3A_457 : memref<128xi32, #tpu.memory_space<vmem>>) semaphore(%run_scoped3A_454 : memref<!tpu.dma_semaphore, #tpu.memory_space<semaphore_mem>>) {add = true}
        %dma_wait3A_461 = arith.constant 0 : i32
        %dma_wait3A_462 = tpu.memref_slice %arg12[%run_scoped3A_388, %dma_wait3A_461] : memref<2x128xi32, #tpu.memory_space<vmem>> -> memref<1x128xi32, #tpu.memory_space<vmem>>
        %dma_wait3A_463 = tpu.memref_squeeze %dma_wait3A_462 : memref<1x128xi32, #tpu.memory_space<vmem>> -> memref<128xi32, #tpu.memory_space<vmem>>
        %dma_wait3A_464 = arith.constant 0 : i32
        %dma_wait3A_465 = arith.constant 0 : i32
        %dma_wait3A_466 = tpu.memref_slice %arg9[%dma_wait3A_464, %dma_wait3A_465] : memref<10240x128xf32, #tpu.memory_space<vmem_shared>> -> memref<10240x128xf32, #tpu.memory_space<vmem_shared>>
        tpu.wait_indirect_dma semaphore(%run_scoped3A_454 : memref<!tpu.dma_semaphore, #tpu.memory_space<semaphore_mem>>) src(%arg14 : memref<128x128xf32, #tpu.memory_space<vmem>>) dst(%dma_wait3A_466 : memref<10240x128xf32, #tpu.memory_space<vmem_shared>>)
        tpu.yield
      }) : () -> ()
      %run_scoped3A_389 = arith.constant 1 : i32
      "tpu.region"() ({
        %run_scoped3A_454 = tpu.sem_alloc : memref<!tpu.dma_semaphore, #tpu.memory_space<semaphore_mem>>
        %dma_start3A_455 = arith.constant 0 : i32
        %dma_start3A_456 = tpu.memref_slice %arg12[%run_scoped3A_389, %dma_start3A_455] : memref<2x128xi32, #tpu.memory_space<vmem>> -> memref<1x128xi32, #tpu.memory_space<vmem>>
        %dma_start3A_457 = tpu.memref_squeeze %dma_start3A_456 : memref<1x128xi32, #tpu.memory_space<vmem>> -> memref<128xi32, #tpu.memory_space<vmem>>
        %dma_start3A_458 = arith.constant 0 : i32
        %dma_start3A_459 = tpu.memref_slice %arg23[%dma_start3A_458] : memref<10240xf32, #tpu.memory_space<vmem_shared>> -> memref<10240xf32, #tpu.memory_space<vmem_shared>>
        tpu.enqueue_indirect_dma source(%arg24 : memref<128xf32, #tpu.memory_space<vmem>>) target(%dma_start3A_459 : memref<10240xf32, #tpu.memory_space<vmem_shared>>) offsets(%dma_start3A_457 : memref<128xi32, #tpu.memory_space<vmem>>) semaphore(%run_scoped3A_454 : memref<!tpu.dma_semaphore, #tpu.memory_space<semaphore_mem>>) {add = true}
        %dma_wait3A_460 = arith.constant 0 : i32
        %dma_wait3A_461 = tpu.memref_slice %arg12[%run_scoped3A_389, %dma_wait3A_460] : memref<2x128xi32, #tpu.memory_space<vmem>> -> memref<1x128xi32, #tpu.memory_space<vmem>>
        %dma_wait3A_462 = tpu.memref_squeeze %dma_wait3A_461 : memref<1x128xi32, #tpu.memory_space<vmem>> -> memref<128xi32, #tpu.memory_space<vmem>>
        %dma_wait3A_463 = arith.constant 0 : i32
        %dma_wait3A_464 = tpu.memref_slice %arg23[%dma_wait3A_463] : memref<10240xf32, #tpu.memory_space<vmem_shared>> -> memref<10240xf32, #tpu.memory_space<vmem_shared>>
        tpu.wait_indirect_dma semaphore(%run_scoped3A_454 : memref<!tpu.dma_semaphore, #tpu.memory_space<semaphore_mem>>) src(%arg24 : memref<128xf32, #tpu.memory_space<vmem>>) dst(%dma_wait3A_464 : memref<10240xf32, #tpu.memory_space<vmem_shared>>)
        tpu.yield
      }) : () -> ()
      %dma_start3A_390 = arith.constant 0 : i32
      %dma_start3A_391 = arith.constant 0 : i32
      %dma_start3A_392 = tpu.memref_slice %arg3[%add3A_380, %dma_start3A_390, %dma_start3A_391] : memref<2560x2x128xi32, #tpu.memory_space<hbm>> -> memref<1x2x128xi32, #tpu.memory_space<hbm>>
      %dma_start3A_393 = tpu.memref_squeeze %dma_start3A_392 : memref<1x2x128xi32, #tpu.memory_space<hbm>> -> memref<2x128xi32, #tpu.memory_space<hbm>>
      %dma_start3A_394 = arith.constant 0 : i32
      %dma_start3A_395 = arith.constant 0 : i32
      %dma_start3A_396 = tpu.memref_slice %arg3[%add3A_380, %dma_start3A_394, %dma_start3A_395] : memref<2560x2x128xi32, #tpu.memory_space<hbm>> -> memref<1x2x128xi32, #tpu.memory_space<hbm>>
      %dma_start3A_397 = tpu.memref_squeeze %dma_start3A_396 : memref<1x2x128xi32, #tpu.memory_space<hbm>> -> memref<2x128xi32, #tpu.memory_space<hbm>>
      tpu.enqueue_dma source(%dma_start3A_397 : memref<2x128xi32, #tpu.memory_space<hbm>>) target(%arg12 : memref<2x128xi32, #tpu.memory_space<vmem>>) target_semaphore(%arg18 : memref<!tpu.dma_semaphore, #tpu.memory_space<semaphore_mem>>)
      %dma_wait3A_398 = arith.constant 0 : i32
      %dma_wait3A_399 = arith.constant 0 : i32
      %dma_wait3A_400 = arith.constant 0 : i32
      %dma_wait3A_401 = tpu.memref_slice %arg3[%dma_wait3A_398, %dma_wait3A_399, %dma_wait3A_400] : memref<2560x2x128xi32, #tpu.memory_space<hbm>> -> memref<1x2x128xi32, #tpu.memory_space<hbm>>
      %dma_wait3A_402 = tpu.memref_squeeze %dma_wait3A_401 : memref<1x2x128xi32, #tpu.memory_space<hbm>> -> memref<2x128xi32, #tpu.memory_space<hbm>>
      %dma_wait3A_403 = arith.constant 0 : i32
      %dma_wait3A_404 = arith.constant 0 : i32
      %dma_wait3A_405 = tpu.memref_slice %arg3[%dma_wait3A_398, %dma_wait3A_403, %dma_wait3A_404] : memref<2560x2x128xi32, #tpu.memory_space<hbm>> -> memref<1x2x128xi32, #tpu.memory_space<hbm>>
      %dma_wait3A_406 = tpu.memref_squeeze %dma_wait3A_405 : memref<1x2x128xi32, #tpu.memory_space<hbm>> -> memref<2x128xi32, #tpu.memory_space<hbm>>
      tpu.wait_dma2 semaphore(%arg16 : memref<!tpu.dma_semaphore, #tpu.memory_space<semaphore_mem>>) src(%dma_wait3A_406 : memref<2x128xi32, #tpu.memory_space<hbm>>) dst(%arg10 : memref<2x128xi32, #tpu.memory_space<vmem>>)
      %dma_start3A_407 = arith.constant 0 : i32
      %dma_start3A_408 = arith.constant 0 : i32
      %dma_start3A_409 = tpu.memref_slice %arg10[%dma_start3A_407, %dma_start3A_408] : memref<2x128xi32, #tpu.memory_space<vmem>> -> memref<1x128xi32, #tpu.memory_space<vmem>>
      %dma_start3A_410 = tpu.memref_squeeze %dma_start3A_409 : memref<1x128xi32, #tpu.memory_space<vmem>> -> memref<128xi32, #tpu.memory_space<vmem>>
      %dma_start3A_411 = arith.constant 0 : i32
      %dma_start3A_412 = arith.constant 0 : i32
      %dma_start3A_413 = tpu.memref_slice %arg2[%dma_start3A_411, %dma_start3A_412] : memref<10000x128xf32, #tpu.memory_space<hbm>> -> memref<10000x128xf32, #tpu.memory_space<hbm>>
      tpu.enqueue_indirect_dma source(%dma_start3A_413 : memref<10000x128xf32, #tpu.memory_space<hbm>>) target(%arg14 : memref<128x128xf32, #tpu.memory_space<vmem>>) offsets(%dma_start3A_410 : memref<128xi32, #tpu.memory_space<vmem>>) semaphore(%arg20 : memref<!tpu.dma_semaphore, #tpu.memory_space<semaphore_mem>>)
      %mul3A_414 = arith.constant 4 : i32
      %mul3A_415 = arith.muli %mul3A_414, %scan3A_293 : i32
      %add3A_416 = arith.addi %mul3A_4, %mul3A_415 : i32
      %add3A_417 = arith.constant 3 : i32
      %add3A_418 = arith.addi %add3A_416, %add3A_417 : i32
      %add3A_419 = arith.constant 4 : i32
      %add3A_420 = arith.addi %add3A_418, %add3A_419 : i32
      %dma_wait3A_421 = arith.constant 0 : i32
      %dma_wait3A_422 = arith.constant 0 : i32
      %dma_wait3A_423 = tpu.memref_slice %arg13[%dma_wait3A_421, %dma_wait3A_422] : memref<2x128xi32, #tpu.memory_space<vmem>> -> memref<1x128xi32, #tpu.memory_space<vmem>>
      %dma_wait3A_424 = tpu.memref_squeeze %dma_wait3A_423 : memref<1x128xi32, #tpu.memory_space<vmem>> -> memref<128xi32, #tpu.memory_space<vmem>>
      %dma_wait3A_425 = arith.constant 0 : i32
      %dma_wait3A_426 = arith.constant 0 : i32
      %dma_wait3A_427 = tpu.memref_slice %arg2[%dma_wait3A_425, %dma_wait3A_426] : memref<10000x128xf32, #tpu.memory_space<hbm>> -> memref<10000x128xf32, #tpu.memory_space<hbm>>
      tpu.wait_indirect_dma semaphore(%arg21 : memref<!tpu.dma_semaphore, #tpu.memory_space<semaphore_mem>>) src(%dma_wait3A_427 : memref<10000x128xf32, #tpu.memory_space<hbm>>) dst(%arg15 : memref<128x128xf32, #tpu.memory_space<vmem>>)
      %run_scoped3A_428 = arith.constant 1 : i32
      "tpu.region"() ({
        %run_scoped3A_454 = tpu.sem_alloc : memref<!tpu.dma_semaphore, #tpu.memory_space<semaphore_mem>>
        %dma_start3A_455 = arith.constant 0 : i32
        %dma_start3A_456 = tpu.memref_slice %arg13[%run_scoped3A_428, %dma_start3A_455] : memref<2x128xi32, #tpu.memory_space<vmem>> -> memref<1x128xi32, #tpu.memory_space<vmem>>
        %dma_start3A_457 = tpu.memref_squeeze %dma_start3A_456 : memref<1x128xi32, #tpu.memory_space<vmem>> -> memref<128xi32, #tpu.memory_space<vmem>>
        %dma_start3A_458 = arith.constant 0 : i32
        %dma_start3A_459 = arith.constant 0 : i32
        %dma_start3A_460 = tpu.memref_slice %arg9[%dma_start3A_458, %dma_start3A_459] : memref<10240x128xf32, #tpu.memory_space<vmem_shared>> -> memref<10240x128xf32, #tpu.memory_space<vmem_shared>>
        tpu.enqueue_indirect_dma source(%arg15 : memref<128x128xf32, #tpu.memory_space<vmem>>) target(%dma_start3A_460 : memref<10240x128xf32, #tpu.memory_space<vmem_shared>>) offsets(%dma_start3A_457 : memref<128xi32, #tpu.memory_space<vmem>>) semaphore(%run_scoped3A_454 : memref<!tpu.dma_semaphore, #tpu.memory_space<semaphore_mem>>) {add = true}
        %dma_wait3A_461 = arith.constant 0 : i32
        %dma_wait3A_462 = tpu.memref_slice %arg13[%run_scoped3A_428, %dma_wait3A_461] : memref<2x128xi32, #tpu.memory_space<vmem>> -> memref<1x128xi32, #tpu.memory_space<vmem>>
        %dma_wait3A_463 = tpu.memref_squeeze %dma_wait3A_462 : memref<1x128xi32, #tpu.memory_space<vmem>> -> memref<128xi32, #tpu.memory_space<vmem>>
        %dma_wait3A_464 = arith.constant 0 : i32
        %dma_wait3A_465 = arith.constant 0 : i32
        %dma_wait3A_466 = tpu.memref_slice %arg9[%dma_wait3A_464, %dma_wait3A_465] : memref<10240x128xf32, #tpu.memory_space<vmem_shared>> -> memref<10240x128xf32, #tpu.memory_space<vmem_shared>>
        tpu.wait_indirect_dma semaphore(%run_scoped3A_454 : memref<!tpu.dma_semaphore, #tpu.memory_space<semaphore_mem>>) src(%arg15 : memref<128x128xf32, #tpu.memory_space<vmem>>) dst(%dma_wait3A_466 : memref<10240x128xf32, #tpu.memory_space<vmem_shared>>)
        tpu.yield
      }) : () -> ()
      %run_scoped3A_429 = arith.constant 1 : i32
      "tpu.region"() ({
        %run_scoped3A_454 = tpu.sem_alloc : memref<!tpu.dma_semaphore, #tpu.memory_space<semaphore_mem>>
        %dma_start3A_455 = arith.constant 0 : i32
        %dma_start3A_456 = tpu.memref_slice %arg13[%run_scoped3A_429, %dma_start3A_455] : memref<2x128xi32, #tpu.memory_space<vmem>> -> memref<1x128xi32, #tpu.memory_space<vmem>>
        %dma_start3A_457 = tpu.memref_squeeze %dma_start3A_456 : memref<1x128xi32, #tpu.memory_space<vmem>> -> memref<128xi32, #tpu.memory_space<vmem>>
        %dma_start3A_458 = arith.constant 0 : i32
        %dma_start3A_459 = tpu.memref_slice %arg23[%dma_start3A_458] : memref<10240xf32, #tpu.memory_space<vmem_shared>> -> memref<10240xf32, #tpu.memory_space<vmem_shared>>
        tpu.enqueue_indirect_dma source(%arg24 : memref<128xf32, #tpu.memory_space<vmem>>) target(%dma_start3A_459 : memref<10240xf32, #tpu.memory_space<vmem_shared>>) offsets(%dma_start3A_457 : memref<128xi32, #tpu.memory_space<vmem>>) semaphore(%run_scoped3A_454 : memref<!tpu.dma_semaphore, #tpu.memory_space<semaphore_mem>>) {add = true}
        %dma_wait3A_460 = arith.constant 0 : i32
        %dma_wait3A_461 = tpu.memref_slice %arg13[%run_scoped3A_429, %dma_wait3A_460] : memref<2x128xi32, #tpu.memory_space<vmem>> -> memref<1x128xi32, #tpu.memory_space<vmem>>
        %dma_wait3A_462 = tpu.memref_squeeze %dma_wait3A_461 : memref<1x128xi32, #tpu.memory_space<vmem>> -> memref<128xi32, #tpu.memory_space<vmem>>
        %dma_wait3A_463 = arith.constant 0 : i32
        %dma_wait3A_464 = tpu.memref_slice %arg23[%dma_wait3A_463] : memref<10240xf32, #tpu.memory_space<vmem_shared>> -> memref<10240xf32, #tpu.memory_space<vmem_shared>>
        tpu.wait_indirect_dma semaphore(%run_scoped3A_454 : memref<!tpu.dma_semaphore, #tpu.memory_space<semaphore_mem>>) src(%arg24 : memref<128xf32, #tpu.memory_space<vmem>>) dst(%dma_wait3A_464 : memref<10240xf32, #tpu.memory_space<vmem_shared>>)
        tpu.yield
      }) : () -> ()
      %dma_start3A_430 = arith.constant 0 : i32
      %dma_start3A_431 = arith.constant 0 : i32
      %dma_start3A_432 = tpu.memref_slice %arg3[%add3A_420, %dma_start3A_430, %dma_start3A_431] : memref<2560x2x128xi32, #tpu.memory_space<hbm>> -> memref<1x2x128xi32, #tpu.memory_space<hbm>>
      %dma_start3A_433 = tpu.memref_squeeze %dma_start3A_432 : memref<1x2x128xi32, #tpu.memory_space<hbm>> -> memref<2x128xi32, #tpu.memory_space<hbm>>
      %dma_start3A_434 = arith.constant 0 : i32
      %dma_start3A_435 = arith.constant 0 : i32
      %dma_start3A_436 = tpu.memref_slice %arg3[%add3A_420, %dma_start3A_434, %dma_start3A_435] : memref<2560x2x128xi32, #tpu.memory_space<hbm>> -> memref<1x2x128xi32, #tpu.memory_space<hbm>>
      %dma_start3A_437 = tpu.memref_squeeze %dma_start3A_436 : memref<1x2x128xi32, #tpu.memory_space<hbm>> -> memref<2x128xi32, #tpu.memory_space<hbm>>
      tpu.enqueue_dma source(%dma_start3A_437 : memref<2x128xi32, #tpu.memory_space<hbm>>) target(%arg13 : memref<2x128xi32, #tpu.memory_space<vmem>>) target_semaphore(%arg19 : memref<!tpu.dma_semaphore, #tpu.memory_space<semaphore_mem>>)
      %dma_wait3A_438 = arith.constant 0 : i32
      %dma_wait3A_439 = arith.constant 0 : i32
      %dma_wait3A_440 = arith.constant 0 : i32
      %dma_wait3A_441 = tpu.memref_slice %arg3[%dma_wait3A_438, %dma_wait3A_439, %dma_wait3A_440] : memref<2560x2x128xi32, #tpu.memory_space<hbm>> -> memref<1x2x128xi32, #tpu.memory_space<hbm>>
      %dma_wait3A_442 = tpu.memref_squeeze %dma_wait3A_441 : memref<1x2x128xi32, #tpu.memory_space<hbm>> -> memref<2x128xi32, #tpu.memory_space<hbm>>
      %dma_wait3A_443 = arith.constant 0 : i32
      %dma_wait3A_444 = arith.constant 0 : i32
      %dma_wait3A_445 = tpu.memref_slice %arg3[%dma_wait3A_438, %dma_wait3A_443, %dma_wait3A_444] : memref<2560x2x128xi32, #tpu.memory_space<hbm>> -> memref<1x2x128xi32, #tpu.memory_space<hbm>>
      %dma_wait3A_446 = tpu.memref_squeeze %dma_wait3A_445 : memref<1x2x128xi32, #tpu.memory_space<hbm>> -> memref<2x128xi32, #tpu.memory_space<hbm>>
      tpu.wait_dma2 semaphore(%arg17 : memref<!tpu.dma_semaphore, #tpu.memory_space<semaphore_mem>>) src(%dma_wait3A_446 : memref<2x128xi32, #tpu.memory_space<hbm>>) dst(%arg11 : memref<2x128xi32, #tpu.memory_space<vmem>>)
      %dma_start3A_447 = arith.constant 0 : i32
      %dma_start3A_448 = arith.constant 0 : i32
      %dma_start3A_449 = tpu.memref_slice %arg11[%dma_start3A_447, %dma_start3A_448] : memref<2x128xi32, #tpu.memory_space<vmem>> -> memref<1x128xi32, #tpu.memory_space<vmem>>
      %dma_start3A_450 = tpu.memref_squeeze %dma_start3A_449 : memref<1x128xi32, #tpu.memory_space<vmem>> -> memref<128xi32, #tpu.memory_space<vmem>>
      %dma_start3A_451 = arith.constant 0 : i32
      %dma_start3A_452 = arith.constant 0 : i32
      %dma_start3A_453 = tpu.memref_slice %arg2[%dma_start3A_451, %dma_start3A_452] : memref<10000x128xf32, #tpu.memory_space<hbm>> -> memref<10000x128xf32, #tpu.memory_space<hbm>>
      tpu.enqueue_indirect_dma source(%dma_start3A_453 : memref<10000x128xf32, #tpu.memory_space<hbm>>) target(%arg15 : memref<128x128xf32, #tpu.memory_space<vmem>>) offsets(%dma_start3A_450 : memref<128xi32, #tpu.memory_space<vmem>>) semaphore(%arg21 : memref<!tpu.dma_semaphore, #tpu.memory_space<semaphore_mem>>)
    }
    %scan3A_109 = arith.constant 19 : i32
    %dma_wait3A_110 = arith.constant 0 : i32
    %dma_wait3A_111 = arith.constant 0 : i32
    %dma_wait3A_112 = tpu.memref_slice %arg10[%dma_wait3A_110, %dma_wait3A_111] : memref<2x128xi32, #tpu.memory_space<vmem>> -> memref<1x128xi32, #tpu.memory_space<vmem>>
    %dma_wait3A_113 = tpu.memref_squeeze %dma_wait3A_112 : memref<1x128xi32, #tpu.memory_space<vmem>> -> memref<128xi32, #tpu.memory_space<vmem>>
    %dma_wait3A_114 = arith.constant 0 : i32
    %dma_wait3A_115 = arith.constant 0 : i32
    %dma_wait3A_116 = tpu.memref_slice %arg2[%dma_wait3A_114, %dma_wait3A_115] : memref<10000x128xf32, #tpu.memory_space<hbm>> -> memref<10000x128xf32, #tpu.memory_space<hbm>>
    tpu.wait_indirect_dma semaphore(%arg20 : memref<!tpu.dma_semaphore, #tpu.memory_space<semaphore_mem>>) src(%dma_wait3A_116 : memref<10000x128xf32, #tpu.memory_space<hbm>>) dst(%arg14 : memref<128x128xf32, #tpu.memory_space<vmem>>)
    %run_scoped3A = arith.constant 1 : i32
    "tpu.region"() ({
      %run_scoped3A_293 = tpu.sem_alloc : memref<!tpu.dma_semaphore, #tpu.memory_space<semaphore_mem>>
      %dma_start3A_294 = arith.constant 0 : i32
      %dma_start3A_295 = tpu.memref_slice %arg10[%run_scoped3A, %dma_start3A_294] : memref<2x128xi32, #tpu.memory_space<vmem>> -> memref<1x128xi32, #tpu.memory_space<vmem>>
      %dma_start3A_296 = tpu.memref_squeeze %dma_start3A_295 : memref<1x128xi32, #tpu.memory_space<vmem>> -> memref<128xi32, #tpu.memory_space<vmem>>
      %dma_start3A_297 = arith.constant 0 : i32
      %dma_start3A_298 = arith.constant 0 : i32
      %dma_start3A_299 = tpu.memref_slice %arg9[%dma_start3A_297, %dma_start3A_298] : memref<10240x128xf32, #tpu.memory_space<vmem_shared>> -> memref<10240x128xf32, #tpu.memory_space<vmem_shared>>
      tpu.enqueue_indirect_dma source(%arg14 : memref<128x128xf32, #tpu.memory_space<vmem>>) target(%dma_start3A_299 : memref<10240x128xf32, #tpu.memory_space<vmem_shared>>) offsets(%dma_start3A_296 : memref<128xi32, #tpu.memory_space<vmem>>) semaphore(%run_scoped3A_293 : memref<!tpu.dma_semaphore, #tpu.memory_space<semaphore_mem>>) {add = true}
      %dma_wait3A_300 = arith.constant 0 : i32
      %dma_wait3A_301 = tpu.memref_slice %arg10[%run_scoped3A, %dma_wait3A_300] : memref<2x128xi32, #tpu.memory_space<vmem>> -> memref<1x128xi32, #tpu.memory_space<vmem>>
      %dma_wait3A_302 = tpu.memref_squeeze %dma_wait3A_301 : memref<1x128xi32, #tpu.memory_space<vmem>> -> memref<128xi32, #tpu.memory_space<vmem>>
      %dma_wait3A_303 = arith.constant 0 : i32
      %dma_wait3A_304 = arith.constant 0 : i32
      %dma_wait3A_305 = tpu.memref_slice %arg9[%dma_wait3A_303, %dma_wait3A_304] : memref<10240x128xf32, #tpu.memory_space<vmem_shared>> -> memref<10240x128xf32, #tpu.memory_space<vmem_shared>>
      tpu.wait_indirect_dma semaphore(%run_scoped3A_293 : memref<!tpu.dma_semaphore, #tpu.memory_space<semaphore_mem>>) src(%arg14 : memref<128x128xf32, #tpu.memory_space<vmem>>) dst(%dma_wait3A_305 : memref<10240x128xf32, #tpu.memory_space<vmem_shared>>)
      tpu.yield
    }) : () -> ()
    %run_scoped3A_117 = arith.constant 1 : i32
    "tpu.region"() ({
      %run_scoped3A_293 = tpu.sem_alloc : memref<!tpu.dma_semaphore, #tpu.memory_space<semaphore_mem>>
      %dma_start3A_294 = arith.constant 0 : i32
      %dma_start3A_295 = tpu.memref_slice %arg10[%run_scoped3A_117, %dma_start3A_294] : memref<2x128xi32, #tpu.memory_space<vmem>> -> memref<1x128xi32, #tpu.memory_space<vmem>>
      %dma_start3A_296 = tpu.memref_squeeze %dma_start3A_295 : memref<1x128xi32, #tpu.memory_space<vmem>> -> memref<128xi32, #tpu.memory_space<vmem>>
      %dma_start3A_297 = arith.constant 0 : i32
      %dma_start3A_298 = tpu.memref_slice %arg23[%dma_start3A_297] : memref<10240xf32, #tpu.memory_space<vmem_shared>> -> memref<10240xf32, #tpu.memory_space<vmem_shared>>
      tpu.enqueue_indirect_dma source(%arg24 : memref<128xf32, #tpu.memory_space<vmem>>) target(%dma_start3A_298 : memref<10240xf32, #tpu.memory_space<vmem_shared>>) offsets(%dma_start3A_296 : memref<128xi32, #tpu.memory_space<vmem>>) semaphore(%run_scoped3A_293 : memref<!tpu.dma_semaphore, #tpu.memory_space<semaphore_mem>>) {add = true}
      %dma_wait3A_299 = arith.constant 0 : i32
      %dma_wait3A_300 = tpu.memref_slice %arg10[%run_scoped3A_117, %dma_wait3A_299] : memref<2x128xi32, #tpu.memory_space<vmem>> -> memref<1x128xi32, #tpu.memory_space<vmem>>
      %dma_wait3A_301 = tpu.memref_squeeze %dma_wait3A_300 : memref<1x128xi32, #tpu.memory_space<vmem>> -> memref<128xi32, #tpu.memory_space<vmem>>
      %dma_wait3A_302 = arith.constant 0 : i32
      %dma_wait3A_303 = tpu.memref_slice %arg23[%dma_wait3A_302] : memref<10240xf32, #tpu.memory_space<vmem_shared>> -> memref<10240xf32, #tpu.memory_space<vmem_shared>>
      tpu.wait_indirect_dma semaphore(%run_scoped3A_293 : memref<!tpu.dma_semaphore, #tpu.memory_space<semaphore_mem>>) src(%arg24 : memref<128xf32, #tpu.memory_space<vmem>>) dst(%dma_wait3A_303 : memref<10240xf32, #tpu.memory_space<vmem_shared>>)
      tpu.yield
    }) : () -> ()
    %dma_wait3A_118 = arith.constant 0 : i32
    %dma_wait3A_119 = arith.constant 0 : i32
    %dma_wait3A_120 = arith.constant 0 : i32
    %dma_wait3A_121 = tpu.memref_slice %arg3[%dma_wait3A_118, %dma_wait3A_119, %dma_wait3A_120] : memref<2560x2x128xi32, #tpu.memory_space<hbm>> -> memref<1x2x128xi32, #tpu.memory_space<hbm>>
    %dma_wait3A_122 = tpu.memref_squeeze %dma_wait3A_121 : memref<1x2x128xi32, #tpu.memory_space<hbm>> -> memref<2x128xi32, #tpu.memory_space<hbm>>
    %dma_wait3A_123 = arith.constant 0 : i32
    %dma_wait3A_124 = arith.constant 0 : i32
    %dma_wait3A_125 = tpu.memref_slice %arg3[%dma_wait3A_118, %dma_wait3A_123, %dma_wait3A_124] : memref<2560x2x128xi32, #tpu.memory_space<hbm>> -> memref<1x2x128xi32, #tpu.memory_space<hbm>>
    %dma_wait3A_126 = tpu.memref_squeeze %dma_wait3A_125 : memref<1x2x128xi32, #tpu.memory_space<hbm>> -> memref<2x128xi32, #tpu.memory_space<hbm>>
    tpu.wait_dma2 semaphore(%arg18 : memref<!tpu.dma_semaphore, #tpu.memory_space<semaphore_mem>>) src(%dma_wait3A_126 : memref<2x128xi32, #tpu.memory_space<hbm>>) dst(%arg12 : memref<2x128xi32, #tpu.memory_space<vmem>>)
    %dma_start3A_127 = arith.constant 0 : i32
    %dma_start3A_128 = arith.constant 0 : i32
    %dma_start3A_129 = tpu.memref_slice %arg12[%dma_start3A_127, %dma_start3A_128] : memref<2x128xi32, #tpu.memory_space<vmem>> -> memref<1x128xi32, #tpu.memory_space<vmem>>
    %dma_start3A_130 = tpu.memref_squeeze %dma_start3A_129 : memref<1x128xi32, #tpu.memory_space<vmem>> -> memref<128xi32, #tpu.memory_space<vmem>>
    %dma_start3A_131 = arith.constant 0 : i32
    %dma_start3A_132 = arith.constant 0 : i32
    %dma_start3A_133 = tpu.memref_slice %arg2[%dma_start3A_131, %dma_start3A_132] : memref<10000x128xf32, #tpu.memory_space<hbm>> -> memref<10000x128xf32, #tpu.memory_space<hbm>>
    tpu.enqueue_indirect_dma source(%dma_start3A_133 : memref<10000x128xf32, #tpu.memory_space<hbm>>) target(%arg14 : memref<128x128xf32, #tpu.memory_space<vmem>>) offsets(%dma_start3A_130 : memref<128xi32, #tpu.memory_space<vmem>>) semaphore(%arg20 : memref<!tpu.dma_semaphore, #tpu.memory_space<semaphore_mem>>)
    %dma_wait3A_134 = arith.constant 0 : i32
    %dma_wait3A_135 = arith.constant 0 : i32
    %dma_wait3A_136 = tpu.memref_slice %arg11[%dma_wait3A_134, %dma_wait3A_135] : memref<2x128xi32, #tpu.memory_space<vmem>> -> memref<1x128xi32, #tpu.memory_space<vmem>>
    %dma_wait3A_137 = tpu.memref_squeeze %dma_wait3A_136 : memref<1x128xi32, #tpu.memory_space<vmem>> -> memref<128xi32, #tpu.memory_space<vmem>>
    %dma_wait3A_138 = arith.constant 0 : i32
    %dma_wait3A_139 = arith.constant 0 : i32
    %dma_wait3A_140 = tpu.memref_slice %arg2[%dma_wait3A_138, %dma_wait3A_139] : memref<10000x128xf32, #tpu.memory_space<hbm>> -> memref<10000x128xf32, #tpu.memory_space<hbm>>
    tpu.wait_indirect_dma semaphore(%arg21 : memref<!tpu.dma_semaphore, #tpu.memory_space<semaphore_mem>>) src(%dma_wait3A_140 : memref<10000x128xf32, #tpu.memory_space<hbm>>) dst(%arg15 : memref<128x128xf32, #tpu.memory_space<vmem>>)
    %run_scoped3A_141 = arith.constant 1 : i32
    "tpu.region"() ({
      %run_scoped3A_293 = tpu.sem_alloc : memref<!tpu.dma_semaphore, #tpu.memory_space<semaphore_mem>>
      %dma_start3A_294 = arith.constant 0 : i32
      %dma_start3A_295 = tpu.memref_slice %arg11[%run_scoped3A_141, %dma_start3A_294] : memref<2x128xi32, #tpu.memory_space<vmem>> -> memref<1x128xi32, #tpu.memory_space<vmem>>
      %dma_start3A_296 = tpu.memref_squeeze %dma_start3A_295 : memref<1x128xi32, #tpu.memory_space<vmem>> -> memref<128xi32, #tpu.memory_space<vmem>>
      %dma_start3A_297 = arith.constant 0 : i32
      %dma_start3A_298 = arith.constant 0 : i32
      %dma_start3A_299 = tpu.memref_slice %arg9[%dma_start3A_297, %dma_start3A_298] : memref<10240x128xf32, #tpu.memory_space<vmem_shared>> -> memref<10240x128xf32, #tpu.memory_space<vmem_shared>>
      tpu.enqueue_indirect_dma source(%arg15 : memref<128x128xf32, #tpu.memory_space<vmem>>) target(%dma_start3A_299 : memref<10240x128xf32, #tpu.memory_space<vmem_shared>>) offsets(%dma_start3A_296 : memref<128xi32, #tpu.memory_space<vmem>>) semaphore(%run_scoped3A_293 : memref<!tpu.dma_semaphore, #tpu.memory_space<semaphore_mem>>) {add = true}
      %dma_wait3A_300 = arith.constant 0 : i32
      %dma_wait3A_301 = tpu.memref_slice %arg11[%run_scoped3A_141, %dma_wait3A_300] : memref<2x128xi32, #tpu.memory_space<vmem>> -> memref<1x128xi32, #tpu.memory_space<vmem>>
      %dma_wait3A_302 = tpu.memref_squeeze %dma_wait3A_301 : memref<1x128xi32, #tpu.memory_space<vmem>> -> memref<128xi32, #tpu.memory_space<vmem>>
      %dma_wait3A_303 = arith.constant 0 : i32
      %dma_wait3A_304 = arith.constant 0 : i32
      %dma_wait3A_305 = tpu.memref_slice %arg9[%dma_wait3A_303, %dma_wait3A_304] : memref<10240x128xf32, #tpu.memory_space<vmem_shared>> -> memref<10240x128xf32, #tpu.memory_space<vmem_shared>>
      tpu.wait_indirect_dma semaphore(%run_scoped3A_293 : memref<!tpu.dma_semaphore, #tpu.memory_space<semaphore_mem>>) src(%arg15 : memref<128x128xf32, #tpu.memory_space<vmem>>) dst(%dma_wait3A_305 : memref<10240x128xf32, #tpu.memory_space<vmem_shared>>)
      tpu.yield
    }) : () -> ()
    %run_scoped3A_142 = arith.constant 1 : i32
    "tpu.region"() ({
      %run_scoped3A_293 = tpu.sem_alloc : memref<!tpu.dma_semaphore, #tpu.memory_space<semaphore_mem>>
      %dma_start3A_294 = arith.constant 0 : i32
      %dma_start3A_295 = tpu.memref_slice %arg11[%run_scoped3A_142, %dma_start3A_294] : memref<2x128xi32, #tpu.memory_space<vmem>> -> memref<1x128xi32, #tpu.memory_space<vmem>>
      %dma_start3A_296 = tpu.memref_squeeze %dma_start3A_295 : memref<1x128xi32, #tpu.memory_space<vmem>> -> memref<128xi32, #tpu.memory_space<vmem>>
      %dma_start3A_297 = arith.constant 0 : i32
      %dma_start3A_298 = tpu.memref_slice %arg23[%dma_start3A_297] : memref<10240xf32, #tpu.memory_space<vmem_shared>> -> memref<10240xf32, #tpu.memory_space<vmem_shared>>
      tpu.enqueue_indirect_dma source(%arg24 : memref<128xf32, #tpu.memory_space<vmem>>) target(%dma_start3A_298 : memref<10240xf32, #tpu.memory_space<vmem_shared>>) offsets(%dma_start3A_296 : memref<128xi32, #tpu.memory_space<vmem>>) semaphore(%run_scoped3A_293 : memref<!tpu.dma_semaphore, #tpu.memory_space<semaphore_mem>>) {add = true}
      %dma_wait3A_299 = arith.constant 0 : i32
      %dma_wait3A_300 = tpu.memref_slice %arg11[%run_scoped3A_142, %dma_wait3A_299] : memref<2x128xi32, #tpu.memory_space<vmem>> -> memref<1x128xi32, #tpu.memory_space<vmem>>
      %dma_wait3A_301 = tpu.memref_squeeze %dma_wait3A_300 : memref<1x128xi32, #tpu.memory_space<vmem>> -> memref<128xi32, #tpu.memory_space<vmem>>
      %dma_wait3A_302 = arith.constant 0 : i32
      %dma_wait3A_303 = tpu.memref_slice %arg23[%dma_wait3A_302] : memref<10240xf32, #tpu.memory_space<vmem_shared>> -> memref<10240xf32, #tpu.memory_space<vmem_shared>>
      tpu.wait_indirect_dma semaphore(%run_scoped3A_293 : memref<!tpu.dma_semaphore, #tpu.memory_space<semaphore_mem>>) src(%arg24 : memref<128xf32, #tpu.memory_space<vmem>>) dst(%dma_wait3A_303 : memref<10240xf32, #tpu.memory_space<vmem_shared>>)
      tpu.yield
    }) : () -> ()
    %dma_wait3A_143 = arith.constant 0 : i32
    %dma_wait3A_144 = arith.constant 0 : i32
    %dma_wait3A_145 = arith.constant 0 : i32
    %dma_wait3A_146 = tpu.memref_slice %arg3[%dma_wait3A_143, %dma_wait3A_144, %dma_wait3A_145] : memref<2560x2x128xi32, #tpu.memory_space<hbm>> -> memref<1x2x128xi32, #tpu.memory_space<hbm>>
    %dma_wait3A_147 = tpu.memref_squeeze %dma_wait3A_146 : memref<1x2x128xi32, #tpu.memory_space<hbm>> -> memref<2x128xi32, #tpu.memory_space<hbm>>
    %dma_wait3A_148 = arith.constant 0 : i32
    %dma_wait3A_149 = arith.constant 0 : i32
    %dma_wait3A_150 = tpu.memref_slice %arg3[%dma_wait3A_143, %dma_wait3A_148, %dma_wait3A_149] : memref<2560x2x128xi32, #tpu.memory_space<hbm>> -> memref<1x2x128xi32, #tpu.memory_space<hbm>>
    %dma_wait3A_151 = tpu.memref_squeeze %dma_wait3A_150 : memref<1x2x128xi32, #tpu.memory_space<hbm>> -> memref<2x128xi32, #tpu.memory_space<hbm>>
    tpu.wait_dma2 semaphore(%arg19 : memref<!tpu.dma_semaphore, #tpu.memory_space<semaphore_mem>>) src(%dma_wait3A_151 : memref<2x128xi32, #tpu.memory_space<hbm>>) dst(%arg13 : memref<2x128xi32, #tpu.memory_space<vmem>>)
    %dma_start3A_152 = arith.constant 0 : i32
    %dma_start3A_153 = arith.constant 0 : i32
    %dma_start3A_154 = tpu.memref_slice %arg13[%dma_start3A_152, %dma_start3A_153] : memref<2x128xi32, #tpu.memory_space<vmem>> -> memref<1x128xi32, #tpu.memory_space<vmem>>
    %dma_start3A_155 = tpu.memref_squeeze %dma_start3A_154 : memref<1x128xi32, #tpu.memory_space<vmem>> -> memref<128xi32, #tpu.memory_space<vmem>>
    %dma_start3A_156 = arith.constant 0 : i32
    %dma_start3A_157 = arith.constant 0 : i32
    %dma_start3A_158 = tpu.memref_slice %arg2[%dma_start3A_156, %dma_start3A_157] : memref<10000x128xf32, #tpu.memory_space<hbm>> -> memref<10000x128xf32, #tpu.memory_space<hbm>>
    tpu.enqueue_indirect_dma source(%dma_start3A_158 : memref<10000x128xf32, #tpu.memory_space<hbm>>) target(%arg15 : memref<128x128xf32, #tpu.memory_space<vmem>>) offsets(%dma_start3A_155 : memref<128xi32, #tpu.memory_space<vmem>>) semaphore(%arg21 : memref<!tpu.dma_semaphore, #tpu.memory_space<semaphore_mem>>)
    %dma_wait3A_159 = arith.constant 0 : i32
    %dma_wait3A_160 = arith.constant 0 : i32
    %dma_wait3A_161 = tpu.memref_slice %arg12[%dma_wait3A_159, %dma_wait3A_160] : memref<2x128xi32, #tpu.memory_space<vmem>> -> memref<1x128xi32, #tpu.memory_space<vmem>>
    %dma_wait3A_162 = tpu.memref_squeeze %dma_wait3A_161 : memref<1x128xi32, #tpu.memory_space<vmem>> -> memref<128xi32, #tpu.memory_space<vmem>>
    %dma_wait3A_163 = arith.constant 0 : i32
    %dma_wait3A_164 = arith.constant 0 : i32
    %dma_wait3A_165 = tpu.memref_slice %arg2[%dma_wait3A_163, %dma_wait3A_164] : memref<10000x128xf32, #tpu.memory_space<hbm>> -> memref<10000x128xf32, #tpu.memory_space<hbm>>
    tpu.wait_indirect_dma semaphore(%arg20 : memref<!tpu.dma_semaphore, #tpu.memory_space<semaphore_mem>>) src(%dma_wait3A_165 : memref<10000x128xf32, #tpu.memory_space<hbm>>) dst(%arg14 : memref<128x128xf32, #tpu.memory_space<vmem>>)
    %run_scoped3A_166 = arith.constant 1 : i32
    "tpu.region"() ({
      %run_scoped3A_293 = tpu.sem_alloc : memref<!tpu.dma_semaphore, #tpu.memory_space<semaphore_mem>>
      %dma_start3A_294 = arith.constant 0 : i32
      %dma_start3A_295 = tpu.memref_slice %arg12[%run_scoped3A_166, %dma_start3A_294] : memref<2x128xi32, #tpu.memory_space<vmem>> -> memref<1x128xi32, #tpu.memory_space<vmem>>
      %dma_start3A_296 = tpu.memref_squeeze %dma_start3A_295 : memref<1x128xi32, #tpu.memory_space<vmem>> -> memref<128xi32, #tpu.memory_space<vmem>>
      %dma_start3A_297 = arith.constant 0 : i32
      %dma_start3A_298 = arith.constant 0 : i32
      %dma_start3A_299 = tpu.memref_slice %arg9[%dma_start3A_297, %dma_start3A_298] : memref<10240x128xf32, #tpu.memory_space<vmem_shared>> -> memref<10240x128xf32, #tpu.memory_space<vmem_shared>>
      tpu.enqueue_indirect_dma source(%arg14 : memref<128x128xf32, #tpu.memory_space<vmem>>) target(%dma_start3A_299 : memref<10240x128xf32, #tpu.memory_space<vmem_shared>>) offsets(%dma_start3A_296 : memref<128xi32, #tpu.memory_space<vmem>>) semaphore(%run_scoped3A_293 : memref<!tpu.dma_semaphore, #tpu.memory_space<semaphore_mem>>) {add = true}
      %dma_wait3A_300 = arith.constant 0 : i32
      %dma_wait3A_301 = tpu.memref_slice %arg12[%run_scoped3A_166, %dma_wait3A_300] : memref<2x128xi32, #tpu.memory_space<vmem>> -> memref<1x128xi32, #tpu.memory_space<vmem>>
      %dma_wait3A_302 = tpu.memref_squeeze %dma_wait3A_301 : memref<1x128xi32, #tpu.memory_space<vmem>> -> memref<128xi32, #tpu.memory_space<vmem>>
      %dma_wait3A_303 = arith.constant 0 : i32
      %dma_wait3A_304 = arith.constant 0 : i32
      %dma_wait3A_305 = tpu.memref_slice %arg9[%dma_wait3A_303, %dma_wait3A_304] : memref<10240x128xf32, #tpu.memory_space<vmem_shared>> -> memref<10240x128xf32, #tpu.memory_space<vmem_shared>>
      tpu.wait_indirect_dma semaphore(%run_scoped3A_293 : memref<!tpu.dma_semaphore, #tpu.memory_space<semaphore_mem>>) src(%arg14 : memref<128x128xf32, #tpu.memory_space<vmem>>) dst(%dma_wait3A_305 : memref<10240x128xf32, #tpu.memory_space<vmem_shared>>)
      tpu.yield
    }) : () -> ()
    %run_scoped3A_167 = arith.constant 1 : i32
    "tpu.region"() ({
      %run_scoped3A_293 = tpu.sem_alloc : memref<!tpu.dma_semaphore, #tpu.memory_space<semaphore_mem>>
      %dma_start3A_294 = arith.constant 0 : i32
      %dma_start3A_295 = tpu.memref_slice %arg12[%run_scoped3A_167, %dma_start3A_294] : memref<2x128xi32, #tpu.memory_space<vmem>> -> memref<1x128xi32, #tpu.memory_space<vmem>>
      %dma_start3A_296 = tpu.memref_squeeze %dma_start3A_295 : memref<1x128xi32, #tpu.memory_space<vmem>> -> memref<128xi32, #tpu.memory_space<vmem>>
      %dma_start3A_297 = arith.constant 0 : i32
      %dma_start3A_298 = tpu.memref_slice %arg23[%dma_start3A_297] : memref<10240xf32, #tpu.memory_space<vmem_shared>> -> memref<10240xf32, #tpu.memory_space<vmem_shared>>
      tpu.enqueue_indirect_dma source(%arg24 : memref<128xf32, #tpu.memory_space<vmem>>) target(%dma_start3A_298 : memref<10240xf32, #tpu.memory_space<vmem_shared>>) offsets(%dma_start3A_296 : memref<128xi32, #tpu.memory_space<vmem>>) semaphore(%run_scoped3A_293 : memref<!tpu.dma_semaphore, #tpu.memory_space<semaphore_mem>>) {add = true}
      %dma_wait3A_299 = arith.constant 0 : i32
      %dma_wait3A_300 = tpu.memref_slice %arg12[%run_scoped3A_167, %dma_wait3A_299] : memref<2x128xi32, #tpu.memory_space<vmem>> -> memref<1x128xi32, #tpu.memory_space<vmem>>
      %dma_wait3A_301 = tpu.memref_squeeze %dma_wait3A_300 : memref<1x128xi32, #tpu.memory_space<vmem>> -> memref<128xi32, #tpu.memory_space<vmem>>
      %dma_wait3A_302 = arith.constant 0 : i32
      %dma_wait3A_303 = tpu.memref_slice %arg23[%dma_wait3A_302] : memref<10240xf32, #tpu.memory_space<vmem_shared>> -> memref<10240xf32, #tpu.memory_space<vmem_shared>>
      tpu.wait_indirect_dma semaphore(%run_scoped3A_293 : memref<!tpu.dma_semaphore, #tpu.memory_space<semaphore_mem>>) src(%arg24 : memref<128xf32, #tpu.memory_space<vmem>>) dst(%dma_wait3A_303 : memref<10240xf32, #tpu.memory_space<vmem_shared>>)
      tpu.yield
    }) : () -> ()
    %dma_wait3A_168 = arith.constant 0 : i32
    %dma_wait3A_169 = arith.constant 0 : i32
    %dma_wait3A_170 = tpu.memref_slice %arg13[%dma_wait3A_168, %dma_wait3A_169] : memref<2x128xi32, #tpu.memory_space<vmem>> -> memref<1x128xi32, #tpu.memory_space<vmem>>
    %dma_wait3A_171 = tpu.memref_squeeze %dma_wait3A_170 : memref<1x128xi32, #tpu.memory_space<vmem>> -> memref<128xi32, #tpu.memory_space<vmem>>
    %dma_wait3A_172 = arith.constant 0 : i32
    %dma_wait3A_173 = arith.constant 0 : i32
    %dma_wait3A_174 = tpu.memref_slice %arg2[%dma_wait3A_172, %dma_wait3A_173] : memref<10000x128xf32, #tpu.memory_space<hbm>> -> memref<10000x128xf32, #tpu.memory_space<hbm>>
    tpu.wait_indirect_dma semaphore(%arg21 : memref<!tpu.dma_semaphore, #tpu.memory_space<semaphore_mem>>) src(%dma_wait3A_174 : memref<10000x128xf32, #tpu.memory_space<hbm>>) dst(%arg15 : memref<128x128xf32, #tpu.memory_space<vmem>>)
    %run_scoped3A_175 = arith.constant 1 : i32
    "tpu.region"() ({
      %run_scoped3A_293 = tpu.sem_alloc : memref<!tpu.dma_semaphore, #tpu.memory_space<semaphore_mem>>
      %dma_start3A_294 = arith.constant 0 : i32
      %dma_start3A_295 = tpu.memref_slice %arg13[%run_scoped3A_175, %dma_start3A_294] : memref<2x128xi32, #tpu.memory_space<vmem>> -> memref<1x128xi32, #tpu.memory_space<vmem>>
      %dma_start3A_296 = tpu.memref_squeeze %dma_start3A_295 : memref<1x128xi32, #tpu.memory_space<vmem>> -> memref<128xi32, #tpu.memory_space<vmem>>
      %dma_start3A_297 = arith.constant 0 : i32
      %dma_start3A_298 = arith.constant 0 : i32
      %dma_start3A_299 = tpu.memref_slice %arg9[%dma_start3A_297, %dma_start3A_298] : memref<10240x128xf32, #tpu.memory_space<vmem_shared>> -> memref<10240x128xf32, #tpu.memory_space<vmem_shared>>
      tpu.enqueue_indirect_dma source(%arg15 : memref<128x128xf32, #tpu.memory_space<vmem>>) target(%dma_start3A_299 : memref<10240x128xf32, #tpu.memory_space<vmem_shared>>) offsets(%dma_start3A_296 : memref<128xi32, #tpu.memory_space<vmem>>) semaphore(%run_scoped3A_293 : memref<!tpu.dma_semaphore, #tpu.memory_space<semaphore_mem>>) {add = true}
      %dma_wait3A_300 = arith.constant 0 : i32
      %dma_wait3A_301 = tpu.memref_slice %arg13[%run_scoped3A_175, %dma_wait3A_300] : memref<2x128xi32, #tpu.memory_space<vmem>> -> memref<1x128xi32, #tpu.memory_space<vmem>>
      %dma_wait3A_302 = tpu.memref_squeeze %dma_wait3A_301 : memref<1x128xi32, #tpu.memory_space<vmem>> -> memref<128xi32, #tpu.memory_space<vmem>>
      %dma_wait3A_303 = arith.constant 0 : i32
      %dma_wait3A_304 = arith.constant 0 : i32
      %dma_wait3A_305 = tpu.memref_slice %arg9[%dma_wait3A_303, %dma_wait3A_304] : memref<10240x128xf32, #tpu.memory_space<vmem_shared>> -> memref<10240x128xf32, #tpu.memory_space<vmem_shared>>
      tpu.wait_indirect_dma semaphore(%run_scoped3A_293 : memref<!tpu.dma_semaphore, #tpu.memory_space<semaphore_mem>>) src(%arg15 : memref<128x128xf32, #tpu.memory_space<vmem>>) dst(%dma_wait3A_305 : memref<10240x128xf32, #tpu.memory_space<vmem_shared>>)
      tpu.yield
    }) : () -> ()
    %run_scoped3A_176 = arith.constant 1 : i32
    "tpu.region"() ({
      %run_scoped3A_293 = tpu.sem_alloc : memref<!tpu.dma_semaphore, #tpu.memory_space<semaphore_mem>>
      %dma_start3A_294 = arith.constant 0 : i32
      %dma_start3A_295 = tpu.memref_slice %arg13[%run_scoped3A_176, %dma_start3A_294] : memref<2x128xi32, #tpu.memory_space<vmem>> -> memref<1x128xi32, #tpu.memory_space<vmem>>
      %dma_start3A_296 = tpu.memref_squeeze %dma_start3A_295 : memref<1x128xi32, #tpu.memory_space<vmem>> -> memref<128xi32, #tpu.memory_space<vmem>>
      %dma_start3A_297 = arith.constant 0 : i32
      %dma_start3A_298 = tpu.memref_slice %arg23[%dma_start3A_297] : memref<10240xf32, #tpu.memory_space<vmem_shared>> -> memref<10240xf32, #tpu.memory_space<vmem_shared>>
      tpu.enqueue_indirect_dma source(%arg24 : memref<128xf32, #tpu.memory_space<vmem>>) target(%dma_start3A_298 : memref<10240xf32, #tpu.memory_space<vmem_shared>>) offsets(%dma_start3A_296 : memref<128xi32, #tpu.memory_space<vmem>>) semaphore(%run_scoped3A_293 : memref<!tpu.dma_semaphore, #tpu.memory_space<semaphore_mem>>) {add = true}
      %dma_wait3A_299 = arith.constant 0 : i32
      %dma_wait3A_300 = tpu.memref_slice %arg13[%run_scoped3A_176, %dma_wait3A_299] : memref<2x128xi32, #tpu.memory_space<vmem>> -> memref<1x128xi32, #tpu.memory_space<vmem>>
      %dma_wait3A_301 = tpu.memref_squeeze %dma_wait3A_300 : memref<1x128xi32, #tpu.memory_space<vmem>> -> memref<128xi32, #tpu.memory_space<vmem>>
      %dma_wait3A_302 = arith.constant 0 : i32
      %dma_wait3A_303 = tpu.memref_slice %arg23[%dma_wait3A_302] : memref<10240xf32, #tpu.memory_space<vmem_shared>> -> memref<10240xf32, #tpu.memory_space<vmem_shared>>
      tpu.wait_indirect_dma semaphore(%run_scoped3A_293 : memref<!tpu.dma_semaphore, #tpu.memory_space<semaphore_mem>>) src(%arg24 : memref<128xf32, #tpu.memory_space<vmem>>) dst(%dma_wait3A_303 : memref<10240xf32, #tpu.memory_space<vmem_shared>>)
      tpu.yield
    }) : () -> ()
    %barrier3A_177 = arith.constant 0 : index
    tpu.barrier barrier_id(%barrier3A_177)
    %add3A_178 = arith.constant 0 : i32
    %add3A_179 = arith.addi %mul3A_0, %add3A_178 : i32
    "tpu.region"() ({
      %run_scoped3A_293 = tpu.sem_alloc : memref<!tpu.dma_semaphore, #tpu.memory_space<semaphore_mem>>
      %dma_start3A_294 = arith.constant 0 : i32
      %dma_start3A_295 = tpu.memref_slice %arg9[%add3A_179, %dma_start3A_294] : memref<10240x128xf32, #tpu.memory_space<vmem_shared>> -> memref<128x128xf32, #tpu.memory_space<vmem_shared>>
      %dma_start3A_296 = arith.constant 0 : i32
      %dma_start3A_297 = tpu.memref_slice %arg9[%add3A_179, %dma_start3A_296] : memref<10240x128xf32, #tpu.memory_space<vmem_shared>> -> memref<128x128xf32, #tpu.memory_space<vmem_shared>>
      tpu.enqueue_dma source(%dma_start3A_297 : memref<128x128xf32, #tpu.memory_space<vmem_shared>>) target(%arg14 : memref<128x128xf32, #tpu.memory_space<vmem>>) target_semaphore(%run_scoped3A_293 : memref<!tpu.dma_semaphore, #tpu.memory_space<semaphore_mem>>)
      %dma_wait3A_298 = arith.constant 0 : i32
      %dma_wait3A_299 = tpu.memref_slice %arg9[%add3A_179, %dma_wait3A_298] : memref<10240x128xf32, #tpu.memory_space<vmem_shared>> -> memref<128x128xf32, #tpu.memory_space<vmem_shared>>
      %dma_wait3A_300 = arith.constant 0 : i32
      %dma_wait3A_301 = tpu.memref_slice %arg9[%add3A_179, %dma_wait3A_300] : memref<10240x128xf32, #tpu.memory_space<vmem_shared>> -> memref<128x128xf32, #tpu.memory_space<vmem_shared>>
      tpu.wait_dma2 semaphore(%run_scoped3A_293 : memref<!tpu.dma_semaphore, #tpu.memory_space<semaphore_mem>>) src(%dma_wait3A_301 : memref<128x128xf32, #tpu.memory_space<vmem_shared>>) dst(%arg14 : memref<128x128xf32, #tpu.memory_space<vmem>>)
      tpu.yield
    }) : () -> ()
    %add3A_180 = arith.constant 0 : i32
    %add3A_181 = arith.addi %mul3A_0, %add3A_180 : i32
    %dma_start3A_182 = arith.constant 0 : i32
    %dma_start3A_183 = tpu.memref_slice %arg7[%arg0, %add3A_181, %dma_start3A_182] : memref<2x10240x128xf32, #tpu.memory_space<hbm>> -> memref<1x128x128xf32, #tpu.memory_space<hbm>>
    %dma_start3A_184 = tpu.memref_squeeze %dma_start3A_183 : memref<1x128x128xf32, #tpu.memory_space<hbm>> -> memref<128x128xf32, #tpu.memory_space<hbm>>
    %dma_start3A_185 = arith.constant 0 : i32
    %dma_start3A_186 = tpu.memref_slice %arg7[%arg0, %add3A_181, %dma_start3A_185] : memref<2x10240x128xf32, #tpu.memory_space<hbm>> -> memref<1x128x128xf32, #tpu.memory_space<hbm>>
    %dma_start3A_187 = tpu.memref_squeeze %dma_start3A_186 : memref<1x128x128xf32, #tpu.memory_space<hbm>> -> memref<128x128xf32, #tpu.memory_space<hbm>>
    tpu.enqueue_dma source(%arg14 : memref<128x128xf32, #tpu.memory_space<vmem>>) target(%dma_start3A_187 : memref<128x128xf32, #tpu.memory_space<hbm>>) target_semaphore(%arg20 : memref<!tpu.dma_semaphore, #tpu.memory_space<semaphore_mem>>)
    %add3A_188 = arith.constant 128 : i32
    %add3A_189 = arith.addi %mul3A_0, %add3A_188 : i32
    "tpu.region"() ({
      %run_scoped3A_293 = tpu.sem_alloc : memref<!tpu.dma_semaphore, #tpu.memory_space<semaphore_mem>>
      %dma_start3A_294 = arith.constant 0 : i32
      %dma_start3A_295 = tpu.memref_slice %arg9[%add3A_189, %dma_start3A_294] : memref<10240x128xf32, #tpu.memory_space<vmem_shared>> -> memref<128x128xf32, #tpu.memory_space<vmem_shared>>
      %dma_start3A_296 = arith.constant 0 : i32
      %dma_start3A_297 = tpu.memref_slice %arg9[%add3A_189, %dma_start3A_296] : memref<10240x128xf32, #tpu.memory_space<vmem_shared>> -> memref<128x128xf32, #tpu.memory_space<vmem_shared>>
      tpu.enqueue_dma source(%dma_start3A_297 : memref<128x128xf32, #tpu.memory_space<vmem_shared>>) target(%arg15 : memref<128x128xf32, #tpu.memory_space<vmem>>) target_semaphore(%run_scoped3A_293 : memref<!tpu.dma_semaphore, #tpu.memory_space<semaphore_mem>>)
      %dma_wait3A_298 = arith.constant 0 : i32
      %dma_wait3A_299 = tpu.memref_slice %arg9[%add3A_189, %dma_wait3A_298] : memref<10240x128xf32, #tpu.memory_space<vmem_shared>> -> memref<128x128xf32, #tpu.memory_space<vmem_shared>>
      %dma_wait3A_300 = arith.constant 0 : i32
      %dma_wait3A_301 = tpu.memref_slice %arg9[%add3A_189, %dma_wait3A_300] : memref<10240x128xf32, #tpu.memory_space<vmem_shared>> -> memref<128x128xf32, #tpu.memory_space<vmem_shared>>
      tpu.wait_dma2 semaphore(%run_scoped3A_293 : memref<!tpu.dma_semaphore, #tpu.memory_space<semaphore_mem>>) src(%dma_wait3A_301 : memref<128x128xf32, #tpu.memory_space<vmem_shared>>) dst(%arg15 : memref<128x128xf32, #tpu.memory_space<vmem>>)
      tpu.yield
    }) : () -> ()
    %add3A_190 = arith.constant 128 : i32
    %add3A_191 = arith.addi %mul3A_0, %add3A_190 : i32
    %dma_start3A_192 = arith.constant 0 : i32
    %dma_start3A_193 = tpu.memref_slice %arg7[%arg0, %add3A_191, %dma_start3A_192] : memref<2x10240x128xf32, #tpu.memory_space<hbm>> -> memref<1x128x128xf32, #tpu.memory_space<hbm>>
    %dma_start3A_194 = tpu.memref_squeeze %dma_start3A_193 : memref<1x128x128xf32, #tpu.memory_space<hbm>> -> memref<128x128xf32, #tpu.memory_space<hbm>>
    %dma_start3A_195 = arith.constant 0 : i32
    %dma_start3A_196 = tpu.memref_slice %arg7[%arg0, %add3A_191, %dma_start3A_195] : memref<2x10240x128xf32, #tpu.memory_space<hbm>> -> memref<1x128x128xf32, #tpu.memory_space<hbm>>
    %dma_start3A_197 = tpu.memref_squeeze %dma_start3A_196 : memref<1x128x128xf32, #tpu.memory_space<hbm>> -> memref<128x128xf32, #tpu.memory_space<hbm>>
    tpu.enqueue_dma source(%arg15 : memref<128x128xf32, #tpu.memory_space<vmem>>) target(%dma_start3A_197 : memref<128x128xf32, #tpu.memory_space<hbm>>) target_semaphore(%arg21 : memref<!tpu.dma_semaphore, #tpu.memory_space<semaphore_mem>>)
    %dma_wait3A_198 = arith.constant 0 : i32
    %dma_wait3A_199 = tpu.memref_slice %arg7[%arg0, %mul3A_0, %dma_wait3A_198] : memref<2x10240x128xf32, #tpu.memory_space<hbm>> -> memref<1x128x128xf32, #tpu.memory_space<hbm>>
    %dma_wait3A_200 = tpu.memref_squeeze %dma_wait3A_199 : memref<1x128x128xf32, #tpu.memory_space<hbm>> -> memref<128x128xf32, #tpu.memory_space<hbm>>
    %dma_wait3A_201 = arith.constant 0 : i32
    %dma_wait3A_202 = tpu.memref_slice %arg7[%arg0, %mul3A_0, %dma_wait3A_201] : memref<2x10240x128xf32, #tpu.memory_space<hbm>> -> memref<1x128x128xf32, #tpu.memory_space<hbm>>
    %dma_wait3A_203 = tpu.memref_squeeze %dma_wait3A_202 : memref<1x128x128xf32, #tpu.memory_space<hbm>> -> memref<128x128xf32, #tpu.memory_space<hbm>>
    tpu.wait_dma2 semaphore(%arg20 : memref<!tpu.dma_semaphore, #tpu.memory_space<semaphore_mem>>) src(%arg14 : memref<128x128xf32, #tpu.memory_space<vmem>>) dst(%dma_wait3A_203 : memref<128x128xf32, #tpu.memory_space<hbm>>)
    %add3A_204 = arith.constant 256 : i32
    %add3A_205 = arith.addi %mul3A_0, %add3A_204 : i32
    "tpu.region"() ({
      %run_scoped3A_293 = tpu.sem_alloc : memref<!tpu.dma_semaphore, #tpu.memory_space<semaphore_mem>>
      %dma_start3A_294 = arith.constant 0 : i32
      %dma_start3A_295 = tpu.memref_slice %arg9[%add3A_205, %dma_start3A_294] : memref<10240x128xf32, #tpu.memory_space<vmem_shared>> -> memref<128x128xf32, #tpu.memory_space<vmem_shared>>
      %dma_start3A_296 = arith.constant 0 : i32
      %dma_start3A_297 = tpu.memref_slice %arg9[%add3A_205, %dma_start3A_296] : memref<10240x128xf32, #tpu.memory_space<vmem_shared>> -> memref<128x128xf32, #tpu.memory_space<vmem_shared>>
      tpu.enqueue_dma source(%dma_start3A_297 : memref<128x128xf32, #tpu.memory_space<vmem_shared>>) target(%arg14 : memref<128x128xf32, #tpu.memory_space<vmem>>) target_semaphore(%run_scoped3A_293 : memref<!tpu.dma_semaphore, #tpu.memory_space<semaphore_mem>>)
      %dma_wait3A_298 = arith.constant 0 : i32
      %dma_wait3A_299 = tpu.memref_slice %arg9[%add3A_205, %dma_wait3A_298] : memref<10240x128xf32, #tpu.memory_space<vmem_shared>> -> memref<128x128xf32, #tpu.memory_space<vmem_shared>>
      %dma_wait3A_300 = arith.constant 0 : i32
      %dma_wait3A_301 = tpu.memref_slice %arg9[%add3A_205, %dma_wait3A_300] : memref<10240x128xf32, #tpu.memory_space<vmem_shared>> -> memref<128x128xf32, #tpu.memory_space<vmem_shared>>
      tpu.wait_dma2 semaphore(%run_scoped3A_293 : memref<!tpu.dma_semaphore, #tpu.memory_space<semaphore_mem>>) src(%dma_wait3A_301 : memref<128x128xf32, #tpu.memory_space<vmem_shared>>) dst(%arg14 : memref<128x128xf32, #tpu.memory_space<vmem>>)
      tpu.yield
    }) : () -> ()
    %add3A_206 = arith.constant 256 : i32
    %add3A_207 = arith.addi %mul3A_0, %add3A_206 : i32
    %dma_start3A_208 = arith.constant 0 : i32
    %dma_start3A_209 = tpu.memref_slice %arg7[%arg0, %add3A_207, %dma_start3A_208] : memref<2x10240x128xf32, #tpu.memory_space<hbm>> -> memref<1x128x128xf32, #tpu.memory_space<hbm>>
    %dma_start3A_210 = tpu.memref_squeeze %dma_start3A_209 : memref<1x128x128xf32, #tpu.memory_space<hbm>> -> memref<128x128xf32, #tpu.memory_space<hbm>>
    %dma_start3A_211 = arith.constant 0 : i32
    %dma_start3A_212 = tpu.memref_slice %arg7[%arg0, %add3A_207, %dma_start3A_211] : memref<2x10240x128xf32, #tpu.memory_space<hbm>> -> memref<1x128x128xf32, #tpu.memory_space<hbm>>
    %dma_start3A_213 = tpu.memref_squeeze %dma_start3A_212 : memref<1x128x128xf32, #tpu.memory_space<hbm>> -> memref<128x128xf32, #tpu.memory_space<hbm>>
    tpu.enqueue_dma source(%arg14 : memref<128x128xf32, #tpu.memory_space<vmem>>) target(%dma_start3A_213 : memref<128x128xf32, #tpu.memory_space<hbm>>) target_semaphore(%arg20 : memref<!tpu.dma_semaphore, #tpu.memory_space<semaphore_mem>>)
    %dma_wait3A_214 = arith.constant 0 : i32
    %dma_wait3A_215 = tpu.memref_slice %arg7[%arg0, %mul3A_0, %dma_wait3A_214] : memref<2x10240x128xf32, #tpu.memory_space<hbm>> -> memref<1x128x128xf32, #tpu.memory_space<hbm>>
    %dma_wait3A_216 = tpu.memref_squeeze %dma_wait3A_215 : memref<1x128x128xf32, #tpu.memory_space<hbm>> -> memref<128x128xf32, #tpu.memory_space<hbm>>
    %dma_wait3A_217 = arith.constant 0 : i32
    %dma_wait3A_218 = tpu.memref_slice %arg7[%arg0, %mul3A_0, %dma_wait3A_217] : memref<2x10240x128xf32, #tpu.memory_space<hbm>> -> memref<1x128x128xf32, #tpu.memory_space<hbm>>
    %dma_wait3A_219 = tpu.memref_squeeze %dma_wait3A_218 : memref<1x128x128xf32, #tpu.memory_space<hbm>> -> memref<128x128xf32, #tpu.memory_space<hbm>>
    tpu.wait_dma2 semaphore(%arg21 : memref<!tpu.dma_semaphore, #tpu.memory_space<semaphore_mem>>) src(%arg15 : memref<128x128xf32, #tpu.memory_space<vmem>>) dst(%dma_wait3A_219 : memref<128x128xf32, #tpu.memory_space<hbm>>)
    %add3A_220 = arith.constant 384 : i32
    %add3A_221 = arith.addi %mul3A_0, %add3A_220 : i32
    "tpu.region"() ({
      %run_scoped3A_293 = tpu.sem_alloc : memref<!tpu.dma_semaphore, #tpu.memory_space<semaphore_mem>>
      %dma_start3A_294 = arith.constant 0 : i32
      %dma_start3A_295 = tpu.memref_slice %arg9[%add3A_221, %dma_start3A_294] : memref<10240x128xf32, #tpu.memory_space<vmem_shared>> -> memref<128x128xf32, #tpu.memory_space<vmem_shared>>
      %dma_start3A_296 = arith.constant 0 : i32
      %dma_start3A_297 = tpu.memref_slice %arg9[%add3A_221, %dma_start3A_296] : memref<10240x128xf32, #tpu.memory_space<vmem_shared>> -> memref<128x128xf32, #tpu.memory_space<vmem_shared>>
      tpu.enqueue_dma source(%dma_start3A_297 : memref<128x128xf32, #tpu.memory_space<vmem_shared>>) target(%arg15 : memref<128x128xf32, #tpu.memory_space<vmem>>) target_semaphore(%run_scoped3A_293 : memref<!tpu.dma_semaphore, #tpu.memory_space<semaphore_mem>>)
      %dma_wait3A_298 = arith.constant 0 : i32
      %dma_wait3A_299 = tpu.memref_slice %arg9[%add3A_221, %dma_wait3A_298] : memref<10240x128xf32, #tpu.memory_space<vmem_shared>> -> memref<128x128xf32, #tpu.memory_space<vmem_shared>>
      %dma_wait3A_300 = arith.constant 0 : i32
      %dma_wait3A_301 = tpu.memref_slice %arg9[%add3A_221, %dma_wait3A_300] : memref<10240x128xf32, #tpu.memory_space<vmem_shared>> -> memref<128x128xf32, #tpu.memory_space<vmem_shared>>
      tpu.wait_dma2 semaphore(%run_scoped3A_293 : memref<!tpu.dma_semaphore, #tpu.memory_space<semaphore_mem>>) src(%dma_wait3A_301 : memref<128x128xf32, #tpu.memory_space<vmem_shared>>) dst(%arg15 : memref<128x128xf32, #tpu.memory_space<vmem>>)
      tpu.yield
    }) : () -> ()
    %add3A_222 = arith.constant 384 : i32
    %add3A_223 = arith.addi %mul3A_0, %add3A_222 : i32
    %dma_start3A_224 = arith.constant 0 : i32
    %dma_start3A_225 = tpu.memref_slice %arg7[%arg0, %add3A_223, %dma_start3A_224] : memref<2x10240x128xf32, #tpu.memory_space<hbm>> -> memref<1x128x128xf32, #tpu.memory_space<hbm>>
    %dma_start3A_226 = tpu.memref_squeeze %dma_start3A_225 : memref<1x128x128xf32, #tpu.memory_space<hbm>> -> memref<128x128xf32, #tpu.memory_space<hbm>>
    %dma_start3A_227 = arith.constant 0 : i32
    %dma_start3A_228 = tpu.memref_slice %arg7[%arg0, %add3A_223, %dma_start3A_227] : memref<2x10240x128xf32, #tpu.memory_space<hbm>> -> memref<1x128x128xf32, #tpu.memory_space<hbm>>
    %dma_start3A_229 = tpu.memref_squeeze %dma_start3A_228 : memref<1x128x128xf32, #tpu.memory_space<hbm>> -> memref<128x128xf32, #tpu.memory_space<hbm>>
    tpu.enqueue_dma source(%arg15 : memref<128x128xf32, #tpu.memory_space<vmem>>) target(%dma_start3A_229 : memref<128x128xf32, #tpu.memory_space<hbm>>) target_semaphore(%arg21 : memref<!tpu.dma_semaphore, #tpu.memory_space<semaphore_mem>>)
    %dma_wait3A_230 = arith.constant 0 : i32
    %dma_wait3A_231 = tpu.memref_slice %arg7[%arg0, %mul3A_0, %dma_wait3A_230] : memref<2x10240x128xf32, #tpu.memory_space<hbm>> -> memref<1x128x128xf32, #tpu.memory_space<hbm>>
    %dma_wait3A_232 = tpu.memref_squeeze %dma_wait3A_231 : memref<1x128x128xf32, #tpu.memory_space<hbm>> -> memref<128x128xf32, #tpu.memory_space<hbm>>
    %dma_wait3A_233 = arith.constant 0 : i32
    %dma_wait3A_234 = tpu.memref_slice %arg7[%arg0, %mul3A_0, %dma_wait3A_233] : memref<2x10240x128xf32, #tpu.memory_space<hbm>> -> memref<1x128x128xf32, #tpu.memory_space<hbm>>
    %dma_wait3A_235 = tpu.memref_squeeze %dma_wait3A_234 : memref<1x128x128xf32, #tpu.memory_space<hbm>> -> memref<128x128xf32, #tpu.memory_space<hbm>>
    tpu.wait_dma2 semaphore(%arg20 : memref<!tpu.dma_semaphore, #tpu.memory_space<semaphore_mem>>) src(%arg14 : memref<128x128xf32, #tpu.memory_space<vmem>>) dst(%dma_wait3A_235 : memref<128x128xf32, #tpu.memory_space<hbm>>)
    %add3A_236 = arith.constant 512 : i32
    %add3A_237 = arith.addi %mul3A_0, %add3A_236 : i32
    "tpu.region"() ({
      %run_scoped3A_293 = tpu.sem_alloc : memref<!tpu.dma_semaphore, #tpu.memory_space<semaphore_mem>>
      %dma_start3A_294 = arith.constant 0 : i32
      %dma_start3A_295 = tpu.memref_slice %arg9[%add3A_237, %dma_start3A_294] : memref<10240x128xf32, #tpu.memory_space<vmem_shared>> -> memref<128x128xf32, #tpu.memory_space<vmem_shared>>
      %dma_start3A_296 = arith.constant 0 : i32
      %dma_start3A_297 = tpu.memref_slice %arg9[%add3A_237, %dma_start3A_296] : memref<10240x128xf32, #tpu.memory_space<vmem_shared>> -> memref<128x128xf32, #tpu.memory_space<vmem_shared>>
      tpu.enqueue_dma source(%dma_start3A_297 : memref<128x128xf32, #tpu.memory_space<vmem_shared>>) target(%arg14 : memref<128x128xf32, #tpu.memory_space<vmem>>) target_semaphore(%run_scoped3A_293 : memref<!tpu.dma_semaphore, #tpu.memory_space<semaphore_mem>>)
      %dma_wait3A_298 = arith.constant 0 : i32
      %dma_wait3A_299 = tpu.memref_slice %arg9[%add3A_237, %dma_wait3A_298] : memref<10240x128xf32, #tpu.memory_space<vmem_shared>> -> memref<128x128xf32, #tpu.memory_space<vmem_shared>>
      %dma_wait3A_300 = arith.constant 0 : i32
      %dma_wait3A_301 = tpu.memref_slice %arg9[%add3A_237, %dma_wait3A_300] : memref<10240x128xf32, #tpu.memory_space<vmem_shared>> -> memref<128x128xf32, #tpu.memory_space<vmem_shared>>
      tpu.wait_dma2 semaphore(%run_scoped3A_293 : memref<!tpu.dma_semaphore, #tpu.memory_space<semaphore_mem>>) src(%dma_wait3A_301 : memref<128x128xf32, #tpu.memory_space<vmem_shared>>) dst(%arg14 : memref<128x128xf32, #tpu.memory_space<vmem>>)
      tpu.yield
    }) : () -> ()
    %add3A_238 = arith.constant 512 : i32
    %add3A_239 = arith.addi %mul3A_0, %add3A_238 : i32
    %dma_start3A_240 = arith.constant 0 : i32
    %dma_start3A_241 = tpu.memref_slice %arg7[%arg0, %add3A_239, %dma_start3A_240] : memref<2x10240x128xf32, #tpu.memory_space<hbm>> -> memref<1x128x128xf32, #tpu.memory_space<hbm>>
    %dma_start3A_242 = tpu.memref_squeeze %dma_start3A_241 : memref<1x128x128xf32, #tpu.memory_space<hbm>> -> memref<128x128xf32, #tpu.memory_space<hbm>>
    %dma_start3A_243 = arith.constant 0 : i32
    %dma_start3A_244 = tpu.memref_slice %arg7[%arg0, %add3A_239, %dma_start3A_243] : memref<2x10240x128xf32, #tpu.memory_space<hbm>> -> memref<1x128x128xf32, #tpu.memory_space<hbm>>
    %dma_start3A_245 = tpu.memref_squeeze %dma_start3A_244 : memref<1x128x128xf32, #tpu.memory_space<hbm>> -> memref<128x128xf32, #tpu.memory_space<hbm>>
    tpu.enqueue_dma source(%arg14 : memref<128x128xf32, #tpu.memory_space<vmem>>) target(%dma_start3A_245 : memref<128x128xf32, #tpu.memory_space<hbm>>) target_semaphore(%arg20 : memref<!tpu.dma_semaphore, #tpu.memory_space<semaphore_mem>>)
    %dma_wait3A_246 = arith.constant 0 : i32
    %dma_wait3A_247 = tpu.memref_slice %arg7[%arg0, %mul3A_0, %dma_wait3A_246] : memref<2x10240x128xf32, #tpu.memory_space<hbm>> -> memref<1x128x128xf32, #tpu.memory_space<hbm>>
    %dma_wait3A_248 = tpu.memref_squeeze %dma_wait3A_247 : memref<1x128x128xf32, #tpu.memory_space<hbm>> -> memref<128x128xf32, #tpu.memory_space<hbm>>
    %dma_wait3A_249 = arith.constant 0 : i32
    %dma_wait3A_250 = tpu.memref_slice %arg7[%arg0, %mul3A_0, %dma_wait3A_249] : memref<2x10240x128xf32, #tpu.memory_space<hbm>> -> memref<1x128x128xf32, #tpu.memory_space<hbm>>
    %dma_wait3A_251 = tpu.memref_squeeze %dma_wait3A_250 : memref<1x128x128xf32, #tpu.memory_space<hbm>> -> memref<128x128xf32, #tpu.memory_space<hbm>>
    tpu.wait_dma2 semaphore(%arg20 : memref<!tpu.dma_semaphore, #tpu.memory_space<semaphore_mem>>) src(%arg14 : memref<128x128xf32, #tpu.memory_space<vmem>>) dst(%dma_wait3A_251 : memref<128x128xf32, #tpu.memory_space<hbm>>)
    %dma_wait3A_252 = arith.constant 0 : i32
    %dma_wait3A_253 = tpu.memref_slice %arg7[%arg0, %mul3A_0, %dma_wait3A_252] : memref<2x10240x128xf32, #tpu.memory_space<hbm>> -> memref<1x128x128xf32, #tpu.memory_space<hbm>>
    %dma_wait3A_254 = tpu.memref_squeeze %dma_wait3A_253 : memref<1x128x128xf32, #tpu.memory_space<hbm>> -> memref<128x128xf32, #tpu.memory_space<hbm>>
    %dma_wait3A_255 = arith.constant 0 : i32
    %dma_wait3A_256 = tpu.memref_slice %arg7[%arg0, %mul3A_0, %dma_wait3A_255] : memref<2x10240x128xf32, #tpu.memory_space<hbm>> -> memref<1x128x128xf32, #tpu.memory_space<hbm>>
    %dma_wait3A_257 = tpu.memref_squeeze %dma_wait3A_256 : memref<1x128x128xf32, #tpu.memory_space<hbm>> -> memref<128x128xf32, #tpu.memory_space<hbm>>
    tpu.wait_dma2 semaphore(%arg21 : memref<!tpu.dma_semaphore, #tpu.memory_space<semaphore_mem>>) src(%arg15 : memref<128x128xf32, #tpu.memory_space<vmem>>) dst(%dma_wait3A_257 : memref<128x128xf32, #tpu.memory_space<hbm>>)
    %add3A_258 = arith.constant 0 : i32
    %add3A_259 = arith.addi %mul3A_0, %add3A_258 : i32
    "tpu.region"() ({
      %run_scoped3A_293 = tpu.sem_alloc : memref<!tpu.dma_semaphore, #tpu.memory_space<semaphore_mem>>
      %dma_start3A_294 = tpu.memref_slice %arg23[%add3A_259] : memref<10240xf32, #tpu.memory_space<vmem_shared>> -> memref<128xf32, #tpu.memory_space<vmem_shared>>
      %dma_start3A_295 = tpu.memref_slice %arg23[%add3A_259] : memref<10240xf32, #tpu.memory_space<vmem_shared>> -> memref<128xf32, #tpu.memory_space<vmem_shared>>
      tpu.enqueue_dma source(%dma_start3A_295 : memref<128xf32, #tpu.memory_space<vmem_shared>>) target(%arg24 : memref<128xf32, #tpu.memory_space<vmem>>) target_semaphore(%run_scoped3A_293 : memref<!tpu.dma_semaphore, #tpu.memory_space<semaphore_mem>>)
      %dma_wait3A_296 = tpu.memref_slice %arg23[%add3A_259] : memref<10240xf32, #tpu.memory_space<vmem_shared>> -> memref<128xf32, #tpu.memory_space<vmem_shared>>
      %dma_wait3A_297 = tpu.memref_slice %arg23[%add3A_259] : memref<10240xf32, #tpu.memory_space<vmem_shared>> -> memref<128xf32, #tpu.memory_space<vmem_shared>>
      tpu.wait_dma2 semaphore(%run_scoped3A_293 : memref<!tpu.dma_semaphore, #tpu.memory_space<semaphore_mem>>) src(%dma_wait3A_297 : memref<128xf32, #tpu.memory_space<vmem_shared>>) dst(%arg24 : memref<128xf32, #tpu.memory_space<vmem>>)
      tpu.yield
    }) : () -> ()
    %mul3A_260 = arith.constant 10240 : i32
    %mul3A_261 = arith.muli %arg0, %mul3A_260 : i32
    %add3A_262 = arith.addi %mul3A_261, %mul3A_0 : i32
    %add3A_263 = arith.constant 0 : i32
    %add3A_264 = arith.addi %add3A_262, %add3A_263 : i32
    "tpu.region"() ({
      %run_scoped3A_293 = tpu.sem_alloc : memref<!tpu.dma_semaphore, #tpu.memory_space<semaphore_mem>>
      %dma_start3A_294 = tpu.memref_slice %arg8[%add3A_264] : memref<20480xf32, #tpu.memory_space<hbm>> -> memref<128xf32, #tpu.memory_space<hbm>>
      %dma_start3A_295 = tpu.memref_slice %arg8[%add3A_264] : memref<20480xf32, #tpu.memory_space<hbm>> -> memref<128xf32, #tpu.memory_space<hbm>>
      tpu.enqueue_dma source(%arg24 : memref<128xf32, #tpu.memory_space<vmem>>) target(%dma_start3A_295 : memref<128xf32, #tpu.memory_space<hbm>>) target_semaphore(%run_scoped3A_293 : memref<!tpu.dma_semaphore, #tpu.memory_space<semaphore_mem>>)
      %dma_wait3A_296 = tpu.memref_slice %arg8[%add3A_264] : memref<20480xf32, #tpu.memory_space<hbm>> -> memref<128xf32, #tpu.memory_space<hbm>>
      %dma_wait3A_297 = tpu.memref_slice %arg8[%add3A_264] : memref<20480xf32, #tpu.memory_space<hbm>> -> memref<128xf32, #tpu.memory_space<hbm>>
      tpu.wait_dma2 semaphore(%run_scoped3A_293 : memref<!tpu.dma_semaphore, #tpu.memory_space<semaphore_mem>>) src(%arg24 : memref<128xf32, #tpu.memory_space<vmem>>) dst(%dma_wait3A_297 : memref<128xf32, #tpu.memory_space<hbm>>)
      tpu.yield
    }) : () -> ()
    %add3A_265 = arith.constant 128 : i32
    %add3A_266 = arith.addi %mul3A_0, %add3A_265 : i32
    "tpu.region"() ({
      %run_scoped3A_293 = tpu.sem_alloc : memref<!tpu.dma_semaphore, #tpu.memory_space<semaphore_mem>>
      %dma_start3A_294 = tpu.memref_slice %arg23[%add3A_266] : memref<10240xf32, #tpu.memory_space<vmem_shared>> -> memref<128xf32, #tpu.memory_space<vmem_shared>>
      %dma_start3A_295 = tpu.memref_slice %arg23[%add3A_266] : memref<10240xf32, #tpu.memory_space<vmem_shared>> -> memref<128xf32, #tpu.memory_space<vmem_shared>>
      tpu.enqueue_dma source(%dma_start3A_295 : memref<128xf32, #tpu.memory_space<vmem_shared>>) target(%arg24 : memref<128xf32, #tpu.memory_space<vmem>>) target_semaphore(%run_scoped3A_293 : memref<!tpu.dma_semaphore, #tpu.memory_space<semaphore_mem>>)
      %dma_wait3A_296 = tpu.memref_slice %arg23[%add3A_266] : memref<10240xf32, #tpu.memory_space<vmem_shared>> -> memref<128xf32, #tpu.memory_space<vmem_shared>>
      %dma_wait3A_297 = tpu.memref_slice %arg23[%add3A_266] : memref<10240xf32, #tpu.memory_space<vmem_shared>> -> memref<128xf32, #tpu.memory_space<vmem_shared>>
      tpu.wait_dma2 semaphore(%run_scoped3A_293 : memref<!tpu.dma_semaphore, #tpu.memory_space<semaphore_mem>>) src(%dma_wait3A_297 : memref<128xf32, #tpu.memory_space<vmem_shared>>) dst(%arg24 : memref<128xf32, #tpu.memory_space<vmem>>)
      tpu.yield
    }) : () -> ()
    %mul3A_267 = arith.constant 10240 : i32
    %mul3A_268 = arith.muli %arg0, %mul3A_267 : i32
    %add3A_269 = arith.addi %mul3A_268, %mul3A_0 : i32
    %add3A_270 = arith.constant 128 : i32
    %add3A_271 = arith.addi %add3A_269, %add3A_270 : i32
    "tpu.region"() ({
      %run_scoped3A_293 = tpu.sem_alloc : memref<!tpu.dma_semaphore, #tpu.memory_space<semaphore_mem>>
      %dma_start3A_294 = tpu.memref_slice %arg8[%add3A_271] : memref<20480xf32, #tpu.memory_space<hbm>> -> memref<128xf32, #tpu.memory_space<hbm>>
      %dma_start3A_295 = tpu.memref_slice %arg8[%add3A_271] : memref<20480xf32, #tpu.memory_space<hbm>> -> memref<128xf32, #tpu.memory_space<hbm>>
      tpu.enqueue_dma source(%arg24 : memref<128xf32, #tpu.memory_space<vmem>>) target(%dma_start3A_295 : memref<128xf32, #tpu.memory_space<hbm>>) target_semaphore(%run_scoped3A_293 : memref<!tpu.dma_semaphore, #tpu.memory_space<semaphore_mem>>)
      %dma_wait3A_296 = tpu.memref_slice %arg8[%add3A_271] : memref<20480xf32, #tpu.memory_space<hbm>> -> memref<128xf32, #tpu.memory_space<hbm>>
      %dma_wait3A_297 = tpu.memref_slice %arg8[%add3A_271] : memref<20480xf32, #tpu.memory_space<hbm>> -> memref<128xf32, #tpu.memory_space<hbm>>
      tpu.wait_dma2 semaphore(%run_scoped3A_293 : memref<!tpu.dma_semaphore, #tpu.memory_space<semaphore_mem>>) src(%arg24 : memref<128xf32, #tpu.memory_space<vmem>>) dst(%dma_wait3A_297 : memref<128xf32, #tpu.memory_space<hbm>>)
      tpu.yield
    }) : () -> ()
    %add3A_272 = arith.constant 256 : i32
    %add3A_273 = arith.addi %mul3A_0, %add3A_272 : i32
    "tpu.region"() ({
      %run_scoped3A_293 = tpu.sem_alloc : memref<!tpu.dma_semaphore, #tpu.memory_space<semaphore_mem>>
      %dma_start3A_294 = tpu.memref_slice %arg23[%add3A_273] : memref<10240xf32, #tpu.memory_space<vmem_shared>> -> memref<128xf32, #tpu.memory_space<vmem_shared>>
      %dma_start3A_295 = tpu.memref_slice %arg23[%add3A_273] : memref<10240xf32, #tpu.memory_space<vmem_shared>> -> memref<128xf32, #tpu.memory_space<vmem_shared>>
      tpu.enqueue_dma source(%dma_start3A_295 : memref<128xf32, #tpu.memory_space<vmem_shared>>) target(%arg24 : memref<128xf32, #tpu.memory_space<vmem>>) target_semaphore(%run_scoped3A_293 : memref<!tpu.dma_semaphore, #tpu.memory_space<semaphore_mem>>)
      %dma_wait3A_296 = tpu.memref_slice %arg23[%add3A_273] : memref<10240xf32, #tpu.memory_space<vmem_shared>> -> memref<128xf32, #tpu.memory_space<vmem_shared>>
      %dma_wait3A_297 = tpu.memref_slice %arg23[%add3A_273] : memref<10240xf32, #tpu.memory_space<vmem_shared>> -> memref<128xf32, #tpu.memory_space<vmem_shared>>
      tpu.wait_dma2 semaphore(%run_scoped3A_293 : memref<!tpu.dma_semaphore, #tpu.memory_space<semaphore_mem>>) src(%dma_wait3A_297 : memref<128xf32, #tpu.memory_space<vmem_shared>>) dst(%arg24 : memref<128xf32, #tpu.memory_space<vmem>>)
      tpu.yield
    }) : () -> ()
    %mul3A_274 = arith.constant 10240 : i32
    %mul3A_275 = arith.muli %arg0, %mul3A_274 : i32
    %add3A_276 = arith.addi %mul3A_275, %mul3A_0 : i32
    %add3A_277 = arith.constant 256 : i32
    %add3A_278 = arith.addi %add3A_276, %add3A_277 : i32
    "tpu.region"() ({
      %run_scoped3A_293 = tpu.sem_alloc : memref<!tpu.dma_semaphore, #tpu.memory_space<semaphore_mem>>
      %dma_start3A_294 = tpu.memref_slice %arg8[%add3A_278] : memref<20480xf32, #tpu.memory_space<hbm>> -> memref<128xf32, #tpu.memory_space<hbm>>
      %dma_start3A_295 = tpu.memref_slice %arg8[%add3A_278] : memref<20480xf32, #tpu.memory_space<hbm>> -> memref<128xf32, #tpu.memory_space<hbm>>
      tpu.enqueue_dma source(%arg24 : memref<128xf32, #tpu.memory_space<vmem>>) target(%dma_start3A_295 : memref<128xf32, #tpu.memory_space<hbm>>) target_semaphore(%run_scoped3A_293 : memref<!tpu.dma_semaphore, #tpu.memory_space<semaphore_mem>>)
      %dma_wait3A_296 = tpu.memref_slice %arg8[%add3A_278] : memref<20480xf32, #tpu.memory_space<hbm>> -> memref<128xf32, #tpu.memory_space<hbm>>
      %dma_wait3A_297 = tpu.memref_slice %arg8[%add3A_278] : memref<20480xf32, #tpu.memory_space<hbm>> -> memref<128xf32, #tpu.memory_space<hbm>>
      tpu.wait_dma2 semaphore(%run_scoped3A_293 : memref<!tpu.dma_semaphore, #tpu.memory_space<semaphore_mem>>) src(%arg24 : memref<128xf32, #tpu.memory_space<vmem>>) dst(%dma_wait3A_297 : memref<128xf32, #tpu.memory_space<hbm>>)
      tpu.yield
    }) : () -> ()
    %add3A_279 = arith.constant 384 : i32
    %add3A_280 = arith.addi %mul3A_0, %add3A_279 : i32
    "tpu.region"() ({
      %run_scoped3A_293 = tpu.sem_alloc : memref<!tpu.dma_semaphore, #tpu.memory_space<semaphore_mem>>
      %dma_start3A_294 = tpu.memref_slice %arg23[%add3A_280] : memref<10240xf32, #tpu.memory_space<vmem_shared>> -> memref<128xf32, #tpu.memory_space<vmem_shared>>
      %dma_start3A_295 = tpu.memref_slice %arg23[%add3A_280] : memref<10240xf32, #tpu.memory_space<vmem_shared>> -> memref<128xf32, #tpu.memory_space<vmem_shared>>
      tpu.enqueue_dma source(%dma_start3A_295 : memref<128xf32, #tpu.memory_space<vmem_shared>>) target(%arg24 : memref<128xf32, #tpu.memory_space<vmem>>) target_semaphore(%run_scoped3A_293 : memref<!tpu.dma_semaphore, #tpu.memory_space<semaphore_mem>>)
      %dma_wait3A_296 = tpu.memref_slice %arg23[%add3A_280] : memref<10240xf32, #tpu.memory_space<vmem_shared>> -> memref<128xf32, #tpu.memory_space<vmem_shared>>
      %dma_wait3A_297 = tpu.memref_slice %arg23[%add3A_280] : memref<10240xf32, #tpu.memory_space<vmem_shared>> -> memref<128xf32, #tpu.memory_space<vmem_shared>>
      tpu.wait_dma2 semaphore(%run_scoped3A_293 : memref<!tpu.dma_semaphore, #tpu.memory_space<semaphore_mem>>) src(%dma_wait3A_297 : memref<128xf32, #tpu.memory_space<vmem_shared>>) dst(%arg24 : memref<128xf32, #tpu.memory_space<vmem>>)
      tpu.yield
    }) : () -> ()
    %mul3A_281 = arith.constant 10240 : i32
    %mul3A_282 = arith.muli %arg0, %mul3A_281 : i32
    %add3A_283 = arith.addi %mul3A_282, %mul3A_0 : i32
    %add3A_284 = arith.constant 384 : i32
    %add3A_285 = arith.addi %add3A_283, %add3A_284 : i32
    "tpu.region"() ({
      %run_scoped3A_293 = tpu.sem_alloc : memref<!tpu.dma_semaphore, #tpu.memory_space<semaphore_mem>>
      %dma_start3A_294 = tpu.memref_slice %arg8[%add3A_285] : memref<20480xf32, #tpu.memory_space<hbm>> -> memref<128xf32, #tpu.memory_space<hbm>>
      %dma_start3A_295 = tpu.memref_slice %arg8[%add3A_285] : memref<20480xf32, #tpu.memory_space<hbm>> -> memref<128xf32, #tpu.memory_space<hbm>>
      tpu.enqueue_dma source(%arg24 : memref<128xf32, #tpu.memory_space<vmem>>) target(%dma_start3A_295 : memref<128xf32, #tpu.memory_space<hbm>>) target_semaphore(%run_scoped3A_293 : memref<!tpu.dma_semaphore, #tpu.memory_space<semaphore_mem>>)
      %dma_wait3A_296 = tpu.memref_slice %arg8[%add3A_285] : memref<20480xf32, #tpu.memory_space<hbm>> -> memref<128xf32, #tpu.memory_space<hbm>>
      %dma_wait3A_297 = tpu.memref_slice %arg8[%add3A_285] : memref<20480xf32, #tpu.memory_space<hbm>> -> memref<128xf32, #tpu.memory_space<hbm>>
      tpu.wait_dma2 semaphore(%run_scoped3A_293 : memref<!tpu.dma_semaphore, #tpu.memory_space<semaphore_mem>>) src(%arg24 : memref<128xf32, #tpu.memory_space<vmem>>) dst(%dma_wait3A_297 : memref<128xf32, #tpu.memory_space<hbm>>)
      tpu.yield
    }) : () -> ()
    %add3A_286 = arith.constant 512 : i32
    %add3A_287 = arith.addi %mul3A_0, %add3A_286 : i32
    "tpu.region"() ({
      %run_scoped3A_293 = tpu.sem_alloc : memref<!tpu.dma_semaphore, #tpu.memory_space<semaphore_mem>>
      %dma_start3A_294 = tpu.memref_slice %arg23[%add3A_287] : memref<10240xf32, #tpu.memory_space<vmem_shared>> -> memref<128xf32, #tpu.memory_space<vmem_shared>>
      %dma_start3A_295 = tpu.memref_slice %arg23[%add3A_287] : memref<10240xf32, #tpu.memory_space<vmem_shared>> -> memref<128xf32, #tpu.memory_space<vmem_shared>>
      tpu.enqueue_dma source(%dma_start3A_295 : memref<128xf32, #tpu.memory_space<vmem_shared>>) target(%arg24 : memref<128xf32, #tpu.memory_space<vmem>>) target_semaphore(%run_scoped3A_293 : memref<!tpu.dma_semaphore, #tpu.memory_space<semaphore_mem>>)
      %dma_wait3A_296 = tpu.memref_slice %arg23[%add3A_287] : memref<10240xf32, #tpu.memory_space<vmem_shared>> -> memref<128xf32, #tpu.memory_space<vmem_shared>>
      %dma_wait3A_297 = tpu.memref_slice %arg23[%add3A_287] : memref<10240xf32, #tpu.memory_space<vmem_shared>> -> memref<128xf32, #tpu.memory_space<vmem_shared>>
      tpu.wait_dma2 semaphore(%run_scoped3A_293 : memref<!tpu.dma_semaphore, #tpu.memory_space<semaphore_mem>>) src(%dma_wait3A_297 : memref<128xf32, #tpu.memory_space<vmem_shared>>) dst(%arg24 : memref<128xf32, #tpu.memory_space<vmem>>)
      tpu.yield
    }) : () -> ()
    %mul3A_288 = arith.constant 10240 : i32
    %mul3A_289 = arith.muli %arg0, %mul3A_288 : i32
    %add3A_290 = arith.addi %mul3A_289, %mul3A_0 : i32
    %add3A_291 = arith.constant 512 : i32
    %add3A_292 = arith.addi %add3A_290, %add3A_291 : i32
    "tpu.region"() ({
      %run_scoped3A_293 = tpu.sem_alloc : memref<!tpu.dma_semaphore, #tpu.memory_space<semaphore_mem>>
      %dma_start3A_294 = tpu.memref_slice %arg8[%add3A_292] : memref<20480xf32, #tpu.memory_space<hbm>> -> memref<128xf32, #tpu.memory_space<hbm>>
      %dma_start3A_295 = tpu.memref_slice %arg8[%add3A_292] : memref<20480xf32, #tpu.memory_space<hbm>> -> memref<128xf32, #tpu.memory_space<hbm>>
      tpu.enqueue_dma source(%arg24 : memref<128xf32, #tpu.memory_space<vmem>>) target(%dma_start3A_295 : memref<128xf32, #tpu.memory_space<hbm>>) target_semaphore(%run_scoped3A_293 : memref<!tpu.dma_semaphore, #tpu.memory_space<semaphore_mem>>)
      %dma_wait3A_296 = tpu.memref_slice %arg8[%add3A_292] : memref<20480xf32, #tpu.memory_space<hbm>> -> memref<128xf32, #tpu.memory_space<hbm>>
      %dma_wait3A_297 = tpu.memref_slice %arg8[%add3A_292] : memref<20480xf32, #tpu.memory_space<hbm>> -> memref<128xf32, #tpu.memory_space<hbm>>
      tpu.wait_dma2 semaphore(%run_scoped3A_293 : memref<!tpu.dma_semaphore, #tpu.memory_space<semaphore_mem>>) src(%arg24 : memref<128xf32, #tpu.memory_space<vmem>>) dst(%dma_wait3A_297 : memref<128xf32, #tpu.memory_space<hbm>>)
      tpu.yield
    }) : () -> ()
    return
  }
}

#map = affine_map<(d0, d1) -> (0, 0)>
#map1 = affine_map<(d0, d1) -> (0, 0, 0)>
module attributes {stable_mosaic.version = 14 : i64} {
  func.func @body(%arg0: i32, %arg1: i32, %arg2: memref<10000x128xf32, #tpu.memory_space<hbm>>, %arg3: memref<2560x2x128xi32, #tpu.memory_space<hbm>>, %arg4: memref<64x128xf32, #tpu.memory_space<hbm>>, %arg5: memref<2x10240x128xf32, #tpu.memory_space<hbm>>, %arg6: memref<10240x128xf32, #tpu.memory_space<vmem_shared>>, %arg7: memref<2x128xi32, #tpu.memory_space<vmem>>, %arg8: memref<2x128xi32, #tpu.memory_space<vmem>>, %arg9: memref<2x128xi32, #tpu.memory_space<vmem>>, %arg10: memref<2x128xi32, #tpu.memory_space<vmem>>, %arg11: memref<128x128xf32, #tpu.memory_space<vmem>>, %arg12: memref<128x128xf32, #tpu.memory_space<vmem>>, %arg13: memref<!tpu.dma_semaphore, #tpu.memory_space<semaphore_mem>>, %arg14: memref<!tpu.dma_semaphore, #tpu.memory_space<semaphore_mem>>, %arg15: memref<!tpu.dma_semaphore, #tpu.memory_space<semaphore_mem>>, %arg16: memref<!tpu.dma_semaphore, #tpu.memory_space<semaphore_mem>>, %arg17: memref<!tpu.dma_semaphore, #tpu.memory_space<semaphore_mem>>, %arg18: memref<!tpu.dma_semaphore, #tpu.memory_space<semaphore_mem>>, %arg19: memref<64x128xf32, #tpu.memory_space<vmem>>) attributes {dimension_semantics = [#tpu.dimension_semantics<core_parallel>, #tpu.dimension_semantics<subcore_parallel>], iteration_bounds = array<i64: 2, 16>, scalar_prefetch = 0 : i64, scratch_operands = 14 : i64, tpu.core_type = #tpu.core_type<sc_vector_subcore>, window_params = [{transform_indices = #map}, {transform_indices = #map1}, {transform_indices = #map}, {transform_indices = #map1}]} {
    %mul3A = arith.constant 640 : i32
    %mul3A_0 = arith.muli %arg1, %mul3A : i32
    %mul3A_1 = arith.constant 16 : i32
    %mul3A_2 = arith.muli %arg0, %mul3A_1 : i32
    %add3A = arith.addi %mul3A_2, %arg1 : i32
    %mul3A_3 = arith.constant 80 : i32
    %mul3A_4 = arith.muli %add3A, %mul3A_3 : i32
    %add3A_5 = arith.constant 0 : i32
    %add3A_6 = arith.addi %mul3A_4, %add3A_5 : i32
    %dma_start3A = arith.constant 0 : i32
    %dma_start3A_7 = arith.constant 0 : i32
    %dma_start3A_8 = tpu.memref_slice %arg3[%add3A_6, %dma_start3A, %dma_start3A_7] : memref<2560x2x128xi32, #tpu.memory_space<hbm>> -> memref<1x2x128xi32, #tpu.memory_space<hbm>>
    %dma_start3A_9 = tpu.memref_squeeze %dma_start3A_8 : memref<1x2x128xi32, #tpu.memory_space<hbm>> -> memref<2x128xi32, #tpu.memory_space<hbm>>
    %dma_start3A_10 = arith.constant 0 : i32
    %dma_start3A_11 = arith.constant 0 : i32
    %dma_start3A_12 = tpu.memref_slice %arg3[%add3A_6, %dma_start3A_10, %dma_start3A_11] : memref<2560x2x128xi32, #tpu.memory_space<hbm>> -> memref<1x2x128xi32, #tpu.memory_space<hbm>>
    %dma_start3A_13 = tpu.memref_squeeze %dma_start3A_12 : memref<1x2x128xi32, #tpu.memory_space<hbm>> -> memref<2x128xi32, #tpu.memory_space<hbm>>
    tpu.enqueue_dma source(%dma_start3A_13 : memref<2x128xi32, #tpu.memory_space<hbm>>) target(%arg7 : memref<2x128xi32, #tpu.memory_space<vmem>>) target_semaphore(%arg13 : memref<!tpu.dma_semaphore, #tpu.memory_space<semaphore_mem>>)
    %add3A_14 = arith.constant 1 : i32
    %add3A_15 = arith.addi %mul3A_4, %add3A_14 : i32
    %dma_start3A_16 = arith.constant 0 : i32
    %dma_start3A_17 = arith.constant 0 : i32
    %dma_start3A_18 = tpu.memref_slice %arg3[%add3A_15, %dma_start3A_16, %dma_start3A_17] : memref<2560x2x128xi32, #tpu.memory_space<hbm>> -> memref<1x2x128xi32, #tpu.memory_space<hbm>>
    %dma_start3A_19 = tpu.memref_squeeze %dma_start3A_18 : memref<1x2x128xi32, #tpu.memory_space<hbm>> -> memref<2x128xi32, #tpu.memory_space<hbm>>
    %dma_start3A_20 = arith.constant 0 : i32
    %dma_start3A_21 = arith.constant 0 : i32
    %dma_start3A_22 = tpu.memref_slice %arg3[%add3A_15, %dma_start3A_20, %dma_start3A_21] : memref<2560x2x128xi32, #tpu.memory_space<hbm>> -> memref<1x2x128xi32, #tpu.memory_space<hbm>>
    %dma_start3A_23 = tpu.memref_squeeze %dma_start3A_22 : memref<1x2x128xi32, #tpu.memory_space<hbm>> -> memref<2x128xi32, #tpu.memory_space<hbm>>
    tpu.enqueue_dma source(%dma_start3A_23 : memref<2x128xi32, #tpu.memory_space<hbm>>) target(%arg8 : memref<2x128xi32, #tpu.memory_space<vmem>>) target_semaphore(%arg14 : memref<!tpu.dma_semaphore, #tpu.memory_space<semaphore_mem>>)
    %add3A_24 = arith.constant 2 : i32
    %add3A_25 = arith.addi %mul3A_4, %add3A_24 : i32
    %dma_start3A_26 = arith.constant 0 : i32
    %dma_start3A_27 = arith.constant 0 : i32
    %dma_start3A_28 = tpu.memref_slice %arg3[%add3A_25, %dma_start3A_26, %dma_start3A_27] : memref<2560x2x128xi32, #tpu.memory_space<hbm>> -> memref<1x2x128xi32, #tpu.memory_space<hbm>>
    %dma_start3A_29 = tpu.memref_squeeze %dma_start3A_28 : memref<1x2x128xi32, #tpu.memory_space<hbm>> -> memref<2x128xi32, #tpu.memory_space<hbm>>
    %dma_start3A_30 = arith.constant 0 : i32
    %dma_start3A_31 = arith.constant 0 : i32
    %dma_start3A_32 = tpu.memref_slice %arg3[%add3A_25, %dma_start3A_30, %dma_start3A_31] : memref<2560x2x128xi32, #tpu.memory_space<hbm>> -> memref<1x2x128xi32, #tpu.memory_space<hbm>>
    %dma_start3A_33 = tpu.memref_squeeze %dma_start3A_32 : memref<1x2x128xi32, #tpu.memory_space<hbm>> -> memref<2x128xi32, #tpu.memory_space<hbm>>
    tpu.enqueue_dma source(%dma_start3A_33 : memref<2x128xi32, #tpu.memory_space<hbm>>) target(%arg9 : memref<2x128xi32, #tpu.memory_space<vmem>>) target_semaphore(%arg15 : memref<!tpu.dma_semaphore, #tpu.memory_space<semaphore_mem>>)
    %add3A_34 = arith.constant 3 : i32
    %add3A_35 = arith.addi %mul3A_4, %add3A_34 : i32
    %dma_start3A_36 = arith.constant 0 : i32
    %dma_start3A_37 = arith.constant 0 : i32
    %dma_start3A_38 = tpu.memref_slice %arg3[%add3A_35, %dma_start3A_36, %dma_start3A_37] : memref<2560x2x128xi32, #tpu.memory_space<hbm>> -> memref<1x2x128xi32, #tpu.memory_space<hbm>>
    %dma_start3A_39 = tpu.memref_squeeze %dma_start3A_38 : memref<1x2x128xi32, #tpu.memory_space<hbm>> -> memref<2x128xi32, #tpu.memory_space<hbm>>
    %dma_start3A_40 = arith.constant 0 : i32
    %dma_start3A_41 = arith.constant 0 : i32
    %dma_start3A_42 = tpu.memref_slice %arg3[%add3A_35, %dma_start3A_40, %dma_start3A_41] : memref<2560x2x128xi32, #tpu.memory_space<hbm>> -> memref<1x2x128xi32, #tpu.memory_space<hbm>>
    %dma_start3A_43 = tpu.memref_squeeze %dma_start3A_42 : memref<1x2x128xi32, #tpu.memory_space<hbm>> -> memref<2x128xi32, #tpu.memory_space<hbm>>
    tpu.enqueue_dma source(%dma_start3A_43 : memref<2x128xi32, #tpu.memory_space<hbm>>) target(%arg10 : memref<2x128xi32, #tpu.memory_space<vmem>>) target_semaphore(%arg16 : memref<!tpu.dma_semaphore, #tpu.memory_space<semaphore_mem>>)
    %dma_wait3A = arith.constant 0 : i32
    %dma_wait3A_44 = arith.constant 0 : i32
    %dma_wait3A_45 = arith.constant 0 : i32
    %dma_wait3A_46 = tpu.memref_slice %arg3[%dma_wait3A, %dma_wait3A_44, %dma_wait3A_45] : memref<2560x2x128xi32, #tpu.memory_space<hbm>> -> memref<1x2x128xi32, #tpu.memory_space<hbm>>
    %dma_wait3A_47 = tpu.memref_squeeze %dma_wait3A_46 : memref<1x2x128xi32, #tpu.memory_space<hbm>> -> memref<2x128xi32, #tpu.memory_space<hbm>>
    %dma_wait3A_48 = arith.constant 0 : i32
    %dma_wait3A_49 = arith.constant 0 : i32
    %dma_wait3A_50 = tpu.memref_slice %arg3[%dma_wait3A, %dma_wait3A_48, %dma_wait3A_49] : memref<2560x2x128xi32, #tpu.memory_space<hbm>> -> memref<1x2x128xi32, #tpu.memory_space<hbm>>
    %dma_wait3A_51 = tpu.memref_squeeze %dma_wait3A_50 : memref<1x2x128xi32, #tpu.memory_space<hbm>> -> memref<2x128xi32, #tpu.memory_space<hbm>>
    tpu.wait_dma2 semaphore(%arg13 : memref<!tpu.dma_semaphore, #tpu.memory_space<semaphore_mem>>) src(%dma_wait3A_51 : memref<2x128xi32, #tpu.memory_space<hbm>>) dst(%arg7 : memref<2x128xi32, #tpu.memory_space<vmem>>)
    %dma_start3A_52 = arith.constant 0 : i32
    %dma_start3A_53 = arith.constant 0 : i32
    %dma_start3A_54 = tpu.memref_slice %arg7[%dma_start3A_52, %dma_start3A_53] : memref<2x128xi32, #tpu.memory_space<vmem>> -> memref<1x128xi32, #tpu.memory_space<vmem>>
    %dma_start3A_55 = tpu.memref_squeeze %dma_start3A_54 : memref<1x128xi32, #tpu.memory_space<vmem>> -> memref<128xi32, #tpu.memory_space<vmem>>
    %dma_start3A_56 = arith.constant 0 : i32
    %dma_start3A_57 = arith.constant 0 : i32
    %dma_start3A_58 = tpu.memref_slice %arg2[%dma_start3A_56, %dma_start3A_57] : memref<10000x128xf32, #tpu.memory_space<hbm>> -> memref<10000x128xf32, #tpu.memory_space<hbm>>
    tpu.enqueue_indirect_dma source(%dma_start3A_58 : memref<10000x128xf32, #tpu.memory_space<hbm>>) target(%arg11 : memref<128x128xf32, #tpu.memory_space<vmem>>) offsets(%dma_start3A_55 : memref<128xi32, #tpu.memory_space<vmem>>) semaphore(%arg17 : memref<!tpu.dma_semaphore, #tpu.memory_space<semaphore_mem>>)
    %dma_wait3A_59 = arith.constant 0 : i32
    %dma_wait3A_60 = arith.constant 0 : i32
    %dma_wait3A_61 = arith.constant 0 : i32
    %dma_wait3A_62 = tpu.memref_slice %arg3[%dma_wait3A_59, %dma_wait3A_60, %dma_wait3A_61] : memref<2560x2x128xi32, #tpu.memory_space<hbm>> -> memref<1x2x128xi32, #tpu.memory_space<hbm>>
    %dma_wait3A_63 = tpu.memref_squeeze %dma_wait3A_62 : memref<1x2x128xi32, #tpu.memory_space<hbm>> -> memref<2x128xi32, #tpu.memory_space<hbm>>
    %dma_wait3A_64 = arith.constant 0 : i32
    %dma_wait3A_65 = arith.constant 0 : i32
    %dma_wait3A_66 = tpu.memref_slice %arg3[%dma_wait3A_59, %dma_wait3A_64, %dma_wait3A_65] : memref<2560x2x128xi32, #tpu.memory_space<hbm>> -> memref<1x2x128xi32, #tpu.memory_space<hbm>>
    %dma_wait3A_67 = tpu.memref_squeeze %dma_wait3A_66 : memref<1x2x128xi32, #tpu.memory_space<hbm>> -> memref<2x128xi32, #tpu.memory_space<hbm>>
    tpu.wait_dma2 semaphore(%arg14 : memref<!tpu.dma_semaphore, #tpu.memory_space<semaphore_mem>>) src(%dma_wait3A_67 : memref<2x128xi32, #tpu.memory_space<hbm>>) dst(%arg8 : memref<2x128xi32, #tpu.memory_space<vmem>>)
    %dma_start3A_68 = arith.constant 0 : i32
    %dma_start3A_69 = arith.constant 0 : i32
    %dma_start3A_70 = tpu.memref_slice %arg8[%dma_start3A_68, %dma_start3A_69] : memref<2x128xi32, #tpu.memory_space<vmem>> -> memref<1x128xi32, #tpu.memory_space<vmem>>
    %dma_start3A_71 = tpu.memref_squeeze %dma_start3A_70 : memref<1x128xi32, #tpu.memory_space<vmem>> -> memref<128xi32, #tpu.memory_space<vmem>>
    %dma_start3A_72 = arith.constant 0 : i32
    %dma_start3A_73 = arith.constant 0 : i32
    %dma_start3A_74 = tpu.memref_slice %arg2[%dma_start3A_72, %dma_start3A_73] : memref<10000x128xf32, #tpu.memory_space<hbm>> -> memref<10000x128xf32, #tpu.memory_space<hbm>>
    tpu.enqueue_indirect_dma source(%dma_start3A_74 : memref<10000x128xf32, #tpu.memory_space<hbm>>) target(%arg12 : memref<128x128xf32, #tpu.memory_space<vmem>>) offsets(%dma_start3A_71 : memref<128xi32, #tpu.memory_space<vmem>>) semaphore(%arg18 : memref<!tpu.dma_semaphore, #tpu.memory_space<semaphore_mem>>)
    "tpu.region"() ({
      %run_scoped3A_244 = tpu.sem_alloc : memref<!tpu.dma_semaphore, #tpu.memory_space<semaphore_mem>>
      tpu.enqueue_dma source(%arg4 : memref<64x128xf32, #tpu.memory_space<hbm>>) target(%arg19 : memref<64x128xf32, #tpu.memory_space<vmem>>) target_semaphore(%run_scoped3A_244 : memref<!tpu.dma_semaphore, #tpu.memory_space<semaphore_mem>>)
      tpu.wait_dma2 semaphore(%run_scoped3A_244 : memref<!tpu.dma_semaphore, #tpu.memory_space<semaphore_mem>>) src(%arg4 : memref<64x128xf32, #tpu.memory_space<hbm>>) dst(%arg19 : memref<64x128xf32, #tpu.memory_space<vmem>>)
      tpu.yield
    }) : () -> ()
    %add3A_75 = arith.constant 0 : i32
    %add3A_76 = arith.addi %mul3A_0, %add3A_75 : i32
    "tpu.region"() ({
      %run_scoped3A_244 = tpu.sem_alloc : memref<!tpu.dma_semaphore, #tpu.memory_space<semaphore_mem>>
      %dma_start3A_245 = arith.constant 0 : i32
      %dma_start3A_246 = tpu.memref_slice %arg6[%add3A_76, %dma_start3A_245] : memref<10240x128xf32, #tpu.memory_space<vmem_shared>> -> memref<64x128xf32, #tpu.memory_space<vmem_shared>>
      %dma_start3A_247 = arith.constant 0 : i32
      %dma_start3A_248 = tpu.memref_slice %arg6[%add3A_76, %dma_start3A_247] : memref<10240x128xf32, #tpu.memory_space<vmem_shared>> -> memref<64x128xf32, #tpu.memory_space<vmem_shared>>
      tpu.enqueue_dma source(%arg19 : memref<64x128xf32, #tpu.memory_space<vmem>>) target(%dma_start3A_248 : memref<64x128xf32, #tpu.memory_space<vmem_shared>>) target_semaphore(%run_scoped3A_244 : memref<!tpu.dma_semaphore, #tpu.memory_space<semaphore_mem>>)
      %dma_wait3A_249 = arith.constant 0 : i32
      %dma_wait3A_250 = tpu.memref_slice %arg6[%add3A_76, %dma_wait3A_249] : memref<10240x128xf32, #tpu.memory_space<vmem_shared>> -> memref<64x128xf32, #tpu.memory_space<vmem_shared>>
      %dma_wait3A_251 = arith.constant 0 : i32
      %dma_wait3A_252 = tpu.memref_slice %arg6[%add3A_76, %dma_wait3A_251] : memref<10240x128xf32, #tpu.memory_space<vmem_shared>> -> memref<64x128xf32, #tpu.memory_space<vmem_shared>>
      tpu.wait_dma2 semaphore(%run_scoped3A_244 : memref<!tpu.dma_semaphore, #tpu.memory_space<semaphore_mem>>) src(%arg19 : memref<64x128xf32, #tpu.memory_space<vmem>>) dst(%dma_wait3A_252 : memref<64x128xf32, #tpu.memory_space<vmem_shared>>)
      tpu.yield
    }) : () -> ()
    %add3A_77 = arith.constant 64 : i32
    %add3A_78 = arith.addi %mul3A_0, %add3A_77 : i32
    "tpu.region"() ({
      %run_scoped3A_244 = tpu.sem_alloc : memref<!tpu.dma_semaphore, #tpu.memory_space<semaphore_mem>>
      %dma_start3A_245 = arith.constant 0 : i32
      %dma_start3A_246 = tpu.memref_slice %arg6[%add3A_78, %dma_start3A_245] : memref<10240x128xf32, #tpu.memory_space<vmem_shared>> -> memref<64x128xf32, #tpu.memory_space<vmem_shared>>
      %dma_start3A_247 = arith.constant 0 : i32
      %dma_start3A_248 = tpu.memref_slice %arg6[%add3A_78, %dma_start3A_247] : memref<10240x128xf32, #tpu.memory_space<vmem_shared>> -> memref<64x128xf32, #tpu.memory_space<vmem_shared>>
      tpu.enqueue_dma source(%arg19 : memref<64x128xf32, #tpu.memory_space<vmem>>) target(%dma_start3A_248 : memref<64x128xf32, #tpu.memory_space<vmem_shared>>) target_semaphore(%run_scoped3A_244 : memref<!tpu.dma_semaphore, #tpu.memory_space<semaphore_mem>>)
      %dma_wait3A_249 = arith.constant 0 : i32
      %dma_wait3A_250 = tpu.memref_slice %arg6[%add3A_78, %dma_wait3A_249] : memref<10240x128xf32, #tpu.memory_space<vmem_shared>> -> memref<64x128xf32, #tpu.memory_space<vmem_shared>>
      %dma_wait3A_251 = arith.constant 0 : i32
      %dma_wait3A_252 = tpu.memref_slice %arg6[%add3A_78, %dma_wait3A_251] : memref<10240x128xf32, #tpu.memory_space<vmem_shared>> -> memref<64x128xf32, #tpu.memory_space<vmem_shared>>
      tpu.wait_dma2 semaphore(%run_scoped3A_244 : memref<!tpu.dma_semaphore, #tpu.memory_space<semaphore_mem>>) src(%arg19 : memref<64x128xf32, #tpu.memory_space<vmem>>) dst(%dma_wait3A_252 : memref<64x128xf32, #tpu.memory_space<vmem_shared>>)
      tpu.yield
    }) : () -> ()
    %add3A_79 = arith.constant 128 : i32
    %add3A_80 = arith.addi %mul3A_0, %add3A_79 : i32
    "tpu.region"() ({
      %run_scoped3A_244 = tpu.sem_alloc : memref<!tpu.dma_semaphore, #tpu.memory_space<semaphore_mem>>
      %dma_start3A_245 = arith.constant 0 : i32
      %dma_start3A_246 = tpu.memref_slice %arg6[%add3A_80, %dma_start3A_245] : memref<10240x128xf32, #tpu.memory_space<vmem_shared>> -> memref<64x128xf32, #tpu.memory_space<vmem_shared>>
      %dma_start3A_247 = arith.constant 0 : i32
      %dma_start3A_248 = tpu.memref_slice %arg6[%add3A_80, %dma_start3A_247] : memref<10240x128xf32, #tpu.memory_space<vmem_shared>> -> memref<64x128xf32, #tpu.memory_space<vmem_shared>>
      tpu.enqueue_dma source(%arg19 : memref<64x128xf32, #tpu.memory_space<vmem>>) target(%dma_start3A_248 : memref<64x128xf32, #tpu.memory_space<vmem_shared>>) target_semaphore(%run_scoped3A_244 : memref<!tpu.dma_semaphore, #tpu.memory_space<semaphore_mem>>)
      %dma_wait3A_249 = arith.constant 0 : i32
      %dma_wait3A_250 = tpu.memref_slice %arg6[%add3A_80, %dma_wait3A_249] : memref<10240x128xf32, #tpu.memory_space<vmem_shared>> -> memref<64x128xf32, #tpu.memory_space<vmem_shared>>
      %dma_wait3A_251 = arith.constant 0 : i32
      %dma_wait3A_252 = tpu.memref_slice %arg6[%add3A_80, %dma_wait3A_251] : memref<10240x128xf32, #tpu.memory_space<vmem_shared>> -> memref<64x128xf32, #tpu.memory_space<vmem_shared>>
      tpu.wait_dma2 semaphore(%run_scoped3A_244 : memref<!tpu.dma_semaphore, #tpu.memory_space<semaphore_mem>>) src(%arg19 : memref<64x128xf32, #tpu.memory_space<vmem>>) dst(%dma_wait3A_252 : memref<64x128xf32, #tpu.memory_space<vmem_shared>>)
      tpu.yield
    }) : () -> ()
    %add3A_81 = arith.constant 192 : i32
    %add3A_82 = arith.addi %mul3A_0, %add3A_81 : i32
    "tpu.region"() ({
      %run_scoped3A_244 = tpu.sem_alloc : memref<!tpu.dma_semaphore, #tpu.memory_space<semaphore_mem>>
      %dma_start3A_245 = arith.constant 0 : i32
      %dma_start3A_246 = tpu.memref_slice %arg6[%add3A_82, %dma_start3A_245] : memref<10240x128xf32, #tpu.memory_space<vmem_shared>> -> memref<64x128xf32, #tpu.memory_space<vmem_shared>>
      %dma_start3A_247 = arith.constant 0 : i32
      %dma_start3A_248 = tpu.memref_slice %arg6[%add3A_82, %dma_start3A_247] : memref<10240x128xf32, #tpu.memory_space<vmem_shared>> -> memref<64x128xf32, #tpu.memory_space<vmem_shared>>
      tpu.enqueue_dma source(%arg19 : memref<64x128xf32, #tpu.memory_space<vmem>>) target(%dma_start3A_248 : memref<64x128xf32, #tpu.memory_space<vmem_shared>>) target_semaphore(%run_scoped3A_244 : memref<!tpu.dma_semaphore, #tpu.memory_space<semaphore_mem>>)
      %dma_wait3A_249 = arith.constant 0 : i32
      %dma_wait3A_250 = tpu.memref_slice %arg6[%add3A_82, %dma_wait3A_249] : memref<10240x128xf32, #tpu.memory_space<vmem_shared>> -> memref<64x128xf32, #tpu.memory_space<vmem_shared>>
      %dma_wait3A_251 = arith.constant 0 : i32
      %dma_wait3A_252 = tpu.memref_slice %arg6[%add3A_82, %dma_wait3A_251] : memref<10240x128xf32, #tpu.memory_space<vmem_shared>> -> memref<64x128xf32, #tpu.memory_space<vmem_shared>>
      tpu.wait_dma2 semaphore(%run_scoped3A_244 : memref<!tpu.dma_semaphore, #tpu.memory_space<semaphore_mem>>) src(%arg19 : memref<64x128xf32, #tpu.memory_space<vmem>>) dst(%dma_wait3A_252 : memref<64x128xf32, #tpu.memory_space<vmem_shared>>)
      tpu.yield
    }) : () -> ()
    %add3A_83 = arith.constant 256 : i32
    %add3A_84 = arith.addi %mul3A_0, %add3A_83 : i32
    "tpu.region"() ({
      %run_scoped3A_244 = tpu.sem_alloc : memref<!tpu.dma_semaphore, #tpu.memory_space<semaphore_mem>>
      %dma_start3A_245 = arith.constant 0 : i32
      %dma_start3A_246 = tpu.memref_slice %arg6[%add3A_84, %dma_start3A_245] : memref<10240x128xf32, #tpu.memory_space<vmem_shared>> -> memref<64x128xf32, #tpu.memory_space<vmem_shared>>
      %dma_start3A_247 = arith.constant 0 : i32
      %dma_start3A_248 = tpu.memref_slice %arg6[%add3A_84, %dma_start3A_247] : memref<10240x128xf32, #tpu.memory_space<vmem_shared>> -> memref<64x128xf32, #tpu.memory_space<vmem_shared>>
      tpu.enqueue_dma source(%arg19 : memref<64x128xf32, #tpu.memory_space<vmem>>) target(%dma_start3A_248 : memref<64x128xf32, #tpu.memory_space<vmem_shared>>) target_semaphore(%run_scoped3A_244 : memref<!tpu.dma_semaphore, #tpu.memory_space<semaphore_mem>>)
      %dma_wait3A_249 = arith.constant 0 : i32
      %dma_wait3A_250 = tpu.memref_slice %arg6[%add3A_84, %dma_wait3A_249] : memref<10240x128xf32, #tpu.memory_space<vmem_shared>> -> memref<64x128xf32, #tpu.memory_space<vmem_shared>>
      %dma_wait3A_251 = arith.constant 0 : i32
      %dma_wait3A_252 = tpu.memref_slice %arg6[%add3A_84, %dma_wait3A_251] : memref<10240x128xf32, #tpu.memory_space<vmem_shared>> -> memref<64x128xf32, #tpu.memory_space<vmem_shared>>
      tpu.wait_dma2 semaphore(%run_scoped3A_244 : memref<!tpu.dma_semaphore, #tpu.memory_space<semaphore_mem>>) src(%arg19 : memref<64x128xf32, #tpu.memory_space<vmem>>) dst(%dma_wait3A_252 : memref<64x128xf32, #tpu.memory_space<vmem_shared>>)
      tpu.yield
    }) : () -> ()
    %add3A_85 = arith.constant 320 : i32
    %add3A_86 = arith.addi %mul3A_0, %add3A_85 : i32
    "tpu.region"() ({
      %run_scoped3A_244 = tpu.sem_alloc : memref<!tpu.dma_semaphore, #tpu.memory_space<semaphore_mem>>
      %dma_start3A_245 = arith.constant 0 : i32
      %dma_start3A_246 = tpu.memref_slice %arg6[%add3A_86, %dma_start3A_245] : memref<10240x128xf32, #tpu.memory_space<vmem_shared>> -> memref<64x128xf32, #tpu.memory_space<vmem_shared>>
      %dma_start3A_247 = arith.constant 0 : i32
      %dma_start3A_248 = tpu.memref_slice %arg6[%add3A_86, %dma_start3A_247] : memref<10240x128xf32, #tpu.memory_space<vmem_shared>> -> memref<64x128xf32, #tpu.memory_space<vmem_shared>>
      tpu.enqueue_dma source(%arg19 : memref<64x128xf32, #tpu.memory_space<vmem>>) target(%dma_start3A_248 : memref<64x128xf32, #tpu.memory_space<vmem_shared>>) target_semaphore(%run_scoped3A_244 : memref<!tpu.dma_semaphore, #tpu.memory_space<semaphore_mem>>)
      %dma_wait3A_249 = arith.constant 0 : i32
      %dma_wait3A_250 = tpu.memref_slice %arg6[%add3A_86, %dma_wait3A_249] : memref<10240x128xf32, #tpu.memory_space<vmem_shared>> -> memref<64x128xf32, #tpu.memory_space<vmem_shared>>
      %dma_wait3A_251 = arith.constant 0 : i32
      %dma_wait3A_252 = tpu.memref_slice %arg6[%add3A_86, %dma_wait3A_251] : memref<10240x128xf32, #tpu.memory_space<vmem_shared>> -> memref<64x128xf32, #tpu.memory_space<vmem_shared>>
      tpu.wait_dma2 semaphore(%run_scoped3A_244 : memref<!tpu.dma_semaphore, #tpu.memory_space<semaphore_mem>>) src(%arg19 : memref<64x128xf32, #tpu.memory_space<vmem>>) dst(%dma_wait3A_252 : memref<64x128xf32, #tpu.memory_space<vmem_shared>>)
      tpu.yield
    }) : () -> ()
    %add3A_87 = arith.constant 384 : i32
    %add3A_88 = arith.addi %mul3A_0, %add3A_87 : i32
    "tpu.region"() ({
      %run_scoped3A_244 = tpu.sem_alloc : memref<!tpu.dma_semaphore, #tpu.memory_space<semaphore_mem>>
      %dma_start3A_245 = arith.constant 0 : i32
      %dma_start3A_246 = tpu.memref_slice %arg6[%add3A_88, %dma_start3A_245] : memref<10240x128xf32, #tpu.memory_space<vmem_shared>> -> memref<64x128xf32, #tpu.memory_space<vmem_shared>>
      %dma_start3A_247 = arith.constant 0 : i32
      %dma_start3A_248 = tpu.memref_slice %arg6[%add3A_88, %dma_start3A_247] : memref<10240x128xf32, #tpu.memory_space<vmem_shared>> -> memref<64x128xf32, #tpu.memory_space<vmem_shared>>
      tpu.enqueue_dma source(%arg19 : memref<64x128xf32, #tpu.memory_space<vmem>>) target(%dma_start3A_248 : memref<64x128xf32, #tpu.memory_space<vmem_shared>>) target_semaphore(%run_scoped3A_244 : memref<!tpu.dma_semaphore, #tpu.memory_space<semaphore_mem>>)
      %dma_wait3A_249 = arith.constant 0 : i32
      %dma_wait3A_250 = tpu.memref_slice %arg6[%add3A_88, %dma_wait3A_249] : memref<10240x128xf32, #tpu.memory_space<vmem_shared>> -> memref<64x128xf32, #tpu.memory_space<vmem_shared>>
      %dma_wait3A_251 = arith.constant 0 : i32
      %dma_wait3A_252 = tpu.memref_slice %arg6[%add3A_88, %dma_wait3A_251] : memref<10240x128xf32, #tpu.memory_space<vmem_shared>> -> memref<64x128xf32, #tpu.memory_space<vmem_shared>>
      tpu.wait_dma2 semaphore(%run_scoped3A_244 : memref<!tpu.dma_semaphore, #tpu.memory_space<semaphore_mem>>) src(%arg19 : memref<64x128xf32, #tpu.memory_space<vmem>>) dst(%dma_wait3A_252 : memref<64x128xf32, #tpu.memory_space<vmem_shared>>)
      tpu.yield
    }) : () -> ()
    %add3A_89 = arith.constant 448 : i32
    %add3A_90 = arith.addi %mul3A_0, %add3A_89 : i32
    "tpu.region"() ({
      %run_scoped3A_244 = tpu.sem_alloc : memref<!tpu.dma_semaphore, #tpu.memory_space<semaphore_mem>>
      %dma_start3A_245 = arith.constant 0 : i32
      %dma_start3A_246 = tpu.memref_slice %arg6[%add3A_90, %dma_start3A_245] : memref<10240x128xf32, #tpu.memory_space<vmem_shared>> -> memref<64x128xf32, #tpu.memory_space<vmem_shared>>
      %dma_start3A_247 = arith.constant 0 : i32
      %dma_start3A_248 = tpu.memref_slice %arg6[%add3A_90, %dma_start3A_247] : memref<10240x128xf32, #tpu.memory_space<vmem_shared>> -> memref<64x128xf32, #tpu.memory_space<vmem_shared>>
      tpu.enqueue_dma source(%arg19 : memref<64x128xf32, #tpu.memory_space<vmem>>) target(%dma_start3A_248 : memref<64x128xf32, #tpu.memory_space<vmem_shared>>) target_semaphore(%run_scoped3A_244 : memref<!tpu.dma_semaphore, #tpu.memory_space<semaphore_mem>>)
      %dma_wait3A_249 = arith.constant 0 : i32
      %dma_wait3A_250 = tpu.memref_slice %arg6[%add3A_90, %dma_wait3A_249] : memref<10240x128xf32, #tpu.memory_space<vmem_shared>> -> memref<64x128xf32, #tpu.memory_space<vmem_shared>>
      %dma_wait3A_251 = arith.constant 0 : i32
      %dma_wait3A_252 = tpu.memref_slice %arg6[%add3A_90, %dma_wait3A_251] : memref<10240x128xf32, #tpu.memory_space<vmem_shared>> -> memref<64x128xf32, #tpu.memory_space<vmem_shared>>
      tpu.wait_dma2 semaphore(%run_scoped3A_244 : memref<!tpu.dma_semaphore, #tpu.memory_space<semaphore_mem>>) src(%arg19 : memref<64x128xf32, #tpu.memory_space<vmem>>) dst(%dma_wait3A_252 : memref<64x128xf32, #tpu.memory_space<vmem_shared>>)
      tpu.yield
    }) : () -> ()
    %add3A_91 = arith.constant 512 : i32
    %add3A_92 = arith.addi %mul3A_0, %add3A_91 : i32
    "tpu.region"() ({
      %run_scoped3A_244 = tpu.sem_alloc : memref<!tpu.dma_semaphore, #tpu.memory_space<semaphore_mem>>
      %dma_start3A_245 = arith.constant 0 : i32
      %dma_start3A_246 = tpu.memref_slice %arg6[%add3A_92, %dma_start3A_245] : memref<10240x128xf32, #tpu.memory_space<vmem_shared>> -> memref<64x128xf32, #tpu.memory_space<vmem_shared>>
      %dma_start3A_247 = arith.constant 0 : i32
      %dma_start3A_248 = tpu.memref_slice %arg6[%add3A_92, %dma_start3A_247] : memref<10240x128xf32, #tpu.memory_space<vmem_shared>> -> memref<64x128xf32, #tpu.memory_space<vmem_shared>>
      tpu.enqueue_dma source(%arg19 : memref<64x128xf32, #tpu.memory_space<vmem>>) target(%dma_start3A_248 : memref<64x128xf32, #tpu.memory_space<vmem_shared>>) target_semaphore(%run_scoped3A_244 : memref<!tpu.dma_semaphore, #tpu.memory_space<semaphore_mem>>)
      %dma_wait3A_249 = arith.constant 0 : i32
      %dma_wait3A_250 = tpu.memref_slice %arg6[%add3A_92, %dma_wait3A_249] : memref<10240x128xf32, #tpu.memory_space<vmem_shared>> -> memref<64x128xf32, #tpu.memory_space<vmem_shared>>
      %dma_wait3A_251 = arith.constant 0 : i32
      %dma_wait3A_252 = tpu.memref_slice %arg6[%add3A_92, %dma_wait3A_251] : memref<10240x128xf32, #tpu.memory_space<vmem_shared>> -> memref<64x128xf32, #tpu.memory_space<vmem_shared>>
      tpu.wait_dma2 semaphore(%run_scoped3A_244 : memref<!tpu.dma_semaphore, #tpu.memory_space<semaphore_mem>>) src(%arg19 : memref<64x128xf32, #tpu.memory_space<vmem>>) dst(%dma_wait3A_252 : memref<64x128xf32, #tpu.memory_space<vmem_shared>>)
      tpu.yield
    }) : () -> ()
    %add3A_93 = arith.constant 576 : i32
    %add3A_94 = arith.addi %mul3A_0, %add3A_93 : i32
    "tpu.region"() ({
      %run_scoped3A_244 = tpu.sem_alloc : memref<!tpu.dma_semaphore, #tpu.memory_space<semaphore_mem>>
      %dma_start3A_245 = arith.constant 0 : i32
      %dma_start3A_246 = tpu.memref_slice %arg6[%add3A_94, %dma_start3A_245] : memref<10240x128xf32, #tpu.memory_space<vmem_shared>> -> memref<64x128xf32, #tpu.memory_space<vmem_shared>>
      %dma_start3A_247 = arith.constant 0 : i32
      %dma_start3A_248 = tpu.memref_slice %arg6[%add3A_94, %dma_start3A_247] : memref<10240x128xf32, #tpu.memory_space<vmem_shared>> -> memref<64x128xf32, #tpu.memory_space<vmem_shared>>
      tpu.enqueue_dma source(%arg19 : memref<64x128xf32, #tpu.memory_space<vmem>>) target(%dma_start3A_248 : memref<64x128xf32, #tpu.memory_space<vmem_shared>>) target_semaphore(%run_scoped3A_244 : memref<!tpu.dma_semaphore, #tpu.memory_space<semaphore_mem>>)
      %dma_wait3A_249 = arith.constant 0 : i32
      %dma_wait3A_250 = tpu.memref_slice %arg6[%add3A_94, %dma_wait3A_249] : memref<10240x128xf32, #tpu.memory_space<vmem_shared>> -> memref<64x128xf32, #tpu.memory_space<vmem_shared>>
      %dma_wait3A_251 = arith.constant 0 : i32
      %dma_wait3A_252 = tpu.memref_slice %arg6[%add3A_94, %dma_wait3A_251] : memref<10240x128xf32, #tpu.memory_space<vmem_shared>> -> memref<64x128xf32, #tpu.memory_space<vmem_shared>>
      tpu.wait_dma2 semaphore(%run_scoped3A_244 : memref<!tpu.dma_semaphore, #tpu.memory_space<semaphore_mem>>) src(%arg19 : memref<64x128xf32, #tpu.memory_space<vmem>>) dst(%dma_wait3A_252 : memref<64x128xf32, #tpu.memory_space<vmem_shared>>)
      tpu.yield
    }) : () -> ()
    %barrier3A = arith.constant 0 : index
    tpu.barrier barrier_id(%barrier3A)
    %scan3A = arith.constant 0 : i32
    %scan3A_95 = arith.constant 0 : i32
    %scan3A_96 = arith.constant 19 : i32
    %scan3A_97 = arith.addi %scan3A_95, %scan3A_96 : i32
    %scan3A_98 = arith.constant 1 : i32
    scf.for %scan3A_244 = %scan3A_95 to %scan3A_97 step %scan3A_98  : i32 {
      %mul3A_245 = arith.constant 4 : i32
      %mul3A_246 = arith.muli %mul3A_245, %scan3A_244 : i32
      %add3A_247 = arith.addi %mul3A_4, %mul3A_246 : i32
      %add3A_248 = arith.constant 0 : i32
      %add3A_249 = arith.addi %add3A_247, %add3A_248 : i32
      %add3A_250 = arith.constant 4 : i32
      %add3A_251 = arith.addi %add3A_249, %add3A_250 : i32
      %dma_wait3A_252 = arith.constant 0 : i32
      %dma_wait3A_253 = arith.constant 0 : i32
      %dma_wait3A_254 = tpu.memref_slice %arg7[%dma_wait3A_252, %dma_wait3A_253] : memref<2x128xi32, #tpu.memory_space<vmem>> -> memref<1x128xi32, #tpu.memory_space<vmem>>
      %dma_wait3A_255 = tpu.memref_squeeze %dma_wait3A_254 : memref<1x128xi32, #tpu.memory_space<vmem>> -> memref<128xi32, #tpu.memory_space<vmem>>
      %dma_wait3A_256 = arith.constant 0 : i32
      %dma_wait3A_257 = arith.constant 0 : i32
      %dma_wait3A_258 = tpu.memref_slice %arg2[%dma_wait3A_256, %dma_wait3A_257] : memref<10000x128xf32, #tpu.memory_space<hbm>> -> memref<10000x128xf32, #tpu.memory_space<hbm>>
      tpu.wait_indirect_dma semaphore(%arg17 : memref<!tpu.dma_semaphore, #tpu.memory_space<semaphore_mem>>) src(%dma_wait3A_258 : memref<10000x128xf32, #tpu.memory_space<hbm>>) dst(%arg11 : memref<128x128xf32, #tpu.memory_space<vmem>>)
      %run_scoped3A_259 = arith.constant 1 : i32
      "tpu.region"() ({
        %run_scoped3A_401 = tpu.sem_alloc : memref<!tpu.dma_semaphore, #tpu.memory_space<semaphore_mem>>
        %dma_start3A_402 = arith.constant 0 : i32
        %dma_start3A_403 = tpu.memref_slice %arg7[%run_scoped3A_259, %dma_start3A_402] : memref<2x128xi32, #tpu.memory_space<vmem>> -> memref<1x128xi32, #tpu.memory_space<vmem>>
        %dma_start3A_404 = tpu.memref_squeeze %dma_start3A_403 : memref<1x128xi32, #tpu.memory_space<vmem>> -> memref<128xi32, #tpu.memory_space<vmem>>
        %dma_start3A_405 = arith.constant 0 : i32
        %dma_start3A_406 = arith.constant 0 : i32
        %dma_start3A_407 = tpu.memref_slice %arg6[%dma_start3A_405, %dma_start3A_406] : memref<10240x128xf32, #tpu.memory_space<vmem_shared>> -> memref<10240x128xf32, #tpu.memory_space<vmem_shared>>
        tpu.enqueue_indirect_dma source(%arg11 : memref<128x128xf32, #tpu.memory_space<vmem>>) target(%dma_start3A_407 : memref<10240x128xf32, #tpu.memory_space<vmem_shared>>) offsets(%dma_start3A_404 : memref<128xi32, #tpu.memory_space<vmem>>) semaphore(%run_scoped3A_401 : memref<!tpu.dma_semaphore, #tpu.memory_space<semaphore_mem>>) {add = true}
        %dma_wait3A_408 = arith.constant 0 : i32
        %dma_wait3A_409 = tpu.memref_slice %arg7[%run_scoped3A_259, %dma_wait3A_408] : memref<2x128xi32, #tpu.memory_space<vmem>> -> memref<1x128xi32, #tpu.memory_space<vmem>>
        %dma_wait3A_410 = tpu.memref_squeeze %dma_wait3A_409 : memref<1x128xi32, #tpu.memory_space<vmem>> -> memref<128xi32, #tpu.memory_space<vmem>>
        %dma_wait3A_411 = arith.constant 0 : i32
        %dma_wait3A_412 = arith.constant 0 : i32
        %dma_wait3A_413 = tpu.memref_slice %arg6[%dma_wait3A_411, %dma_wait3A_412] : memref<10240x128xf32, #tpu.memory_space<vmem_shared>> -> memref<10240x128xf32, #tpu.memory_space<vmem_shared>>
        tpu.wait_indirect_dma semaphore(%run_scoped3A_401 : memref<!tpu.dma_semaphore, #tpu.memory_space<semaphore_mem>>) src(%arg11 : memref<128x128xf32, #tpu.memory_space<vmem>>) dst(%dma_wait3A_413 : memref<10240x128xf32, #tpu.memory_space<vmem_shared>>)
        tpu.yield
      }) : () -> ()
      %dma_start3A_260 = arith.constant 0 : i32
      %dma_start3A_261 = arith.constant 0 : i32
      %dma_start3A_262 = tpu.memref_slice %arg3[%add3A_251, %dma_start3A_260, %dma_start3A_261] : memref<2560x2x128xi32, #tpu.memory_space<hbm>> -> memref<1x2x128xi32, #tpu.memory_space<hbm>>
      %dma_start3A_263 = tpu.memref_squeeze %dma_start3A_262 : memref<1x2x128xi32, #tpu.memory_space<hbm>> -> memref<2x128xi32, #tpu.memory_space<hbm>>
      %dma_start3A_264 = arith.constant 0 : i32
      %dma_start3A_265 = arith.constant 0 : i32
      %dma_start3A_266 = tpu.memref_slice %arg3[%add3A_251, %dma_start3A_264, %dma_start3A_265] : memref<2560x2x128xi32, #tpu.memory_space<hbm>> -> memref<1x2x128xi32, #tpu.memory_space<hbm>>
      %dma_start3A_267 = tpu.memref_squeeze %dma_start3A_266 : memref<1x2x128xi32, #tpu.memory_space<hbm>> -> memref<2x128xi32, #tpu.memory_space<hbm>>
      tpu.enqueue_dma source(%dma_start3A_267 : memref<2x128xi32, #tpu.memory_space<hbm>>) target(%arg7 : memref<2x128xi32, #tpu.memory_space<vmem>>) target_semaphore(%arg13 : memref<!tpu.dma_semaphore, #tpu.memory_space<semaphore_mem>>)
      %dma_wait3A_268 = arith.constant 0 : i32
      %dma_wait3A_269 = arith.constant 0 : i32
      %dma_wait3A_270 = arith.constant 0 : i32
      %dma_wait3A_271 = tpu.memref_slice %arg3[%dma_wait3A_268, %dma_wait3A_269, %dma_wait3A_270] : memref<2560x2x128xi32, #tpu.memory_space<hbm>> -> memref<1x2x128xi32, #tpu.memory_space<hbm>>
      %dma_wait3A_272 = tpu.memref_squeeze %dma_wait3A_271 : memref<1x2x128xi32, #tpu.memory_space<hbm>> -> memref<2x128xi32, #tpu.memory_space<hbm>>
      %dma_wait3A_273 = arith.constant 0 : i32
      %dma_wait3A_274 = arith.constant 0 : i32
      %dma_wait3A_275 = tpu.memref_slice %arg3[%dma_wait3A_268, %dma_wait3A_273, %dma_wait3A_274] : memref<2560x2x128xi32, #tpu.memory_space<hbm>> -> memref<1x2x128xi32, #tpu.memory_space<hbm>>
      %dma_wait3A_276 = tpu.memref_squeeze %dma_wait3A_275 : memref<1x2x128xi32, #tpu.memory_space<hbm>> -> memref<2x128xi32, #tpu.memory_space<hbm>>
      tpu.wait_dma2 semaphore(%arg15 : memref<!tpu.dma_semaphore, #tpu.memory_space<semaphore_mem>>) src(%dma_wait3A_276 : memref<2x128xi32, #tpu.memory_space<hbm>>) dst(%arg9 : memref<2x128xi32, #tpu.memory_space<vmem>>)
      %dma_start3A_277 = arith.constant 0 : i32
      %dma_start3A_278 = arith.constant 0 : i32
      %dma_start3A_279 = tpu.memref_slice %arg9[%dma_start3A_277, %dma_start3A_278] : memref<2x128xi32, #tpu.memory_space<vmem>> -> memref<1x128xi32, #tpu.memory_space<vmem>>
      %dma_start3A_280 = tpu.memref_squeeze %dma_start3A_279 : memref<1x128xi32, #tpu.memory_space<vmem>> -> memref<128xi32, #tpu.memory_space<vmem>>
      %dma_start3A_281 = arith.constant 0 : i32
      %dma_start3A_282 = arith.constant 0 : i32
      %dma_start3A_283 = tpu.memref_slice %arg2[%dma_start3A_281, %dma_start3A_282] : memref<10000x128xf32, #tpu.memory_space<hbm>> -> memref<10000x128xf32, #tpu.memory_space<hbm>>
      tpu.enqueue_indirect_dma source(%dma_start3A_283 : memref<10000x128xf32, #tpu.memory_space<hbm>>) target(%arg11 : memref<128x128xf32, #tpu.memory_space<vmem>>) offsets(%dma_start3A_280 : memref<128xi32, #tpu.memory_space<vmem>>) semaphore(%arg17 : memref<!tpu.dma_semaphore, #tpu.memory_space<semaphore_mem>>)
      %mul3A_284 = arith.constant 4 : i32
      %mul3A_285 = arith.muli %mul3A_284, %scan3A_244 : i32
      %add3A_286 = arith.addi %mul3A_4, %mul3A_285 : i32
      %add3A_287 = arith.constant 1 : i32
      %add3A_288 = arith.addi %add3A_286, %add3A_287 : i32
      %add3A_289 = arith.constant 4 : i32
      %add3A_290 = arith.addi %add3A_288, %add3A_289 : i32
      %dma_wait3A_291 = arith.constant 0 : i32
      %dma_wait3A_292 = arith.constant 0 : i32
      %dma_wait3A_293 = tpu.memref_slice %arg8[%dma_wait3A_291, %dma_wait3A_292] : memref<2x128xi32, #tpu.memory_space<vmem>> -> memref<1x128xi32, #tpu.memory_space<vmem>>
      %dma_wait3A_294 = tpu.memref_squeeze %dma_wait3A_293 : memref<1x128xi32, #tpu.memory_space<vmem>> -> memref<128xi32, #tpu.memory_space<vmem>>
      %dma_wait3A_295 = arith.constant 0 : i32
      %dma_wait3A_296 = arith.constant 0 : i32
      %dma_wait3A_297 = tpu.memref_slice %arg2[%dma_wait3A_295, %dma_wait3A_296] : memref<10000x128xf32, #tpu.memory_space<hbm>> -> memref<10000x128xf32, #tpu.memory_space<hbm>>
      tpu.wait_indirect_dma semaphore(%arg18 : memref<!tpu.dma_semaphore, #tpu.memory_space<semaphore_mem>>) src(%dma_wait3A_297 : memref<10000x128xf32, #tpu.memory_space<hbm>>) dst(%arg12 : memref<128x128xf32, #tpu.memory_space<vmem>>)
      %run_scoped3A_298 = arith.constant 1 : i32
      "tpu.region"() ({
        %run_scoped3A_401 = tpu.sem_alloc : memref<!tpu.dma_semaphore, #tpu.memory_space<semaphore_mem>>
        %dma_start3A_402 = arith.constant 0 : i32
        %dma_start3A_403 = tpu.memref_slice %arg8[%run_scoped3A_298, %dma_start3A_402] : memref<2x128xi32, #tpu.memory_space<vmem>> -> memref<1x128xi32, #tpu.memory_space<vmem>>
        %dma_start3A_404 = tpu.memref_squeeze %dma_start3A_403 : memref<1x128xi32, #tpu.memory_space<vmem>> -> memref<128xi32, #tpu.memory_space<vmem>>
        %dma_start3A_405 = arith.constant 0 : i32
        %dma_start3A_406 = arith.constant 0 : i32
        %dma_start3A_407 = tpu.memref_slice %arg6[%dma_start3A_405, %dma_start3A_406] : memref<10240x128xf32, #tpu.memory_space<vmem_shared>> -> memref<10240x128xf32, #tpu.memory_space<vmem_shared>>
        tpu.enqueue_indirect_dma source(%arg12 : memref<128x128xf32, #tpu.memory_space<vmem>>) target(%dma_start3A_407 : memref<10240x128xf32, #tpu.memory_space<vmem_shared>>) offsets(%dma_start3A_404 : memref<128xi32, #tpu.memory_space<vmem>>) semaphore(%run_scoped3A_401 : memref<!tpu.dma_semaphore, #tpu.memory_space<semaphore_mem>>) {add = true}
        %dma_wait3A_408 = arith.constant 0 : i32
        %dma_wait3A_409 = tpu.memref_slice %arg8[%run_scoped3A_298, %dma_wait3A_408] : memref<2x128xi32, #tpu.memory_space<vmem>> -> memref<1x128xi32, #tpu.memory_space<vmem>>
        %dma_wait3A_410 = tpu.memref_squeeze %dma_wait3A_409 : memref<1x128xi32, #tpu.memory_space<vmem>> -> memref<128xi32, #tpu.memory_space<vmem>>
        %dma_wait3A_411 = arith.constant 0 : i32
        %dma_wait3A_412 = arith.constant 0 : i32
        %dma_wait3A_413 = tpu.memref_slice %arg6[%dma_wait3A_411, %dma_wait3A_412] : memref<10240x128xf32, #tpu.memory_space<vmem_shared>> -> memref<10240x128xf32, #tpu.memory_space<vmem_shared>>
        tpu.wait_indirect_dma semaphore(%run_scoped3A_401 : memref<!tpu.dma_semaphore, #tpu.memory_space<semaphore_mem>>) src(%arg12 : memref<128x128xf32, #tpu.memory_space<vmem>>) dst(%dma_wait3A_413 : memref<10240x128xf32, #tpu.memory_space<vmem_shared>>)
        tpu.yield
      }) : () -> ()
      %dma_start3A_299 = arith.constant 0 : i32
      %dma_start3A_300 = arith.constant 0 : i32
      %dma_start3A_301 = tpu.memref_slice %arg3[%add3A_290, %dma_start3A_299, %dma_start3A_300] : memref<2560x2x128xi32, #tpu.memory_space<hbm>> -> memref<1x2x128xi32, #tpu.memory_space<hbm>>
      %dma_start3A_302 = tpu.memref_squeeze %dma_start3A_301 : memref<1x2x128xi32, #tpu.memory_space<hbm>> -> memref<2x128xi32, #tpu.memory_space<hbm>>
      %dma_start3A_303 = arith.constant 0 : i32
      %dma_start3A_304 = arith.constant 0 : i32
      %dma_start3A_305 = tpu.memref_slice %arg3[%add3A_290, %dma_start3A_303, %dma_start3A_304] : memref<2560x2x128xi32, #tpu.memory_space<hbm>> -> memref<1x2x128xi32, #tpu.memory_space<hbm>>
      %dma_start3A_306 = tpu.memref_squeeze %dma_start3A_305 : memref<1x2x128xi32, #tpu.memory_space<hbm>> -> memref<2x128xi32, #tpu.memory_space<hbm>>
      tpu.enqueue_dma source(%dma_start3A_306 : memref<2x128xi32, #tpu.memory_space<hbm>>) target(%arg8 : memref<2x128xi32, #tpu.memory_space<vmem>>) target_semaphore(%arg14 : memref<!tpu.dma_semaphore, #tpu.memory_space<semaphore_mem>>)
      %dma_wait3A_307 = arith.constant 0 : i32
      %dma_wait3A_308 = arith.constant 0 : i32
      %dma_wait3A_309 = arith.constant 0 : i32
      %dma_wait3A_310 = tpu.memref_slice %arg3[%dma_wait3A_307, %dma_wait3A_308, %dma_wait3A_309] : memref<2560x2x128xi32, #tpu.memory_space<hbm>> -> memref<1x2x128xi32, #tpu.memory_space<hbm>>
      %dma_wait3A_311 = tpu.memref_squeeze %dma_wait3A_310 : memref<1x2x128xi32, #tpu.memory_space<hbm>> -> memref<2x128xi32, #tpu.memory_space<hbm>>
      %dma_wait3A_312 = arith.constant 0 : i32
      %dma_wait3A_313 = arith.constant 0 : i32
      %dma_wait3A_314 = tpu.memref_slice %arg3[%dma_wait3A_307, %dma_wait3A_312, %dma_wait3A_313] : memref<2560x2x128xi32, #tpu.memory_space<hbm>> -> memref<1x2x128xi32, #tpu.memory_space<hbm>>
      %dma_wait3A_315 = tpu.memref_squeeze %dma_wait3A_314 : memref<1x2x128xi32, #tpu.memory_space<hbm>> -> memref<2x128xi32, #tpu.memory_space<hbm>>
      tpu.wait_dma2 semaphore(%arg16 : memref<!tpu.dma_semaphore, #tpu.memory_space<semaphore_mem>>) src(%dma_wait3A_315 : memref<2x128xi32, #tpu.memory_space<hbm>>) dst(%arg10 : memref<2x128xi32, #tpu.memory_space<vmem>>)
      %dma_start3A_316 = arith.constant 0 : i32
      %dma_start3A_317 = arith.constant 0 : i32
      %dma_start3A_318 = tpu.memref_slice %arg10[%dma_start3A_316, %dma_start3A_317] : memref<2x128xi32, #tpu.memory_space<vmem>> -> memref<1x128xi32, #tpu.memory_space<vmem>>
      %dma_start3A_319 = tpu.memref_squeeze %dma_start3A_318 : memref<1x128xi32, #tpu.memory_space<vmem>> -> memref<128xi32, #tpu.memory_space<vmem>>
      %dma_start3A_320 = arith.constant 0 : i32
      %dma_start3A_321 = arith.constant 0 : i32
      %dma_start3A_322 = tpu.memref_slice %arg2[%dma_start3A_320, %dma_start3A_321] : memref<10000x128xf32, #tpu.memory_space<hbm>> -> memref<10000x128xf32, #tpu.memory_space<hbm>>
      tpu.enqueue_indirect_dma source(%dma_start3A_322 : memref<10000x128xf32, #tpu.memory_space<hbm>>) target(%arg12 : memref<128x128xf32, #tpu.memory_space<vmem>>) offsets(%dma_start3A_319 : memref<128xi32, #tpu.memory_space<vmem>>) semaphore(%arg18 : memref<!tpu.dma_semaphore, #tpu.memory_space<semaphore_mem>>)
      %mul3A_323 = arith.constant 4 : i32
      %mul3A_324 = arith.muli %mul3A_323, %scan3A_244 : i32
      %add3A_325 = arith.addi %mul3A_4, %mul3A_324 : i32
      %add3A_326 = arith.constant 2 : i32
      %add3A_327 = arith.addi %add3A_325, %add3A_326 : i32
      %add3A_328 = arith.constant 4 : i32
      %add3A_329 = arith.addi %add3A_327, %add3A_328 : i32
      %dma_wait3A_330 = arith.constant 0 : i32
      %dma_wait3A_331 = arith.constant 0 : i32
      %dma_wait3A_332 = tpu.memref_slice %arg9[%dma_wait3A_330, %dma_wait3A_331] : memref<2x128xi32, #tpu.memory_space<vmem>> -> memref<1x128xi32, #tpu.memory_space<vmem>>
      %dma_wait3A_333 = tpu.memref_squeeze %dma_wait3A_332 : memref<1x128xi32, #tpu.memory_space<vmem>> -> memref<128xi32, #tpu.memory_space<vmem>>
      %dma_wait3A_334 = arith.constant 0 : i32
      %dma_wait3A_335 = arith.constant 0 : i32
      %dma_wait3A_336 = tpu.memref_slice %arg2[%dma_wait3A_334, %dma_wait3A_335] : memref<10000x128xf32, #tpu.memory_space<hbm>> -> memref<10000x128xf32, #tpu.memory_space<hbm>>
      tpu.wait_indirect_dma semaphore(%arg17 : memref<!tpu.dma_semaphore, #tpu.memory_space<semaphore_mem>>) src(%dma_wait3A_336 : memref<10000x128xf32, #tpu.memory_space<hbm>>) dst(%arg11 : memref<128x128xf32, #tpu.memory_space<vmem>>)
      %run_scoped3A_337 = arith.constant 1 : i32
      "tpu.region"() ({
        %run_scoped3A_401 = tpu.sem_alloc : memref<!tpu.dma_semaphore, #tpu.memory_space<semaphore_mem>>
        %dma_start3A_402 = arith.constant 0 : i32
        %dma_start3A_403 = tpu.memref_slice %arg9[%run_scoped3A_337, %dma_start3A_402] : memref<2x128xi32, #tpu.memory_space<vmem>> -> memref<1x128xi32, #tpu.memory_space<vmem>>
        %dma_start3A_404 = tpu.memref_squeeze %dma_start3A_403 : memref<1x128xi32, #tpu.memory_space<vmem>> -> memref<128xi32, #tpu.memory_space<vmem>>
        %dma_start3A_405 = arith.constant 0 : i32
        %dma_start3A_406 = arith.constant 0 : i32
        %dma_start3A_407 = tpu.memref_slice %arg6[%dma_start3A_405, %dma_start3A_406] : memref<10240x128xf32, #tpu.memory_space<vmem_shared>> -> memref<10240x128xf32, #tpu.memory_space<vmem_shared>>
        tpu.enqueue_indirect_dma source(%arg11 : memref<128x128xf32, #tpu.memory_space<vmem>>) target(%dma_start3A_407 : memref<10240x128xf32, #tpu.memory_space<vmem_shared>>) offsets(%dma_start3A_404 : memref<128xi32, #tpu.memory_space<vmem>>) semaphore(%run_scoped3A_401 : memref<!tpu.dma_semaphore, #tpu.memory_space<semaphore_mem>>) {add = true}
        %dma_wait3A_408 = arith.constant 0 : i32
        %dma_wait3A_409 = tpu.memref_slice %arg9[%run_scoped3A_337, %dma_wait3A_408] : memref<2x128xi32, #tpu.memory_space<vmem>> -> memref<1x128xi32, #tpu.memory_space<vmem>>
        %dma_wait3A_410 = tpu.memref_squeeze %dma_wait3A_409 : memref<1x128xi32, #tpu.memory_space<vmem>> -> memref<128xi32, #tpu.memory_space<vmem>>
        %dma_wait3A_411 = arith.constant 0 : i32
        %dma_wait3A_412 = arith.constant 0 : i32
        %dma_wait3A_413 = tpu.memref_slice %arg6[%dma_wait3A_411, %dma_wait3A_412] : memref<10240x128xf32, #tpu.memory_space<vmem_shared>> -> memref<10240x128xf32, #tpu.memory_space<vmem_shared>>
        tpu.wait_indirect_dma semaphore(%run_scoped3A_401 : memref<!tpu.dma_semaphore, #tpu.memory_space<semaphore_mem>>) src(%arg11 : memref<128x128xf32, #tpu.memory_space<vmem>>) dst(%dma_wait3A_413 : memref<10240x128xf32, #tpu.memory_space<vmem_shared>>)
        tpu.yield
      }) : () -> ()
      %dma_start3A_338 = arith.constant 0 : i32
      %dma_start3A_339 = arith.constant 0 : i32
      %dma_start3A_340 = tpu.memref_slice %arg3[%add3A_329, %dma_start3A_338, %dma_start3A_339] : memref<2560x2x128xi32, #tpu.memory_space<hbm>> -> memref<1x2x128xi32, #tpu.memory_space<hbm>>
      %dma_start3A_341 = tpu.memref_squeeze %dma_start3A_340 : memref<1x2x128xi32, #tpu.memory_space<hbm>> -> memref<2x128xi32, #tpu.memory_space<hbm>>
      %dma_start3A_342 = arith.constant 0 : i32
      %dma_start3A_343 = arith.constant 0 : i32
      %dma_start3A_344 = tpu.memref_slice %arg3[%add3A_329, %dma_start3A_342, %dma_start3A_343] : memref<2560x2x128xi32, #tpu.memory_space<hbm>> -> memref<1x2x128xi32, #tpu.memory_space<hbm>>
      %dma_start3A_345 = tpu.memref_squeeze %dma_start3A_344 : memref<1x2x128xi32, #tpu.memory_space<hbm>> -> memref<2x128xi32, #tpu.memory_space<hbm>>
      tpu.enqueue_dma source(%dma_start3A_345 : memref<2x128xi32, #tpu.memory_space<hbm>>) target(%arg9 : memref<2x128xi32, #tpu.memory_space<vmem>>) target_semaphore(%arg15 : memref<!tpu.dma_semaphore, #tpu.memory_space<semaphore_mem>>)
      %dma_wait3A_346 = arith.constant 0 : i32
      %dma_wait3A_347 = arith.constant 0 : i32
      %dma_wait3A_348 = arith.constant 0 : i32
      %dma_wait3A_349 = tpu.memref_slice %arg3[%dma_wait3A_346, %dma_wait3A_347, %dma_wait3A_348] : memref<2560x2x128xi32, #tpu.memory_space<hbm>> -> memref<1x2x128xi32, #tpu.memory_space<hbm>>
      %dma_wait3A_350 = tpu.memref_squeeze %dma_wait3A_349 : memref<1x2x128xi32, #tpu.memory_space<hbm>> -> memref<2x128xi32, #tpu.memory_space<hbm>>
      %dma_wait3A_351 = arith.constant 0 : i32
      %dma_wait3A_352 = arith.constant 0 : i32
      %dma_wait3A_353 = tpu.memref_slice %arg3[%dma_wait3A_346, %dma_wait3A_351, %dma_wait3A_352] : memref<2560x2x128xi32, #tpu.memory_space<hbm>> -> memref<1x2x128xi32, #tpu.memory_space<hbm>>
      %dma_wait3A_354 = tpu.memref_squeeze %dma_wait3A_353 : memref<1x2x128xi32, #tpu.memory_space<hbm>> -> memref<2x128xi32, #tpu.memory_space<hbm>>
      tpu.wait_dma2 semaphore(%arg13 : memref<!tpu.dma_semaphore, #tpu.memory_space<semaphore_mem>>) src(%dma_wait3A_354 : memref<2x128xi32, #tpu.memory_space<hbm>>) dst(%arg7 : memref<2x128xi32, #tpu.memory_space<vmem>>)
      %dma_start3A_355 = arith.constant 0 : i32
      %dma_start3A_356 = arith.constant 0 : i32
      %dma_start3A_357 = tpu.memref_slice %arg7[%dma_start3A_355, %dma_start3A_356] : memref<2x128xi32, #tpu.memory_space<vmem>> -> memref<1x128xi32, #tpu.memory_space<vmem>>
      %dma_start3A_358 = tpu.memref_squeeze %dma_start3A_357 : memref<1x128xi32, #tpu.memory_space<vmem>> -> memref<128xi32, #tpu.memory_space<vmem>>
      %dma_start3A_359 = arith.constant 0 : i32
      %dma_start3A_360 = arith.constant 0 : i32
      %dma_start3A_361 = tpu.memref_slice %arg2[%dma_start3A_359, %dma_start3A_360] : memref<10000x128xf32, #tpu.memory_space<hbm>> -> memref<10000x128xf32, #tpu.memory_space<hbm>>
      tpu.enqueue_indirect_dma source(%dma_start3A_361 : memref<10000x128xf32, #tpu.memory_space<hbm>>) target(%arg11 : memref<128x128xf32, #tpu.memory_space<vmem>>) offsets(%dma_start3A_358 : memref<128xi32, #tpu.memory_space<vmem>>) semaphore(%arg17 : memref<!tpu.dma_semaphore, #tpu.memory_space<semaphore_mem>>)
      %mul3A_362 = arith.constant 4 : i32
      %mul3A_363 = arith.muli %mul3A_362, %scan3A_244 : i32
      %add3A_364 = arith.addi %mul3A_4, %mul3A_363 : i32
      %add3A_365 = arith.constant 3 : i32
      %add3A_366 = arith.addi %add3A_364, %add3A_365 : i32
      %add3A_367 = arith.constant 4 : i32
      %add3A_368 = arith.addi %add3A_366, %add3A_367 : i32
      %dma_wait3A_369 = arith.constant 0 : i32
      %dma_wait3A_370 = arith.constant 0 : i32
      %dma_wait3A_371 = tpu.memref_slice %arg10[%dma_wait3A_369, %dma_wait3A_370] : memref<2x128xi32, #tpu.memory_space<vmem>> -> memref<1x128xi32, #tpu.memory_space<vmem>>
      %dma_wait3A_372 = tpu.memref_squeeze %dma_wait3A_371 : memref<1x128xi32, #tpu.memory_space<vmem>> -> memref<128xi32, #tpu.memory_space<vmem>>
      %dma_wait3A_373 = arith.constant 0 : i32
      %dma_wait3A_374 = arith.constant 0 : i32
      %dma_wait3A_375 = tpu.memref_slice %arg2[%dma_wait3A_373, %dma_wait3A_374] : memref<10000x128xf32, #tpu.memory_space<hbm>> -> memref<10000x128xf32, #tpu.memory_space<hbm>>
      tpu.wait_indirect_dma semaphore(%arg18 : memref<!tpu.dma_semaphore, #tpu.memory_space<semaphore_mem>>) src(%dma_wait3A_375 : memref<10000x128xf32, #tpu.memory_space<hbm>>) dst(%arg12 : memref<128x128xf32, #tpu.memory_space<vmem>>)
      %run_scoped3A_376 = arith.constant 1 : i32
      "tpu.region"() ({
        %run_scoped3A_401 = tpu.sem_alloc : memref<!tpu.dma_semaphore, #tpu.memory_space<semaphore_mem>>
        %dma_start3A_402 = arith.constant 0 : i32
        %dma_start3A_403 = tpu.memref_slice %arg10[%run_scoped3A_376, %dma_start3A_402] : memref<2x128xi32, #tpu.memory_space<vmem>> -> memref<1x128xi32, #tpu.memory_space<vmem>>
        %dma_start3A_404 = tpu.memref_squeeze %dma_start3A_403 : memref<1x128xi32, #tpu.memory_space<vmem>> -> memref<128xi32, #tpu.memory_space<vmem>>
        %dma_start3A_405 = arith.constant 0 : i32
        %dma_start3A_406 = arith.constant 0 : i32
        %dma_start3A_407 = tpu.memref_slice %arg6[%dma_start3A_405, %dma_start3A_406] : memref<10240x128xf32, #tpu.memory_space<vmem_shared>> -> memref<10240x128xf32, #tpu.memory_space<vmem_shared>>
        tpu.enqueue_indirect_dma source(%arg12 : memref<128x128xf32, #tpu.memory_space<vmem>>) target(%dma_start3A_407 : memref<10240x128xf32, #tpu.memory_space<vmem_shared>>) offsets(%dma_start3A_404 : memref<128xi32, #tpu.memory_space<vmem>>) semaphore(%run_scoped3A_401 : memref<!tpu.dma_semaphore, #tpu.memory_space<semaphore_mem>>) {add = true}
        %dma_wait3A_408 = arith.constant 0 : i32
        %dma_wait3A_409 = tpu.memref_slice %arg10[%run_scoped3A_376, %dma_wait3A_408] : memref<2x128xi32, #tpu.memory_space<vmem>> -> memref<1x128xi32, #tpu.memory_space<vmem>>
        %dma_wait3A_410 = tpu.memref_squeeze %dma_wait3A_409 : memref<1x128xi32, #tpu.memory_space<vmem>> -> memref<128xi32, #tpu.memory_space<vmem>>
        %dma_wait3A_411 = arith.constant 0 : i32
        %dma_wait3A_412 = arith.constant 0 : i32
        %dma_wait3A_413 = tpu.memref_slice %arg6[%dma_wait3A_411, %dma_wait3A_412] : memref<10240x128xf32, #tpu.memory_space<vmem_shared>> -> memref<10240x128xf32, #tpu.memory_space<vmem_shared>>
        tpu.wait_indirect_dma semaphore(%run_scoped3A_401 : memref<!tpu.dma_semaphore, #tpu.memory_space<semaphore_mem>>) src(%arg12 : memref<128x128xf32, #tpu.memory_space<vmem>>) dst(%dma_wait3A_413 : memref<10240x128xf32, #tpu.memory_space<vmem_shared>>)
        tpu.yield
      }) : () -> ()
      %dma_start3A_377 = arith.constant 0 : i32
      %dma_start3A_378 = arith.constant 0 : i32
      %dma_start3A_379 = tpu.memref_slice %arg3[%add3A_368, %dma_start3A_377, %dma_start3A_378] : memref<2560x2x128xi32, #tpu.memory_space<hbm>> -> memref<1x2x128xi32, #tpu.memory_space<hbm>>
      %dma_start3A_380 = tpu.memref_squeeze %dma_start3A_379 : memref<1x2x128xi32, #tpu.memory_space<hbm>> -> memref<2x128xi32, #tpu.memory_space<hbm>>
      %dma_start3A_381 = arith.constant 0 : i32
      %dma_start3A_382 = arith.constant 0 : i32
      %dma_start3A_383 = tpu.memref_slice %arg3[%add3A_368, %dma_start3A_381, %dma_start3A_382] : memref<2560x2x128xi32, #tpu.memory_space<hbm>> -> memref<1x2x128xi32, #tpu.memory_space<hbm>>
      %dma_start3A_384 = tpu.memref_squeeze %dma_start3A_383 : memref<1x2x128xi32, #tpu.memory_space<hbm>> -> memref<2x128xi32, #tpu.memory_space<hbm>>
      tpu.enqueue_dma source(%dma_start3A_384 : memref<2x128xi32, #tpu.memory_space<hbm>>) target(%arg10 : memref<2x128xi32, #tpu.memory_space<vmem>>) target_semaphore(%arg16 : memref<!tpu.dma_semaphore, #tpu.memory_space<semaphore_mem>>)
      %dma_wait3A_385 = arith.constant 0 : i32
      %dma_wait3A_386 = arith.constant 0 : i32
      %dma_wait3A_387 = arith.constant 0 : i32
      %dma_wait3A_388 = tpu.memref_slice %arg3[%dma_wait3A_385, %dma_wait3A_386, %dma_wait3A_387] : memref<2560x2x128xi32, #tpu.memory_space<hbm>> -> memref<1x2x128xi32, #tpu.memory_space<hbm>>
      %dma_wait3A_389 = tpu.memref_squeeze %dma_wait3A_388 : memref<1x2x128xi32, #tpu.memory_space<hbm>> -> memref<2x128xi32, #tpu.memory_space<hbm>>
      %dma_wait3A_390 = arith.constant 0 : i32
      %dma_wait3A_391 = arith.constant 0 : i32
      %dma_wait3A_392 = tpu.memref_slice %arg3[%dma_wait3A_385, %dma_wait3A_390, %dma_wait3A_391] : memref<2560x2x128xi32, #tpu.memory_space<hbm>> -> memref<1x2x128xi32, #tpu.memory_space<hbm>>
      %dma_wait3A_393 = tpu.memref_squeeze %dma_wait3A_392 : memref<1x2x128xi32, #tpu.memory_space<hbm>> -> memref<2x128xi32, #tpu.memory_space<hbm>>
      tpu.wait_dma2 semaphore(%arg14 : memref<!tpu.dma_semaphore, #tpu.memory_space<semaphore_mem>>) src(%dma_wait3A_393 : memref<2x128xi32, #tpu.memory_space<hbm>>) dst(%arg8 : memref<2x128xi32, #tpu.memory_space<vmem>>)
      %dma_start3A_394 = arith.constant 0 : i32
      %dma_start3A_395 = arith.constant 0 : i32
      %dma_start3A_396 = tpu.memref_slice %arg8[%dma_start3A_394, %dma_start3A_395] : memref<2x128xi32, #tpu.memory_space<vmem>> -> memref<1x128xi32, #tpu.memory_space<vmem>>
      %dma_start3A_397 = tpu.memref_squeeze %dma_start3A_396 : memref<1x128xi32, #tpu.memory_space<vmem>> -> memref<128xi32, #tpu.memory_space<vmem>>
      %dma_start3A_398 = arith.constant 0 : i32
      %dma_start3A_399 = arith.constant 0 : i32
      %dma_start3A_400 = tpu.memref_slice %arg2[%dma_start3A_398, %dma_start3A_399] : memref<10000x128xf32, #tpu.memory_space<hbm>> -> memref<10000x128xf32, #tpu.memory_space<hbm>>
      tpu.enqueue_indirect_dma source(%dma_start3A_400 : memref<10000x128xf32, #tpu.memory_space<hbm>>) target(%arg12 : memref<128x128xf32, #tpu.memory_space<vmem>>) offsets(%dma_start3A_397 : memref<128xi32, #tpu.memory_space<vmem>>) semaphore(%arg18 : memref<!tpu.dma_semaphore, #tpu.memory_space<semaphore_mem>>)
    }
    %scan3A_99 = arith.constant 19 : i32
    %dma_wait3A_100 = arith.constant 0 : i32
    %dma_wait3A_101 = arith.constant 0 : i32
    %dma_wait3A_102 = tpu.memref_slice %arg7[%dma_wait3A_100, %dma_wait3A_101] : memref<2x128xi32, #tpu.memory_space<vmem>> -> memref<1x128xi32, #tpu.memory_space<vmem>>
    %dma_wait3A_103 = tpu.memref_squeeze %dma_wait3A_102 : memref<1x128xi32, #tpu.memory_space<vmem>> -> memref<128xi32, #tpu.memory_space<vmem>>
    %dma_wait3A_104 = arith.constant 0 : i32
    %dma_wait3A_105 = arith.constant 0 : i32
    %dma_wait3A_106 = tpu.memref_slice %arg2[%dma_wait3A_104, %dma_wait3A_105] : memref<10000x128xf32, #tpu.memory_space<hbm>> -> memref<10000x128xf32, #tpu.memory_space<hbm>>
    tpu.wait_indirect_dma semaphore(%arg17 : memref<!tpu.dma_semaphore, #tpu.memory_space<semaphore_mem>>) src(%dma_wait3A_106 : memref<10000x128xf32, #tpu.memory_space<hbm>>) dst(%arg11 : memref<128x128xf32, #tpu.memory_space<vmem>>)
    %run_scoped3A = arith.constant 1 : i32
    "tpu.region"() ({
      %run_scoped3A_244 = tpu.sem_alloc : memref<!tpu.dma_semaphore, #tpu.memory_space<semaphore_mem>>
      %dma_start3A_245 = arith.constant 0 : i32
      %dma_start3A_246 = tpu.memref_slice %arg7[%run_scoped3A, %dma_start3A_245] : memref<2x128xi32, #tpu.memory_space<vmem>> -> memref<1x128xi32, #tpu.memory_space<vmem>>
      %dma_start3A_247 = tpu.memref_squeeze %dma_start3A_246 : memref<1x128xi32, #tpu.memory_space<vmem>> -> memref<128xi32, #tpu.memory_space<vmem>>
      %dma_start3A_248 = arith.constant 0 : i32
      %dma_start3A_249 = arith.constant 0 : i32
      %dma_start3A_250 = tpu.memref_slice %arg6[%dma_start3A_248, %dma_start3A_249] : memref<10240x128xf32, #tpu.memory_space<vmem_shared>> -> memref<10240x128xf32, #tpu.memory_space<vmem_shared>>
      tpu.enqueue_indirect_dma source(%arg11 : memref<128x128xf32, #tpu.memory_space<vmem>>) target(%dma_start3A_250 : memref<10240x128xf32, #tpu.memory_space<vmem_shared>>) offsets(%dma_start3A_247 : memref<128xi32, #tpu.memory_space<vmem>>) semaphore(%run_scoped3A_244 : memref<!tpu.dma_semaphore, #tpu.memory_space<semaphore_mem>>) {add = true}
      %dma_wait3A_251 = arith.constant 0 : i32
      %dma_wait3A_252 = tpu.memref_slice %arg7[%run_scoped3A, %dma_wait3A_251] : memref<2x128xi32, #tpu.memory_space<vmem>> -> memref<1x128xi32, #tpu.memory_space<vmem>>
      %dma_wait3A_253 = tpu.memref_squeeze %dma_wait3A_252 : memref<1x128xi32, #tpu.memory_space<vmem>> -> memref<128xi32, #tpu.memory_space<vmem>>
      %dma_wait3A_254 = arith.constant 0 : i32
      %dma_wait3A_255 = arith.constant 0 : i32
      %dma_wait3A_256 = tpu.memref_slice %arg6[%dma_wait3A_254, %dma_wait3A_255] : memref<10240x128xf32, #tpu.memory_space<vmem_shared>> -> memref<10240x128xf32, #tpu.memory_space<vmem_shared>>
      tpu.wait_indirect_dma semaphore(%run_scoped3A_244 : memref<!tpu.dma_semaphore, #tpu.memory_space<semaphore_mem>>) src(%arg11 : memref<128x128xf32, #tpu.memory_space<vmem>>) dst(%dma_wait3A_256 : memref<10240x128xf32, #tpu.memory_space<vmem_shared>>)
      tpu.yield
    }) : () -> ()
    %dma_wait3A_107 = arith.constant 0 : i32
    %dma_wait3A_108 = arith.constant 0 : i32
    %dma_wait3A_109 = arith.constant 0 : i32
    %dma_wait3A_110 = tpu.memref_slice %arg3[%dma_wait3A_107, %dma_wait3A_108, %dma_wait3A_109] : memref<2560x2x128xi32, #tpu.memory_space<hbm>> -> memref<1x2x128xi32, #tpu.memory_space<hbm>>
    %dma_wait3A_111 = tpu.memref_squeeze %dma_wait3A_110 : memref<1x2x128xi32, #tpu.memory_space<hbm>> -> memref<2x128xi32, #tpu.memory_space<hbm>>
    %dma_wait3A_112 = arith.constant 0 : i32
    %dma_wait3A_113 = arith.constant 0 : i32
    %dma_wait3A_114 = tpu.memref_slice %arg3[%dma_wait3A_107, %dma_wait3A_112, %dma_wait3A_113] : memref<2560x2x128xi32, #tpu.memory_space<hbm>> -> memref<1x2x128xi32, #tpu.memory_space<hbm>>
    %dma_wait3A_115 = tpu.memref_squeeze %dma_wait3A_114 : memref<1x2x128xi32, #tpu.memory_space<hbm>> -> memref<2x128xi32, #tpu.memory_space<hbm>>
    tpu.wait_dma2 semaphore(%arg15 : memref<!tpu.dma_semaphore, #tpu.memory_space<semaphore_mem>>) src(%dma_wait3A_115 : memref<2x128xi32, #tpu.memory_space<hbm>>) dst(%arg9 : memref<2x128xi32, #tpu.memory_space<vmem>>)
    %dma_start3A_116 = arith.constant 0 : i32
    %dma_start3A_117 = arith.constant 0 : i32
    %dma_start3A_118 = tpu.memref_slice %arg9[%dma_start3A_116, %dma_start3A_117] : memref<2x128xi32, #tpu.memory_space<vmem>> -> memref<1x128xi32, #tpu.memory_space<vmem>>
    %dma_start3A_119 = tpu.memref_squeeze %dma_start3A_118 : memref<1x128xi32, #tpu.memory_space<vmem>> -> memref<128xi32, #tpu.memory_space<vmem>>
    %dma_start3A_120 = arith.constant 0 : i32
    %dma_start3A_121 = arith.constant 0 : i32
    %dma_start3A_122 = tpu.memref_slice %arg2[%dma_start3A_120, %dma_start3A_121] : memref<10000x128xf32, #tpu.memory_space<hbm>> -> memref<10000x128xf32, #tpu.memory_space<hbm>>
    tpu.enqueue_indirect_dma source(%dma_start3A_122 : memref<10000x128xf32, #tpu.memory_space<hbm>>) target(%arg11 : memref<128x128xf32, #tpu.memory_space<vmem>>) offsets(%dma_start3A_119 : memref<128xi32, #tpu.memory_space<vmem>>) semaphore(%arg17 : memref<!tpu.dma_semaphore, #tpu.memory_space<semaphore_mem>>)
    %dma_wait3A_123 = arith.constant 0 : i32
    %dma_wait3A_124 = arith.constant 0 : i32
    %dma_wait3A_125 = tpu.memref_slice %arg8[%dma_wait3A_123, %dma_wait3A_124] : memref<2x128xi32, #tpu.memory_space<vmem>> -> memref<1x128xi32, #tpu.memory_space<vmem>>
    %dma_wait3A_126 = tpu.memref_squeeze %dma_wait3A_125 : memref<1x128xi32, #tpu.memory_space<vmem>> -> memref<128xi32, #tpu.memory_space<vmem>>
    %dma_wait3A_127 = arith.constant 0 : i32
    %dma_wait3A_128 = arith.constant 0 : i32
    %dma_wait3A_129 = tpu.memref_slice %arg2[%dma_wait3A_127, %dma_wait3A_128] : memref<10000x128xf32, #tpu.memory_space<hbm>> -> memref<10000x128xf32, #tpu.memory_space<hbm>>
    tpu.wait_indirect_dma semaphore(%arg18 : memref<!tpu.dma_semaphore, #tpu.memory_space<semaphore_mem>>) src(%dma_wait3A_129 : memref<10000x128xf32, #tpu.memory_space<hbm>>) dst(%arg12 : memref<128x128xf32, #tpu.memory_space<vmem>>)
    %run_scoped3A_130 = arith.constant 1 : i32
    "tpu.region"() ({
      %run_scoped3A_244 = tpu.sem_alloc : memref<!tpu.dma_semaphore, #tpu.memory_space<semaphore_mem>>
      %dma_start3A_245 = arith.constant 0 : i32
      %dma_start3A_246 = tpu.memref_slice %arg8[%run_scoped3A_130, %dma_start3A_245] : memref<2x128xi32, #tpu.memory_space<vmem>> -> memref<1x128xi32, #tpu.memory_space<vmem>>
      %dma_start3A_247 = tpu.memref_squeeze %dma_start3A_246 : memref<1x128xi32, #tpu.memory_space<vmem>> -> memref<128xi32, #tpu.memory_space<vmem>>
      %dma_start3A_248 = arith.constant 0 : i32
      %dma_start3A_249 = arith.constant 0 : i32
      %dma_start3A_250 = tpu.memref_slice %arg6[%dma_start3A_248, %dma_start3A_249] : memref<10240x128xf32, #tpu.memory_space<vmem_shared>> -> memref<10240x128xf32, #tpu.memory_space<vmem_shared>>
      tpu.enqueue_indirect_dma source(%arg12 : memref<128x128xf32, #tpu.memory_space<vmem>>) target(%dma_start3A_250 : memref<10240x128xf32, #tpu.memory_space<vmem_shared>>) offsets(%dma_start3A_247 : memref<128xi32, #tpu.memory_space<vmem>>) semaphore(%run_scoped3A_244 : memref<!tpu.dma_semaphore, #tpu.memory_space<semaphore_mem>>) {add = true}
      %dma_wait3A_251 = arith.constant 0 : i32
      %dma_wait3A_252 = tpu.memref_slice %arg8[%run_scoped3A_130, %dma_wait3A_251] : memref<2x128xi32, #tpu.memory_space<vmem>> -> memref<1x128xi32, #tpu.memory_space<vmem>>
      %dma_wait3A_253 = tpu.memref_squeeze %dma_wait3A_252 : memref<1x128xi32, #tpu.memory_space<vmem>> -> memref<128xi32, #tpu.memory_space<vmem>>
      %dma_wait3A_254 = arith.constant 0 : i32
      %dma_wait3A_255 = arith.constant 0 : i32
      %dma_wait3A_256 = tpu.memref_slice %arg6[%dma_wait3A_254, %dma_wait3A_255] : memref<10240x128xf32, #tpu.memory_space<vmem_shared>> -> memref<10240x128xf32, #tpu.memory_space<vmem_shared>>
      tpu.wait_indirect_dma semaphore(%run_scoped3A_244 : memref<!tpu.dma_semaphore, #tpu.memory_space<semaphore_mem>>) src(%arg12 : memref<128x128xf32, #tpu.memory_space<vmem>>) dst(%dma_wait3A_256 : memref<10240x128xf32, #tpu.memory_space<vmem_shared>>)
      tpu.yield
    }) : () -> ()
    %dma_wait3A_131 = arith.constant 0 : i32
    %dma_wait3A_132 = arith.constant 0 : i32
    %dma_wait3A_133 = arith.constant 0 : i32
    %dma_wait3A_134 = tpu.memref_slice %arg3[%dma_wait3A_131, %dma_wait3A_132, %dma_wait3A_133] : memref<2560x2x128xi32, #tpu.memory_space<hbm>> -> memref<1x2x128xi32, #tpu.memory_space<hbm>>
    %dma_wait3A_135 = tpu.memref_squeeze %dma_wait3A_134 : memref<1x2x128xi32, #tpu.memory_space<hbm>> -> memref<2x128xi32, #tpu.memory_space<hbm>>
    %dma_wait3A_136 = arith.constant 0 : i32
    %dma_wait3A_137 = arith.constant 0 : i32
    %dma_wait3A_138 = tpu.memref_slice %arg3[%dma_wait3A_131, %dma_wait3A_136, %dma_wait3A_137] : memref<2560x2x128xi32, #tpu.memory_space<hbm>> -> memref<1x2x128xi32, #tpu.memory_space<hbm>>
    %dma_wait3A_139 = tpu.memref_squeeze %dma_wait3A_138 : memref<1x2x128xi32, #tpu.memory_space<hbm>> -> memref<2x128xi32, #tpu.memory_space<hbm>>
    tpu.wait_dma2 semaphore(%arg16 : memref<!tpu.dma_semaphore, #tpu.memory_space<semaphore_mem>>) src(%dma_wait3A_139 : memref<2x128xi32, #tpu.memory_space<hbm>>) dst(%arg10 : memref<2x128xi32, #tpu.memory_space<vmem>>)
    %dma_start3A_140 = arith.constant 0 : i32
    %dma_start3A_141 = arith.constant 0 : i32
    %dma_start3A_142 = tpu.memref_slice %arg10[%dma_start3A_140, %dma_start3A_141] : memref<2x128xi32, #tpu.memory_space<vmem>> -> memref<1x128xi32, #tpu.memory_space<vmem>>
    %dma_start3A_143 = tpu.memref_squeeze %dma_start3A_142 : memref<1x128xi32, #tpu.memory_space<vmem>> -> memref<128xi32, #tpu.memory_space<vmem>>
    %dma_start3A_144 = arith.constant 0 : i32
    %dma_start3A_145 = arith.constant 0 : i32
    %dma_start3A_146 = tpu.memref_slice %arg2[%dma_start3A_144, %dma_start3A_145] : memref<10000x128xf32, #tpu.memory_space<hbm>> -> memref<10000x128xf32, #tpu.memory_space<hbm>>
    tpu.enqueue_indirect_dma source(%dma_start3A_146 : memref<10000x128xf32, #tpu.memory_space<hbm>>) target(%arg12 : memref<128x128xf32, #tpu.memory_space<vmem>>) offsets(%dma_start3A_143 : memref<128xi32, #tpu.memory_space<vmem>>) semaphore(%arg18 : memref<!tpu.dma_semaphore, #tpu.memory_space<semaphore_mem>>)
    %dma_wait3A_147 = arith.constant 0 : i32
    %dma_wait3A_148 = arith.constant 0 : i32
    %dma_wait3A_149 = tpu.memref_slice %arg9[%dma_wait3A_147, %dma_wait3A_148] : memref<2x128xi32, #tpu.memory_space<vmem>> -> memref<1x128xi32, #tpu.memory_space<vmem>>
    %dma_wait3A_150 = tpu.memref_squeeze %dma_wait3A_149 : memref<1x128xi32, #tpu.memory_space<vmem>> -> memref<128xi32, #tpu.memory_space<vmem>>
    %dma_wait3A_151 = arith.constant 0 : i32
    %dma_wait3A_152 = arith.constant 0 : i32
    %dma_wait3A_153 = tpu.memref_slice %arg2[%dma_wait3A_151, %dma_wait3A_152] : memref<10000x128xf32, #tpu.memory_space<hbm>> -> memref<10000x128xf32, #tpu.memory_space<hbm>>
    tpu.wait_indirect_dma semaphore(%arg17 : memref<!tpu.dma_semaphore, #tpu.memory_space<semaphore_mem>>) src(%dma_wait3A_153 : memref<10000x128xf32, #tpu.memory_space<hbm>>) dst(%arg11 : memref<128x128xf32, #tpu.memory_space<vmem>>)
    %run_scoped3A_154 = arith.constant 1 : i32
    "tpu.region"() ({
      %run_scoped3A_244 = tpu.sem_alloc : memref<!tpu.dma_semaphore, #tpu.memory_space<semaphore_mem>>
      %dma_start3A_245 = arith.constant 0 : i32
      %dma_start3A_246 = tpu.memref_slice %arg9[%run_scoped3A_154, %dma_start3A_245] : memref<2x128xi32, #tpu.memory_space<vmem>> -> memref<1x128xi32, #tpu.memory_space<vmem>>
      %dma_start3A_247 = tpu.memref_squeeze %dma_start3A_246 : memref<1x128xi32, #tpu.memory_space<vmem>> -> memref<128xi32, #tpu.memory_space<vmem>>
      %dma_start3A_248 = arith.constant 0 : i32
      %dma_start3A_249 = arith.constant 0 : i32
      %dma_start3A_250 = tpu.memref_slice %arg6[%dma_start3A_248, %dma_start3A_249] : memref<10240x128xf32, #tpu.memory_space<vmem_shared>> -> memref<10240x128xf32, #tpu.memory_space<vmem_shared>>
      tpu.enqueue_indirect_dma source(%arg11 : memref<128x128xf32, #tpu.memory_space<vmem>>) target(%dma_start3A_250 : memref<10240x128xf32, #tpu.memory_space<vmem_shared>>) offsets(%dma_start3A_247 : memref<128xi32, #tpu.memory_space<vmem>>) semaphore(%run_scoped3A_244 : memref<!tpu.dma_semaphore, #tpu.memory_space<semaphore_mem>>) {add = true}
      %dma_wait3A_251 = arith.constant 0 : i32
      %dma_wait3A_252 = tpu.memref_slice %arg9[%run_scoped3A_154, %dma_wait3A_251] : memref<2x128xi32, #tpu.memory_space<vmem>> -> memref<1x128xi32, #tpu.memory_space<vmem>>
      %dma_wait3A_253 = tpu.memref_squeeze %dma_wait3A_252 : memref<1x128xi32, #tpu.memory_space<vmem>> -> memref<128xi32, #tpu.memory_space<vmem>>
      %dma_wait3A_254 = arith.constant 0 : i32
      %dma_wait3A_255 = arith.constant 0 : i32
      %dma_wait3A_256 = tpu.memref_slice %arg6[%dma_wait3A_254, %dma_wait3A_255] : memref<10240x128xf32, #tpu.memory_space<vmem_shared>> -> memref<10240x128xf32, #tpu.memory_space<vmem_shared>>
      tpu.wait_indirect_dma semaphore(%run_scoped3A_244 : memref<!tpu.dma_semaphore, #tpu.memory_space<semaphore_mem>>) src(%arg11 : memref<128x128xf32, #tpu.memory_space<vmem>>) dst(%dma_wait3A_256 : memref<10240x128xf32, #tpu.memory_space<vmem_shared>>)
      tpu.yield
    }) : () -> ()
    %dma_wait3A_155 = arith.constant 0 : i32
    %dma_wait3A_156 = arith.constant 0 : i32
    %dma_wait3A_157 = tpu.memref_slice %arg10[%dma_wait3A_155, %dma_wait3A_156] : memref<2x128xi32, #tpu.memory_space<vmem>> -> memref<1x128xi32, #tpu.memory_space<vmem>>
    %dma_wait3A_158 = tpu.memref_squeeze %dma_wait3A_157 : memref<1x128xi32, #tpu.memory_space<vmem>> -> memref<128xi32, #tpu.memory_space<vmem>>
    %dma_wait3A_159 = arith.constant 0 : i32
    %dma_wait3A_160 = arith.constant 0 : i32
    %dma_wait3A_161 = tpu.memref_slice %arg2[%dma_wait3A_159, %dma_wait3A_160] : memref<10000x128xf32, #tpu.memory_space<hbm>> -> memref<10000x128xf32, #tpu.memory_space<hbm>>
    tpu.wait_indirect_dma semaphore(%arg18 : memref<!tpu.dma_semaphore, #tpu.memory_space<semaphore_mem>>) src(%dma_wait3A_161 : memref<10000x128xf32, #tpu.memory_space<hbm>>) dst(%arg12 : memref<128x128xf32, #tpu.memory_space<vmem>>)
    %run_scoped3A_162 = arith.constant 1 : i32
    "tpu.region"() ({
      %run_scoped3A_244 = tpu.sem_alloc : memref<!tpu.dma_semaphore, #tpu.memory_space<semaphore_mem>>
      %dma_start3A_245 = arith.constant 0 : i32
      %dma_start3A_246 = tpu.memref_slice %arg10[%run_scoped3A_162, %dma_start3A_245] : memref<2x128xi32, #tpu.memory_space<vmem>> -> memref<1x128xi32, #tpu.memory_space<vmem>>
      %dma_start3A_247 = tpu.memref_squeeze %dma_start3A_246 : memref<1x128xi32, #tpu.memory_space<vmem>> -> memref<128xi32, #tpu.memory_space<vmem>>
      %dma_start3A_248 = arith.constant 0 : i32
      %dma_start3A_249 = arith.constant 0 : i32
      %dma_start3A_250 = tpu.memref_slice %arg6[%dma_start3A_248, %dma_start3A_249] : memref<10240x128xf32, #tpu.memory_space<vmem_shared>> -> memref<10240x128xf32, #tpu.memory_space<vmem_shared>>
      tpu.enqueue_indirect_dma source(%arg12 : memref<128x128xf32, #tpu.memory_space<vmem>>) target(%dma_start3A_250 : memref<10240x128xf32, #tpu.memory_space<vmem_shared>>) offsets(%dma_start3A_247 : memref<128xi32, #tpu.memory_space<vmem>>) semaphore(%run_scoped3A_244 : memref<!tpu.dma_semaphore, #tpu.memory_space<semaphore_mem>>) {add = true}
      %dma_wait3A_251 = arith.constant 0 : i32
      %dma_wait3A_252 = tpu.memref_slice %arg10[%run_scoped3A_162, %dma_wait3A_251] : memref<2x128xi32, #tpu.memory_space<vmem>> -> memref<1x128xi32, #tpu.memory_space<vmem>>
      %dma_wait3A_253 = tpu.memref_squeeze %dma_wait3A_252 : memref<1x128xi32, #tpu.memory_space<vmem>> -> memref<128xi32, #tpu.memory_space<vmem>>
      %dma_wait3A_254 = arith.constant 0 : i32
      %dma_wait3A_255 = arith.constant 0 : i32
      %dma_wait3A_256 = tpu.memref_slice %arg6[%dma_wait3A_254, %dma_wait3A_255] : memref<10240x128xf32, #tpu.memory_space<vmem_shared>> -> memref<10240x128xf32, #tpu.memory_space<vmem_shared>>
      tpu.wait_indirect_dma semaphore(%run_scoped3A_244 : memref<!tpu.dma_semaphore, #tpu.memory_space<semaphore_mem>>) src(%arg12 : memref<128x128xf32, #tpu.memory_space<vmem>>) dst(%dma_wait3A_256 : memref<10240x128xf32, #tpu.memory_space<vmem_shared>>)
      tpu.yield
    }) : () -> ()
    %barrier3A_163 = arith.constant 0 : index
    tpu.barrier barrier_id(%barrier3A_163)
    %add3A_164 = arith.constant 0 : i32
    %add3A_165 = arith.addi %mul3A_0, %add3A_164 : i32
    "tpu.region"() ({
      %run_scoped3A_244 = tpu.sem_alloc : memref<!tpu.dma_semaphore, #tpu.memory_space<semaphore_mem>>
      %dma_start3A_245 = arith.constant 0 : i32
      %dma_start3A_246 = tpu.memref_slice %arg6[%add3A_165, %dma_start3A_245] : memref<10240x128xf32, #tpu.memory_space<vmem_shared>> -> memref<128x128xf32, #tpu.memory_space<vmem_shared>>
      %dma_start3A_247 = arith.constant 0 : i32
      %dma_start3A_248 = tpu.memref_slice %arg6[%add3A_165, %dma_start3A_247] : memref<10240x128xf32, #tpu.memory_space<vmem_shared>> -> memref<128x128xf32, #tpu.memory_space<vmem_shared>>
      tpu.enqueue_dma source(%dma_start3A_248 : memref<128x128xf32, #tpu.memory_space<vmem_shared>>) target(%arg11 : memref<128x128xf32, #tpu.memory_space<vmem>>) target_semaphore(%run_scoped3A_244 : memref<!tpu.dma_semaphore, #tpu.memory_space<semaphore_mem>>)
      %dma_wait3A_249 = arith.constant 0 : i32
      %dma_wait3A_250 = tpu.memref_slice %arg6[%add3A_165, %dma_wait3A_249] : memref<10240x128xf32, #tpu.memory_space<vmem_shared>> -> memref<128x128xf32, #tpu.memory_space<vmem_shared>>
      %dma_wait3A_251 = arith.constant 0 : i32
      %dma_wait3A_252 = tpu.memref_slice %arg6[%add3A_165, %dma_wait3A_251] : memref<10240x128xf32, #tpu.memory_space<vmem_shared>> -> memref<128x128xf32, #tpu.memory_space<vmem_shared>>
      tpu.wait_dma2 semaphore(%run_scoped3A_244 : memref<!tpu.dma_semaphore, #tpu.memory_space<semaphore_mem>>) src(%dma_wait3A_252 : memref<128x128xf32, #tpu.memory_space<vmem_shared>>) dst(%arg11 : memref<128x128xf32, #tpu.memory_space<vmem>>)
      tpu.yield
    }) : () -> ()
    %add3A_166 = arith.constant 0 : i32
    %add3A_167 = arith.addi %mul3A_0, %add3A_166 : i32
    %dma_start3A_168 = arith.constant 0 : i32
    %dma_start3A_169 = tpu.memref_slice %arg5[%arg0, %add3A_167, %dma_start3A_168] : memref<2x10240x128xf32, #tpu.memory_space<hbm>> -> memref<1x128x128xf32, #tpu.memory_space<hbm>>
    %dma_start3A_170 = tpu.memref_squeeze %dma_start3A_169 : memref<1x128x128xf32, #tpu.memory_space<hbm>> -> memref<128x128xf32, #tpu.memory_space<hbm>>
    %dma_start3A_171 = arith.constant 0 : i32
    %dma_start3A_172 = tpu.memref_slice %arg5[%arg0, %add3A_167, %dma_start3A_171] : memref<2x10240x128xf32, #tpu.memory_space<hbm>> -> memref<1x128x128xf32, #tpu.memory_space<hbm>>
    %dma_start3A_173 = tpu.memref_squeeze %dma_start3A_172 : memref<1x128x128xf32, #tpu.memory_space<hbm>> -> memref<128x128xf32, #tpu.memory_space<hbm>>
    tpu.enqueue_dma source(%arg11 : memref<128x128xf32, #tpu.memory_space<vmem>>) target(%dma_start3A_173 : memref<128x128xf32, #tpu.memory_space<hbm>>) target_semaphore(%arg17 : memref<!tpu.dma_semaphore, #tpu.memory_space<semaphore_mem>>)
    %add3A_174 = arith.constant 128 : i32
    %add3A_175 = arith.addi %mul3A_0, %add3A_174 : i32
    "tpu.region"() ({
      %run_scoped3A_244 = tpu.sem_alloc : memref<!tpu.dma_semaphore, #tpu.memory_space<semaphore_mem>>
      %dma_start3A_245 = arith.constant 0 : i32
      %dma_start3A_246 = tpu.memref_slice %arg6[%add3A_175, %dma_start3A_245] : memref<10240x128xf32, #tpu.memory_space<vmem_shared>> -> memref<128x128xf32, #tpu.memory_space<vmem_shared>>
      %dma_start3A_247 = arith.constant 0 : i32
      %dma_start3A_248 = tpu.memref_slice %arg6[%add3A_175, %dma_start3A_247] : memref<10240x128xf32, #tpu.memory_space<vmem_shared>> -> memref<128x128xf32, #tpu.memory_space<vmem_shared>>
      tpu.enqueue_dma source(%dma_start3A_248 : memref<128x128xf32, #tpu.memory_space<vmem_shared>>) target(%arg12 : memref<128x128xf32, #tpu.memory_space<vmem>>) target_semaphore(%run_scoped3A_244 : memref<!tpu.dma_semaphore, #tpu.memory_space<semaphore_mem>>)
      %dma_wait3A_249 = arith.constant 0 : i32
      %dma_wait3A_250 = tpu.memref_slice %arg6[%add3A_175, %dma_wait3A_249] : memref<10240x128xf32, #tpu.memory_space<vmem_shared>> -> memref<128x128xf32, #tpu.memory_space<vmem_shared>>
      %dma_wait3A_251 = arith.constant 0 : i32
      %dma_wait3A_252 = tpu.memref_slice %arg6[%add3A_175, %dma_wait3A_251] : memref<10240x128xf32, #tpu.memory_space<vmem_shared>> -> memref<128x128xf32, #tpu.memory_space<vmem_shared>>
      tpu.wait_dma2 semaphore(%run_scoped3A_244 : memref<!tpu.dma_semaphore, #tpu.memory_space<semaphore_mem>>) src(%dma_wait3A_252 : memref<128x128xf32, #tpu.memory_space<vmem_shared>>) dst(%arg12 : memref<128x128xf32, #tpu.memory_space<vmem>>)
      tpu.yield
    }) : () -> ()
    %add3A_176 = arith.constant 128 : i32
    %add3A_177 = arith.addi %mul3A_0, %add3A_176 : i32
    %dma_start3A_178 = arith.constant 0 : i32
    %dma_start3A_179 = tpu.memref_slice %arg5[%arg0, %add3A_177, %dma_start3A_178] : memref<2x10240x128xf32, #tpu.memory_space<hbm>> -> memref<1x128x128xf32, #tpu.memory_space<hbm>>
    %dma_start3A_180 = tpu.memref_squeeze %dma_start3A_179 : memref<1x128x128xf32, #tpu.memory_space<hbm>> -> memref<128x128xf32, #tpu.memory_space<hbm>>
    %dma_start3A_181 = arith.constant 0 : i32
    %dma_start3A_182 = tpu.memref_slice %arg5[%arg0, %add3A_177, %dma_start3A_181] : memref<2x10240x128xf32, #tpu.memory_space<hbm>> -> memref<1x128x128xf32, #tpu.memory_space<hbm>>
    %dma_start3A_183 = tpu.memref_squeeze %dma_start3A_182 : memref<1x128x128xf32, #tpu.memory_space<hbm>> -> memref<128x128xf32, #tpu.memory_space<hbm>>
    tpu.enqueue_dma source(%arg12 : memref<128x128xf32, #tpu.memory_space<vmem>>) target(%dma_start3A_183 : memref<128x128xf32, #tpu.memory_space<hbm>>) target_semaphore(%arg18 : memref<!tpu.dma_semaphore, #tpu.memory_space<semaphore_mem>>)
    %dma_wait3A_184 = arith.constant 0 : i32
    %dma_wait3A_185 = tpu.memref_slice %arg5[%arg0, %mul3A_0, %dma_wait3A_184] : memref<2x10240x128xf32, #tpu.memory_space<hbm>> -> memref<1x128x128xf32, #tpu.memory_space<hbm>>
    %dma_wait3A_186 = tpu.memref_squeeze %dma_wait3A_185 : memref<1x128x128xf32, #tpu.memory_space<hbm>> -> memref<128x128xf32, #tpu.memory_space<hbm>>
    %dma_wait3A_187 = arith.constant 0 : i32
    %dma_wait3A_188 = tpu.memref_slice %arg5[%arg0, %mul3A_0, %dma_wait3A_187] : memref<2x10240x128xf32, #tpu.memory_space<hbm>> -> memref<1x128x128xf32, #tpu.memory_space<hbm>>
    %dma_wait3A_189 = tpu.memref_squeeze %dma_wait3A_188 : memref<1x128x128xf32, #tpu.memory_space<hbm>> -> memref<128x128xf32, #tpu.memory_space<hbm>>
    tpu.wait_dma2 semaphore(%arg17 : memref<!tpu.dma_semaphore, #tpu.memory_space<semaphore_mem>>) src(%arg11 : memref<128x128xf32, #tpu.memory_space<vmem>>) dst(%dma_wait3A_189 : memref<128x128xf32, #tpu.memory_space<hbm>>)
    %add3A_190 = arith.constant 256 : i32
    %add3A_191 = arith.addi %mul3A_0, %add3A_190 : i32
    "tpu.region"() ({
      %run_scoped3A_244 = tpu.sem_alloc : memref<!tpu.dma_semaphore, #tpu.memory_space<semaphore_mem>>
      %dma_start3A_245 = arith.constant 0 : i32
      %dma_start3A_246 = tpu.memref_slice %arg6[%add3A_191, %dma_start3A_245] : memref<10240x128xf32, #tpu.memory_space<vmem_shared>> -> memref<128x128xf32, #tpu.memory_space<vmem_shared>>
      %dma_start3A_247 = arith.constant 0 : i32
      %dma_start3A_248 = tpu.memref_slice %arg6[%add3A_191, %dma_start3A_247] : memref<10240x128xf32, #tpu.memory_space<vmem_shared>> -> memref<128x128xf32, #tpu.memory_space<vmem_shared>>
      tpu.enqueue_dma source(%dma_start3A_248 : memref<128x128xf32, #tpu.memory_space<vmem_shared>>) target(%arg11 : memref<128x128xf32, #tpu.memory_space<vmem>>) target_semaphore(%run_scoped3A_244 : memref<!tpu.dma_semaphore, #tpu.memory_space<semaphore_mem>>)
      %dma_wait3A_249 = arith.constant 0 : i32
      %dma_wait3A_250 = tpu.memref_slice %arg6[%add3A_191, %dma_wait3A_249] : memref<10240x128xf32, #tpu.memory_space<vmem_shared>> -> memref<128x128xf32, #tpu.memory_space<vmem_shared>>
      %dma_wait3A_251 = arith.constant 0 : i32
      %dma_wait3A_252 = tpu.memref_slice %arg6[%add3A_191, %dma_wait3A_251] : memref<10240x128xf32, #tpu.memory_space<vmem_shared>> -> memref<128x128xf32, #tpu.memory_space<vmem_shared>>
      tpu.wait_dma2 semaphore(%run_scoped3A_244 : memref<!tpu.dma_semaphore, #tpu.memory_space<semaphore_mem>>) src(%dma_wait3A_252 : memref<128x128xf32, #tpu.memory_space<vmem_shared>>) dst(%arg11 : memref<128x128xf32, #tpu.memory_space<vmem>>)
      tpu.yield
    }) : () -> ()
    %add3A_192 = arith.constant 256 : i32
    %add3A_193 = arith.addi %mul3A_0, %add3A_192 : i32
    %dma_start3A_194 = arith.constant 0 : i32
    %dma_start3A_195 = tpu.memref_slice %arg5[%arg0, %add3A_193, %dma_start3A_194] : memref<2x10240x128xf32, #tpu.memory_space<hbm>> -> memref<1x128x128xf32, #tpu.memory_space<hbm>>
    %dma_start3A_196 = tpu.memref_squeeze %dma_start3A_195 : memref<1x128x128xf32, #tpu.memory_space<hbm>> -> memref<128x128xf32, #tpu.memory_space<hbm>>
    %dma_start3A_197 = arith.constant 0 : i32
    %dma_start3A_198 = tpu.memref_slice %arg5[%arg0, %add3A_193, %dma_start3A_197] : memref<2x10240x128xf32, #tpu.memory_space<hbm>> -> memref<1x128x128xf32, #tpu.memory_space<hbm>>
    %dma_start3A_199 = tpu.memref_squeeze %dma_start3A_198 : memref<1x128x128xf32, #tpu.memory_space<hbm>> -> memref<128x128xf32, #tpu.memory_space<hbm>>
    tpu.enqueue_dma source(%arg11 : memref<128x128xf32, #tpu.memory_space<vmem>>) target(%dma_start3A_199 : memref<128x128xf32, #tpu.memory_space<hbm>>) target_semaphore(%arg17 : memref<!tpu.dma_semaphore, #tpu.memory_space<semaphore_mem>>)
    %dma_wait3A_200 = arith.constant 0 : i32
    %dma_wait3A_201 = tpu.memref_slice %arg5[%arg0, %mul3A_0, %dma_wait3A_200] : memref<2x10240x128xf32, #tpu.memory_space<hbm>> -> memref<1x128x128xf32, #tpu.memory_space<hbm>>
    %dma_wait3A_202 = tpu.memref_squeeze %dma_wait3A_201 : memref<1x128x128xf32, #tpu.memory_space<hbm>> -> memref<128x128xf32, #tpu.memory_space<hbm>>
    %dma_wait3A_203 = arith.constant 0 : i32
    %dma_wait3A_204 = tpu.memref_slice %arg5[%arg0, %mul3A_0, %dma_wait3A_203] : memref<2x10240x128xf32, #tpu.memory_space<hbm>> -> memref<1x128x128xf32, #tpu.memory_space<hbm>>
    %dma_wait3A_205 = tpu.memref_squeeze %dma_wait3A_204 : memref<1x128x128xf32, #tpu.memory_space<hbm>> -> memref<128x128xf32, #tpu.memory_space<hbm>>
    tpu.wait_dma2 semaphore(%arg18 : memref<!tpu.dma_semaphore, #tpu.memory_space<semaphore_mem>>) src(%arg12 : memref<128x128xf32, #tpu.memory_space<vmem>>) dst(%dma_wait3A_205 : memref<128x128xf32, #tpu.memory_space<hbm>>)
    %add3A_206 = arith.constant 384 : i32
    %add3A_207 = arith.addi %mul3A_0, %add3A_206 : i32
    "tpu.region"() ({
      %run_scoped3A_244 = tpu.sem_alloc : memref<!tpu.dma_semaphore, #tpu.memory_space<semaphore_mem>>
      %dma_start3A_245 = arith.constant 0 : i32
      %dma_start3A_246 = tpu.memref_slice %arg6[%add3A_207, %dma_start3A_245] : memref<10240x128xf32, #tpu.memory_space<vmem_shared>> -> memref<128x128xf32, #tpu.memory_space<vmem_shared>>
      %dma_start3A_247 = arith.constant 0 : i32
      %dma_start3A_248 = tpu.memref_slice %arg6[%add3A_207, %dma_start3A_247] : memref<10240x128xf32, #tpu.memory_space<vmem_shared>> -> memref<128x128xf32, #tpu.memory_space<vmem_shared>>
      tpu.enqueue_dma source(%dma_start3A_248 : memref<128x128xf32, #tpu.memory_space<vmem_shared>>) target(%arg12 : memref<128x128xf32, #tpu.memory_space<vmem>>) target_semaphore(%run_scoped3A_244 : memref<!tpu.dma_semaphore, #tpu.memory_space<semaphore_mem>>)
      %dma_wait3A_249 = arith.constant 0 : i32
      %dma_wait3A_250 = tpu.memref_slice %arg6[%add3A_207, %dma_wait3A_249] : memref<10240x128xf32, #tpu.memory_space<vmem_shared>> -> memref<128x128xf32, #tpu.memory_space<vmem_shared>>
      %dma_wait3A_251 = arith.constant 0 : i32
      %dma_wait3A_252 = tpu.memref_slice %arg6[%add3A_207, %dma_wait3A_251] : memref<10240x128xf32, #tpu.memory_space<vmem_shared>> -> memref<128x128xf32, #tpu.memory_space<vmem_shared>>
      tpu.wait_dma2 semaphore(%run_scoped3A_244 : memref<!tpu.dma_semaphore, #tpu.memory_space<semaphore_mem>>) src(%dma_wait3A_252 : memref<128x128xf32, #tpu.memory_space<vmem_shared>>) dst(%arg12 : memref<128x128xf32, #tpu.memory_space<vmem>>)
      tpu.yield
    }) : () -> ()
    %add3A_208 = arith.constant 384 : i32
    %add3A_209 = arith.addi %mul3A_0, %add3A_208 : i32
    %dma_start3A_210 = arith.constant 0 : i32
    %dma_start3A_211 = tpu.memref_slice %arg5[%arg0, %add3A_209, %dma_start3A_210] : memref<2x10240x128xf32, #tpu.memory_space<hbm>> -> memref<1x128x128xf32, #tpu.memory_space<hbm>>
    %dma_start3A_212 = tpu.memref_squeeze %dma_start3A_211 : memref<1x128x128xf32, #tpu.memory_space<hbm>> -> memref<128x128xf32, #tpu.memory_space<hbm>>
    %dma_start3A_213 = arith.constant 0 : i32
    %dma_start3A_214 = tpu.memref_slice %arg5[%arg0, %add3A_209, %dma_start3A_213] : memref<2x10240x128xf32, #tpu.memory_space<hbm>> -> memref<1x128x128xf32, #tpu.memory_space<hbm>>
    %dma_start3A_215 = tpu.memref_squeeze %dma_start3A_214 : memref<1x128x128xf32, #tpu.memory_space<hbm>> -> memref<128x128xf32, #tpu.memory_space<hbm>>
    tpu.enqueue_dma source(%arg12 : memref<128x128xf32, #tpu.memory_space<vmem>>) target(%dma_start3A_215 : memref<128x128xf32, #tpu.memory_space<hbm>>) target_semaphore(%arg18 : memref<!tpu.dma_semaphore, #tpu.memory_space<semaphore_mem>>)
    %dma_wait3A_216 = arith.constant 0 : i32
    %dma_wait3A_217 = tpu.memref_slice %arg5[%arg0, %mul3A_0, %dma_wait3A_216] : memref<2x10240x128xf32, #tpu.memory_space<hbm>> -> memref<1x128x128xf32, #tpu.memory_space<hbm>>
    %dma_wait3A_218 = tpu.memref_squeeze %dma_wait3A_217 : memref<1x128x128xf32, #tpu.memory_space<hbm>> -> memref<128x128xf32, #tpu.memory_space<hbm>>
    %dma_wait3A_219 = arith.constant 0 : i32
    %dma_wait3A_220 = tpu.memref_slice %arg5[%arg0, %mul3A_0, %dma_wait3A_219] : memref<2x10240x128xf32, #tpu.memory_space<hbm>> -> memref<1x128x128xf32, #tpu.memory_space<hbm>>
    %dma_wait3A_221 = tpu.memref_squeeze %dma_wait3A_220 : memref<1x128x128xf32, #tpu.memory_space<hbm>> -> memref<128x128xf32, #tpu.memory_space<hbm>>
    tpu.wait_dma2 semaphore(%arg17 : memref<!tpu.dma_semaphore, #tpu.memory_space<semaphore_mem>>) src(%arg11 : memref<128x128xf32, #tpu.memory_space<vmem>>) dst(%dma_wait3A_221 : memref<128x128xf32, #tpu.memory_space<hbm>>)
    %add3A_222 = arith.constant 512 : i32
    %add3A_223 = arith.addi %mul3A_0, %add3A_222 : i32
    "tpu.region"() ({
      %run_scoped3A_244 = tpu.sem_alloc : memref<!tpu.dma_semaphore, #tpu.memory_space<semaphore_mem>>
      %dma_start3A_245 = arith.constant 0 : i32
      %dma_start3A_246 = tpu.memref_slice %arg6[%add3A_223, %dma_start3A_245] : memref<10240x128xf32, #tpu.memory_space<vmem_shared>> -> memref<128x128xf32, #tpu.memory_space<vmem_shared>>
      %dma_start3A_247 = arith.constant 0 : i32
      %dma_start3A_248 = tpu.memref_slice %arg6[%add3A_223, %dma_start3A_247] : memref<10240x128xf32, #tpu.memory_space<vmem_shared>> -> memref<128x128xf32, #tpu.memory_space<vmem_shared>>
      tpu.enqueue_dma source(%dma_start3A_248 : memref<128x128xf32, #tpu.memory_space<vmem_shared>>) target(%arg11 : memref<128x128xf32, #tpu.memory_space<vmem>>) target_semaphore(%run_scoped3A_244 : memref<!tpu.dma_semaphore, #tpu.memory_space<semaphore_mem>>)
      %dma_wait3A_249 = arith.constant 0 : i32
      %dma_wait3A_250 = tpu.memref_slice %arg6[%add3A_223, %dma_wait3A_249] : memref<10240x128xf32, #tpu.memory_space<vmem_shared>> -> memref<128x128xf32, #tpu.memory_space<vmem_shared>>
      %dma_wait3A_251 = arith.constant 0 : i32
      %dma_wait3A_252 = tpu.memref_slice %arg6[%add3A_223, %dma_wait3A_251] : memref<10240x128xf32, #tpu.memory_space<vmem_shared>> -> memref<128x128xf32, #tpu.memory_space<vmem_shared>>
      tpu.wait_dma2 semaphore(%run_scoped3A_244 : memref<!tpu.dma_semaphore, #tpu.memory_space<semaphore_mem>>) src(%dma_wait3A_252 : memref<128x128xf32, #tpu.memory_space<vmem_shared>>) dst(%arg11 : memref<128x128xf32, #tpu.memory_space<vmem>>)
      tpu.yield
    }) : () -> ()
    %add3A_224 = arith.constant 512 : i32
    %add3A_225 = arith.addi %mul3A_0, %add3A_224 : i32
    %dma_start3A_226 = arith.constant 0 : i32
    %dma_start3A_227 = tpu.memref_slice %arg5[%arg0, %add3A_225, %dma_start3A_226] : memref<2x10240x128xf32, #tpu.memory_space<hbm>> -> memref<1x128x128xf32, #tpu.memory_space<hbm>>
    %dma_start3A_228 = tpu.memref_squeeze %dma_start3A_227 : memref<1x128x128xf32, #tpu.memory_space<hbm>> -> memref<128x128xf32, #tpu.memory_space<hbm>>
    %dma_start3A_229 = arith.constant 0 : i32
    %dma_start3A_230 = tpu.memref_slice %arg5[%arg0, %add3A_225, %dma_start3A_229] : memref<2x10240x128xf32, #tpu.memory_space<hbm>> -> memref<1x128x128xf32, #tpu.memory_space<hbm>>
    %dma_start3A_231 = tpu.memref_squeeze %dma_start3A_230 : memref<1x128x128xf32, #tpu.memory_space<hbm>> -> memref<128x128xf32, #tpu.memory_space<hbm>>
    tpu.enqueue_dma source(%arg11 : memref<128x128xf32, #tpu.memory_space<vmem>>) target(%dma_start3A_231 : memref<128x128xf32, #tpu.memory_space<hbm>>) target_semaphore(%arg17 : memref<!tpu.dma_semaphore, #tpu.memory_space<semaphore_mem>>)
    %dma_wait3A_232 = arith.constant 0 : i32
    %dma_wait3A_233 = tpu.memref_slice %arg5[%arg0, %mul3A_0, %dma_wait3A_232] : memref<2x10240x128xf32, #tpu.memory_space<hbm>> -> memref<1x128x128xf32, #tpu.memory_space<hbm>>
    %dma_wait3A_234 = tpu.memref_squeeze %dma_wait3A_233 : memref<1x128x128xf32, #tpu.memory_space<hbm>> -> memref<128x128xf32, #tpu.memory_space<hbm>>
    %dma_wait3A_235 = arith.constant 0 : i32
    %dma_wait3A_236 = tpu.memref_slice %arg5[%arg0, %mul3A_0, %dma_wait3A_235] : memref<2x10240x128xf32, #tpu.memory_space<hbm>> -> memref<1x128x128xf32, #tpu.memory_space<hbm>>
    %dma_wait3A_237 = tpu.memref_squeeze %dma_wait3A_236 : memref<1x128x128xf32, #tpu.memory_space<hbm>> -> memref<128x128xf32, #tpu.memory_space<hbm>>
    tpu.wait_dma2 semaphore(%arg17 : memref<!tpu.dma_semaphore, #tpu.memory_space<semaphore_mem>>) src(%arg11 : memref<128x128xf32, #tpu.memory_space<vmem>>) dst(%dma_wait3A_237 : memref<128x128xf32, #tpu.memory_space<hbm>>)
    %dma_wait3A_238 = arith.constant 0 : i32
    %dma_wait3A_239 = tpu.memref_slice %arg5[%arg0, %mul3A_0, %dma_wait3A_238] : memref<2x10240x128xf32, #tpu.memory_space<hbm>> -> memref<1x128x128xf32, #tpu.memory_space<hbm>>
    %dma_wait3A_240 = tpu.memref_squeeze %dma_wait3A_239 : memref<1x128x128xf32, #tpu.memory_space<hbm>> -> memref<128x128xf32, #tpu.memory_space<hbm>>
    %dma_wait3A_241 = arith.constant 0 : i32
    %dma_wait3A_242 = tpu.memref_slice %arg5[%arg0, %mul3A_0, %dma_wait3A_241] : memref<2x10240x128xf32, #tpu.memory_space<hbm>> -> memref<1x128x128xf32, #tpu.memory_space<hbm>>
    %dma_wait3A_243 = tpu.memref_squeeze %dma_wait3A_242 : memref<1x128x128xf32, #tpu.memory_space<hbm>> -> memref<128x128xf32, #tpu.memory_space<hbm>>
    tpu.wait_dma2 semaphore(%arg18 : memref<!tpu.dma_semaphore, #tpu.memory_space<semaphore_mem>>) src(%arg12 : memref<128x128xf32, #tpu.memory_space<vmem>>) dst(%dma_wait3A_243 : memref<128x128xf32, #tpu.memory_space<hbm>>)
    return
  }
}

#map = affine_map<(d0, d1) -> (0, 0)>
#map1 = affine_map<(d0, d1) -> (0, 0, 0)>
module attributes {stable_mosaic.version = 14 : i64} {
  func.func @body(%arg0: i32, %arg1: i32, %arg2: memref<10000x128xf32, #tpu.memory_space<hbm>>, %arg3: memref<2560x2x128xi32, #tpu.memory_space<hbm>>, %arg4: memref<64x128xf32, #tpu.memory_space<hbm>>, %arg5: memref<2x10240x128xf32, #tpu.memory_space<hbm>>, %arg6: memref<10240x128xf32, #tpu.memory_space<vmem_shared>>, %arg7: memref<2x128xi32, #tpu.memory_space<vmem>>, %arg8: memref<2x128xi32, #tpu.memory_space<vmem>>, %arg9: memref<2x128xi32, #tpu.memory_space<vmem>>, %arg10: memref<2x128xi32, #tpu.memory_space<vmem>>, %arg11: memref<128x128xf32, #tpu.memory_space<vmem>>, %arg12: memref<128x128xf32, #tpu.memory_space<vmem>>, %arg13: memref<!tpu.dma_semaphore, #tpu.memory_space<semaphore_mem>>, %arg14: memref<!tpu.dma_semaphore, #tpu.memory_space<semaphore_mem>>, %arg15: memref<!tpu.dma_semaphore, #tpu.memory_space<semaphore_mem>>, %arg16: memref<!tpu.dma_semaphore, #tpu.memory_space<semaphore_mem>>, %arg17: memref<!tpu.dma_semaphore, #tpu.memory_space<semaphore_mem>>, %arg18: memref<!tpu.dma_semaphore, #tpu.memory_space<semaphore_mem>>, %arg19: memref<64x128xf32, #tpu.memory_space<vmem>>) attributes {dimension_semantics = [#tpu.dimension_semantics<core_parallel>, #tpu.dimension_semantics<subcore_parallel>], iteration_bounds = array<i64: 2, 16>, scalar_prefetch = 0 : i64, scratch_operands = 14 : i64, tpu.core_type = #tpu.core_type<sc_vector_subcore>, window_params = [{transform_indices = #map}, {transform_indices = #map1}, {transform_indices = #map}, {transform_indices = #map1}]} {
    %mul3A = arith.constant 640 : i32
    %mul3A_0 = arith.muli %arg1, %mul3A : i32
    %mul3A_1 = arith.constant 16 : i32
    %mul3A_2 = arith.muli %arg0, %mul3A_1 : i32
    %add3A = arith.addi %mul3A_2, %arg1 : i32
    %mul3A_3 = arith.constant 80 : i32
    %mul3A_4 = arith.muli %add3A, %mul3A_3 : i32
    %add3A_5 = arith.constant 0 : i32
    %add3A_6 = arith.addi %mul3A_4, %add3A_5 : i32
    %dma_start3A = arith.constant 0 : i32
    %dma_start3A_7 = arith.constant 0 : i32
    %dma_start3A_8 = tpu.memref_slice %arg3[%add3A_6, %dma_start3A, %dma_start3A_7] : memref<2560x2x128xi32, #tpu.memory_space<hbm>> -> memref<1x2x128xi32, #tpu.memory_space<hbm>>
    %dma_start3A_9 = tpu.memref_squeeze %dma_start3A_8 : memref<1x2x128xi32, #tpu.memory_space<hbm>> -> memref<2x128xi32, #tpu.memory_space<hbm>>
    %dma_start3A_10 = arith.constant 0 : i32
    %dma_start3A_11 = arith.constant 0 : i32
    %dma_start3A_12 = tpu.memref_slice %arg3[%add3A_6, %dma_start3A_10, %dma_start3A_11] : memref<2560x2x128xi32, #tpu.memory_space<hbm>> -> memref<1x2x128xi32, #tpu.memory_space<hbm>>
    %dma_start3A_13 = tpu.memref_squeeze %dma_start3A_12 : memref<1x2x128xi32, #tpu.memory_space<hbm>> -> memref<2x128xi32, #tpu.memory_space<hbm>>
    tpu.enqueue_dma source(%dma_start3A_13 : memref<2x128xi32, #tpu.memory_space<hbm>>) target(%arg7 : memref<2x128xi32, #tpu.memory_space<vmem>>) target_semaphore(%arg13 : memref<!tpu.dma_semaphore, #tpu.memory_space<semaphore_mem>>)
    %add3A_14 = arith.constant 1 : i32
    %add3A_15 = arith.addi %mul3A_4, %add3A_14 : i32
    %dma_start3A_16 = arith.constant 0 : i32
    %dma_start3A_17 = arith.constant 0 : i32
    %dma_start3A_18 = tpu.memref_slice %arg3[%add3A_15, %dma_start3A_16, %dma_start3A_17] : memref<2560x2x128xi32, #tpu.memory_space<hbm>> -> memref<1x2x128xi32, #tpu.memory_space<hbm>>
    %dma_start3A_19 = tpu.memref_squeeze %dma_start3A_18 : memref<1x2x128xi32, #tpu.memory_space<hbm>> -> memref<2x128xi32, #tpu.memory_space<hbm>>
    %dma_start3A_20 = arith.constant 0 : i32
    %dma_start3A_21 = arith.constant 0 : i32
    %dma_start3A_22 = tpu.memref_slice %arg3[%add3A_15, %dma_start3A_20, %dma_start3A_21] : memref<2560x2x128xi32, #tpu.memory_space<hbm>> -> memref<1x2x128xi32, #tpu.memory_space<hbm>>
    %dma_start3A_23 = tpu.memref_squeeze %dma_start3A_22 : memref<1x2x128xi32, #tpu.memory_space<hbm>> -> memref<2x128xi32, #tpu.memory_space<hbm>>
    tpu.enqueue_dma source(%dma_start3A_23 : memref<2x128xi32, #tpu.memory_space<hbm>>) target(%arg8 : memref<2x128xi32, #tpu.memory_space<vmem>>) target_semaphore(%arg14 : memref<!tpu.dma_semaphore, #tpu.memory_space<semaphore_mem>>)
    %add3A_24 = arith.constant 2 : i32
    %add3A_25 = arith.addi %mul3A_4, %add3A_24 : i32
    %dma_start3A_26 = arith.constant 0 : i32
    %dma_start3A_27 = arith.constant 0 : i32
    %dma_start3A_28 = tpu.memref_slice %arg3[%add3A_25, %dma_start3A_26, %dma_start3A_27] : memref<2560x2x128xi32, #tpu.memory_space<hbm>> -> memref<1x2x128xi32, #tpu.memory_space<hbm>>
    %dma_start3A_29 = tpu.memref_squeeze %dma_start3A_28 : memref<1x2x128xi32, #tpu.memory_space<hbm>> -> memref<2x128xi32, #tpu.memory_space<hbm>>
    %dma_start3A_30 = arith.constant 0 : i32
    %dma_start3A_31 = arith.constant 0 : i32
    %dma_start3A_32 = tpu.memref_slice %arg3[%add3A_25, %dma_start3A_30, %dma_start3A_31] : memref<2560x2x128xi32, #tpu.memory_space<hbm>> -> memref<1x2x128xi32, #tpu.memory_space<hbm>>
    %dma_start3A_33 = tpu.memref_squeeze %dma_start3A_32 : memref<1x2x128xi32, #tpu.memory_space<hbm>> -> memref<2x128xi32, #tpu.memory_space<hbm>>
    tpu.enqueue_dma source(%dma_start3A_33 : memref<2x128xi32, #tpu.memory_space<hbm>>) target(%arg9 : memref<2x128xi32, #tpu.memory_space<vmem>>) target_semaphore(%arg15 : memref<!tpu.dma_semaphore, #tpu.memory_space<semaphore_mem>>)
    %add3A_34 = arith.constant 3 : i32
    %add3A_35 = arith.addi %mul3A_4, %add3A_34 : i32
    %dma_start3A_36 = arith.constant 0 : i32
    %dma_start3A_37 = arith.constant 0 : i32
    %dma_start3A_38 = tpu.memref_slice %arg3[%add3A_35, %dma_start3A_36, %dma_start3A_37] : memref<2560x2x128xi32, #tpu.memory_space<hbm>> -> memref<1x2x128xi32, #tpu.memory_space<hbm>>
    %dma_start3A_39 = tpu.memref_squeeze %dma_start3A_38 : memref<1x2x128xi32, #tpu.memory_space<hbm>> -> memref<2x128xi32, #tpu.memory_space<hbm>>
    %dma_start3A_40 = arith.constant 0 : i32
    %dma_start3A_41 = arith.constant 0 : i32
    %dma_start3A_42 = tpu.memref_slice %arg3[%add3A_35, %dma_start3A_40, %dma_start3A_41] : memref<2560x2x128xi32, #tpu.memory_space<hbm>> -> memref<1x2x128xi32, #tpu.memory_space<hbm>>
    %dma_start3A_43 = tpu.memref_squeeze %dma_start3A_42 : memref<1x2x128xi32, #tpu.memory_space<hbm>> -> memref<2x128xi32, #tpu.memory_space<hbm>>
    tpu.enqueue_dma source(%dma_start3A_43 : memref<2x128xi32, #tpu.memory_space<hbm>>) target(%arg10 : memref<2x128xi32, #tpu.memory_space<vmem>>) target_semaphore(%arg16 : memref<!tpu.dma_semaphore, #tpu.memory_space<semaphore_mem>>)
    %dma_wait3A = arith.constant 0 : i32
    %dma_wait3A_44 = arith.constant 0 : i32
    %dma_wait3A_45 = arith.constant 0 : i32
    %dma_wait3A_46 = tpu.memref_slice %arg3[%dma_wait3A, %dma_wait3A_44, %dma_wait3A_45] : memref<2560x2x128xi32, #tpu.memory_space<hbm>> -> memref<1x2x128xi32, #tpu.memory_space<hbm>>
    %dma_wait3A_47 = tpu.memref_squeeze %dma_wait3A_46 : memref<1x2x128xi32, #tpu.memory_space<hbm>> -> memref<2x128xi32, #tpu.memory_space<hbm>>
    %dma_wait3A_48 = arith.constant 0 : i32
    %dma_wait3A_49 = arith.constant 0 : i32
    %dma_wait3A_50 = tpu.memref_slice %arg3[%dma_wait3A, %dma_wait3A_48, %dma_wait3A_49] : memref<2560x2x128xi32, #tpu.memory_space<hbm>> -> memref<1x2x128xi32, #tpu.memory_space<hbm>>
    %dma_wait3A_51 = tpu.memref_squeeze %dma_wait3A_50 : memref<1x2x128xi32, #tpu.memory_space<hbm>> -> memref<2x128xi32, #tpu.memory_space<hbm>>
    tpu.wait_dma2 semaphore(%arg13 : memref<!tpu.dma_semaphore, #tpu.memory_space<semaphore_mem>>) src(%dma_wait3A_51 : memref<2x128xi32, #tpu.memory_space<hbm>>) dst(%arg7 : memref<2x128xi32, #tpu.memory_space<vmem>>)
    %dma_start3A_52 = arith.constant 0 : i32
    %dma_start3A_53 = arith.constant 0 : i32
    %dma_start3A_54 = tpu.memref_slice %arg7[%dma_start3A_52, %dma_start3A_53] : memref<2x128xi32, #tpu.memory_space<vmem>> -> memref<1x128xi32, #tpu.memory_space<vmem>>
    %dma_start3A_55 = tpu.memref_squeeze %dma_start3A_54 : memref<1x128xi32, #tpu.memory_space<vmem>> -> memref<128xi32, #tpu.memory_space<vmem>>
    %dma_start3A_56 = arith.constant 0 : i32
    %dma_start3A_57 = arith.constant 0 : i32
    %dma_start3A_58 = tpu.memref_slice %arg2[%dma_start3A_56, %dma_start3A_57] : memref<10000x128xf32, #tpu.memory_space<hbm>> -> memref<10000x128xf32, #tpu.memory_space<hbm>>
    tpu.enqueue_indirect_dma source(%dma_start3A_58 : memref<10000x128xf32, #tpu.memory_space<hbm>>) target(%arg11 : memref<128x128xf32, #tpu.memory_space<vmem>>) offsets(%dma_start3A_55 : memref<128xi32, #tpu.memory_space<vmem>>) semaphore(%arg17 : memref<!tpu.dma_semaphore, #tpu.memory_space<semaphore_mem>>)
    %dma_wait3A_59 = arith.constant 0 : i32
    %dma_wait3A_60 = arith.constant 0 : i32
    %dma_wait3A_61 = arith.constant 0 : i32
    %dma_wait3A_62 = tpu.memref_slice %arg3[%dma_wait3A_59, %dma_wait3A_60, %dma_wait3A_61] : memref<2560x2x128xi32, #tpu.memory_space<hbm>> -> memref<1x2x128xi32, #tpu.memory_space<hbm>>
    %dma_wait3A_63 = tpu.memref_squeeze %dma_wait3A_62 : memref<1x2x128xi32, #tpu.memory_space<hbm>> -> memref<2x128xi32, #tpu.memory_space<hbm>>
    %dma_wait3A_64 = arith.constant 0 : i32
    %dma_wait3A_65 = arith.constant 0 : i32
    %dma_wait3A_66 = tpu.memref_slice %arg3[%dma_wait3A_59, %dma_wait3A_64, %dma_wait3A_65] : memref<2560x2x128xi32, #tpu.memory_space<hbm>> -> memref<1x2x128xi32, #tpu.memory_space<hbm>>
    %dma_wait3A_67 = tpu.memref_squeeze %dma_wait3A_66 : memref<1x2x128xi32, #tpu.memory_space<hbm>> -> memref<2x128xi32, #tpu.memory_space<hbm>>
    tpu.wait_dma2 semaphore(%arg14 : memref<!tpu.dma_semaphore, #tpu.memory_space<semaphore_mem>>) src(%dma_wait3A_67 : memref<2x128xi32, #tpu.memory_space<hbm>>) dst(%arg8 : memref<2x128xi32, #tpu.memory_space<vmem>>)
    %dma_start3A_68 = arith.constant 0 : i32
    %dma_start3A_69 = arith.constant 0 : i32
    %dma_start3A_70 = tpu.memref_slice %arg8[%dma_start3A_68, %dma_start3A_69] : memref<2x128xi32, #tpu.memory_space<vmem>> -> memref<1x128xi32, #tpu.memory_space<vmem>>
    %dma_start3A_71 = tpu.memref_squeeze %dma_start3A_70 : memref<1x128xi32, #tpu.memory_space<vmem>> -> memref<128xi32, #tpu.memory_space<vmem>>
    %dma_start3A_72 = arith.constant 0 : i32
    %dma_start3A_73 = arith.constant 0 : i32
    %dma_start3A_74 = tpu.memref_slice %arg2[%dma_start3A_72, %dma_start3A_73] : memref<10000x128xf32, #tpu.memory_space<hbm>> -> memref<10000x128xf32, #tpu.memory_space<hbm>>
    tpu.enqueue_indirect_dma source(%dma_start3A_74 : memref<10000x128xf32, #tpu.memory_space<hbm>>) target(%arg12 : memref<128x128xf32, #tpu.memory_space<vmem>>) offsets(%dma_start3A_71 : memref<128xi32, #tpu.memory_space<vmem>>) semaphore(%arg18 : memref<!tpu.dma_semaphore, #tpu.memory_space<semaphore_mem>>)
    "tpu.region"() ({
      %run_scoped3A_244 = tpu.sem_alloc : memref<!tpu.dma_semaphore, #tpu.memory_space<semaphore_mem>>
      tpu.enqueue_dma source(%arg4 : memref<64x128xf32, #tpu.memory_space<hbm>>) target(%arg19 : memref<64x128xf32, #tpu.memory_space<vmem>>) target_semaphore(%run_scoped3A_244 : memref<!tpu.dma_semaphore, #tpu.memory_space<semaphore_mem>>)
      tpu.wait_dma2 semaphore(%run_scoped3A_244 : memref<!tpu.dma_semaphore, #tpu.memory_space<semaphore_mem>>) src(%arg4 : memref<64x128xf32, #tpu.memory_space<hbm>>) dst(%arg19 : memref<64x128xf32, #tpu.memory_space<vmem>>)
      tpu.yield
    }) : () -> ()
    %add3A_75 = arith.constant 0 : i32
    %add3A_76 = arith.addi %mul3A_0, %add3A_75 : i32
    "tpu.region"() ({
      %run_scoped3A_244 = tpu.sem_alloc : memref<!tpu.dma_semaphore, #tpu.memory_space<semaphore_mem>>
      %dma_start3A_245 = arith.constant 0 : i32
      %dma_start3A_246 = tpu.memref_slice %arg6[%add3A_76, %dma_start3A_245] : memref<10240x128xf32, #tpu.memory_space<vmem_shared>> -> memref<64x128xf32, #tpu.memory_space<vmem_shared>>
      %dma_start3A_247 = arith.constant 0 : i32
      %dma_start3A_248 = tpu.memref_slice %arg6[%add3A_76, %dma_start3A_247] : memref<10240x128xf32, #tpu.memory_space<vmem_shared>> -> memref<64x128xf32, #tpu.memory_space<vmem_shared>>
      tpu.enqueue_dma source(%arg19 : memref<64x128xf32, #tpu.memory_space<vmem>>) target(%dma_start3A_248 : memref<64x128xf32, #tpu.memory_space<vmem_shared>>) target_semaphore(%run_scoped3A_244 : memref<!tpu.dma_semaphore, #tpu.memory_space<semaphore_mem>>)
      %dma_wait3A_249 = arith.constant 0 : i32
      %dma_wait3A_250 = tpu.memref_slice %arg6[%add3A_76, %dma_wait3A_249] : memref<10240x128xf32, #tpu.memory_space<vmem_shared>> -> memref<64x128xf32, #tpu.memory_space<vmem_shared>>
      %dma_wait3A_251 = arith.constant 0 : i32
      %dma_wait3A_252 = tpu.memref_slice %arg6[%add3A_76, %dma_wait3A_251] : memref<10240x128xf32, #tpu.memory_space<vmem_shared>> -> memref<64x128xf32, #tpu.memory_space<vmem_shared>>
      tpu.wait_dma2 semaphore(%run_scoped3A_244 : memref<!tpu.dma_semaphore, #tpu.memory_space<semaphore_mem>>) src(%arg19 : memref<64x128xf32, #tpu.memory_space<vmem>>) dst(%dma_wait3A_252 : memref<64x128xf32, #tpu.memory_space<vmem_shared>>)
      tpu.yield
    }) : () -> ()
    %add3A_77 = arith.constant 64 : i32
    %add3A_78 = arith.addi %mul3A_0, %add3A_77 : i32
    "tpu.region"() ({
      %run_scoped3A_244 = tpu.sem_alloc : memref<!tpu.dma_semaphore, #tpu.memory_space<semaphore_mem>>
      %dma_start3A_245 = arith.constant 0 : i32
      %dma_start3A_246 = tpu.memref_slice %arg6[%add3A_78, %dma_start3A_245] : memref<10240x128xf32, #tpu.memory_space<vmem_shared>> -> memref<64x128xf32, #tpu.memory_space<vmem_shared>>
      %dma_start3A_247 = arith.constant 0 : i32
      %dma_start3A_248 = tpu.memref_slice %arg6[%add3A_78, %dma_start3A_247] : memref<10240x128xf32, #tpu.memory_space<vmem_shared>> -> memref<64x128xf32, #tpu.memory_space<vmem_shared>>
      tpu.enqueue_dma source(%arg19 : memref<64x128xf32, #tpu.memory_space<vmem>>) target(%dma_start3A_248 : memref<64x128xf32, #tpu.memory_space<vmem_shared>>) target_semaphore(%run_scoped3A_244 : memref<!tpu.dma_semaphore, #tpu.memory_space<semaphore_mem>>)
      %dma_wait3A_249 = arith.constant 0 : i32
      %dma_wait3A_250 = tpu.memref_slice %arg6[%add3A_78, %dma_wait3A_249] : memref<10240x128xf32, #tpu.memory_space<vmem_shared>> -> memref<64x128xf32, #tpu.memory_space<vmem_shared>>
      %dma_wait3A_251 = arith.constant 0 : i32
      %dma_wait3A_252 = tpu.memref_slice %arg6[%add3A_78, %dma_wait3A_251] : memref<10240x128xf32, #tpu.memory_space<vmem_shared>> -> memref<64x128xf32, #tpu.memory_space<vmem_shared>>
      tpu.wait_dma2 semaphore(%run_scoped3A_244 : memref<!tpu.dma_semaphore, #tpu.memory_space<semaphore_mem>>) src(%arg19 : memref<64x128xf32, #tpu.memory_space<vmem>>) dst(%dma_wait3A_252 : memref<64x128xf32, #tpu.memory_space<vmem_shared>>)
      tpu.yield
    }) : () -> ()
    %add3A_79 = arith.constant 128 : i32
    %add3A_80 = arith.addi %mul3A_0, %add3A_79 : i32
    "tpu.region"() ({
      %run_scoped3A_244 = tpu.sem_alloc : memref<!tpu.dma_semaphore, #tpu.memory_space<semaphore_mem>>
      %dma_start3A_245 = arith.constant 0 : i32
      %dma_start3A_246 = tpu.memref_slice %arg6[%add3A_80, %dma_start3A_245] : memref<10240x128xf32, #tpu.memory_space<vmem_shared>> -> memref<64x128xf32, #tpu.memory_space<vmem_shared>>
      %dma_start3A_247 = arith.constant 0 : i32
      %dma_start3A_248 = tpu.memref_slice %arg6[%add3A_80, %dma_start3A_247] : memref<10240x128xf32, #tpu.memory_space<vmem_shared>> -> memref<64x128xf32, #tpu.memory_space<vmem_shared>>
      tpu.enqueue_dma source(%arg19 : memref<64x128xf32, #tpu.memory_space<vmem>>) target(%dma_start3A_248 : memref<64x128xf32, #tpu.memory_space<vmem_shared>>) target_semaphore(%run_scoped3A_244 : memref<!tpu.dma_semaphore, #tpu.memory_space<semaphore_mem>>)
      %dma_wait3A_249 = arith.constant 0 : i32
      %dma_wait3A_250 = tpu.memref_slice %arg6[%add3A_80, %dma_wait3A_249] : memref<10240x128xf32, #tpu.memory_space<vmem_shared>> -> memref<64x128xf32, #tpu.memory_space<vmem_shared>>
      %dma_wait3A_251 = arith.constant 0 : i32
      %dma_wait3A_252 = tpu.memref_slice %arg6[%add3A_80, %dma_wait3A_251] : memref<10240x128xf32, #tpu.memory_space<vmem_shared>> -> memref<64x128xf32, #tpu.memory_space<vmem_shared>>
      tpu.wait_dma2 semaphore(%run_scoped3A_244 : memref<!tpu.dma_semaphore, #tpu.memory_space<semaphore_mem>>) src(%arg19 : memref<64x128xf32, #tpu.memory_space<vmem>>) dst(%dma_wait3A_252 : memref<64x128xf32, #tpu.memory_space<vmem_shared>>)
      tpu.yield
    }) : () -> ()
    %add3A_81 = arith.constant 192 : i32
    %add3A_82 = arith.addi %mul3A_0, %add3A_81 : i32
    "tpu.region"() ({
      %run_scoped3A_244 = tpu.sem_alloc : memref<!tpu.dma_semaphore, #tpu.memory_space<semaphore_mem>>
      %dma_start3A_245 = arith.constant 0 : i32
      %dma_start3A_246 = tpu.memref_slice %arg6[%add3A_82, %dma_start3A_245] : memref<10240x128xf32, #tpu.memory_space<vmem_shared>> -> memref<64x128xf32, #tpu.memory_space<vmem_shared>>
      %dma_start3A_247 = arith.constant 0 : i32
      %dma_start3A_248 = tpu.memref_slice %arg6[%add3A_82, %dma_start3A_247] : memref<10240x128xf32, #tpu.memory_space<vmem_shared>> -> memref<64x128xf32, #tpu.memory_space<vmem_shared>>
      tpu.enqueue_dma source(%arg19 : memref<64x128xf32, #tpu.memory_space<vmem>>) target(%dma_start3A_248 : memref<64x128xf32, #tpu.memory_space<vmem_shared>>) target_semaphore(%run_scoped3A_244 : memref<!tpu.dma_semaphore, #tpu.memory_space<semaphore_mem>>)
      %dma_wait3A_249 = arith.constant 0 : i32
      %dma_wait3A_250 = tpu.memref_slice %arg6[%add3A_82, %dma_wait3A_249] : memref<10240x128xf32, #tpu.memory_space<vmem_shared>> -> memref<64x128xf32, #tpu.memory_space<vmem_shared>>
      %dma_wait3A_251 = arith.constant 0 : i32
      %dma_wait3A_252 = tpu.memref_slice %arg6[%add3A_82, %dma_wait3A_251] : memref<10240x128xf32, #tpu.memory_space<vmem_shared>> -> memref<64x128xf32, #tpu.memory_space<vmem_shared>>
      tpu.wait_dma2 semaphore(%run_scoped3A_244 : memref<!tpu.dma_semaphore, #tpu.memory_space<semaphore_mem>>) src(%arg19 : memref<64x128xf32, #tpu.memory_space<vmem>>) dst(%dma_wait3A_252 : memref<64x128xf32, #tpu.memory_space<vmem_shared>>)
      tpu.yield
    }) : () -> ()
    %add3A_83 = arith.constant 256 : i32
    %add3A_84 = arith.addi %mul3A_0, %add3A_83 : i32
    "tpu.region"() ({
      %run_scoped3A_244 = tpu.sem_alloc : memref<!tpu.dma_semaphore, #tpu.memory_space<semaphore_mem>>
      %dma_start3A_245 = arith.constant 0 : i32
      %dma_start3A_246 = tpu.memref_slice %arg6[%add3A_84, %dma_start3A_245] : memref<10240x128xf32, #tpu.memory_space<vmem_shared>> -> memref<64x128xf32, #tpu.memory_space<vmem_shared>>
      %dma_start3A_247 = arith.constant 0 : i32
      %dma_start3A_248 = tpu.memref_slice %arg6[%add3A_84, %dma_start3A_247] : memref<10240x128xf32, #tpu.memory_space<vmem_shared>> -> memref<64x128xf32, #tpu.memory_space<vmem_shared>>
      tpu.enqueue_dma source(%arg19 : memref<64x128xf32, #tpu.memory_space<vmem>>) target(%dma_start3A_248 : memref<64x128xf32, #tpu.memory_space<vmem_shared>>) target_semaphore(%run_scoped3A_244 : memref<!tpu.dma_semaphore, #tpu.memory_space<semaphore_mem>>)
      %dma_wait3A_249 = arith.constant 0 : i32
      %dma_wait3A_250 = tpu.memref_slice %arg6[%add3A_84, %dma_wait3A_249] : memref<10240x128xf32, #tpu.memory_space<vmem_shared>> -> memref<64x128xf32, #tpu.memory_space<vmem_shared>>
      %dma_wait3A_251 = arith.constant 0 : i32
      %dma_wait3A_252 = tpu.memref_slice %arg6[%add3A_84, %dma_wait3A_251] : memref<10240x128xf32, #tpu.memory_space<vmem_shared>> -> memref<64x128xf32, #tpu.memory_space<vmem_shared>>
      tpu.wait_dma2 semaphore(%run_scoped3A_244 : memref<!tpu.dma_semaphore, #tpu.memory_space<semaphore_mem>>) src(%arg19 : memref<64x128xf32, #tpu.memory_space<vmem>>) dst(%dma_wait3A_252 : memref<64x128xf32, #tpu.memory_space<vmem_shared>>)
      tpu.yield
    }) : () -> ()
    %add3A_85 = arith.constant 320 : i32
    %add3A_86 = arith.addi %mul3A_0, %add3A_85 : i32
    "tpu.region"() ({
      %run_scoped3A_244 = tpu.sem_alloc : memref<!tpu.dma_semaphore, #tpu.memory_space<semaphore_mem>>
      %dma_start3A_245 = arith.constant 0 : i32
      %dma_start3A_246 = tpu.memref_slice %arg6[%add3A_86, %dma_start3A_245] : memref<10240x128xf32, #tpu.memory_space<vmem_shared>> -> memref<64x128xf32, #tpu.memory_space<vmem_shared>>
      %dma_start3A_247 = arith.constant 0 : i32
      %dma_start3A_248 = tpu.memref_slice %arg6[%add3A_86, %dma_start3A_247] : memref<10240x128xf32, #tpu.memory_space<vmem_shared>> -> memref<64x128xf32, #tpu.memory_space<vmem_shared>>
      tpu.enqueue_dma source(%arg19 : memref<64x128xf32, #tpu.memory_space<vmem>>) target(%dma_start3A_248 : memref<64x128xf32, #tpu.memory_space<vmem_shared>>) target_semaphore(%run_scoped3A_244 : memref<!tpu.dma_semaphore, #tpu.memory_space<semaphore_mem>>)
      %dma_wait3A_249 = arith.constant 0 : i32
      %dma_wait3A_250 = tpu.memref_slice %arg6[%add3A_86, %dma_wait3A_249] : memref<10240x128xf32, #tpu.memory_space<vmem_shared>> -> memref<64x128xf32, #tpu.memory_space<vmem_shared>>
      %dma_wait3A_251 = arith.constant 0 : i32
      %dma_wait3A_252 = tpu.memref_slice %arg6[%add3A_86, %dma_wait3A_251] : memref<10240x128xf32, #tpu.memory_space<vmem_shared>> -> memref<64x128xf32, #tpu.memory_space<vmem_shared>>
      tpu.wait_dma2 semaphore(%run_scoped3A_244 : memref<!tpu.dma_semaphore, #tpu.memory_space<semaphore_mem>>) src(%arg19 : memref<64x128xf32, #tpu.memory_space<vmem>>) dst(%dma_wait3A_252 : memref<64x128xf32, #tpu.memory_space<vmem_shared>>)
      tpu.yield
    }) : () -> ()
    %add3A_87 = arith.constant 384 : i32
    %add3A_88 = arith.addi %mul3A_0, %add3A_87 : i32
    "tpu.region"() ({
      %run_scoped3A_244 = tpu.sem_alloc : memref<!tpu.dma_semaphore, #tpu.memory_space<semaphore_mem>>
      %dma_start3A_245 = arith.constant 0 : i32
      %dma_start3A_246 = tpu.memref_slice %arg6[%add3A_88, %dma_start3A_245] : memref<10240x128xf32, #tpu.memory_space<vmem_shared>> -> memref<64x128xf32, #tpu.memory_space<vmem_shared>>
      %dma_start3A_247 = arith.constant 0 : i32
      %dma_start3A_248 = tpu.memref_slice %arg6[%add3A_88, %dma_start3A_247] : memref<10240x128xf32, #tpu.memory_space<vmem_shared>> -> memref<64x128xf32, #tpu.memory_space<vmem_shared>>
      tpu.enqueue_dma source(%arg19 : memref<64x128xf32, #tpu.memory_space<vmem>>) target(%dma_start3A_248 : memref<64x128xf32, #tpu.memory_space<vmem_shared>>) target_semaphore(%run_scoped3A_244 : memref<!tpu.dma_semaphore, #tpu.memory_space<semaphore_mem>>)
      %dma_wait3A_249 = arith.constant 0 : i32
      %dma_wait3A_250 = tpu.memref_slice %arg6[%add3A_88, %dma_wait3A_249] : memref<10240x128xf32, #tpu.memory_space<vmem_shared>> -> memref<64x128xf32, #tpu.memory_space<vmem_shared>>
      %dma_wait3A_251 = arith.constant 0 : i32
      %dma_wait3A_252 = tpu.memref_slice %arg6[%add3A_88, %dma_wait3A_251] : memref<10240x128xf32, #tpu.memory_space<vmem_shared>> -> memref<64x128xf32, #tpu.memory_space<vmem_shared>>
      tpu.wait_dma2 semaphore(%run_scoped3A_244 : memref<!tpu.dma_semaphore, #tpu.memory_space<semaphore_mem>>) src(%arg19 : memref<64x128xf32, #tpu.memory_space<vmem>>) dst(%dma_wait3A_252 : memref<64x128xf32, #tpu.memory_space<vmem_shared>>)
      tpu.yield
    }) : () -> ()
    %add3A_89 = arith.constant 448 : i32
    %add3A_90 = arith.addi %mul3A_0, %add3A_89 : i32
    "tpu.region"() ({
      %run_scoped3A_244 = tpu.sem_alloc : memref<!tpu.dma_semaphore, #tpu.memory_space<semaphore_mem>>
      %dma_start3A_245 = arith.constant 0 : i32
      %dma_start3A_246 = tpu.memref_slice %arg6[%add3A_90, %dma_start3A_245] : memref<10240x128xf32, #tpu.memory_space<vmem_shared>> -> memref<64x128xf32, #tpu.memory_space<vmem_shared>>
      %dma_start3A_247 = arith.constant 0 : i32
      %dma_start3A_248 = tpu.memref_slice %arg6[%add3A_90, %dma_start3A_247] : memref<10240x128xf32, #tpu.memory_space<vmem_shared>> -> memref<64x128xf32, #tpu.memory_space<vmem_shared>>
      tpu.enqueue_dma source(%arg19 : memref<64x128xf32, #tpu.memory_space<vmem>>) target(%dma_start3A_248 : memref<64x128xf32, #tpu.memory_space<vmem_shared>>) target_semaphore(%run_scoped3A_244 : memref<!tpu.dma_semaphore, #tpu.memory_space<semaphore_mem>>)
      %dma_wait3A_249 = arith.constant 0 : i32
      %dma_wait3A_250 = tpu.memref_slice %arg6[%add3A_90, %dma_wait3A_249] : memref<10240x128xf32, #tpu.memory_space<vmem_shared>> -> memref<64x128xf32, #tpu.memory_space<vmem_shared>>
      %dma_wait3A_251 = arith.constant 0 : i32
      %dma_wait3A_252 = tpu.memref_slice %arg6[%add3A_90, %dma_wait3A_251] : memref<10240x128xf32, #tpu.memory_space<vmem_shared>> -> memref<64x128xf32, #tpu.memory_space<vmem_shared>>
      tpu.wait_dma2 semaphore(%run_scoped3A_244 : memref<!tpu.dma_semaphore, #tpu.memory_space<semaphore_mem>>) src(%arg19 : memref<64x128xf32, #tpu.memory_space<vmem>>) dst(%dma_wait3A_252 : memref<64x128xf32, #tpu.memory_space<vmem_shared>>)
      tpu.yield
    }) : () -> ()
    %add3A_91 = arith.constant 512 : i32
    %add3A_92 = arith.addi %mul3A_0, %add3A_91 : i32
    "tpu.region"() ({
      %run_scoped3A_244 = tpu.sem_alloc : memref<!tpu.dma_semaphore, #tpu.memory_space<semaphore_mem>>
      %dma_start3A_245 = arith.constant 0 : i32
      %dma_start3A_246 = tpu.memref_slice %arg6[%add3A_92, %dma_start3A_245] : memref<10240x128xf32, #tpu.memory_space<vmem_shared>> -> memref<64x128xf32, #tpu.memory_space<vmem_shared>>
      %dma_start3A_247 = arith.constant 0 : i32
      %dma_start3A_248 = tpu.memref_slice %arg6[%add3A_92, %dma_start3A_247] : memref<10240x128xf32, #tpu.memory_space<vmem_shared>> -> memref<64x128xf32, #tpu.memory_space<vmem_shared>>
      tpu.enqueue_dma source(%arg19 : memref<64x128xf32, #tpu.memory_space<vmem>>) target(%dma_start3A_248 : memref<64x128xf32, #tpu.memory_space<vmem_shared>>) target_semaphore(%run_scoped3A_244 : memref<!tpu.dma_semaphore, #tpu.memory_space<semaphore_mem>>)
      %dma_wait3A_249 = arith.constant 0 : i32
      %dma_wait3A_250 = tpu.memref_slice %arg6[%add3A_92, %dma_wait3A_249] : memref<10240x128xf32, #tpu.memory_space<vmem_shared>> -> memref<64x128xf32, #tpu.memory_space<vmem_shared>>
      %dma_wait3A_251 = arith.constant 0 : i32
      %dma_wait3A_252 = tpu.memref_slice %arg6[%add3A_92, %dma_wait3A_251] : memref<10240x128xf32, #tpu.memory_space<vmem_shared>> -> memref<64x128xf32, #tpu.memory_space<vmem_shared>>
      tpu.wait_dma2 semaphore(%run_scoped3A_244 : memref<!tpu.dma_semaphore, #tpu.memory_space<semaphore_mem>>) src(%arg19 : memref<64x128xf32, #tpu.memory_space<vmem>>) dst(%dma_wait3A_252 : memref<64x128xf32, #tpu.memory_space<vmem_shared>>)
      tpu.yield
    }) : () -> ()
    %add3A_93 = arith.constant 576 : i32
    %add3A_94 = arith.addi %mul3A_0, %add3A_93 : i32
    "tpu.region"() ({
      %run_scoped3A_244 = tpu.sem_alloc : memref<!tpu.dma_semaphore, #tpu.memory_space<semaphore_mem>>
      %dma_start3A_245 = arith.constant 0 : i32
      %dma_start3A_246 = tpu.memref_slice %arg6[%add3A_94, %dma_start3A_245] : memref<10240x128xf32, #tpu.memory_space<vmem_shared>> -> memref<64x128xf32, #tpu.memory_space<vmem_shared>>
      %dma_start3A_247 = arith.constant 0 : i32
      %dma_start3A_248 = tpu.memref_slice %arg6[%add3A_94, %dma_start3A_247] : memref<10240x128xf32, #tpu.memory_space<vmem_shared>> -> memref<64x128xf32, #tpu.memory_space<vmem_shared>>
      tpu.enqueue_dma source(%arg19 : memref<64x128xf32, #tpu.memory_space<vmem>>) target(%dma_start3A_248 : memref<64x128xf32, #tpu.memory_space<vmem_shared>>) target_semaphore(%run_scoped3A_244 : memref<!tpu.dma_semaphore, #tpu.memory_space<semaphore_mem>>)
      %dma_wait3A_249 = arith.constant 0 : i32
      %dma_wait3A_250 = tpu.memref_slice %arg6[%add3A_94, %dma_wait3A_249] : memref<10240x128xf32, #tpu.memory_space<vmem_shared>> -> memref<64x128xf32, #tpu.memory_space<vmem_shared>>
      %dma_wait3A_251 = arith.constant 0 : i32
      %dma_wait3A_252 = tpu.memref_slice %arg6[%add3A_94, %dma_wait3A_251] : memref<10240x128xf32, #tpu.memory_space<vmem_shared>> -> memref<64x128xf32, #tpu.memory_space<vmem_shared>>
      tpu.wait_dma2 semaphore(%run_scoped3A_244 : memref<!tpu.dma_semaphore, #tpu.memory_space<semaphore_mem>>) src(%arg19 : memref<64x128xf32, #tpu.memory_space<vmem>>) dst(%dma_wait3A_252 : memref<64x128xf32, #tpu.memory_space<vmem_shared>>)
      tpu.yield
    }) : () -> ()
    %barrier3A = arith.constant 0 : index
    tpu.barrier barrier_id(%barrier3A)
    %scan3A = arith.constant 0 : i32
    %scan3A_95 = arith.constant 0 : i32
    %scan3A_96 = arith.constant 19 : i32
    %scan3A_97 = arith.addi %scan3A_95, %scan3A_96 : i32
    %scan3A_98 = arith.constant 1 : i32
    scf.for %scan3A_244 = %scan3A_95 to %scan3A_97 step %scan3A_98  : i32 {
      %mul3A_245 = arith.constant 4 : i32
      %mul3A_246 = arith.muli %mul3A_245, %scan3A_244 : i32
      %add3A_247 = arith.addi %mul3A_4, %mul3A_246 : i32
      %add3A_248 = arith.constant 0 : i32
      %add3A_249 = arith.addi %add3A_247, %add3A_248 : i32
      %add3A_250 = arith.constant 4 : i32
      %add3A_251 = arith.addi %add3A_249, %add3A_250 : i32
      %dma_wait3A_252 = arith.constant 0 : i32
      %dma_wait3A_253 = arith.constant 0 : i32
      %dma_wait3A_254 = tpu.memref_slice %arg7[%dma_wait3A_252, %dma_wait3A_253] : memref<2x128xi32, #tpu.memory_space<vmem>> -> memref<1x128xi32, #tpu.memory_space<vmem>>
      %dma_wait3A_255 = tpu.memref_squeeze %dma_wait3A_254 : memref<1x128xi32, #tpu.memory_space<vmem>> -> memref<128xi32, #tpu.memory_space<vmem>>
      %dma_wait3A_256 = arith.constant 0 : i32
      %dma_wait3A_257 = arith.constant 0 : i32
      %dma_wait3A_258 = tpu.memref_slice %arg2[%dma_wait3A_256, %dma_wait3A_257] : memref<10000x128xf32, #tpu.memory_space<hbm>> -> memref<10000x128xf32, #tpu.memory_space<hbm>>
      tpu.wait_indirect_dma semaphore(%arg17 : memref<!tpu.dma_semaphore, #tpu.memory_space<semaphore_mem>>) src(%dma_wait3A_258 : memref<10000x128xf32, #tpu.memory_space<hbm>>) dst(%arg11 : memref<128x128xf32, #tpu.memory_space<vmem>>)
      %run_scoped3A_259 = arith.constant 1 : i32
      "tpu.region"() ({
        %run_scoped3A_401 = tpu.sem_alloc : memref<!tpu.dma_semaphore, #tpu.memory_space<semaphore_mem>>
        %dma_start3A_402 = arith.constant 0 : i32
        %dma_start3A_403 = tpu.memref_slice %arg7[%run_scoped3A_259, %dma_start3A_402] : memref<2x128xi32, #tpu.memory_space<vmem>> -> memref<1x128xi32, #tpu.memory_space<vmem>>
        %dma_start3A_404 = tpu.memref_squeeze %dma_start3A_403 : memref<1x128xi32, #tpu.memory_space<vmem>> -> memref<128xi32, #tpu.memory_space<vmem>>
        %dma_start3A_405 = arith.constant 0 : i32
        %dma_start3A_406 = arith.constant 0 : i32
        %dma_start3A_407 = tpu.memref_slice %arg6[%dma_start3A_405, %dma_start3A_406] : memref<10240x128xf32, #tpu.memory_space<vmem_shared>> -> memref<10240x128xf32, #tpu.memory_space<vmem_shared>>
        tpu.enqueue_indirect_dma source(%arg11 : memref<128x128xf32, #tpu.memory_space<vmem>>) target(%dma_start3A_407 : memref<10240x128xf32, #tpu.memory_space<vmem_shared>>) offsets(%dma_start3A_404 : memref<128xi32, #tpu.memory_space<vmem>>) semaphore(%run_scoped3A_401 : memref<!tpu.dma_semaphore, #tpu.memory_space<semaphore_mem>>) {add = true}
        %dma_wait3A_408 = arith.constant 0 : i32
        %dma_wait3A_409 = tpu.memref_slice %arg7[%run_scoped3A_259, %dma_wait3A_408] : memref<2x128xi32, #tpu.memory_space<vmem>> -> memref<1x128xi32, #tpu.memory_space<vmem>>
        %dma_wait3A_410 = tpu.memref_squeeze %dma_wait3A_409 : memref<1x128xi32, #tpu.memory_space<vmem>> -> memref<128xi32, #tpu.memory_space<vmem>>
        %dma_wait3A_411 = arith.constant 0 : i32
        %dma_wait3A_412 = arith.constant 0 : i32
        %dma_wait3A_413 = tpu.memref_slice %arg6[%dma_wait3A_411, %dma_wait3A_412] : memref<10240x128xf32, #tpu.memory_space<vmem_shared>> -> memref<10240x128xf32, #tpu.memory_space<vmem_shared>>
        tpu.wait_indirect_dma semaphore(%run_scoped3A_401 : memref<!tpu.dma_semaphore, #tpu.memory_space<semaphore_mem>>) src(%arg11 : memref<128x128xf32, #tpu.memory_space<vmem>>) dst(%dma_wait3A_413 : memref<10240x128xf32, #tpu.memory_space<vmem_shared>>)
        tpu.yield
      }) : () -> ()
      %dma_start3A_260 = arith.constant 0 : i32
      %dma_start3A_261 = arith.constant 0 : i32
      %dma_start3A_262 = tpu.memref_slice %arg3[%add3A_251, %dma_start3A_260, %dma_start3A_261] : memref<2560x2x128xi32, #tpu.memory_space<hbm>> -> memref<1x2x128xi32, #tpu.memory_space<hbm>>
      %dma_start3A_263 = tpu.memref_squeeze %dma_start3A_262 : memref<1x2x128xi32, #tpu.memory_space<hbm>> -> memref<2x128xi32, #tpu.memory_space<hbm>>
      %dma_start3A_264 = arith.constant 0 : i32
      %dma_start3A_265 = arith.constant 0 : i32
      %dma_start3A_266 = tpu.memref_slice %arg3[%add3A_251, %dma_start3A_264, %dma_start3A_265] : memref<2560x2x128xi32, #tpu.memory_space<hbm>> -> memref<1x2x128xi32, #tpu.memory_space<hbm>>
      %dma_start3A_267 = tpu.memref_squeeze %dma_start3A_266 : memref<1x2x128xi32, #tpu.memory_space<hbm>> -> memref<2x128xi32, #tpu.memory_space<hbm>>
      tpu.enqueue_dma source(%dma_start3A_267 : memref<2x128xi32, #tpu.memory_space<hbm>>) target(%arg7 : memref<2x128xi32, #tpu.memory_space<vmem>>) target_semaphore(%arg13 : memref<!tpu.dma_semaphore, #tpu.memory_space<semaphore_mem>>)
      %dma_wait3A_268 = arith.constant 0 : i32
      %dma_wait3A_269 = arith.constant 0 : i32
      %dma_wait3A_270 = arith.constant 0 : i32
      %dma_wait3A_271 = tpu.memref_slice %arg3[%dma_wait3A_268, %dma_wait3A_269, %dma_wait3A_270] : memref<2560x2x128xi32, #tpu.memory_space<hbm>> -> memref<1x2x128xi32, #tpu.memory_space<hbm>>
      %dma_wait3A_272 = tpu.memref_squeeze %dma_wait3A_271 : memref<1x2x128xi32, #tpu.memory_space<hbm>> -> memref<2x128xi32, #tpu.memory_space<hbm>>
      %dma_wait3A_273 = arith.constant 0 : i32
      %dma_wait3A_274 = arith.constant 0 : i32
      %dma_wait3A_275 = tpu.memref_slice %arg3[%dma_wait3A_268, %dma_wait3A_273, %dma_wait3A_274] : memref<2560x2x128xi32, #tpu.memory_space<hbm>> -> memref<1x2x128xi32, #tpu.memory_space<hbm>>
      %dma_wait3A_276 = tpu.memref_squeeze %dma_wait3A_275 : memref<1x2x128xi32, #tpu.memory_space<hbm>> -> memref<2x128xi32, #tpu.memory_space<hbm>>
      tpu.wait_dma2 semaphore(%arg15 : memref<!tpu.dma_semaphore, #tpu.memory_space<semaphore_mem>>) src(%dma_wait3A_276 : memref<2x128xi32, #tpu.memory_space<hbm>>) dst(%arg9 : memref<2x128xi32, #tpu.memory_space<vmem>>)
      %dma_start3A_277 = arith.constant 0 : i32
      %dma_start3A_278 = arith.constant 0 : i32
      %dma_start3A_279 = tpu.memref_slice %arg9[%dma_start3A_277, %dma_start3A_278] : memref<2x128xi32, #tpu.memory_space<vmem>> -> memref<1x128xi32, #tpu.memory_space<vmem>>
      %dma_start3A_280 = tpu.memref_squeeze %dma_start3A_279 : memref<1x128xi32, #tpu.memory_space<vmem>> -> memref<128xi32, #tpu.memory_space<vmem>>
      %dma_start3A_281 = arith.constant 0 : i32
      %dma_start3A_282 = arith.constant 0 : i32
      %dma_start3A_283 = tpu.memref_slice %arg2[%dma_start3A_281, %dma_start3A_282] : memref<10000x128xf32, #tpu.memory_space<hbm>> -> memref<10000x128xf32, #tpu.memory_space<hbm>>
      tpu.enqueue_indirect_dma source(%dma_start3A_283 : memref<10000x128xf32, #tpu.memory_space<hbm>>) target(%arg11 : memref<128x128xf32, #tpu.memory_space<vmem>>) offsets(%dma_start3A_280 : memref<128xi32, #tpu.memory_space<vmem>>) semaphore(%arg17 : memref<!tpu.dma_semaphore, #tpu.memory_space<semaphore_mem>>)
      %mul3A_284 = arith.constant 4 : i32
      %mul3A_285 = arith.muli %mul3A_284, %scan3A_244 : i32
      %add3A_286 = arith.addi %mul3A_4, %mul3A_285 : i32
      %add3A_287 = arith.constant 1 : i32
      %add3A_288 = arith.addi %add3A_286, %add3A_287 : i32
      %add3A_289 = arith.constant 4 : i32
      %add3A_290 = arith.addi %add3A_288, %add3A_289 : i32
      %dma_wait3A_291 = arith.constant 0 : i32
      %dma_wait3A_292 = arith.constant 0 : i32
      %dma_wait3A_293 = tpu.memref_slice %arg8[%dma_wait3A_291, %dma_wait3A_292] : memref<2x128xi32, #tpu.memory_space<vmem>> -> memref<1x128xi32, #tpu.memory_space<vmem>>
      %dma_wait3A_294 = tpu.memref_squeeze %dma_wait3A_293 : memref<1x128xi32, #tpu.memory_space<vmem>> -> memref<128xi32, #tpu.memory_space<vmem>>
      %dma_wait3A_295 = arith.constant 0 : i32
      %dma_wait3A_296 = arith.constant 0 : i32
      %dma_wait3A_297 = tpu.memref_slice %arg2[%dma_wait3A_295, %dma_wait3A_296] : memref<10000x128xf32, #tpu.memory_space<hbm>> -> memref<10000x128xf32, #tpu.memory_space<hbm>>
      tpu.wait_indirect_dma semaphore(%arg18 : memref<!tpu.dma_semaphore, #tpu.memory_space<semaphore_mem>>) src(%dma_wait3A_297 : memref<10000x128xf32, #tpu.memory_space<hbm>>) dst(%arg12 : memref<128x128xf32, #tpu.memory_space<vmem>>)
      %run_scoped3A_298 = arith.constant 1 : i32
      "tpu.region"() ({
        %run_scoped3A_401 = tpu.sem_alloc : memref<!tpu.dma_semaphore, #tpu.memory_space<semaphore_mem>>
        %dma_start3A_402 = arith.constant 0 : i32
        %dma_start3A_403 = tpu.memref_slice %arg8[%run_scoped3A_298, %dma_start3A_402] : memref<2x128xi32, #tpu.memory_space<vmem>> -> memref<1x128xi32, #tpu.memory_space<vmem>>
        %dma_start3A_404 = tpu.memref_squeeze %dma_start3A_403 : memref<1x128xi32, #tpu.memory_space<vmem>> -> memref<128xi32, #tpu.memory_space<vmem>>
        %dma_start3A_405 = arith.constant 0 : i32
        %dma_start3A_406 = arith.constant 0 : i32
        %dma_start3A_407 = tpu.memref_slice %arg6[%dma_start3A_405, %dma_start3A_406] : memref<10240x128xf32, #tpu.memory_space<vmem_shared>> -> memref<10240x128xf32, #tpu.memory_space<vmem_shared>>
        tpu.enqueue_indirect_dma source(%arg12 : memref<128x128xf32, #tpu.memory_space<vmem>>) target(%dma_start3A_407 : memref<10240x128xf32, #tpu.memory_space<vmem_shared>>) offsets(%dma_start3A_404 : memref<128xi32, #tpu.memory_space<vmem>>) semaphore(%run_scoped3A_401 : memref<!tpu.dma_semaphore, #tpu.memory_space<semaphore_mem>>) {add = true}
        %dma_wait3A_408 = arith.constant 0 : i32
        %dma_wait3A_409 = tpu.memref_slice %arg8[%run_scoped3A_298, %dma_wait3A_408] : memref<2x128xi32, #tpu.memory_space<vmem>> -> memref<1x128xi32, #tpu.memory_space<vmem>>
        %dma_wait3A_410 = tpu.memref_squeeze %dma_wait3A_409 : memref<1x128xi32, #tpu.memory_space<vmem>> -> memref<128xi32, #tpu.memory_space<vmem>>
        %dma_wait3A_411 = arith.constant 0 : i32
        %dma_wait3A_412 = arith.constant 0 : i32
        %dma_wait3A_413 = tpu.memref_slice %arg6[%dma_wait3A_411, %dma_wait3A_412] : memref<10240x128xf32, #tpu.memory_space<vmem_shared>> -> memref<10240x128xf32, #tpu.memory_space<vmem_shared>>
        tpu.wait_indirect_dma semaphore(%run_scoped3A_401 : memref<!tpu.dma_semaphore, #tpu.memory_space<semaphore_mem>>) src(%arg12 : memref<128x128xf32, #tpu.memory_space<vmem>>) dst(%dma_wait3A_413 : memref<10240x128xf32, #tpu.memory_space<vmem_shared>>)
        tpu.yield
      }) : () -> ()
      %dma_start3A_299 = arith.constant 0 : i32
      %dma_start3A_300 = arith.constant 0 : i32
      %dma_start3A_301 = tpu.memref_slice %arg3[%add3A_290, %dma_start3A_299, %dma_start3A_300] : memref<2560x2x128xi32, #tpu.memory_space<hbm>> -> memref<1x2x128xi32, #tpu.memory_space<hbm>>
      %dma_start3A_302 = tpu.memref_squeeze %dma_start3A_301 : memref<1x2x128xi32, #tpu.memory_space<hbm>> -> memref<2x128xi32, #tpu.memory_space<hbm>>
      %dma_start3A_303 = arith.constant 0 : i32
      %dma_start3A_304 = arith.constant 0 : i32
      %dma_start3A_305 = tpu.memref_slice %arg3[%add3A_290, %dma_start3A_303, %dma_start3A_304] : memref<2560x2x128xi32, #tpu.memory_space<hbm>> -> memref<1x2x128xi32, #tpu.memory_space<hbm>>
      %dma_start3A_306 = tpu.memref_squeeze %dma_start3A_305 : memref<1x2x128xi32, #tpu.memory_space<hbm>> -> memref<2x128xi32, #tpu.memory_space<hbm>>
      tpu.enqueue_dma source(%dma_start3A_306 : memref<2x128xi32, #tpu.memory_space<hbm>>) target(%arg8 : memref<2x128xi32, #tpu.memory_space<vmem>>) target_semaphore(%arg14 : memref<!tpu.dma_semaphore, #tpu.memory_space<semaphore_mem>>)
      %dma_wait3A_307 = arith.constant 0 : i32
      %dma_wait3A_308 = arith.constant 0 : i32
      %dma_wait3A_309 = arith.constant 0 : i32
      %dma_wait3A_310 = tpu.memref_slice %arg3[%dma_wait3A_307, %dma_wait3A_308, %dma_wait3A_309] : memref<2560x2x128xi32, #tpu.memory_space<hbm>> -> memref<1x2x128xi32, #tpu.memory_space<hbm>>
      %dma_wait3A_311 = tpu.memref_squeeze %dma_wait3A_310 : memref<1x2x128xi32, #tpu.memory_space<hbm>> -> memref<2x128xi32, #tpu.memory_space<hbm>>
      %dma_wait3A_312 = arith.constant 0 : i32
      %dma_wait3A_313 = arith.constant 0 : i32
      %dma_wait3A_314 = tpu.memref_slice %arg3[%dma_wait3A_307, %dma_wait3A_312, %dma_wait3A_313] : memref<2560x2x128xi32, #tpu.memory_space<hbm>> -> memref<1x2x128xi32, #tpu.memory_space<hbm>>
      %dma_wait3A_315 = tpu.memref_squeeze %dma_wait3A_314 : memref<1x2x128xi32, #tpu.memory_space<hbm>> -> memref<2x128xi32, #tpu.memory_space<hbm>>
      tpu.wait_dma2 semaphore(%arg16 : memref<!tpu.dma_semaphore, #tpu.memory_space<semaphore_mem>>) src(%dma_wait3A_315 : memref<2x128xi32, #tpu.memory_space<hbm>>) dst(%arg10 : memref<2x128xi32, #tpu.memory_space<vmem>>)
      %dma_start3A_316 = arith.constant 0 : i32
      %dma_start3A_317 = arith.constant 0 : i32
      %dma_start3A_318 = tpu.memref_slice %arg10[%dma_start3A_316, %dma_start3A_317] : memref<2x128xi32, #tpu.memory_space<vmem>> -> memref<1x128xi32, #tpu.memory_space<vmem>>
      %dma_start3A_319 = tpu.memref_squeeze %dma_start3A_318 : memref<1x128xi32, #tpu.memory_space<vmem>> -> memref<128xi32, #tpu.memory_space<vmem>>
      %dma_start3A_320 = arith.constant 0 : i32
      %dma_start3A_321 = arith.constant 0 : i32
      %dma_start3A_322 = tpu.memref_slice %arg2[%dma_start3A_320, %dma_start3A_321] : memref<10000x128xf32, #tpu.memory_space<hbm>> -> memref<10000x128xf32, #tpu.memory_space<hbm>>
      tpu.enqueue_indirect_dma source(%dma_start3A_322 : memref<10000x128xf32, #tpu.memory_space<hbm>>) target(%arg12 : memref<128x128xf32, #tpu.memory_space<vmem>>) offsets(%dma_start3A_319 : memref<128xi32, #tpu.memory_space<vmem>>) semaphore(%arg18 : memref<!tpu.dma_semaphore, #tpu.memory_space<semaphore_mem>>)
      %mul3A_323 = arith.constant 4 : i32
      %mul3A_324 = arith.muli %mul3A_323, %scan3A_244 : i32
      %add3A_325 = arith.addi %mul3A_4, %mul3A_324 : i32
      %add3A_326 = arith.constant 2 : i32
      %add3A_327 = arith.addi %add3A_325, %add3A_326 : i32
      %add3A_328 = arith.constant 4 : i32
      %add3A_329 = arith.addi %add3A_327, %add3A_328 : i32
      %dma_wait3A_330 = arith.constant 0 : i32
      %dma_wait3A_331 = arith.constant 0 : i32
      %dma_wait3A_332 = tpu.memref_slice %arg9[%dma_wait3A_330, %dma_wait3A_331] : memref<2x128xi32, #tpu.memory_space<vmem>> -> memref<1x128xi32, #tpu.memory_space<vmem>>
      %dma_wait3A_333 = tpu.memref_squeeze %dma_wait3A_332 : memref<1x128xi32, #tpu.memory_space<vmem>> -> memref<128xi32, #tpu.memory_space<vmem>>
      %dma_wait3A_334 = arith.constant 0 : i32
      %dma_wait3A_335 = arith.constant 0 : i32
      %dma_wait3A_336 = tpu.memref_slice %arg2[%dma_wait3A_334, %dma_wait3A_335] : memref<10000x128xf32, #tpu.memory_space<hbm>> -> memref<10000x128xf32, #tpu.memory_space<hbm>>
      tpu.wait_indirect_dma semaphore(%arg17 : memref<!tpu.dma_semaphore, #tpu.memory_space<semaphore_mem>>) src(%dma_wait3A_336 : memref<10000x128xf32, #tpu.memory_space<hbm>>) dst(%arg11 : memref<128x128xf32, #tpu.memory_space<vmem>>)
      %run_scoped3A_337 = arith.constant 1 : i32
      "tpu.region"() ({
        %run_scoped3A_401 = tpu.sem_alloc : memref<!tpu.dma_semaphore, #tpu.memory_space<semaphore_mem>>
        %dma_start3A_402 = arith.constant 0 : i32
        %dma_start3A_403 = tpu.memref_slice %arg9[%run_scoped3A_337, %dma_start3A_402] : memref<2x128xi32, #tpu.memory_space<vmem>> -> memref<1x128xi32, #tpu.memory_space<vmem>>
        %dma_start3A_404 = tpu.memref_squeeze %dma_start3A_403 : memref<1x128xi32, #tpu.memory_space<vmem>> -> memref<128xi32, #tpu.memory_space<vmem>>
        %dma_start3A_405 = arith.constant 0 : i32
        %dma_start3A_406 = arith.constant 0 : i32
        %dma_start3A_407 = tpu.memref_slice %arg6[%dma_start3A_405, %dma_start3A_406] : memref<10240x128xf32, #tpu.memory_space<vmem_shared>> -> memref<10240x128xf32, #tpu.memory_space<vmem_shared>>
        tpu.enqueue_indirect_dma source(%arg11 : memref<128x128xf32, #tpu.memory_space<vmem>>) target(%dma_start3A_407 : memref<10240x128xf32, #tpu.memory_space<vmem_shared>>) offsets(%dma_start3A_404 : memref<128xi32, #tpu.memory_space<vmem>>) semaphore(%run_scoped3A_401 : memref<!tpu.dma_semaphore, #tpu.memory_space<semaphore_mem>>) {add = true}
        %dma_wait3A_408 = arith.constant 0 : i32
        %dma_wait3A_409 = tpu.memref_slice %arg9[%run_scoped3A_337, %dma_wait3A_408] : memref<2x128xi32, #tpu.memory_space<vmem>> -> memref<1x128xi32, #tpu.memory_space<vmem>>
        %dma_wait3A_410 = tpu.memref_squeeze %dma_wait3A_409 : memref<1x128xi32, #tpu.memory_space<vmem>> -> memref<128xi32, #tpu.memory_space<vmem>>
        %dma_wait3A_411 = arith.constant 0 : i32
        %dma_wait3A_412 = arith.constant 0 : i32
        %dma_wait3A_413 = tpu.memref_slice %arg6[%dma_wait3A_411, %dma_wait3A_412] : memref<10240x128xf32, #tpu.memory_space<vmem_shared>> -> memref<10240x128xf32, #tpu.memory_space<vmem_shared>>
        tpu.wait_indirect_dma semaphore(%run_scoped3A_401 : memref<!tpu.dma_semaphore, #tpu.memory_space<semaphore_mem>>) src(%arg11 : memref<128x128xf32, #tpu.memory_space<vmem>>) dst(%dma_wait3A_413 : memref<10240x128xf32, #tpu.memory_space<vmem_shared>>)
        tpu.yield
      }) : () -> ()
      %dma_start3A_338 = arith.constant 0 : i32
      %dma_start3A_339 = arith.constant 0 : i32
      %dma_start3A_340 = tpu.memref_slice %arg3[%add3A_329, %dma_start3A_338, %dma_start3A_339] : memref<2560x2x128xi32, #tpu.memory_space<hbm>> -> memref<1x2x128xi32, #tpu.memory_space<hbm>>
      %dma_start3A_341 = tpu.memref_squeeze %dma_start3A_340 : memref<1x2x128xi32, #tpu.memory_space<hbm>> -> memref<2x128xi32, #tpu.memory_space<hbm>>
      %dma_start3A_342 = arith.constant 0 : i32
      %dma_start3A_343 = arith.constant 0 : i32
      %dma_start3A_344 = tpu.memref_slice %arg3[%add3A_329, %dma_start3A_342, %dma_start3A_343] : memref<2560x2x128xi32, #tpu.memory_space<hbm>> -> memref<1x2x128xi32, #tpu.memory_space<hbm>>
      %dma_start3A_345 = tpu.memref_squeeze %dma_start3A_344 : memref<1x2x128xi32, #tpu.memory_space<hbm>> -> memref<2x128xi32, #tpu.memory_space<hbm>>
      tpu.enqueue_dma source(%dma_start3A_345 : memref<2x128xi32, #tpu.memory_space<hbm>>) target(%arg9 : memref<2x128xi32, #tpu.memory_space<vmem>>) target_semaphore(%arg15 : memref<!tpu.dma_semaphore, #tpu.memory_space<semaphore_mem>>)
      %dma_wait3A_346 = arith.constant 0 : i32
      %dma_wait3A_347 = arith.constant 0 : i32
      %dma_wait3A_348 = arith.constant 0 : i32
      %dma_wait3A_349 = tpu.memref_slice %arg3[%dma_wait3A_346, %dma_wait3A_347, %dma_wait3A_348] : memref<2560x2x128xi32, #tpu.memory_space<hbm>> -> memref<1x2x128xi32, #tpu.memory_space<hbm>>
      %dma_wait3A_350 = tpu.memref_squeeze %dma_wait3A_349 : memref<1x2x128xi32, #tpu.memory_space<hbm>> -> memref<2x128xi32, #tpu.memory_space<hbm>>
      %dma_wait3A_351 = arith.constant 0 : i32
      %dma_wait3A_352 = arith.constant 0 : i32
      %dma_wait3A_353 = tpu.memref_slice %arg3[%dma_wait3A_346, %dma_wait3A_351, %dma_wait3A_352] : memref<2560x2x128xi32, #tpu.memory_space<hbm>> -> memref<1x2x128xi32, #tpu.memory_space<hbm>>
      %dma_wait3A_354 = tpu.memref_squeeze %dma_wait3A_353 : memref<1x2x128xi32, #tpu.memory_space<hbm>> -> memref<2x128xi32, #tpu.memory_space<hbm>>
      tpu.wait_dma2 semaphore(%arg13 : memref<!tpu.dma_semaphore, #tpu.memory_space<semaphore_mem>>) src(%dma_wait3A_354 : memref<2x128xi32, #tpu.memory_space<hbm>>) dst(%arg7 : memref<2x128xi32, #tpu.memory_space<vmem>>)
      %dma_start3A_355 = arith.constant 0 : i32
      %dma_start3A_356 = arith.constant 0 : i32
      %dma_start3A_357 = tpu.memref_slice %arg7[%dma_start3A_355, %dma_start3A_356] : memref<2x128xi32, #tpu.memory_space<vmem>> -> memref<1x128xi32, #tpu.memory_space<vmem>>
      %dma_start3A_358 = tpu.memref_squeeze %dma_start3A_357 : memref<1x128xi32, #tpu.memory_space<vmem>> -> memref<128xi32, #tpu.memory_space<vmem>>
      %dma_start3A_359 = arith.constant 0 : i32
      %dma_start3A_360 = arith.constant 0 : i32
      %dma_start3A_361 = tpu.memref_slice %arg2[%dma_start3A_359, %dma_start3A_360] : memref<10000x128xf32, #tpu.memory_space<hbm>> -> memref<10000x128xf32, #tpu.memory_space<hbm>>
      tpu.enqueue_indirect_dma source(%dma_start3A_361 : memref<10000x128xf32, #tpu.memory_space<hbm>>) target(%arg11 : memref<128x128xf32, #tpu.memory_space<vmem>>) offsets(%dma_start3A_358 : memref<128xi32, #tpu.memory_space<vmem>>) semaphore(%arg17 : memref<!tpu.dma_semaphore, #tpu.memory_space<semaphore_mem>>)
      %mul3A_362 = arith.constant 4 : i32
      %mul3A_363 = arith.muli %mul3A_362, %scan3A_244 : i32
      %add3A_364 = arith.addi %mul3A_4, %mul3A_363 : i32
      %add3A_365 = arith.constant 3 : i32
      %add3A_366 = arith.addi %add3A_364, %add3A_365 : i32
      %add3A_367 = arith.constant 4 : i32
      %add3A_368 = arith.addi %add3A_366, %add3A_367 : i32
      %dma_wait3A_369 = arith.constant 0 : i32
      %dma_wait3A_370 = arith.constant 0 : i32
      %dma_wait3A_371 = tpu.memref_slice %arg10[%dma_wait3A_369, %dma_wait3A_370] : memref<2x128xi32, #tpu.memory_space<vmem>> -> memref<1x128xi32, #tpu.memory_space<vmem>>
      %dma_wait3A_372 = tpu.memref_squeeze %dma_wait3A_371 : memref<1x128xi32, #tpu.memory_space<vmem>> -> memref<128xi32, #tpu.memory_space<vmem>>
      %dma_wait3A_373 = arith.constant 0 : i32
      %dma_wait3A_374 = arith.constant 0 : i32
      %dma_wait3A_375 = tpu.memref_slice %arg2[%dma_wait3A_373, %dma_wait3A_374] : memref<10000x128xf32, #tpu.memory_space<hbm>> -> memref<10000x128xf32, #tpu.memory_space<hbm>>
      tpu.wait_indirect_dma semaphore(%arg18 : memref<!tpu.dma_semaphore, #tpu.memory_space<semaphore_mem>>) src(%dma_wait3A_375 : memref<10000x128xf32, #tpu.memory_space<hbm>>) dst(%arg12 : memref<128x128xf32, #tpu.memory_space<vmem>>)
      %run_scoped3A_376 = arith.constant 1 : i32
      "tpu.region"() ({
        %run_scoped3A_401 = tpu.sem_alloc : memref<!tpu.dma_semaphore, #tpu.memory_space<semaphore_mem>>
        %dma_start3A_402 = arith.constant 0 : i32
        %dma_start3A_403 = tpu.memref_slice %arg10[%run_scoped3A_376, %dma_start3A_402] : memref<2x128xi32, #tpu.memory_space<vmem>> -> memref<1x128xi32, #tpu.memory_space<vmem>>
        %dma_start3A_404 = tpu.memref_squeeze %dma_start3A_403 : memref<1x128xi32, #tpu.memory_space<vmem>> -> memref<128xi32, #tpu.memory_space<vmem>>
        %dma_start3A_405 = arith.constant 0 : i32
        %dma_start3A_406 = arith.constant 0 : i32
        %dma_start3A_407 = tpu.memref_slice %arg6[%dma_start3A_405, %dma_start3A_406] : memref<10240x128xf32, #tpu.memory_space<vmem_shared>> -> memref<10240x128xf32, #tpu.memory_space<vmem_shared>>
        tpu.enqueue_indirect_dma source(%arg12 : memref<128x128xf32, #tpu.memory_space<vmem>>) target(%dma_start3A_407 : memref<10240x128xf32, #tpu.memory_space<vmem_shared>>) offsets(%dma_start3A_404 : memref<128xi32, #tpu.memory_space<vmem>>) semaphore(%run_scoped3A_401 : memref<!tpu.dma_semaphore, #tpu.memory_space<semaphore_mem>>) {add = true}
        %dma_wait3A_408 = arith.constant 0 : i32
        %dma_wait3A_409 = tpu.memref_slice %arg10[%run_scoped3A_376, %dma_wait3A_408] : memref<2x128xi32, #tpu.memory_space<vmem>> -> memref<1x128xi32, #tpu.memory_space<vmem>>
        %dma_wait3A_410 = tpu.memref_squeeze %dma_wait3A_409 : memref<1x128xi32, #tpu.memory_space<vmem>> -> memref<128xi32, #tpu.memory_space<vmem>>
        %dma_wait3A_411 = arith.constant 0 : i32
        %dma_wait3A_412 = arith.constant 0 : i32
        %dma_wait3A_413 = tpu.memref_slice %arg6[%dma_wait3A_411, %dma_wait3A_412] : memref<10240x128xf32, #tpu.memory_space<vmem_shared>> -> memref<10240x128xf32, #tpu.memory_space<vmem_shared>>
        tpu.wait_indirect_dma semaphore(%run_scoped3A_401 : memref<!tpu.dma_semaphore, #tpu.memory_space<semaphore_mem>>) src(%arg12 : memref<128x128xf32, #tpu.memory_space<vmem>>) dst(%dma_wait3A_413 : memref<10240x128xf32, #tpu.memory_space<vmem_shared>>)
        tpu.yield
      }) : () -> ()
      %dma_start3A_377 = arith.constant 0 : i32
      %dma_start3A_378 = arith.constant 0 : i32
      %dma_start3A_379 = tpu.memref_slice %arg3[%add3A_368, %dma_start3A_377, %dma_start3A_378] : memref<2560x2x128xi32, #tpu.memory_space<hbm>> -> memref<1x2x128xi32, #tpu.memory_space<hbm>>
      %dma_start3A_380 = tpu.memref_squeeze %dma_start3A_379 : memref<1x2x128xi32, #tpu.memory_space<hbm>> -> memref<2x128xi32, #tpu.memory_space<hbm>>
      %dma_start3A_381 = arith.constant 0 : i32
      %dma_start3A_382 = arith.constant 0 : i32
      %dma_start3A_383 = tpu.memref_slice %arg3[%add3A_368, %dma_start3A_381, %dma_start3A_382] : memref<2560x2x128xi32, #tpu.memory_space<hbm>> -> memref<1x2x128xi32, #tpu.memory_space<hbm>>
      %dma_start3A_384 = tpu.memref_squeeze %dma_start3A_383 : memref<1x2x128xi32, #tpu.memory_space<hbm>> -> memref<2x128xi32, #tpu.memory_space<hbm>>
      tpu.enqueue_dma source(%dma_start3A_384 : memref<2x128xi32, #tpu.memory_space<hbm>>) target(%arg10 : memref<2x128xi32, #tpu.memory_space<vmem>>) target_semaphore(%arg16 : memref<!tpu.dma_semaphore, #tpu.memory_space<semaphore_mem>>)
      %dma_wait3A_385 = arith.constant 0 : i32
      %dma_wait3A_386 = arith.constant 0 : i32
      %dma_wait3A_387 = arith.constant 0 : i32
      %dma_wait3A_388 = tpu.memref_slice %arg3[%dma_wait3A_385, %dma_wait3A_386, %dma_wait3A_387] : memref<2560x2x128xi32, #tpu.memory_space<hbm>> -> memref<1x2x128xi32, #tpu.memory_space<hbm>>
      %dma_wait3A_389 = tpu.memref_squeeze %dma_wait3A_388 : memref<1x2x128xi32, #tpu.memory_space<hbm>> -> memref<2x128xi32, #tpu.memory_space<hbm>>
      %dma_wait3A_390 = arith.constant 0 : i32
      %dma_wait3A_391 = arith.constant 0 : i32
      %dma_wait3A_392 = tpu.memref_slice %arg3[%dma_wait3A_385, %dma_wait3A_390, %dma_wait3A_391] : memref<2560x2x128xi32, #tpu.memory_space<hbm>> -> memref<1x2x128xi32, #tpu.memory_space<hbm>>
      %dma_wait3A_393 = tpu.memref_squeeze %dma_wait3A_392 : memref<1x2x128xi32, #tpu.memory_space<hbm>> -> memref<2x128xi32, #tpu.memory_space<hbm>>
      tpu.wait_dma2 semaphore(%arg14 : memref<!tpu.dma_semaphore, #tpu.memory_space<semaphore_mem>>) src(%dma_wait3A_393 : memref<2x128xi32, #tpu.memory_space<hbm>>) dst(%arg8 : memref<2x128xi32, #tpu.memory_space<vmem>>)
      %dma_start3A_394 = arith.constant 0 : i32
      %dma_start3A_395 = arith.constant 0 : i32
      %dma_start3A_396 = tpu.memref_slice %arg8[%dma_start3A_394, %dma_start3A_395] : memref<2x128xi32, #tpu.memory_space<vmem>> -> memref<1x128xi32, #tpu.memory_space<vmem>>
      %dma_start3A_397 = tpu.memref_squeeze %dma_start3A_396 : memref<1x128xi32, #tpu.memory_space<vmem>> -> memref<128xi32, #tpu.memory_space<vmem>>
      %dma_start3A_398 = arith.constant 0 : i32
      %dma_start3A_399 = arith.constant 0 : i32
      %dma_start3A_400 = tpu.memref_slice %arg2[%dma_start3A_398, %dma_start3A_399] : memref<10000x128xf32, #tpu.memory_space<hbm>> -> memref<10000x128xf32, #tpu.memory_space<hbm>>
      tpu.enqueue_indirect_dma source(%dma_start3A_400 : memref<10000x128xf32, #tpu.memory_space<hbm>>) target(%arg12 : memref<128x128xf32, #tpu.memory_space<vmem>>) offsets(%dma_start3A_397 : memref<128xi32, #tpu.memory_space<vmem>>) semaphore(%arg18 : memref<!tpu.dma_semaphore, #tpu.memory_space<semaphore_mem>>)
    }
    %scan3A_99 = arith.constant 19 : i32
    %dma_wait3A_100 = arith.constant 0 : i32
    %dma_wait3A_101 = arith.constant 0 : i32
    %dma_wait3A_102 = tpu.memref_slice %arg7[%dma_wait3A_100, %dma_wait3A_101] : memref<2x128xi32, #tpu.memory_space<vmem>> -> memref<1x128xi32, #tpu.memory_space<vmem>>
    %dma_wait3A_103 = tpu.memref_squeeze %dma_wait3A_102 : memref<1x128xi32, #tpu.memory_space<vmem>> -> memref<128xi32, #tpu.memory_space<vmem>>
    %dma_wait3A_104 = arith.constant 0 : i32
    %dma_wait3A_105 = arith.constant 0 : i32
    %dma_wait3A_106 = tpu.memref_slice %arg2[%dma_wait3A_104, %dma_wait3A_105] : memref<10000x128xf32, #tpu.memory_space<hbm>> -> memref<10000x128xf32, #tpu.memory_space<hbm>>
    tpu.wait_indirect_dma semaphore(%arg17 : memref<!tpu.dma_semaphore, #tpu.memory_space<semaphore_mem>>) src(%dma_wait3A_106 : memref<10000x128xf32, #tpu.memory_space<hbm>>) dst(%arg11 : memref<128x128xf32, #tpu.memory_space<vmem>>)
    %run_scoped3A = arith.constant 1 : i32
    "tpu.region"() ({
      %run_scoped3A_244 = tpu.sem_alloc : memref<!tpu.dma_semaphore, #tpu.memory_space<semaphore_mem>>
      %dma_start3A_245 = arith.constant 0 : i32
      %dma_start3A_246 = tpu.memref_slice %arg7[%run_scoped3A, %dma_start3A_245] : memref<2x128xi32, #tpu.memory_space<vmem>> -> memref<1x128xi32, #tpu.memory_space<vmem>>
      %dma_start3A_247 = tpu.memref_squeeze %dma_start3A_246 : memref<1x128xi32, #tpu.memory_space<vmem>> -> memref<128xi32, #tpu.memory_space<vmem>>
      %dma_start3A_248 = arith.constant 0 : i32
      %dma_start3A_249 = arith.constant 0 : i32
      %dma_start3A_250 = tpu.memref_slice %arg6[%dma_start3A_248, %dma_start3A_249] : memref<10240x128xf32, #tpu.memory_space<vmem_shared>> -> memref<10240x128xf32, #tpu.memory_space<vmem_shared>>
      tpu.enqueue_indirect_dma source(%arg11 : memref<128x128xf32, #tpu.memory_space<vmem>>) target(%dma_start3A_250 : memref<10240x128xf32, #tpu.memory_space<vmem_shared>>) offsets(%dma_start3A_247 : memref<128xi32, #tpu.memory_space<vmem>>) semaphore(%run_scoped3A_244 : memref<!tpu.dma_semaphore, #tpu.memory_space<semaphore_mem>>) {add = true}
      %dma_wait3A_251 = arith.constant 0 : i32
      %dma_wait3A_252 = tpu.memref_slice %arg7[%run_scoped3A, %dma_wait3A_251] : memref<2x128xi32, #tpu.memory_space<vmem>> -> memref<1x128xi32, #tpu.memory_space<vmem>>
      %dma_wait3A_253 = tpu.memref_squeeze %dma_wait3A_252 : memref<1x128xi32, #tpu.memory_space<vmem>> -> memref<128xi32, #tpu.memory_space<vmem>>
      %dma_wait3A_254 = arith.constant 0 : i32
      %dma_wait3A_255 = arith.constant 0 : i32
      %dma_wait3A_256 = tpu.memref_slice %arg6[%dma_wait3A_254, %dma_wait3A_255] : memref<10240x128xf32, #tpu.memory_space<vmem_shared>> -> memref<10240x128xf32, #tpu.memory_space<vmem_shared>>
      tpu.wait_indirect_dma semaphore(%run_scoped3A_244 : memref<!tpu.dma_semaphore, #tpu.memory_space<semaphore_mem>>) src(%arg11 : memref<128x128xf32, #tpu.memory_space<vmem>>) dst(%dma_wait3A_256 : memref<10240x128xf32, #tpu.memory_space<vmem_shared>>)
      tpu.yield
    }) : () -> ()
    %dma_wait3A_107 = arith.constant 0 : i32
    %dma_wait3A_108 = arith.constant 0 : i32
    %dma_wait3A_109 = arith.constant 0 : i32
    %dma_wait3A_110 = tpu.memref_slice %arg3[%dma_wait3A_107, %dma_wait3A_108, %dma_wait3A_109] : memref<2560x2x128xi32, #tpu.memory_space<hbm>> -> memref<1x2x128xi32, #tpu.memory_space<hbm>>
    %dma_wait3A_111 = tpu.memref_squeeze %dma_wait3A_110 : memref<1x2x128xi32, #tpu.memory_space<hbm>> -> memref<2x128xi32, #tpu.memory_space<hbm>>
    %dma_wait3A_112 = arith.constant 0 : i32
    %dma_wait3A_113 = arith.constant 0 : i32
    %dma_wait3A_114 = tpu.memref_slice %arg3[%dma_wait3A_107, %dma_wait3A_112, %dma_wait3A_113] : memref<2560x2x128xi32, #tpu.memory_space<hbm>> -> memref<1x2x128xi32, #tpu.memory_space<hbm>>
    %dma_wait3A_115 = tpu.memref_squeeze %dma_wait3A_114 : memref<1x2x128xi32, #tpu.memory_space<hbm>> -> memref<2x128xi32, #tpu.memory_space<hbm>>
    tpu.wait_dma2 semaphore(%arg15 : memref<!tpu.dma_semaphore, #tpu.memory_space<semaphore_mem>>) src(%dma_wait3A_115 : memref<2x128xi32, #tpu.memory_space<hbm>>) dst(%arg9 : memref<2x128xi32, #tpu.memory_space<vmem>>)
    %dma_start3A_116 = arith.constant 0 : i32
    %dma_start3A_117 = arith.constant 0 : i32
    %dma_start3A_118 = tpu.memref_slice %arg9[%dma_start3A_116, %dma_start3A_117] : memref<2x128xi32, #tpu.memory_space<vmem>> -> memref<1x128xi32, #tpu.memory_space<vmem>>
    %dma_start3A_119 = tpu.memref_squeeze %dma_start3A_118 : memref<1x128xi32, #tpu.memory_space<vmem>> -> memref<128xi32, #tpu.memory_space<vmem>>
    %dma_start3A_120 = arith.constant 0 : i32
    %dma_start3A_121 = arith.constant 0 : i32
    %dma_start3A_122 = tpu.memref_slice %arg2[%dma_start3A_120, %dma_start3A_121] : memref<10000x128xf32, #tpu.memory_space<hbm>> -> memref<10000x128xf32, #tpu.memory_space<hbm>>
    tpu.enqueue_indirect_dma source(%dma_start3A_122 : memref<10000x128xf32, #tpu.memory_space<hbm>>) target(%arg11 : memref<128x128xf32, #tpu.memory_space<vmem>>) offsets(%dma_start3A_119 : memref<128xi32, #tpu.memory_space<vmem>>) semaphore(%arg17 : memref<!tpu.dma_semaphore, #tpu.memory_space<semaphore_mem>>)
    %dma_wait3A_123 = arith.constant 0 : i32
    %dma_wait3A_124 = arith.constant 0 : i32
    %dma_wait3A_125 = tpu.memref_slice %arg8[%dma_wait3A_123, %dma_wait3A_124] : memref<2x128xi32, #tpu.memory_space<vmem>> -> memref<1x128xi32, #tpu.memory_space<vmem>>
    %dma_wait3A_126 = tpu.memref_squeeze %dma_wait3A_125 : memref<1x128xi32, #tpu.memory_space<vmem>> -> memref<128xi32, #tpu.memory_space<vmem>>
    %dma_wait3A_127 = arith.constant 0 : i32
    %dma_wait3A_128 = arith.constant 0 : i32
    %dma_wait3A_129 = tpu.memref_slice %arg2[%dma_wait3A_127, %dma_wait3A_128] : memref<10000x128xf32, #tpu.memory_space<hbm>> -> memref<10000x128xf32, #tpu.memory_space<hbm>>
    tpu.wait_indirect_dma semaphore(%arg18 : memref<!tpu.dma_semaphore, #tpu.memory_space<semaphore_mem>>) src(%dma_wait3A_129 : memref<10000x128xf32, #tpu.memory_space<hbm>>) dst(%arg12 : memref<128x128xf32, #tpu.memory_space<vmem>>)
    %run_scoped3A_130 = arith.constant 1 : i32
    "tpu.region"() ({
      %run_scoped3A_244 = tpu.sem_alloc : memref<!tpu.dma_semaphore, #tpu.memory_space<semaphore_mem>>
      %dma_start3A_245 = arith.constant 0 : i32
      %dma_start3A_246 = tpu.memref_slice %arg8[%run_scoped3A_130, %dma_start3A_245] : memref<2x128xi32, #tpu.memory_space<vmem>> -> memref<1x128xi32, #tpu.memory_space<vmem>>
      %dma_start3A_247 = tpu.memref_squeeze %dma_start3A_246 : memref<1x128xi32, #tpu.memory_space<vmem>> -> memref<128xi32, #tpu.memory_space<vmem>>
      %dma_start3A_248 = arith.constant 0 : i32
      %dma_start3A_249 = arith.constant 0 : i32
      %dma_start3A_250 = tpu.memref_slice %arg6[%dma_start3A_248, %dma_start3A_249] : memref<10240x128xf32, #tpu.memory_space<vmem_shared>> -> memref<10240x128xf32, #tpu.memory_space<vmem_shared>>
      tpu.enqueue_indirect_dma source(%arg12 : memref<128x128xf32, #tpu.memory_space<vmem>>) target(%dma_start3A_250 : memref<10240x128xf32, #tpu.memory_space<vmem_shared>>) offsets(%dma_start3A_247 : memref<128xi32, #tpu.memory_space<vmem>>) semaphore(%run_scoped3A_244 : memref<!tpu.dma_semaphore, #tpu.memory_space<semaphore_mem>>) {add = true}
      %dma_wait3A_251 = arith.constant 0 : i32
      %dma_wait3A_252 = tpu.memref_slice %arg8[%run_scoped3A_130, %dma_wait3A_251] : memref<2x128xi32, #tpu.memory_space<vmem>> -> memref<1x128xi32, #tpu.memory_space<vmem>>
      %dma_wait3A_253 = tpu.memref_squeeze %dma_wait3A_252 : memref<1x128xi32, #tpu.memory_space<vmem>> -> memref<128xi32, #tpu.memory_space<vmem>>
      %dma_wait3A_254 = arith.constant 0 : i32
      %dma_wait3A_255 = arith.constant 0 : i32
      %dma_wait3A_256 = tpu.memref_slice %arg6[%dma_wait3A_254, %dma_wait3A_255] : memref<10240x128xf32, #tpu.memory_space<vmem_shared>> -> memref<10240x128xf32, #tpu.memory_space<vmem_shared>>
      tpu.wait_indirect_dma semaphore(%run_scoped3A_244 : memref<!tpu.dma_semaphore, #tpu.memory_space<semaphore_mem>>) src(%arg12 : memref<128x128xf32, #tpu.memory_space<vmem>>) dst(%dma_wait3A_256 : memref<10240x128xf32, #tpu.memory_space<vmem_shared>>)
      tpu.yield
    }) : () -> ()
    %dma_wait3A_131 = arith.constant 0 : i32
    %dma_wait3A_132 = arith.constant 0 : i32
    %dma_wait3A_133 = arith.constant 0 : i32
    %dma_wait3A_134 = tpu.memref_slice %arg3[%dma_wait3A_131, %dma_wait3A_132, %dma_wait3A_133] : memref<2560x2x128xi32, #tpu.memory_space<hbm>> -> memref<1x2x128xi32, #tpu.memory_space<hbm>>
    %dma_wait3A_135 = tpu.memref_squeeze %dma_wait3A_134 : memref<1x2x128xi32, #tpu.memory_space<hbm>> -> memref<2x128xi32, #tpu.memory_space<hbm>>
    %dma_wait3A_136 = arith.constant 0 : i32
    %dma_wait3A_137 = arith.constant 0 : i32
    %dma_wait3A_138 = tpu.memref_slice %arg3[%dma_wait3A_131, %dma_wait3A_136, %dma_wait3A_137] : memref<2560x2x128xi32, #tpu.memory_space<hbm>> -> memref<1x2x128xi32, #tpu.memory_space<hbm>>
    %dma_wait3A_139 = tpu.memref_squeeze %dma_wait3A_138 : memref<1x2x128xi32, #tpu.memory_space<hbm>> -> memref<2x128xi32, #tpu.memory_space<hbm>>
    tpu.wait_dma2 semaphore(%arg16 : memref<!tpu.dma_semaphore, #tpu.memory_space<semaphore_mem>>) src(%dma_wait3A_139 : memref<2x128xi32, #tpu.memory_space<hbm>>) dst(%arg10 : memref<2x128xi32, #tpu.memory_space<vmem>>)
    %dma_start3A_140 = arith.constant 0 : i32
    %dma_start3A_141 = arith.constant 0 : i32
    %dma_start3A_142 = tpu.memref_slice %arg10[%dma_start3A_140, %dma_start3A_141] : memref<2x128xi32, #tpu.memory_space<vmem>> -> memref<1x128xi32, #tpu.memory_space<vmem>>
    %dma_start3A_143 = tpu.memref_squeeze %dma_start3A_142 : memref<1x128xi32, #tpu.memory_space<vmem>> -> memref<128xi32, #tpu.memory_space<vmem>>
    %dma_start3A_144 = arith.constant 0 : i32
    %dma_start3A_145 = arith.constant 0 : i32
    %dma_start3A_146 = tpu.memref_slice %arg2[%dma_start3A_144, %dma_start3A_145] : memref<10000x128xf32, #tpu.memory_space<hbm>> -> memref<10000x128xf32, #tpu.memory_space<hbm>>
    tpu.enqueue_indirect_dma source(%dma_start3A_146 : memref<10000x128xf32, #tpu.memory_space<hbm>>) target(%arg12 : memref<128x128xf32, #tpu.memory_space<vmem>>) offsets(%dma_start3A_143 : memref<128xi32, #tpu.memory_space<vmem>>) semaphore(%arg18 : memref<!tpu.dma_semaphore, #tpu.memory_space<semaphore_mem>>)
    %dma_wait3A_147 = arith.constant 0 : i32
    %dma_wait3A_148 = arith.constant 0 : i32
    %dma_wait3A_149 = tpu.memref_slice %arg9[%dma_wait3A_147, %dma_wait3A_148] : memref<2x128xi32, #tpu.memory_space<vmem>> -> memref<1x128xi32, #tpu.memory_space<vmem>>
    %dma_wait3A_150 = tpu.memref_squeeze %dma_wait3A_149 : memref<1x128xi32, #tpu.memory_space<vmem>> -> memref<128xi32, #tpu.memory_space<vmem>>
    %dma_wait3A_151 = arith.constant 0 : i32
    %dma_wait3A_152 = arith.constant 0 : i32
    %dma_wait3A_153 = tpu.memref_slice %arg2[%dma_wait3A_151, %dma_wait3A_152] : memref<10000x128xf32, #tpu.memory_space<hbm>> -> memref<10000x128xf32, #tpu.memory_space<hbm>>
    tpu.wait_indirect_dma semaphore(%arg17 : memref<!tpu.dma_semaphore, #tpu.memory_space<semaphore_mem>>) src(%dma_wait3A_153 : memref<10000x128xf32, #tpu.memory_space<hbm>>) dst(%arg11 : memref<128x128xf32, #tpu.memory_space<vmem>>)
    %run_scoped3A_154 = arith.constant 1 : i32
    "tpu.region"() ({
      %run_scoped3A_244 = tpu.sem_alloc : memref<!tpu.dma_semaphore, #tpu.memory_space<semaphore_mem>>
      %dma_start3A_245 = arith.constant 0 : i32
      %dma_start3A_246 = tpu.memref_slice %arg9[%run_scoped3A_154, %dma_start3A_245] : memref<2x128xi32, #tpu.memory_space<vmem>> -> memref<1x128xi32, #tpu.memory_space<vmem>>
      %dma_start3A_247 = tpu.memref_squeeze %dma_start3A_246 : memref<1x128xi32, #tpu.memory_space<vmem>> -> memref<128xi32, #tpu.memory_space<vmem>>
      %dma_start3A_248 = arith.constant 0 : i32
      %dma_start3A_249 = arith.constant 0 : i32
      %dma_start3A_250 = tpu.memref_slice %arg6[%dma_start3A_248, %dma_start3A_249] : memref<10240x128xf32, #tpu.memory_space<vmem_shared>> -> memref<10240x128xf32, #tpu.memory_space<vmem_shared>>
      tpu.enqueue_indirect_dma source(%arg11 : memref<128x128xf32, #tpu.memory_space<vmem>>) target(%dma_start3A_250 : memref<10240x128xf32, #tpu.memory_space<vmem_shared>>) offsets(%dma_start3A_247 : memref<128xi32, #tpu.memory_space<vmem>>) semaphore(%run_scoped3A_244 : memref<!tpu.dma_semaphore, #tpu.memory_space<semaphore_mem>>) {add = true}
      %dma_wait3A_251 = arith.constant 0 : i32
      %dma_wait3A_252 = tpu.memref_slice %arg9[%run_scoped3A_154, %dma_wait3A_251] : memref<2x128xi32, #tpu.memory_space<vmem>> -> memref<1x128xi32, #tpu.memory_space<vmem>>
      %dma_wait3A_253 = tpu.memref_squeeze %dma_wait3A_252 : memref<1x128xi32, #tpu.memory_space<vmem>> -> memref<128xi32, #tpu.memory_space<vmem>>
      %dma_wait3A_254 = arith.constant 0 : i32
      %dma_wait3A_255 = arith.constant 0 : i32
      %dma_wait3A_256 = tpu.memref_slice %arg6[%dma_wait3A_254, %dma_wait3A_255] : memref<10240x128xf32, #tpu.memory_space<vmem_shared>> -> memref<10240x128xf32, #tpu.memory_space<vmem_shared>>
      tpu.wait_indirect_dma semaphore(%run_scoped3A_244 : memref<!tpu.dma_semaphore, #tpu.memory_space<semaphore_mem>>) src(%arg11 : memref<128x128xf32, #tpu.memory_space<vmem>>) dst(%dma_wait3A_256 : memref<10240x128xf32, #tpu.memory_space<vmem_shared>>)
      tpu.yield
    }) : () -> ()
    %dma_wait3A_155 = arith.constant 0 : i32
    %dma_wait3A_156 = arith.constant 0 : i32
    %dma_wait3A_157 = tpu.memref_slice %arg10[%dma_wait3A_155, %dma_wait3A_156] : memref<2x128xi32, #tpu.memory_space<vmem>> -> memref<1x128xi32, #tpu.memory_space<vmem>>
    %dma_wait3A_158 = tpu.memref_squeeze %dma_wait3A_157 : memref<1x128xi32, #tpu.memory_space<vmem>> -> memref<128xi32, #tpu.memory_space<vmem>>
    %dma_wait3A_159 = arith.constant 0 : i32
    %dma_wait3A_160 = arith.constant 0 : i32
    %dma_wait3A_161 = tpu.memref_slice %arg2[%dma_wait3A_159, %dma_wait3A_160] : memref<10000x128xf32, #tpu.memory_space<hbm>> -> memref<10000x128xf32, #tpu.memory_space<hbm>>
    tpu.wait_indirect_dma semaphore(%arg18 : memref<!tpu.dma_semaphore, #tpu.memory_space<semaphore_mem>>) src(%dma_wait3A_161 : memref<10000x128xf32, #tpu.memory_space<hbm>>) dst(%arg12 : memref<128x128xf32, #tpu.memory_space<vmem>>)
    %run_scoped3A_162 = arith.constant 1 : i32
    "tpu.region"() ({
      %run_scoped3A_244 = tpu.sem_alloc : memref<!tpu.dma_semaphore, #tpu.memory_space<semaphore_mem>>
      %dma_start3A_245 = arith.constant 0 : i32
      %dma_start3A_246 = tpu.memref_slice %arg10[%run_scoped3A_162, %dma_start3A_245] : memref<2x128xi32, #tpu.memory_space<vmem>> -> memref<1x128xi32, #tpu.memory_space<vmem>>
      %dma_start3A_247 = tpu.memref_squeeze %dma_start3A_246 : memref<1x128xi32, #tpu.memory_space<vmem>> -> memref<128xi32, #tpu.memory_space<vmem>>
      %dma_start3A_248 = arith.constant 0 : i32
      %dma_start3A_249 = arith.constant 0 : i32
      %dma_start3A_250 = tpu.memref_slice %arg6[%dma_start3A_248, %dma_start3A_249] : memref<10240x128xf32, #tpu.memory_space<vmem_shared>> -> memref<10240x128xf32, #tpu.memory_space<vmem_shared>>
      tpu.enqueue_indirect_dma source(%arg12 : memref<128x128xf32, #tpu.memory_space<vmem>>) target(%dma_start3A_250 : memref<10240x128xf32, #tpu.memory_space<vmem_shared>>) offsets(%dma_start3A_247 : memref<128xi32, #tpu.memory_space<vmem>>) semaphore(%run_scoped3A_244 : memref<!tpu.dma_semaphore, #tpu.memory_space<semaphore_mem>>) {add = true}
      %dma_wait3A_251 = arith.constant 0 : i32
      %dma_wait3A_252 = tpu.memref_slice %arg10[%run_scoped3A_162, %dma_wait3A_251] : memref<2x128xi32, #tpu.memory_space<vmem>> -> memref<1x128xi32, #tpu.memory_space<vmem>>
      %dma_wait3A_253 = tpu.memref_squeeze %dma_wait3A_252 : memref<1x128xi32, #tpu.memory_space<vmem>> -> memref<128xi32, #tpu.memory_space<vmem>>
      %dma_wait3A_254 = arith.constant 0 : i32
      %dma_wait3A_255 = arith.constant 0 : i32
      %dma_wait3A_256 = tpu.memref_slice %arg6[%dma_wait3A_254, %dma_wait3A_255] : memref<10240x128xf32, #tpu.memory_space<vmem_shared>> -> memref<10240x128xf32, #tpu.memory_space<vmem_shared>>
      tpu.wait_indirect_dma semaphore(%run_scoped3A_244 : memref<!tpu.dma_semaphore, #tpu.memory_space<semaphore_mem>>) src(%arg12 : memref<128x128xf32, #tpu.memory_space<vmem>>) dst(%dma_wait3A_256 : memref<10240x128xf32, #tpu.memory_space<vmem_shared>>)
      tpu.yield
    }) : () -> ()
    %barrier3A_163 = arith.constant 0 : index
    tpu.barrier barrier_id(%barrier3A_163)
    %add3A_164 = arith.constant 0 : i32
    %add3A_165 = arith.addi %mul3A_0, %add3A_164 : i32
    "tpu.region"() ({
      %run_scoped3A_244 = tpu.sem_alloc : memref<!tpu.dma_semaphore, #tpu.memory_space<semaphore_mem>>
      %dma_start3A_245 = arith.constant 0 : i32
      %dma_start3A_246 = tpu.memref_slice %arg6[%add3A_165, %dma_start3A_245] : memref<10240x128xf32, #tpu.memory_space<vmem_shared>> -> memref<128x128xf32, #tpu.memory_space<vmem_shared>>
      %dma_start3A_247 = arith.constant 0 : i32
      %dma_start3A_248 = tpu.memref_slice %arg6[%add3A_165, %dma_start3A_247] : memref<10240x128xf32, #tpu.memory_space<vmem_shared>> -> memref<128x128xf32, #tpu.memory_space<vmem_shared>>
      tpu.enqueue_dma source(%dma_start3A_248 : memref<128x128xf32, #tpu.memory_space<vmem_shared>>) target(%arg11 : memref<128x128xf32, #tpu.memory_space<vmem>>) target_semaphore(%run_scoped3A_244 : memref<!tpu.dma_semaphore, #tpu.memory_space<semaphore_mem>>)
      %dma_wait3A_249 = arith.constant 0 : i32
      %dma_wait3A_250 = tpu.memref_slice %arg6[%add3A_165, %dma_wait3A_249] : memref<10240x128xf32, #tpu.memory_space<vmem_shared>> -> memref<128x128xf32, #tpu.memory_space<vmem_shared>>
      %dma_wait3A_251 = arith.constant 0 : i32
      %dma_wait3A_252 = tpu.memref_slice %arg6[%add3A_165, %dma_wait3A_251] : memref<10240x128xf32, #tpu.memory_space<vmem_shared>> -> memref<128x128xf32, #tpu.memory_space<vmem_shared>>
      tpu.wait_dma2 semaphore(%run_scoped3A_244 : memref<!tpu.dma_semaphore, #tpu.memory_space<semaphore_mem>>) src(%dma_wait3A_252 : memref<128x128xf32, #tpu.memory_space<vmem_shared>>) dst(%arg11 : memref<128x128xf32, #tpu.memory_space<vmem>>)
      tpu.yield
    }) : () -> ()
    %add3A_166 = arith.constant 0 : i32
    %add3A_167 = arith.addi %mul3A_0, %add3A_166 : i32
    %dma_start3A_168 = arith.constant 0 : i32
    %dma_start3A_169 = tpu.memref_slice %arg5[%arg0, %add3A_167, %dma_start3A_168] : memref<2x10240x128xf32, #tpu.memory_space<hbm>> -> memref<1x128x128xf32, #tpu.memory_space<hbm>>
    %dma_start3A_170 = tpu.memref_squeeze %dma_start3A_169 : memref<1x128x128xf32, #tpu.memory_space<hbm>> -> memref<128x128xf32, #tpu.memory_space<hbm>>
    %dma_start3A_171 = arith.constant 0 : i32
    %dma_start3A_172 = tpu.memref_slice %arg5[%arg0, %add3A_167, %dma_start3A_171] : memref<2x10240x128xf32, #tpu.memory_space<hbm>> -> memref<1x128x128xf32, #tpu.memory_space<hbm>>
    %dma_start3A_173 = tpu.memref_squeeze %dma_start3A_172 : memref<1x128x128xf32, #tpu.memory_space<hbm>> -> memref<128x128xf32, #tpu.memory_space<hbm>>
    tpu.enqueue_dma source(%arg11 : memref<128x128xf32, #tpu.memory_space<vmem>>) target(%dma_start3A_173 : memref<128x128xf32, #tpu.memory_space<hbm>>) target_semaphore(%arg17 : memref<!tpu.dma_semaphore, #tpu.memory_space<semaphore_mem>>)
    %add3A_174 = arith.constant 128 : i32
    %add3A_175 = arith.addi %mul3A_0, %add3A_174 : i32
    "tpu.region"() ({
      %run_scoped3A_244 = tpu.sem_alloc : memref<!tpu.dma_semaphore, #tpu.memory_space<semaphore_mem>>
      %dma_start3A_245 = arith.constant 0 : i32
      %dma_start3A_246 = tpu.memref_slice %arg6[%add3A_175, %dma_start3A_245] : memref<10240x128xf32, #tpu.memory_space<vmem_shared>> -> memref<128x128xf32, #tpu.memory_space<vmem_shared>>
      %dma_start3A_247 = arith.constant 0 : i32
      %dma_start3A_248 = tpu.memref_slice %arg6[%add3A_175, %dma_start3A_247] : memref<10240x128xf32, #tpu.memory_space<vmem_shared>> -> memref<128x128xf32, #tpu.memory_space<vmem_shared>>
      tpu.enqueue_dma source(%dma_start3A_248 : memref<128x128xf32, #tpu.memory_space<vmem_shared>>) target(%arg12 : memref<128x128xf32, #tpu.memory_space<vmem>>) target_semaphore(%run_scoped3A_244 : memref<!tpu.dma_semaphore, #tpu.memory_space<semaphore_mem>>)
      %dma_wait3A_249 = arith.constant 0 : i32
      %dma_wait3A_250 = tpu.memref_slice %arg6[%add3A_175, %dma_wait3A_249] : memref<10240x128xf32, #tpu.memory_space<vmem_shared>> -> memref<128x128xf32, #tpu.memory_space<vmem_shared>>
      %dma_wait3A_251 = arith.constant 0 : i32
      %dma_wait3A_252 = tpu.memref_slice %arg6[%add3A_175, %dma_wait3A_251] : memref<10240x128xf32, #tpu.memory_space<vmem_shared>> -> memref<128x128xf32, #tpu.memory_space<vmem_shared>>
      tpu.wait_dma2 semaphore(%run_scoped3A_244 : memref<!tpu.dma_semaphore, #tpu.memory_space<semaphore_mem>>) src(%dma_wait3A_252 : memref<128x128xf32, #tpu.memory_space<vmem_shared>>) dst(%arg12 : memref<128x128xf32, #tpu.memory_space<vmem>>)
      tpu.yield
    }) : () -> ()
    %add3A_176 = arith.constant 128 : i32
    %add3A_177 = arith.addi %mul3A_0, %add3A_176 : i32
    %dma_start3A_178 = arith.constant 0 : i32
    %dma_start3A_179 = tpu.memref_slice %arg5[%arg0, %add3A_177, %dma_start3A_178] : memref<2x10240x128xf32, #tpu.memory_space<hbm>> -> memref<1x128x128xf32, #tpu.memory_space<hbm>>
    %dma_start3A_180 = tpu.memref_squeeze %dma_start3A_179 : memref<1x128x128xf32, #tpu.memory_space<hbm>> -> memref<128x128xf32, #tpu.memory_space<hbm>>
    %dma_start3A_181 = arith.constant 0 : i32
    %dma_start3A_182 = tpu.memref_slice %arg5[%arg0, %add3A_177, %dma_start3A_181] : memref<2x10240x128xf32, #tpu.memory_space<hbm>> -> memref<1x128x128xf32, #tpu.memory_space<hbm>>
    %dma_start3A_183 = tpu.memref_squeeze %dma_start3A_182 : memref<1x128x128xf32, #tpu.memory_space<hbm>> -> memref<128x128xf32, #tpu.memory_space<hbm>>
    tpu.enqueue_dma source(%arg12 : memref<128x128xf32, #tpu.memory_space<vmem>>) target(%dma_start3A_183 : memref<128x128xf32, #tpu.memory_space<hbm>>) target_semaphore(%arg18 : memref<!tpu.dma_semaphore, #tpu.memory_space<semaphore_mem>>)
    %dma_wait3A_184 = arith.constant 0 : i32
    %dma_wait3A_185 = tpu.memref_slice %arg5[%arg0, %mul3A_0, %dma_wait3A_184] : memref<2x10240x128xf32, #tpu.memory_space<hbm>> -> memref<1x128x128xf32, #tpu.memory_space<hbm>>
    %dma_wait3A_186 = tpu.memref_squeeze %dma_wait3A_185 : memref<1x128x128xf32, #tpu.memory_space<hbm>> -> memref<128x128xf32, #tpu.memory_space<hbm>>
    %dma_wait3A_187 = arith.constant 0 : i32
    %dma_wait3A_188 = tpu.memref_slice %arg5[%arg0, %mul3A_0, %dma_wait3A_187] : memref<2x10240x128xf32, #tpu.memory_space<hbm>> -> memref<1x128x128xf32, #tpu.memory_space<hbm>>
    %dma_wait3A_189 = tpu.memref_squeeze %dma_wait3A_188 : memref<1x128x128xf32, #tpu.memory_space<hbm>> -> memref<128x128xf32, #tpu.memory_space<hbm>>
    tpu.wait_dma2 semaphore(%arg17 : memref<!tpu.dma_semaphore, #tpu.memory_space<semaphore_mem>>) src(%arg11 : memref<128x128xf32, #tpu.memory_space<vmem>>) dst(%dma_wait3A_189 : memref<128x128xf32, #tpu.memory_space<hbm>>)
    %add3A_190 = arith.constant 256 : i32
    %add3A_191 = arith.addi %mul3A_0, %add3A_190 : i32
    "tpu.region"() ({
      %run_scoped3A_244 = tpu.sem_alloc : memref<!tpu.dma_semaphore, #tpu.memory_space<semaphore_mem>>
      %dma_start3A_245 = arith.constant 0 : i32
      %dma_start3A_246 = tpu.memref_slice %arg6[%add3A_191, %dma_start3A_245] : memref<10240x128xf32, #tpu.memory_space<vmem_shared>> -> memref<128x128xf32, #tpu.memory_space<vmem_shared>>
      %dma_start3A_247 = arith.constant 0 : i32
      %dma_start3A_248 = tpu.memref_slice %arg6[%add3A_191, %dma_start3A_247] : memref<10240x128xf32, #tpu.memory_space<vmem_shared>> -> memref<128x128xf32, #tpu.memory_space<vmem_shared>>
      tpu.enqueue_dma source(%dma_start3A_248 : memref<128x128xf32, #tpu.memory_space<vmem_shared>>) target(%arg11 : memref<128x128xf32, #tpu.memory_space<vmem>>) target_semaphore(%run_scoped3A_244 : memref<!tpu.dma_semaphore, #tpu.memory_space<semaphore_mem>>)
      %dma_wait3A_249 = arith.constant 0 : i32
      %dma_wait3A_250 = tpu.memref_slice %arg6[%add3A_191, %dma_wait3A_249] : memref<10240x128xf32, #tpu.memory_space<vmem_shared>> -> memref<128x128xf32, #tpu.memory_space<vmem_shared>>
      %dma_wait3A_251 = arith.constant 0 : i32
      %dma_wait3A_252 = tpu.memref_slice %arg6[%add3A_191, %dma_wait3A_251] : memref<10240x128xf32, #tpu.memory_space<vmem_shared>> -> memref<128x128xf32, #tpu.memory_space<vmem_shared>>
      tpu.wait_dma2 semaphore(%run_scoped3A_244 : memref<!tpu.dma_semaphore, #tpu.memory_space<semaphore_mem>>) src(%dma_wait3A_252 : memref<128x128xf32, #tpu.memory_space<vmem_shared>>) dst(%arg11 : memref<128x128xf32, #tpu.memory_space<vmem>>)
      tpu.yield
    }) : () -> ()
    %add3A_192 = arith.constant 256 : i32
    %add3A_193 = arith.addi %mul3A_0, %add3A_192 : i32
    %dma_start3A_194 = arith.constant 0 : i32
    %dma_start3A_195 = tpu.memref_slice %arg5[%arg0, %add3A_193, %dma_start3A_194] : memref<2x10240x128xf32, #tpu.memory_space<hbm>> -> memref<1x128x128xf32, #tpu.memory_space<hbm>>
    %dma_start3A_196 = tpu.memref_squeeze %dma_start3A_195 : memref<1x128x128xf32, #tpu.memory_space<hbm>> -> memref<128x128xf32, #tpu.memory_space<hbm>>
    %dma_start3A_197 = arith.constant 0 : i32
    %dma_start3A_198 = tpu.memref_slice %arg5[%arg0, %add3A_193, %dma_start3A_197] : memref<2x10240x128xf32, #tpu.memory_space<hbm>> -> memref<1x128x128xf32, #tpu.memory_space<hbm>>
    %dma_start3A_199 = tpu.memref_squeeze %dma_start3A_198 : memref<1x128x128xf32, #tpu.memory_space<hbm>> -> memref<128x128xf32, #tpu.memory_space<hbm>>
    tpu.enqueue_dma source(%arg11 : memref<128x128xf32, #tpu.memory_space<vmem>>) target(%dma_start3A_199 : memref<128x128xf32, #tpu.memory_space<hbm>>) target_semaphore(%arg17 : memref<!tpu.dma_semaphore, #tpu.memory_space<semaphore_mem>>)
    %dma_wait3A_200 = arith.constant 0 : i32
    %dma_wait3A_201 = tpu.memref_slice %arg5[%arg0, %mul3A_0, %dma_wait3A_200] : memref<2x10240x128xf32, #tpu.memory_space<hbm>> -> memref<1x128x128xf32, #tpu.memory_space<hbm>>
    %dma_wait3A_202 = tpu.memref_squeeze %dma_wait3A_201 : memref<1x128x128xf32, #tpu.memory_space<hbm>> -> memref<128x128xf32, #tpu.memory_space<hbm>>
    %dma_wait3A_203 = arith.constant 0 : i32
    %dma_wait3A_204 = tpu.memref_slice %arg5[%arg0, %mul3A_0, %dma_wait3A_203] : memref<2x10240x128xf32, #tpu.memory_space<hbm>> -> memref<1x128x128xf32, #tpu.memory_space<hbm>>
    %dma_wait3A_205 = tpu.memref_squeeze %dma_wait3A_204 : memref<1x128x128xf32, #tpu.memory_space<hbm>> -> memref<128x128xf32, #tpu.memory_space<hbm>>
    tpu.wait_dma2 semaphore(%arg18 : memref<!tpu.dma_semaphore, #tpu.memory_space<semaphore_mem>>) src(%arg12 : memref<128x128xf32, #tpu.memory_space<vmem>>) dst(%dma_wait3A_205 : memref<128x128xf32, #tpu.memory_space<hbm>>)
    %add3A_206 = arith.constant 384 : i32
    %add3A_207 = arith.addi %mul3A_0, %add3A_206 : i32
    "tpu.region"() ({
      %run_scoped3A_244 = tpu.sem_alloc : memref<!tpu.dma_semaphore, #tpu.memory_space<semaphore_mem>>
      %dma_start3A_245 = arith.constant 0 : i32
      %dma_start3A_246 = tpu.memref_slice %arg6[%add3A_207, %dma_start3A_245] : memref<10240x128xf32, #tpu.memory_space<vmem_shared>> -> memref<128x128xf32, #tpu.memory_space<vmem_shared>>
      %dma_start3A_247 = arith.constant 0 : i32
      %dma_start3A_248 = tpu.memref_slice %arg6[%add3A_207, %dma_start3A_247] : memref<10240x128xf32, #tpu.memory_space<vmem_shared>> -> memref<128x128xf32, #tpu.memory_space<vmem_shared>>
      tpu.enqueue_dma source(%dma_start3A_248 : memref<128x128xf32, #tpu.memory_space<vmem_shared>>) target(%arg12 : memref<128x128xf32, #tpu.memory_space<vmem>>) target_semaphore(%run_scoped3A_244 : memref<!tpu.dma_semaphore, #tpu.memory_space<semaphore_mem>>)
      %dma_wait3A_249 = arith.constant 0 : i32
      %dma_wait3A_250 = tpu.memref_slice %arg6[%add3A_207, %dma_wait3A_249] : memref<10240x128xf32, #tpu.memory_space<vmem_shared>> -> memref<128x128xf32, #tpu.memory_space<vmem_shared>>
      %dma_wait3A_251 = arith.constant 0 : i32
      %dma_wait3A_252 = tpu.memref_slice %arg6[%add3A_207, %dma_wait3A_251] : memref<10240x128xf32, #tpu.memory_space<vmem_shared>> -> memref<128x128xf32, #tpu.memory_space<vmem_shared>>
      tpu.wait_dma2 semaphore(%run_scoped3A_244 : memref<!tpu.dma_semaphore, #tpu.memory_space<semaphore_mem>>) src(%dma_wait3A_252 : memref<128x128xf32, #tpu.memory_space<vmem_shared>>) dst(%arg12 : memref<128x128xf32, #tpu.memory_space<vmem>>)
      tpu.yield
    }) : () -> ()
    %add3A_208 = arith.constant 384 : i32
    %add3A_209 = arith.addi %mul3A_0, %add3A_208 : i32
    %dma_start3A_210 = arith.constant 0 : i32
    %dma_start3A_211 = tpu.memref_slice %arg5[%arg0, %add3A_209, %dma_start3A_210] : memref<2x10240x128xf32, #tpu.memory_space<hbm>> -> memref<1x128x128xf32, #tpu.memory_space<hbm>>
    %dma_start3A_212 = tpu.memref_squeeze %dma_start3A_211 : memref<1x128x128xf32, #tpu.memory_space<hbm>> -> memref<128x128xf32, #tpu.memory_space<hbm>>
    %dma_start3A_213 = arith.constant 0 : i32
    %dma_start3A_214 = tpu.memref_slice %arg5[%arg0, %add3A_209, %dma_start3A_213] : memref<2x10240x128xf32, #tpu.memory_space<hbm>> -> memref<1x128x128xf32, #tpu.memory_space<hbm>>
    %dma_start3A_215 = tpu.memref_squeeze %dma_start3A_214 : memref<1x128x128xf32, #tpu.memory_space<hbm>> -> memref<128x128xf32, #tpu.memory_space<hbm>>
    tpu.enqueue_dma source(%arg12 : memref<128x128xf32, #tpu.memory_space<vmem>>) target(%dma_start3A_215 : memref<128x128xf32, #tpu.memory_space<hbm>>) target_semaphore(%arg18 : memref<!tpu.dma_semaphore, #tpu.memory_space<semaphore_mem>>)
    %dma_wait3A_216 = arith.constant 0 : i32
    %dma_wait3A_217 = tpu.memref_slice %arg5[%arg0, %mul3A_0, %dma_wait3A_216] : memref<2x10240x128xf32, #tpu.memory_space<hbm>> -> memref<1x128x128xf32, #tpu.memory_space<hbm>>
    %dma_wait3A_218 = tpu.memref_squeeze %dma_wait3A_217 : memref<1x128x128xf32, #tpu.memory_space<hbm>> -> memref<128x128xf32, #tpu.memory_space<hbm>>
    %dma_wait3A_219 = arith.constant 0 : i32
    %dma_wait3A_220 = tpu.memref_slice %arg5[%arg0, %mul3A_0, %dma_wait3A_219] : memref<2x10240x128xf32, #tpu.memory_space<hbm>> -> memref<1x128x128xf32, #tpu.memory_space<hbm>>
    %dma_wait3A_221 = tpu.memref_squeeze %dma_wait3A_220 : memref<1x128x128xf32, #tpu.memory_space<hbm>> -> memref<128x128xf32, #tpu.memory_space<hbm>>
    tpu.wait_dma2 semaphore(%arg17 : memref<!tpu.dma_semaphore, #tpu.memory_space<semaphore_mem>>) src(%arg11 : memref<128x128xf32, #tpu.memory_space<vmem>>) dst(%dma_wait3A_221 : memref<128x128xf32, #tpu.memory_space<hbm>>)
    %add3A_222 = arith.constant 512 : i32
    %add3A_223 = arith.addi %mul3A_0, %add3A_222 : i32
    "tpu.region"() ({
      %run_scoped3A_244 = tpu.sem_alloc : memref<!tpu.dma_semaphore, #tpu.memory_space<semaphore_mem>>
      %dma_start3A_245 = arith.constant 0 : i32
      %dma_start3A_246 = tpu.memref_slice %arg6[%add3A_223, %dma_start3A_245] : memref<10240x128xf32, #tpu.memory_space<vmem_shared>> -> memref<128x128xf32, #tpu.memory_space<vmem_shared>>
      %dma_start3A_247 = arith.constant 0 : i32
      %dma_start3A_248 = tpu.memref_slice %arg6[%add3A_223, %dma_start3A_247] : memref<10240x128xf32, #tpu.memory_space<vmem_shared>> -> memref<128x128xf32, #tpu.memory_space<vmem_shared>>
      tpu.enqueue_dma source(%dma_start3A_248 : memref<128x128xf32, #tpu.memory_space<vmem_shared>>) target(%arg11 : memref<128x128xf32, #tpu.memory_space<vmem>>) target_semaphore(%run_scoped3A_244 : memref<!tpu.dma_semaphore, #tpu.memory_space<semaphore_mem>>)
      %dma_wait3A_249 = arith.constant 0 : i32
      %dma_wait3A_250 = tpu.memref_slice %arg6[%add3A_223, %dma_wait3A_249] : memref<10240x128xf32, #tpu.memory_space<vmem_shared>> -> memref<128x128xf32, #tpu.memory_space<vmem_shared>>
      %dma_wait3A_251 = arith.constant 0 : i32
      %dma_wait3A_252 = tpu.memref_slice %arg6[%add3A_223, %dma_wait3A_251] : memref<10240x128xf32, #tpu.memory_space<vmem_shared>> -> memref<128x128xf32, #tpu.memory_space<vmem_shared>>
      tpu.wait_dma2 semaphore(%run_scoped3A_244 : memref<!tpu.dma_semaphore, #tpu.memory_space<semaphore_mem>>) src(%dma_wait3A_252 : memref<128x128xf32, #tpu.memory_space<vmem_shared>>) dst(%arg11 : memref<128x128xf32, #tpu.memory_space<vmem>>)
      tpu.yield
    }) : () -> ()
    %add3A_224 = arith.constant 512 : i32
    %add3A_225 = arith.addi %mul3A_0, %add3A_224 : i32
    %dma_start3A_226 = arith.constant 0 : i32
    %dma_start3A_227 = tpu.memref_slice %arg5[%arg0, %add3A_225, %dma_start3A_226] : memref<2x10240x128xf32, #tpu.memory_space<hbm>> -> memref<1x128x128xf32, #tpu.memory_space<hbm>>
    %dma_start3A_228 = tpu.memref_squeeze %dma_start3A_227 : memref<1x128x128xf32, #tpu.memory_space<hbm>> -> memref<128x128xf32, #tpu.memory_space<hbm>>
    %dma_start3A_229 = arith.constant 0 : i32
    %dma_start3A_230 = tpu.memref_slice %arg5[%arg0, %add3A_225, %dma_start3A_229] : memref<2x10240x128xf32, #tpu.memory_space<hbm>> -> memref<1x128x128xf32, #tpu.memory_space<hbm>>
    %dma_start3A_231 = tpu.memref_squeeze %dma_start3A_230 : memref<1x128x128xf32, #tpu.memory_space<hbm>> -> memref<128x128xf32, #tpu.memory_space<hbm>>
    tpu.enqueue_dma source(%arg11 : memref<128x128xf32, #tpu.memory_space<vmem>>) target(%dma_start3A_231 : memref<128x128xf32, #tpu.memory_space<hbm>>) target_semaphore(%arg17 : memref<!tpu.dma_semaphore, #tpu.memory_space<semaphore_mem>>)
    %dma_wait3A_232 = arith.constant 0 : i32
    %dma_wait3A_233 = tpu.memref_slice %arg5[%arg0, %mul3A_0, %dma_wait3A_232] : memref<2x10240x128xf32, #tpu.memory_space<hbm>> -> memref<1x128x128xf32, #tpu.memory_space<hbm>>
    %dma_wait3A_234 = tpu.memref_squeeze %dma_wait3A_233 : memref<1x128x128xf32, #tpu.memory_space<hbm>> -> memref<128x128xf32, #tpu.memory_space<hbm>>
    %dma_wait3A_235 = arith.constant 0 : i32
    %dma_wait3A_236 = tpu.memref_slice %arg5[%arg0, %mul3A_0, %dma_wait3A_235] : memref<2x10240x128xf32, #tpu.memory_space<hbm>> -> memref<1x128x128xf32, #tpu.memory_space<hbm>>
    %dma_wait3A_237 = tpu.memref_squeeze %dma_wait3A_236 : memref<1x128x128xf32, #tpu.memory_space<hbm>> -> memref<128x128xf32, #tpu.memory_space<hbm>>
    tpu.wait_dma2 semaphore(%arg17 : memref<!tpu.dma_semaphore, #tpu.memory_space<semaphore_mem>>) src(%arg11 : memref<128x128xf32, #tpu.memory_space<vmem>>) dst(%dma_wait3A_237 : memref<128x128xf32, #tpu.memory_space<hbm>>)
    %dma_wait3A_238 = arith.constant 0 : i32
    %dma_wait3A_239 = tpu.memref_slice %arg5[%arg0, %mul3A_0, %dma_wait3A_238] : memref<2x10240x128xf32, #tpu.memory_space<hbm>> -> memref<1x128x128xf32, #tpu.memory_space<hbm>>
    %dma_wait3A_240 = tpu.memref_squeeze %dma_wait3A_239 : memref<1x128x128xf32, #tpu.memory_space<hbm>> -> memref<128x128xf32, #tpu.memory_space<hbm>>
    %dma_wait3A_241 = arith.constant 0 : i32
    %dma_wait3A_242 = tpu.memref_slice %arg5[%arg0, %mul3A_0, %dma_wait3A_241] : memref<2x10240x128xf32, #tpu.memory_space<hbm>> -> memref<1x128x128xf32, #tpu.memory_space<hbm>>
    %dma_wait3A_243 = tpu.memref_squeeze %dma_wait3A_242 : memref<1x128x128xf32, #tpu.memory_space<hbm>> -> memref<128x128xf32, #tpu.memory_space<hbm>>
    tpu.wait_dma2 semaphore(%arg18 : memref<!tpu.dma_semaphore, #tpu.memory_space<semaphore_mem>>) src(%arg12 : memref<128x128xf32, #tpu.memory_space<vmem>>) dst(%dma_wait3A_243 : memref<128x128xf32, #tpu.memory_space<hbm>>)
    return
  }
}

module attributes {stable_mosaic.version = 14 : i64} {
  func.func @_tc1_body(%arg0: i32, %arg1: memref<1000x128xf32, #tpu.memory_space<vmem>>, %arg2: memref<1x1000x128xf32, #tpu.memory_space<vmem>>, %arg3: memref<1x1000x128xf32, #tpu.memory_space<vmem>>, %arg4: memref<1000x1xf32, #tpu.memory_space<vmem>>, %arg5: memref<128x128xf32, #tpu.memory_space<vmem>>, %arg6: memref<1x128xf32, #tpu.memory_space<vmem>>, %arg7: memref<128x128xf32, #tpu.memory_space<vmem>>, %arg8: memref<1000x128xf32, #tpu.memory_space<vmem>>) attributes {dimension_semantics = [#tpu.dimension_semantics<arbitrary>], iteration_bounds = array<i64: 10>, scalar_prefetch = 0 : i64, scratch_operands = 0 : i64, tpu.core_type = #tpu.core_type<tc>, window_params = [{transform_indices = @transform_0, window_bounds = array<i64: 1000, 128>}, {transform_indices = @transform_1, window_bounds = array<i64: 1, 1000, 128>}, {transform_indices = @transform_2, window_bounds = array<i64: 1, 1000, 128>}, {transform_indices = @transform_3, window_bounds = array<i64: 1000, 1>}, {pipeline_mode = #tpu.pipeline_mode<synchronous>, transform_indices = @transform_4, window_bounds = array<i64: 128, 128>}, {pipeline_mode = #tpu.pipeline_mode<synchronous>, transform_indices = @transform_5, window_bounds = array<i64: 1, 128>}, {pipeline_mode = #tpu.pipeline_mode<synchronous>, transform_indices = @transform_6, window_bounds = array<i64: 128, 128>}, {transform_indices = @transform_7, window_bounds = array<i64: 1000, 128>}]} {
    %get3A = arith.constant 0 : index
    %get3A_0 = arith.constant 0 : index
    %get3A_1 = arith.constant 0 : index
    %get3A_2 = vector.load %arg2[%get3A, %get3A_0, %get3A_1] : memref<1x1000x128xf32, #tpu.memory_space<vmem>>, vector<1x1000x128xf32>
    %get3A_3 = vector.shape_cast %get3A_2 : vector<1x1000x128xf32> to vector<1000x128xf32>
    %get3A_4 = arith.constant 0 : index
    %get3A_5 = arith.constant 0 : index
    %get3A_6 = arith.constant 0 : index
    %get3A_7 = vector.load %arg3[%get3A_4, %get3A_5, %get3A_6] : memref<1x1000x128xf32, #tpu.memory_space<vmem>>, vector<1x1000x128xf32>
    %get3A_8 = vector.shape_cast %get3A_7 : vector<1x1000x128xf32> to vector<1000x128xf32>
    %add3A = arith.addf %get3A_3, %get3A_8 : vector<1000x128xf32>
    %get3A_9 = arith.constant 0 : index
    %get3A_10 = arith.constant 0 : index
    %get3A_11 = vector.load %arg4[%get3A_9, %get3A_10] : memref<1000x1xf32, #tpu.memory_space<vmem>>, vector<1000x1xf32>
    %mul3A = vector.broadcast %get3A_11 : vector<1000x1xf32> to vector<1000x128xf32>
    %mul3A_12 = arith.mulf %add3A, %mul3A : vector<1000x128xf32>
    %get3A_13 = arith.constant 0 : index
    %get3A_14 = arith.constant 0 : index
    %get3A_15 = vector.load %arg5[%get3A_13, %get3A_14] : memref<128x128xf32, #tpu.memory_space<vmem>>, vector<128x128xf32>
    %dot_general3A = arith.constant dense<0.000000e+00> : vector<1000x128xf32>
    %dot_general3A_16 = tpu.matmul %mul3A_12, %get3A_15, %dot_general3A {dimension_numbers = #tpu.dot_dimension_numbers<[1], [0], [0], [1], [0, 0, 1, 1], [], []>, transpose_lhs_hint = false} : vector<1000x128xf32>, vector<128x128xf32>, vector<1000x128xf32> -> vector<1000x128xf32>
    %get3A_17 = arith.constant 0 : index
    %get3A_18 = arith.constant 0 : index
    %get3A_19 = vector.load %arg6[%get3A_17, %get3A_18] : memref<1x128xf32, #tpu.memory_space<vmem>>, vector<1x128xf32>
    %add3A_20 = vector.broadcast %get3A_19 : vector<1x128xf32> to vector<1000x128xf32>
    %add3A_21 = arith.addf %dot_general3A_16, %add3A_20 : vector<1000x128xf32>
    %get3A_22 = arith.constant 0 : index
    %get3A_23 = arith.constant 0 : index
    %get3A_24 = vector.load %arg1[%get3A_22, %get3A_23] : memref<1000x128xf32, #tpu.memory_space<vmem>>, vector<1000x128xf32>
    %get3A_25 = arith.constant 0 : index
    %get3A_26 = arith.constant 0 : index
    %get3A_27 = vector.load %arg7[%get3A_25, %get3A_26] : memref<128x128xf32, #tpu.memory_space<vmem>>, vector<128x128xf32>
    %dot_general3A_28 = arith.constant dense<0.000000e+00> : vector<1000x128xf32>
    %dot_general3A_29 = tpu.matmul %get3A_24, %get3A_27, %dot_general3A_28 {dimension_numbers = #tpu.dot_dimension_numbers<[1], [0], [0], [1], [0, 0, 1, 1], [], []>, transpose_lhs_hint = false} : vector<1000x128xf32>, vector<128x128xf32>, vector<1000x128xf32> -> vector<1000x128xf32>
    %add3A_30 = arith.addf %add3A_21, %dot_general3A_29 : vector<1000x128xf32>
    %swap3A = arith.constant 0 : index
    %swap3A_31 = arith.constant 0 : index
    %swap3A_32 = vector.load %arg8[%swap3A, %swap3A_31] : memref<1000x128xf32, #tpu.memory_space<vmem>>, vector<1000x128xf32>
    tpu.vector_store %arg8[%swap3A, %swap3A_31], %add3A_30 {strides = array<i32>} : memref<1000x128xf32, #tpu.memory_space<vmem>>, vector<1000x128xf32>,
    return
  }
  func.func @transform_0(%arg0: i32) -> (i32, i32) {
    %c0_i32 = arith.constant 0 : i32
    %c0_i32_0 = arith.constant 0 : i32
    return %arg0, %c0_i32 : i32, i32
  }
  func.func @transform_1(%arg0: i32) -> (i32, i32, i32) {
    %c0_i32 = arith.constant 0 : i32
    %c0_i32_0 = arith.constant 0 : i32
    %c0_i32_1 = arith.constant 0 : i32
    return %c0_i32, %arg0, %c0_i32_0 : i32, i32, i32
  }
  func.func @transform_2(%arg0: i32) -> (i32, i32, i32) {
    %c1_i32 = arith.constant 1 : i32
    %c0_i32 = arith.constant 0 : i32
    %c0_i32_0 = arith.constant 0 : i32
    return %c1_i32, %arg0, %c0_i32 : i32, i32, i32
  }
  func.func @transform_3(%arg0: i32) -> (i32, i32) {
    %c0_i32 = arith.constant 0 : i32
    %c0_i32_0 = arith.constant 0 : i32
    return %arg0, %c0_i32 : i32, i32
  }
  func.func @transform_4(%arg0: i32) -> (i32, i32) {
    %c0_i32 = arith.constant 0 : i32
    %c0_i32_0 = arith.constant 0 : i32
    %c0_i32_1 = arith.constant 0 : i32
    return %c0_i32, %c0_i32_0 : i32, i32
  }
  func.func @transform_5(%arg0: i32) -> (i32, i32) {
    %c0_i32 = arith.constant 0 : i32
    %c0_i32_0 = arith.constant 0 : i32
    %c0_i32_1 = arith.constant 0 : i32
    return %c0_i32, %c0_i32_0 : i32, i32
  }
  func.func @transform_6(%arg0: i32) -> (i32, i32) {
    %c0_i32 = arith.constant 0 : i32
    %c0_i32_0 = arith.constant 0 : i32
    %c0_i32_1 = arith.constant 0 : i32
    return %c0_i32, %c0_i32_0 : i32, i32
  }
  func.func @transform_7(%arg0: i32) -> (i32, i32) {
    %c0_i32 = arith.constant 0 : i32
    %c0_i32_0 = arith.constant 0 : i32
    return %arg0, %c0_i32 : i32, i32
  }
}

module attributes {stable_mosaic.version = 14 : i64} {
  func.func @_tc2_body(%arg0: i32, %arg1: memref<1000x128xf32, #tpu.memory_space<vmem>>, %arg2: memref<1x1000x128xf32, #tpu.memory_space<vmem>>, %arg3: memref<1x1000x128xf32, #tpu.memory_space<vmem>>, %arg4: memref<1000x1xf32, #tpu.memory_space<vmem>>, %arg5: memref<128x64xf32, #tpu.memory_space<vmem>>, %arg6: memref<1x64xf32, #tpu.memory_space<vmem>>, %arg7: memref<128x64xf32, #tpu.memory_space<vmem>>, %arg8: memref<64x128xf32, #tpu.memory_space<vmem>>, %arg9: memref<1000x64xf32, #tpu.memory_space<vmem>>, %arg10: memref<1000x128xf32, #tpu.memory_space<vmem>>) attributes {dimension_semantics = [#tpu.dimension_semantics<arbitrary>], iteration_bounds = array<i64: 10>, scalar_prefetch = 0 : i64, scratch_operands = 0 : i64, tpu.core_type = #tpu.core_type<tc>, window_params = [{transform_indices = @transform_0, window_bounds = array<i64: 1000, 128>}, {transform_indices = @transform_1, window_bounds = array<i64: 1, 1000, 128>}, {transform_indices = @transform_2, window_bounds = array<i64: 1, 1000, 128>}, {transform_indices = @transform_3, window_bounds = array<i64: 1000, 1>}, {pipeline_mode = #tpu.pipeline_mode<synchronous>, transform_indices = @transform_4, window_bounds = array<i64: 128, 64>}, {pipeline_mode = #tpu.pipeline_mode<synchronous>, transform_indices = @transform_5, window_bounds = array<i64: 1, 64>}, {pipeline_mode = #tpu.pipeline_mode<synchronous>, transform_indices = @transform_6, window_bounds = array<i64: 128, 64>}, {pipeline_mode = #tpu.pipeline_mode<synchronous>, transform_indices = @transform_7, window_bounds = array<i64: 64, 128>}, {transform_indices = @transform_8, window_bounds = array<i64: 1000, 64>}, {transform_indices = @transform_9, window_bounds = array<i64: 1000, 128>}]} {
    %get3A = arith.constant 0 : index
    %get3A_0 = arith.constant 0 : index
    %get3A_1 = arith.constant 0 : index
    %get3A_2 = vector.load %arg2[%get3A, %get3A_0, %get3A_1] : memref<1x1000x128xf32, #tpu.memory_space<vmem>>, vector<1x1000x128xf32>
    %get3A_3 = vector.shape_cast %get3A_2 : vector<1x1000x128xf32> to vector<1000x128xf32>
    %get3A_4 = arith.constant 0 : index
    %get3A_5 = arith.constant 0 : index
    %get3A_6 = arith.constant 0 : index
    %get3A_7 = vector.load %arg3[%get3A_4, %get3A_5, %get3A_6] : memref<1x1000x128xf32, #tpu.memory_space<vmem>>, vector<1x1000x128xf32>
    %get3A_8 = vector.shape_cast %get3A_7 : vector<1x1000x128xf32> to vector<1000x128xf32>
    %add3A = arith.addf %get3A_3, %get3A_8 : vector<1000x128xf32>
    %get3A_9 = arith.constant 0 : index
    %get3A_10 = arith.constant 0 : index
    %get3A_11 = vector.load %arg4[%get3A_9, %get3A_10] : memref<1000x1xf32, #tpu.memory_space<vmem>>, vector<1000x1xf32>
    %mul3A = vector.broadcast %get3A_11 : vector<1000x1xf32> to vector<1000x128xf32>
    %mul3A_12 = arith.mulf %add3A, %mul3A : vector<1000x128xf32>
    %get3A_13 = arith.constant 0 : index
    %get3A_14 = arith.constant 0 : index
    %get3A_15 = vector.load %arg5[%get3A_13, %get3A_14] : memref<128x64xf32, #tpu.memory_space<vmem>>, vector<128x64xf32>
    %dot_general3A = arith.constant dense<0.000000e+00> : vector<1000x64xf32>
    %dot_general3A_16 = tpu.matmul %mul3A_12, %get3A_15, %dot_general3A {dimension_numbers = #tpu.dot_dimension_numbers<[1], [0], [0], [1], [0, 0, 1, 1], [], []>, transpose_lhs_hint = false} : vector<1000x128xf32>, vector<128x64xf32>, vector<1000x64xf32> -> vector<1000x64xf32>
    %get3A_17 = arith.constant 0 : index
    %get3A_18 = arith.constant 0 : index
    %get3A_19 = vector.load %arg6[%get3A_17, %get3A_18] : memref<1x64xf32, #tpu.memory_space<vmem>>, vector<1x64xf32>
    %add3A_20 = vector.broadcast %get3A_19 : vector<1x64xf32> to vector<1000x64xf32>
    %add3A_21 = arith.addf %dot_general3A_16, %add3A_20 : vector<1000x64xf32>
    %get3A_22 = arith.constant 0 : index
    %get3A_23 = arith.constant 0 : index
    %get3A_24 = vector.load %arg1[%get3A_22, %get3A_23] : memref<1000x128xf32, #tpu.memory_space<vmem>>, vector<1000x128xf32>
    %get3A_25 = arith.constant 0 : index
    %get3A_26 = arith.constant 0 : index
    %get3A_27 = vector.load %arg7[%get3A_25, %get3A_26] : memref<128x64xf32, #tpu.memory_space<vmem>>, vector<128x64xf32>
    %dot_general3A_28 = arith.constant dense<0.000000e+00> : vector<1000x64xf32>
    %dot_general3A_29 = tpu.matmul %get3A_24, %get3A_27, %dot_general3A_28 {dimension_numbers = #tpu.dot_dimension_numbers<[1], [0], [0], [1], [0, 0, 1, 1], [], []>, transpose_lhs_hint = false} : vector<1000x128xf32>, vector<128x64xf32>, vector<1000x64xf32> -> vector<1000x64xf32>
    %add3A_30 = arith.addf %add3A_21, %dot_general3A_29 : vector<1000x64xf32>
    %swap3A = arith.constant 0 : index
    %swap3A_31 = arith.constant 0 : index
    %swap3A_32 = vector.load %arg9[%swap3A, %swap3A_31] : memref<1000x64xf32, #tpu.memory_space<vmem>>, vector<1000x64xf32>
    tpu.vector_store %arg9[%swap3A, %swap3A_31], %add3A_30 {strides = array<i32>} : memref<1000x64xf32, #tpu.memory_space<vmem>>, vector<1000x64xf32>,
    %get3A_33 = arith.constant 0 : index
    %get3A_34 = arith.constant 0 : index
    %get3A_35 = vector.load %arg8[%get3A_33, %get3A_34] : memref<64x128xf32, #tpu.memory_space<vmem>>, vector<64x128xf32>
    %dot_general3A_36 = arith.constant dense<0.000000e+00> : vector<1000x128xf32>
    %dot_general3A_37 = tpu.matmul %add3A_30, %get3A_35, %dot_general3A_36 {dimension_numbers = #tpu.dot_dimension_numbers<[1], [0], [0], [1], [0, 0, 1, 1], [], []>, transpose_lhs_hint = false} : vector<1000x64xf32>, vector<64x128xf32>, vector<1000x128xf32> -> vector<1000x128xf32>
    %swap3A_38 = arith.constant 0 : index
    %swap3A_39 = arith.constant 0 : index
    %swap3A_40 = vector.load %arg10[%swap3A_38, %swap3A_39] : memref<1000x128xf32, #tpu.memory_space<vmem>>, vector<1000x128xf32>
    tpu.vector_store %arg10[%swap3A_38, %swap3A_39], %dot_general3A_37 {strides = array<i32>} : memref<1000x128xf32, #tpu.memory_space<vmem>>, vector<1000x128xf32>,
    return
  }
  func.func @transform_0(%arg0: i32) -> (i32, i32) {
    %c0_i32 = arith.constant 0 : i32
    %c0_i32_0 = arith.constant 0 : i32
    return %arg0, %c0_i32 : i32, i32
  }
  func.func @transform_1(%arg0: i32) -> (i32, i32, i32) {
    %c0_i32 = arith.constant 0 : i32
    %c0_i32_0 = arith.constant 0 : i32
    %c0_i32_1 = arith.constant 0 : i32
    return %c0_i32, %arg0, %c0_i32_0 : i32, i32, i32
  }
  func.func @transform_2(%arg0: i32) -> (i32, i32, i32) {
    %c1_i32 = arith.constant 1 : i32
    %c0_i32 = arith.constant 0 : i32
    %c0_i32_0 = arith.constant 0 : i32
    return %c1_i32, %arg0, %c0_i32 : i32, i32, i32
  }
  func.func @transform_3(%arg0: i32) -> (i32, i32) {
    %c0_i32 = arith.constant 0 : i32
    %c0_i32_0 = arith.constant 0 : i32
    return %arg0, %c0_i32 : i32, i32
  }
  func.func @transform_4(%arg0: i32) -> (i32, i32) {
    %c0_i32 = arith.constant 0 : i32
    %c0_i32_0 = arith.constant 0 : i32
    %c0_i32_1 = arith.constant 0 : i32
    return %c0_i32, %c0_i32_0 : i32, i32
  }
  func.func @transform_5(%arg0: i32) -> (i32, i32) {
    %c0_i32 = arith.constant 0 : i32
    %c0_i32_0 = arith.constant 0 : i32
    %c0_i32_1 = arith.constant 0 : i32
    return %c0_i32, %c0_i32_0 : i32, i32
  }
  func.func @transform_6(%arg0: i32) -> (i32, i32) {
    %c0_i32 = arith.constant 0 : i32
    %c0_i32_0 = arith.constant 0 : i32
    %c0_i32_1 = arith.constant 0 : i32
    return %c0_i32, %c0_i32_0 : i32, i32
  }
  func.func @transform_7(%arg0: i32) -> (i32, i32) {
    %c0_i32 = arith.constant 0 : i32
    %c0_i32_0 = arith.constant 0 : i32
    %c0_i32_1 = arith.constant 0 : i32
    return %c0_i32, %c0_i32_0 : i32, i32
  }
  func.func @transform_8(%arg0: i32) -> (i32, i32) {
    %c0_i32 = arith.constant 0 : i32
    %c0_i32_0 = arith.constant 0 : i32
    return %arg0, %c0_i32 : i32, i32
  }
  func.func @transform_9(%arg0: i32) -> (i32, i32) {
    %c0_i32 = arith.constant 0 : i32
    %c0_i32_0 = arith.constant 0 : i32
    return %arg0, %c0_i32 : i32, i32
  }
}

module attributes {stable_mosaic.version = 14 : i64} {
  func.func @_tc3_body(%arg0: i32, %arg1: memref<1000x64xf32, #tpu.memory_space<vmem>>, %arg2: memref<1x1000x128xf32, #tpu.memory_space<vmem>>, %arg3: memref<1x1000x128xf32, #tpu.memory_space<vmem>>, %arg4: memref<1000x1xf32, #tpu.memory_space<vmem>>, %arg5: memref<1x128xf32, #tpu.memory_space<vmem>>, %arg6: memref<64x128xf32, #tpu.memory_space<vmem>>, %arg7: memref<1000x128xf32, #tpu.memory_space<vmem>>) attributes {dimension_semantics = [#tpu.dimension_semantics<arbitrary>], iteration_bounds = array<i64: 10>, scalar_prefetch = 0 : i64, scratch_operands = 0 : i64, tpu.core_type = #tpu.core_type<tc>, window_params = [{transform_indices = @transform_0, window_bounds = array<i64: 1000, 64>}, {transform_indices = @transform_1, window_bounds = array<i64: 1, 1000, 128>}, {transform_indices = @transform_2, window_bounds = array<i64: 1, 1000, 128>}, {transform_indices = @transform_3, window_bounds = array<i64: 1000, 1>}, {pipeline_mode = #tpu.pipeline_mode<synchronous>, transform_indices = @transform_4, window_bounds = array<i64: 1, 128>}, {pipeline_mode = #tpu.pipeline_mode<synchronous>, transform_indices = @transform_5, window_bounds = array<i64: 64, 128>}, {transform_indices = @transform_6, window_bounds = array<i64: 1000, 128>}]} {
    %get3A = arith.constant 0 : index
    %get3A_0 = arith.constant 0 : index
    %get3A_1 = arith.constant 0 : index
    %get3A_2 = vector.load %arg2[%get3A, %get3A_0, %get3A_1] : memref<1x1000x128xf32, #tpu.memory_space<vmem>>, vector<1x1000x128xf32>
    %get3A_3 = vector.shape_cast %get3A_2 : vector<1x1000x128xf32> to vector<1000x128xf32>
    %get3A_4 = arith.constant 0 : index
    %get3A_5 = arith.constant 0 : index
    %get3A_6 = arith.constant 0 : index
    %get3A_7 = vector.load %arg3[%get3A_4, %get3A_5, %get3A_6] : memref<1x1000x128xf32, #tpu.memory_space<vmem>>, vector<1x1000x128xf32>
    %get3A_8 = vector.shape_cast %get3A_7 : vector<1x1000x128xf32> to vector<1000x128xf32>
    %add3A = arith.addf %get3A_3, %get3A_8 : vector<1000x128xf32>
    %get3A_9 = arith.constant 0 : index
    %get3A_10 = arith.constant 0 : index
    %get3A_11 = vector.load %arg4[%get3A_9, %get3A_10] : memref<1000x1xf32, #tpu.memory_space<vmem>>, vector<1000x1xf32>
    %mul3A = vector.broadcast %get3A_11 : vector<1000x1xf32> to vector<1000x128xf32>
    %mul3A_12 = arith.mulf %add3A, %mul3A : vector<1000x128xf32>
    %get3A_13 = arith.constant 0 : index
    %get3A_14 = arith.constant 0 : index
    %get3A_15 = vector.load %arg5[%get3A_13, %get3A_14] : memref<1x128xf32, #tpu.memory_space<vmem>>, vector<1x128xf32>
    %add3A_16 = vector.broadcast %get3A_15 : vector<1x128xf32> to vector<1000x128xf32>
    %add3A_17 = arith.addf %mul3A_12, %add3A_16 : vector<1000x128xf32>
    %get3A_18 = arith.constant 0 : index
    %get3A_19 = arith.constant 0 : index
    %get3A_20 = vector.load %arg1[%get3A_18, %get3A_19] : memref<1000x64xf32, #tpu.memory_space<vmem>>, vector<1000x64xf32>
    %get3A_21 = arith.constant 0 : index
    %get3A_22 = arith.constant 0 : index
    %get3A_23 = vector.load %arg6[%get3A_21, %get3A_22] : memref<64x128xf32, #tpu.memory_space<vmem>>, vector<64x128xf32>
    %dot_general3A = arith.constant dense<0.000000e+00> : vector<1000x128xf32>
    %dot_general3A_24 = tpu.matmul %get3A_20, %get3A_23, %dot_general3A {dimension_numbers = #tpu.dot_dimension_numbers<[1], [0], [0], [1], [0, 0, 1, 1], [], []>, transpose_lhs_hint = false} : vector<1000x64xf32>, vector<64x128xf32>, vector<1000x128xf32> -> vector<1000x128xf32>
    %add3A_25 = arith.addf %add3A_17, %dot_general3A_24 : vector<1000x128xf32>
    %swap3A = arith.constant 0 : index
    %swap3A_26 = arith.constant 0 : index
    %swap3A_27 = vector.load %arg7[%swap3A, %swap3A_26] : memref<1000x128xf32, #tpu.memory_space<vmem>>, vector<1000x128xf32>
    tpu.vector_store %arg7[%swap3A, %swap3A_26], %add3A_25 {strides = array<i32>} : memref<1000x128xf32, #tpu.memory_space<vmem>>, vector<1000x128xf32>,
    return
  }
  func.func @transform_0(%arg0: i32) -> (i32, i32) {
    %c0_i32 = arith.constant 0 : i32
    %c0_i32_0 = arith.constant 0 : i32
    return %arg0, %c0_i32 : i32, i32
  }
  func.func @transform_1(%arg0: i32) -> (i32, i32, i32) {
    %c0_i32 = arith.constant 0 : i32
    %c0_i32_0 = arith.constant 0 : i32
    %c0_i32_1 = arith.constant 0 : i32
    return %c0_i32, %arg0, %c0_i32_0 : i32, i32, i32
  }
  func.func @transform_2(%arg0: i32) -> (i32, i32, i32) {
    %c1_i32 = arith.constant 1 : i32
    %c0_i32 = arith.constant 0 : i32
    %c0_i32_0 = arith.constant 0 : i32
    return %c1_i32, %arg0, %c0_i32 : i32, i32, i32
  }
  func.func @transform_3(%arg0: i32) -> (i32, i32) {
    %c0_i32 = arith.constant 0 : i32
    %c0_i32_0 = arith.constant 0 : i32
    return %arg0, %c0_i32 : i32, i32
  }
  func.func @transform_4(%arg0: i32) -> (i32, i32) {
    %c0_i32 = arith.constant 0 : i32
    %c0_i32_0 = arith.constant 0 : i32
    %c0_i32_1 = arith.constant 0 : i32
    return %c0_i32, %c0_i32_0 : i32, i32
  }
  func.func @transform_5(%arg0: i32) -> (i32, i32) {
    %c0_i32 = arith.constant 0 : i32
    %c0_i32_0 = arith.constant 0 : i32
    %c0_i32_1 = arith.constant 0 : i32
    return %c0_i32, %c0_i32_0 : i32, i32
  }
  func.func @transform_6(%arg0: i32) -> (i32, i32) {
    %c0_i32 = arith.constant 0 : i32
    %c0_i32_0 = arith.constant 0 : i32
    return %arg0, %c0_i32 : i32, i32
  }
}

</mosaic_0001>

<sc_bundles>
// kernel: kernel.11.cloned.1.call-start
scs
__scs_entry_jumppad:
0x0: {  	(pc) =	sbr.rel $0x88, $3  }
0x1: {  	(tag) =	ssettag $0x0;
	lr =	simm.s32 $0x1  }
0x2: {  	[smem:$0x3F96] =	sst lr;
	_ =	strace $0xD0000000  }
0x3: {  	_ = 	snop  }
0x4: {  	_ = 	snop  }
0x5: {  	_ = 	snop  }
0x6: {  	_ = 	snop  }
0x7: {  	_ = 	snop  }
__scs_overlays_trampoline_lowered:
0x8: {  	[smem:$0x3FA5] =	sst s0  }
0x9: {  	[smem:$0x3FA6] =	sst s1  }
0xa: {  	[smem:$0x3FA7] =	sst s2  }
0xb: {  	[smem:$0x3FA8] =	sst s3  }
0xc: {  	[smem:$0x3FA9] =	sst s4  }
0xd: {  	[smem:$0x3FAA] =	sst s5  }
0xe: {  	[smem:$0x3FAB] =	sst s6  }
0xf: {  	[smem:$0x3FAC] =	sst s7  }
0x10: {  	[smem:$0x3FAD] =	sst s8  }
0x11: {  	[smem:$0x3FAE] =	sst s9;
	s0 =	simm.s32 @!p0 $0x0  }
0x12: {  	s1 =	sld [smem:$0x3F94];
	s0 =	simm.s32 @p0 $0x1  }
0x13: {  	[smem:$0x3FAF] =	sst s0;
	s0 =	simm.s32 @!p1 $0x0  }
0x14: {  	s2 =	sld [smem:$0x3F93];
	s0 =	simm.s32 @p1 $0x1  }
0x15: {  	[smem:$0x3FB0] =	sst s0;
	s0 =	simm.s32 @!p2 $0x0  }
0x16: {  	s3 =	sld [smem:$0x3FDB];
	s0 =	simm.s32 @p2 $0x1  }
0x17: {  	s4 =	simm.s32 $0x1BF5;
	[smem:$0x3FB2] =	sst s0  }
0x18: {  	s0 =	sld [smem:$0x3F95];
	_ =	swait.ge [sflag:s4], $0x0  }
0x19: {  	s7 =	sld [smem:$0x3F96]  }
0x1a: {  	s8 =	sadd.s32 $0xFFFFE003, lr  }
0x1b: {  	s9 =	sadd.s32 $0xFFFFFEF7, lr;
	s5 =	simm.s32 $0xFFFFFFFF;
	p2 =	slt.u32 s8, $0xFFFFF086  }
0x1c: {  	p1 =	slt.u32 s9, $0xF7A;
	s5 =	simm.s32 @!p2 $0x0  }
0x1d: {  	s5 =	simm.s32 @p1 $0x1;
	p0 =	seq.s32 s7, s2  }
0x1e: {  	s7 =	smul.u32 @!p0 $0xF7A, s2;
	p2 =	seq.s32 @!p0 s5, $0x0  }
0x1f: {  	s9 =	smul.u32 $0xF7A, s1;
	s8 =	simm.s32 @!p0 $0x1BF5;
	p2 =	por !p2, p0  }
0x20: {  	[sflag:s8] =	ssyncset.s32 @!p0 $0xFFFFF086;
	s6 =	sadd.s32 @!p0 s3, s7;
	s7 =	simm.s32 @!p0 $0x108  }
0x21: {  	s3 =	sadd.s32 s3, s9;
	s6 =	sadd.s32 @!p0 $0x88, s6;
	s7 =	simm.s32 @p2 $0x1082  }
0x22: {  	[simem:s7], [sflag:s8] =	dma.local @!p0 [hbm:s6], $0xF7A  }
0x23: {  	s9 =	sor.u32 $0xD0000000, s2;
	s6 =	simm.s32 $0x108;
	_ =	swait.ge @!p0 [sflag:s8], $0x0  }
0x24: {  	s3 =	sadd.s32 $0x88, s3;
	s6 =	simm.s32 @!p1 $0x1082;
	[sflag:s4] =	ssyncset.s32 $0xFFFFF086  }
0x25: {  	[simem:s6], [sflag:s4] =	dma.local [hbm:s3], $0xF7A  }
0x26: {  	[smem:$0x3F96] =	sst s1;
	(tag) =	ssettag s2;
	_ =	strace s9  }
0x27: {  	s1 =	sld [smem:$0x3FA6]  }
0x28: {  	s2 =	sld [smem:$0x3FA7]  }
0x29: {  	s4 =	sld [smem:$0x3FA9]  }
0x2a: {  	p0 =	seq.s32 s5, $0x0;
	s5 =	sld [smem:$0x3FAA]  }
0x2b: {  	s6 =	sld [smem:$0x3FAB]  }
0x2c: {  	s7 =	sld [smem:$0x3FAC]  }
0x2d: {  	s3 =	simm.s32 $0x108;
	s8 =	sld [smem:$0x3FAD]  }
0x2e: {  	s3 =	simm.s32 @!p0 $0x1082;
	s9 =	sld [smem:$0x3FAE]  }
0x2f: {  	lr =	sadd.s32 s0, s3;
	s0 =	sld [smem:$0x3FA5]  }
0x30: {  	s3 =	sld [smem:$0x3FA8]  }
0x31: {  	[smem:$0x3FB1] =	sst s10  }
0x32: {  	s10 =	sld [smem:$0x3FAF];
	_ =	sdelay $0x3  }
0x33: {  	p0 =	seq.s32 s10, $0x1;
	s10 =	sld [smem:$0x3FB1];
	_ =	sdelay $0x3  }
0x34: {  	[smem:$0x3FB1] =	sst s10  }
0x35: {  	s10 =	sld [smem:$0x3FB0];
	_ =	sdelay $0x3  }
0x36: {  	p1 =	seq.s32 s10, $0x1;
	s10 =	sld [smem:$0x3FB1];
	_ =	sdelay $0x3  }
0x37: {  	[smem:$0x3FB1] =	sst s10  }
0x38: {  	s10 =	sld [smem:$0x3FB2]  }
0x39: {  	_ = 	snop;
	(pc) =	sbr.ind lr, $3  }
0x3a: {  	_ = 	snop  }
0x3b: {  	_ = 	snop  }
0x3c: {  	p2 =	seq.s32 s10, $0x1;
	s10 =	sld [smem:$0x3FB1]  }
0x3d: {  	_ =	shalt  }
0x3e: {  	_ =	shalt  }
0x3f: {  	_ =	shalt  }
0x40: {  	_ =	shalt  }
0x41: {  	_ =	shalt  }
0x42: {  	_ =	shalt  }
0x43: {  	_ =	shalt  }
0x44: {  	_ =	shalt  }
0x45: {  	_ =	shalt  }
0x46: {  	_ =	shalt  }
0x47: {  	_ =	shalt  }
0x48: {  	_ =	shalt  }
0x49: {  	_ =	shalt  }
0x4a: {  	_ =	shalt  }
0x4b: {  	_ =	shalt  }
0x4c: {  	_ =	shalt  }
0x4d: {  	_ =	shalt  }
0x4e: {  	_ =	shalt  }
0x4f: {  	_ =	shalt  }
0x50: {  	_ =	shalt  }
0x51: {  	_ =	shalt  }
0x52: {  	_ =	shalt  }
0x53: {  	_ =	shalt  }
0x54: {  	_ =	shalt  }
0x55: {  	_ =	shalt  }
0x56: {  	_ =	shalt  }
0x57: {  	_ =	shalt  }
0x58: {  	_ =	shalt  }
0x59: {  	_ =	shalt  }
0x5a: {  	_ =	shalt  }
0x5b: {  	_ =	shalt  }
0x5c: {  	_ =	shalt  }
0x5d: {  	_ =	shalt  }
0x5e: {  	_ =	shalt  }
0x5f: {  	_ =	shalt  }
0x60: {  	_ =	shalt  }
0x61: {  	_ =	shalt  }
0x62: {  	_ =	shalt  }
0x63: {  	_ =	shalt  }
0x64: {  	_ =	shalt  }
0x65: {  	_ =	shalt  }
0x66: {  	_ =	shalt  }
0x67: {  	_ =	shalt  }
0x68: {  	_ =	shalt  }
0x69: {  	_ =	shalt  }
0x6a: {  	_ =	shalt  }
0x6b: {  	_ =	shalt  }
0x6c: {  	_ =	shalt  }
0x6d: {  	_ =	shalt  }
0x6e: {  	_ =	shalt  }
0x6f: {  	_ =	shalt  }
0x70: {  	_ =	shalt  }
0x71: {  	_ =	shalt  }
0x72: {  	_ =	shalt  }
0x73: {  	_ =	shalt  }
0x74: {  	_ =	shalt  }
0x75: {  	_ =	shalt  }
0x76: {  	_ =	shalt  }
0x77: {  	_ =	shalt  }
0x78: {  	_ =	shalt  }
0x79: {  	_ =	shalt  }
0x7a: {  	_ =	shalt  }
0x7b: {  	_ =	shalt  }
0x7c: {  	_ =	shalt  }
0x7d: {  	_ =	shalt  }
0x7e: {  	_ =	shalt  }
0x7f: {  	_ =	shalt  }
0x80: {  	_ =	shalt  }
0x81: {  	_ =	shalt  }
0x82: {  	_ =	shalt  }
0x83: {  	_ =	shalt  }
0x84: {  	_ =	shalt  }
0x85: {  	_ =	shalt  }
0x86: {  	_ =	shalt  }
0x87: {  	_ =	shalt  }
.Lfunc_end0:
.L_simem_size_0:
called_computation.1_lowered:
.L_overlay_start_0:
0x88: {  	s2 =	sld [smem:$0x3FD9]  }
0x89: {  	s3 =	sld [smem:$0x3FFE];
	_ =	sdelay $0x1  }
0x8a: {  	s1 =	srdreg.scid  }
0x8b: {  	s0 =	sand.u32 $0x1, s1  }
0x8c: {  	s17 =	sshll.u32 s0, $0xA;
	s2 =	sadd.s32 s3, s2  }
0x8d: {  	s2 =	sadd.s32 s2, s17  }
0x8e: {  	[smem:$0x3FBD] =	sst s2  }
0x8f: {  	_ = 	snop  }
0x90: {  	s2 =	sld [smem:$0x3FD0];
	(tm) =	ssettm $0x1  }
0x91: {  	s18 =	sld [smem:$0x3FFB];
	_ =	sdelay $0x3  }
0x92: {  	_ =	strace s18  }
0x93: {  	s3 =	sld [smem:$0x3FFC];
	_ =	sdelay $0x3  }
0x94: {  	_ =	strace s3  }
0x95: {  	s3 =	sld [smem:$0x3FFD];
	_ =	sdelay $0x3  }
0x96: {  	_ =	strace s3  }
0x97: {  	_ =	strace $0x8FFFFFFF  }
0x98: {  	s19 =	sld [smem:$0x3FDB];
	_ =	sdelay $0x1  }
0x99: {  	s4 =	simm.s32 $_scs_section_size  }
0x9a: {  	s5 =	simm.s32 $_size__tile_overlayer_lowered;
	s6 =	simm.s32 $_tile_overlayer_lowered  }
0x9b: {  	s22 =	simm.s32 $0x1BFF;
	s21 =	sshll.u32 s6, $0x1;
	s3 =	sadd.s32 s4, s19  }
0x9c: {  	s7 =	simm.s32 $0x0;
	s20 =	sshll.u32 s5, $0x1;
	s5 =	sadd.s32 s21, s3  }
0x9d: {  	[timem:s7], [sflag:s22] =	dma.local [hbm:s5], s20  }
0x9e: {  	_ =	swait.ge [sflag:s22], s20  }
0x9f: {  	s4 =	ssub.s32 $0x0, s20;
	[sflag:s22] =	ssyncset.done $0x0  }
0xa0: {  	[sflag:s22] =	ssyncadd.s32 s4;
	_ =	sdelay $0x1  }
0xa1: {  	s23 =	simm.s32 $0x1B8B  }
0xa2: {  	_ =	swait.ge [sflag:s23], $0x1  }
0xa3: {  	[sflag:s23] =	ssyncset.done $0x0  }
0xa4: {  	s25 =	simm.s32 $0x1B8E;
	s24 =	sld [smem:$0x3FFE];
	[sflag:s23] =	ssyncadd.s32 $0xFFFFFFFF  }
0xa5: {  	s26 =	simm.s32 $execute0_lowered;
	[smem:$0x3FD2] =	sst s25  }
0xa6: {  	s5 =	sshll.u32 s26, $0x1;
	_ =	strace $0x80000049;
	[dreg:$0x1] =	wrdreg $0xFFFFFFFF  }
0xa7: {  	s28 =	simm.s32 $_size_execute0_lowered;
	s3 =	sadd.s32 s3, s5;
	[dreg:$0x0] =	wrdreg $0x0  }
0xa8: {  	s5 =	sshll.u32 s28, $0x1;
	[dreg:$0x2] =	wrdreg s3  }
0xa9: {  	[dreg:$0x3] =	wrdreg s5  }
0xaa: {  	[dreg:$0x4] =	wrdreg $0xC0  }
0xab: {  	_ =	task [dreg:s7], $0x5FFFF  }
0xac: {  	[dreg:$0x1] =	wrdreg $0xFFFFFFFF  }
0xad: {  	[dreg:$0x0] =	wrdreg $0x60  }
0xae: {  	[dreg:$0x2] =	wrdreg s2  }
0xaf: {  	[dreg:$0x3] =	wrdreg s24  }
0xb0: {  	[dreg:$0x4] =	wrdreg $0x0  }
0xb1: {  	[dreg:$0x5] =	wrdreg $0x9  }
0xb2: {  	_ =	task.clear_ibuf [dreg:s7], $0x6FFFF;
	_ =	strace $0x90000049  }
0xb3: {  	s29 =	simm.s32 $0x9;
	_ =	strace $0x8000004B  }
0xb4: {  	_ =	swait.ge [sflag:s29], $0x1  }
0xb5: {  	[sflag:s29] =	ssyncadd.s32 $0xFFFFFFFF  }
0xb6: {  	_ =	strace $0x9000004B  }
0xb7: {  	_ =	sfence  }
0xb8: {  	s30 =	sld [smem:$0x0];
	_ =	sdelay $0x2  }
0xb9: {  	s31 =	sshll.u32 s1, $0xD;
	s1 =	sshrl.u32 s1, $0x2  }
0xba: {  	s3 =	sand.u32 $0x4000, s31;
	s1 =	sadd.s32 s1, s30  }
0xbb: {  	s0 =	sor.u32 s3, s0;
	s1 =	sshll.u32 s1, $0x11  }
0xbc: {  	s0 =	sor.u32 s1, s0  }
0xbd: {  	s0 =	sadd.s32 $0x8F2B, s0  }
0xbe: {  	[sflag:s0] =	ssyncadd.remote.s32 $0x1  }
0xbf: {  	_ =	sfence.sel $0xFFFF  }
0xc0: {  	[dreg:$0x0] =	wrdreg $0xFFFFFFFF;
	(pc) =	sbr.abs _section_cstart, $3  }
0xc1: {  	[dreg:$0x1] =	wrdreg $0xFFFFFFFF  }
0xc2: {  	_ =	task.clear_ibuf [dreg:s7], $0x2FFFF;
	_ =	strace $0x9FFFFFFF  }
0xc3: {  	(tm) =	ssettm $0x7FFFFFFF  }
tec
execute0_lowered:
.L_overlay_start_1:
0x0: {  	(tag) =	ssettag $0x1  }
0x1: {  	s1 =	rddreg [dreg:$0x0]  }
0x2: {  	s0 =	rddreg [dreg:$0x1]  }
0x3: {  	s2 =	rddreg [dreg:$0x2]  }
0x4: {  	s3 =	srdreg.scid;
	s4 =	simm.s32 $0x0;
	s12 =	stileid.u32  }
0x5: {  	s28 =	simm.s32 $0x14000;
	s29 =	simm.s32 $0x14100;
	s30 =	simm.s32 $0x14200  }
0x6: {  	s31 =	simm.s32 $0x14300;
	s3 =	sand.u32 $0x1, s3;
	s9 =	smul.u32 $0x50000, s12  }
0x7: {  	[smem:$0x7FF] =	sst s4;
	s6 =	sadd.s32 $0x2E00, s0;
	s21 =	smul.u32 $0x14000, s12  }
0x8: {  	s8 =	sadd.s32 $0x17200, s0;
	s0 =	sadd.s32 $0x17600, s0;
	s17 =	smul.u32 $0xA00, s12  }
0x9: {  	s5 =	sshll.u32 s3, $0x4;
	_ =	strace $0x8000004A;
	s26 =	smul.u32 $0x140000, s3  }
0xa: {  	s7 =	ssub.s32 $0x2, s3;
	[dreg:$0x4] =	wrdreg s8;
	s3 =	smul.u32 $0xA000, s3  }
0xb: {  	s5 =	sor.u32 s12, s5;
	s19 =	sshrl.u32 s7, $0x1;
	s20 =	sshrl.u32 s9, $0x2  }
0xc: {  	s24 =	sadd.s32 $0x4000, s21;
	s11 =	sadd.s32 $0x8000, s21;
	s13 =	sadd.s32 $0xC000, s21  }
0xd: {  	s14 =	sadd.s32 $0x10000, s21;
	s9 =	simm.s32 $0x1C400;
	s5 =	smul.u32 $0xA00, s5  }
0xe: {  	s7 =	ssub.s32 s7, s19;
	s25 =	sadd.s32 s24, s2;
	s8 =	sadd.s32 s21, s26  }
0xf: {  	s15 =	sadd.s32 s26, s11;
	s16 =	sadd.s32 s26, s14;
	s3 =	sadd.s32 s3, s6  }
0x10: {  	s8 =	sshrl.u32 s8, $0x3;
	s21 =	smax.u32 s7, $0x1;
	[dreg:$0x14] =	wrdreg s25  }
0x11: {  	s7 =	simm.s32 $0x2;
	s10 =	sadd.s32 s6, s5;
	[dreg:$0x15] =	wrdreg s21  }
0x12: {  	s8 =	sadd.s32 s0, s8;
	s6 =	simm.s32 $0x14280;
	[dreg:$0x5] =	wrdreg s10  }
0x13: {  	s5 =	sadd.s32 $0x20, s10;
	s22 =	sadd.s32 $0x40, s10;
	[dreg:$0xa] =	wrdreg s8  }
0x14: {  	s23 =	sadd.s32 $0x60, s10;
	s10 =	sadd.s32 s20, s2;
	[dreg:$0x6] =	wrdreg s5  }
0x15: {  	s8 =	sshrl.u32 s15, $0x3;
	s15 =	sadd.s32 s26, s13;
	[dreg:$0x7] =	wrdreg s22  }
0x16: {  	[dreg:$0x8] =	wrdreg s23;
	s5 =	sadd.s32 $0x2000, s10;
	s18 =	sadd.s32 $0x6000, s10  }
0x17: {  	s19 =	sadd.s32 $0xA000, s10;
	s22 =	sadd.s32 s17, s3;
	[dreg:$0x9] =	wrdreg s5  }
0x18: {  	s20 =	sadd.s32 $0xE000, s10;
	s23 =	sadd.s32 $0x12000, s10;
	[dreg:$0xf] =	wrdreg s18  }
0x19: {  	s3 =	simm.s32 $0x80;
	s17 =	simm.s32 $0x14180;
	[dreg:$0x10] =	wrdreg s19  }
0x1a: {  	s5 =	sadd.s32 s26, s24;
	s26 =	sadd.s32 s11, s2;
	[dreg:$0x12] =	wrdreg s20  }
0x1b: {  	s24 =	sadd.s32 s13, s2;
	s19 =	sadd.s32 s14, s2;
	[dreg:$0x16] =	wrdreg s23  }
0x1c: {  	s11 =	simm.s32 $0x7;
	s13 =	simm.s32 $0x5;
	s14 =	simm.s32 $0x14080  }
0x1d: {  	s18 =	simm.s32 $0x4;
	s5 =	sshrl.u32 s5, $0x3;
	[dreg:$0x11] =	wrdreg s24  }
0x1e: {  	s20 =	simm.s32 $0x14380;
	[dreg:$0x13] =	wrdreg s19;
	s5 =	sadd.s32 s0, s5  }
0x1f: {  	s23 =	simm.s32 $0x0;
	[dreg:$0xb] =	wrdreg s5;
	s5 =	sadd.s32 s0, s8  }
0x20: {  	s8 =	sshrl.u32 s16, $0x3;
	[dreg:$0xc] =	wrdreg s5;
	s5 =	sshrl.u32 s15, $0x3  }
0x21: {  	s16 =	simm.s32 $0x6;
	s15 =	simm.s32 $0x3;
	s5 =	sadd.s32 s0, s5  }
0x22: {  	s0 =	sadd.s32 s0, s8;
	s8 =	simm.s32 $0x18400;
	[dreg:$0xd] =	wrdreg s5  }
0x23: {  	[dreg:$0xe] =	wrdreg s0;
	s0 =	simm.s32 $0x1;
	s5 =	simm.s32 $0x14400  }
.LBB2_1:
0x24: {  	s12 =	rddreg [dreg:$0x5]  }
0x25: {  	[tilespmem:s28], [sflag:$0x1] =	stream.linear.gather [hbm4b:s12+s4], $0x100, $0x38;
	[tilespmem:$0x1E400] =	vst v63  }
0x26: {  	s21 =	rddreg [dreg:$0x6]  }
0x27: {  	[tilespmem:s29], [sflag:$0x2] =	stream.linear.gather [hbm4b:s21+s4], $0x100, $0x38;
	[tilespmem:$0x1E400] =	vst v63  }
0x28: {  	s21 =	rddreg [dreg:$0x7]  }
0x29: {  	[tilespmem:s30], [sflag:$0x3] =	stream.linear.gather [hbm4b:s21+s4], $0x100, $0x38;
	[tilespmem:$0x1E400] =	vst v63  }
0x2a: {  	s21 =	rddreg [dreg:$0x8]  }
0x2b: {  	[tilespmem:s31], [sflag:$0x4] =	stream.linear.gather [hbm4b:s21+s4], $0x100, $0x38;
	[tilespmem:$0x1E400] =	vst v63  }
0x2c: {  	_ =	swait.ge [sflag:s0], $0x100  }
0x2d: {  	[sflag:s0] =	ssyncset.done $0x0  }
0x2e: {  	[sflag:s0] =	ssyncadd.s32 $0xFFFFFF00  }
0x2f: {  	[tilespmem:s5], [sflag:$0x5] =	stream.indirect.gather [hbm4b:s1+s3], $0x80, s28, s3, $0xb8;
	[tilespmem:$0x1E400] =	vst v63  }
0x30: {  	_ =	swait.ge [sflag:s7], $0x100  }
0x31: {  	[sflag:s7] =	ssyncset.done $0x0  }
0x32: {  	[sflag:s7] =	ssyncadd.s32 $0xFFFFFF00  }
0x33: {  	[tilespmem:s8], [sflag:$0x6] =	stream.indirect.gather [hbm4b:s1+s3], $0x80, s29, s3, $0xb8;
	[tilespmem:$0x1E400] =	vst v63  }
0x34: {  	s21 =	rddreg [dreg:$0x4]  }
0x35: {  	[tilespmem:s9], [sflag:$0x7] =	stream.linear.gather [hbm4b:s21+s4], $0x2000, $0x38;
	[tilespmem:$0x1E400] =	vst v63  }
0x36: {  	_ =	swait.ge [sflag:s11], $0x2000  }
0x37: {  	[sflag:s11] =	ssyncset.done $0x0  }
0x38: {  	[sflag:s11] =	ssyncadd.s32 $0xFFFFE000  }
0x39: {  	[spmem:s10] =	stream.linear.scatter [tilespmem:s9], [sflag:$0x7], $0x2000, $0x38;
	[tilespmem:$0x1E400] =	vst v63  }
0x3a: {  	_ =	swait.ge [sflag:s11], $0x2000  }
0x3b: {  	[sflag:s11] =	ssyncset.done $0x0  }
0x3c: {  	s21 =	smov.u32 s10;
	s10 =	rddreg [dreg:$0x9];
	[sflag:s11] =	ssyncadd.s32 $0xFFFFE000  }
0x3d: {  	[spmem:s10] =	stream.linear.scatter [tilespmem:s9], [sflag:$0x7], $0x2000, $0x38;
	[tilespmem:$0x1E400] =	vst v63  }
0x3e: {  	_ =	swait.ge [sflag:s11], $0x2000  }
0x3f: {  	[sflag:s11] =	ssyncset.done $0x0  }
0x40: {  	[sflag:s11] =	ssyncadd.s32 $0xFFFFE000  }
0x41: {  	[spmem:s25] =	stream.linear.scatter [tilespmem:s9], [sflag:$0x7], $0x2000, $0x38;
	[tilespmem:$0x1E400] =	vst v63  }
0x42: {  	_ =	swait.ge [sflag:s11], $0x2000  }
0x43: {  	[sflag:s11] =	ssyncset.done $0x0  }
0x44: {  	s25 =	rddreg [dreg:$0xf];
	[sflag:s11] =	ssyncadd.s32 $0xFFFFE000  }
0x45: {  	[spmem:s25] =	stream.linear.scatter [tilespmem:s9], [sflag:$0x7], $0x2000, $0x38;
	[tilespmem:$0x1E400] =	vst v63  }
0x46: {  	_ =	swait.ge [sflag:s11], $0x2000  }
0x47: {  	[sflag:s11] =	ssyncset.done $0x0  }
0x48: {  	[sflag:s11] =	ssyncadd.s32 $0xFFFFE000  }
0x49: {  	[spmem:s26] =	stream.linear.scatter [tilespmem:s9], [sflag:$0x7], $0x2000, $0x38;
	[tilespmem:$0x1E400] =	vst v63  }
0x4a: {  	_ =	swait.ge [sflag:s11], $0x2000  }
0x4b: {  	[sflag:s11] =	ssyncset.done $0x0  }
0x4c: {  	s10 =	smov.u32 s26;
	s26 =	rddreg [dreg:$0x10];
	[sflag:s11] =	ssyncadd.s32 $0xFFFFE000  }
0x4d: {  	[spmem:s26] =	stream.linear.scatter [tilespmem:s9], [sflag:$0x7], $0x2000, $0x38;
	[tilespmem:$0x1E400] =	vst v63  }
0x4e: {  	_ =	swait.ge [sflag:s11], $0x2000  }
0x4f: {  	[sflag:s11] =	ssyncset.done $0x0  }
0x50: {  	[sflag:s11] =	ssyncadd.s32 $0xFFFFE000  }
0x51: {  	[spmem:s24] =	stream.linear.scatter [tilespmem:s9], [sflag:$0x7], $0x2000, $0x38;
	[tilespmem:$0x1E400] =	vst v63  }
0x52: {  	_ =	swait.ge [sflag:s11], $0x2000  }
0x53: {  	[sflag:s11] =	ssyncset.done $0x0  }
0x54: {  	s25 =	rddreg [dreg:$0x12];
	[sflag:s11] =	ssyncadd.s32 $0xFFFFE000  }
0x55: {  	[spmem:s25] =	stream.linear.scatter [tilespmem:s9], [sflag:$0x7], $0x2000, $0x38;
	[tilespmem:$0x1E400] =	vst v63  }
0x56: {  	_ =	swait.ge [sflag:s11], $0x2000  }
0x57: {  	[sflag:s11] =	ssyncset.done $0x0  }
0x58: {  	[sflag:s11] =	ssyncadd.s32 $0xFFFFE000  }
0x59: {  	[spmem:s19] =	stream.linear.scatter [tilespmem:s9], [sflag:$0x7], $0x2000, $0x38;
	[tilespmem:$0x1E400] =	vst v63  }
0x5a: {  	_ =	swait.ge [sflag:s11], $0x2000  }
0x5b: {  	[sflag:s11] =	ssyncset.done $0x0  }
0x5c: {  	s26 =	rddreg [dreg:$0x16];
	[sflag:s11] =	ssyncadd.s32 $0xFFFFE000  }
0x5d: {  	[spmem:s26] =	stream.linear.scatter [tilespmem:s9], [sflag:$0x7], $0x2000, $0x38;
	[tilespmem:$0x1E400] =	vst v63  }
0x5e: {  	_ =	swait.ge [sflag:s11], $0x2000  }
0x5f: {  	[sflag:s11] =	ssyncset.done $0x0  }
0x60: {  	[sflag:s11] =	ssyncadd.s32 $0xFFFFE000  }
0x61: {  	[bflag:$0x0] =	sbarrier.arrive $0xFFFF  }
0x62: {  	_ =	swait.ge [sflag:s13], $0x4000  }
0x63: {  	[sflag:s13] =	ssyncset.done $0x0  }
0x64: {  	[sflag:s13] =	ssyncadd.s32 $0xFFFFC000  }
0x65: {  	[spmem:s2] =	stream.indirect.scatter.add.f32 [tilespmem:s5], [sflag:$0x7], $0x80, s14, s3, $0xb8;
	[tilespmem:$0x1E400] =	vst v63  }
0x66: {  	_ =	swait.ge [sflag:s11], $0x4000  }
0x67: {  	s25 =	sadd.s32 $0x0, s22;
	[sflag:s11] =	ssyncset.done $0x0  }
0x68: {  	s12 =	sadd.s32 $0x80, s25;
	[sflag:s11] =	ssyncadd.s32 $0xFFFFC000  }
0x69: {  	[tilespmem:s28], [sflag:$0x1] =	stream.linear.gather [hbm4b:s12+s4], $0x100, $0x38;
	[tilespmem:$0x1E400] =	vst v63  }
0x6a: {  	_ =	swait.ge [sflag:s15], $0x100  }
0x6b: {  	[sflag:s15] =	ssyncset.done $0x0  }
0x6c: {  	[sflag:s15] =	ssyncadd.s32 $0xFFFFFF00  }
0x6d: {  	[tilespmem:s5], [sflag:$0x5] =	stream.indirect.gather [hbm4b:s1+s3], $0x80, s30, s3, $0xb8;
	[tilespmem:$0x1E400] =	vst v63  }
0x6e: {  	_ =	swait.ge [sflag:s16], $0x4000  }
0x6f: {  	[sflag:s16] =	ssyncset.done $0x0  }
0x70: {  	[sflag:s16] =	ssyncadd.s32 $0xFFFFC000  }
0x71: {  	[spmem:s2] =	stream.indirect.scatter.add.f32 [tilespmem:s8], [sflag:$0x7], $0x80, s17, s3, $0xb8;
	[tilespmem:$0x1E400] =	vst v63  }
0x72: {  	_ =	swait.ge [sflag:s11], $0x4000  }
0x73: {  	[sflag:s11] =	ssyncset.done $0x0  }
0x74: {  	s19 =	sadd.s32 $0xA0, s25;
	[sflag:s11] =	ssyncadd.s32 $0xFFFFC000  }
0x75: {  	[tilespmem:s29], [sflag:$0x2] =	stream.linear.gather [hbm4b:s19+s4], $0x100, $0x38;
	[tilespmem:$0x1E400] =	vst v63  }
0x76: {  	_ =	swait.ge [sflag:s18], $0x100  }
0x77: {  	[sflag:s18] =	ssyncset.done $0x0  }
0x78: {  	[sflag:s18] =	ssyncadd.s32 $0xFFFFFF00  }
0x79: {  	[tilespmem:s8], [sflag:$0x6] =	stream.indirect.gather [hbm4b:s1+s3], $0x80, s31, s3, $0xb8;
	[tilespmem:$0x1E400] =	vst v63  }
0x7a: {  	_ =	swait.ge [sflag:s13], $0x4000  }
0x7b: {  	[sflag:s13] =	ssyncset.done $0x0  }
0x7c: {  	[sflag:s13] =	ssyncadd.s32 $0xFFFFC000  }
0x7d: {  	[spmem:s2] =	stream.indirect.scatter.add.f32 [tilespmem:s5], [sflag:$0x7], $0x80, s6, s3, $0xb8;
	[tilespmem:$0x1E400] =	vst v63  }
0x7e: {  	_ =	swait.ge [sflag:s11], $0x4000  }
0x7f: {  	[sflag:s11] =	ssyncset.done $0x0  }
0x80: {  	s24 =	sadd.s32 $0xC0, s25;
	[sflag:s11] =	ssyncadd.s32 $0xFFFFC000  }
0x81: {  	[tilespmem:s30], [sflag:$0x3] =	stream.linear.gather [hbm4b:s24+s4], $0x100, $0x38;
	[tilespmem:$0x1E400] =	vst v63  }
0x82: {  	_ =	swait.ge [sflag:s0], $0x100  }
0x83: {  	[sflag:s0] =	ssyncset.done $0x0  }
0x84: {  	[sflag:s0] =	ssyncadd.s32 $0xFFFFFF00  }
0x85: {  	[tilespmem:s5], [sflag:$0x5] =	stream.indirect.gather [hbm4b:s1+s3], $0x80, s28, s3, $0xb8;
	[tilespmem:$0x1E400] =	vst v63  }
0x86: {  	_ =	swait.ge [sflag:s16], $0x4000  }
0x87: {  	[sflag:s16] =	ssyncset.done $0x0  }
0x88: {  	[sflag:s16] =	ssyncadd.s32 $0xFFFFC000  }
0x89: {  	[spmem:s2] =	stream.indirect.scatter.add.f32 [tilespmem:s8], [sflag:$0x7], $0x80, s20, s3, $0xb8;
	[tilespmem:$0x1E400] =	vst v63  }
0x8a: {  	_ =	swait.ge [sflag:s11], $0x4000  }
0x8b: {  	[sflag:s11] =	ssyncset.done $0x0  }
0x8c: {  	s25 =	sadd.s32 $0xE0, s25;
	[sflag:s11] =	ssyncadd.s32 $0xFFFFC000  }
0x8d: {  	[tilespmem:s31], [sflag:$0x4] =	stream.linear.gather [hbm4b:s25+s4], $0x100, $0x38;
	[tilespmem:$0x1E400] =	vst v63  }
0x8e: {  	_ =	swait.ge [sflag:s7], $0x100  }
0x8f: {  	[sflag:s7] =	ssyncset.done $0x0  }
0x90: {  	s25 =	simm.s32 $0x80;
	[sflag:s7] =	ssyncadd.s32 $0xFFFFFF00  }
.LBB2_2:
0x91: {  	[tilespmem:s8], [sflag:$0x6] =	stream.indirect.gather [hbm4b:s1+s3], $0x80, s29, s3, $0xb8;
	[tilespmem:$0x1E400] =	vst v63  }
0x92: {  	s26 =	smov.u32 s25  }
0x93: {  	p0 =	sne.s32 s25, $0x900;
	s25 =	sadd.s32 $0x80, s25;
	_ =	swait.ge [sflag:s13], $0x4000  }
0x94: {  	[sflag:s13] =	ssyncset.done $0x0  }
0x95: {  	[sflag:s13] =	ssyncadd.s32 $0xFFFFC000  }
0x96: {  	[spmem:s2] =	stream.indirect.scatter.add.f32 [tilespmem:s5], [sflag:$0x7], $0x80, s14, s3, $0xb8;
	[tilespmem:$0x1E400] =	vst v63  }
0x97: {  	_ =	swait.ge [sflag:s11], $0x4000  }
0x98: {  	s26 =	sadd.s32 s26, s22;
	[sflag:s11] =	ssyncset.done $0x0  }
0x99: {  	s12 =	sadd.s32 $0x80, s26;
	[sflag:s11] =	ssyncadd.s32 $0xFFFFC000  }
0x9a: {  	[tilespmem:s28], [sflag:$0x1] =	stream.linear.gather [hbm4b:s12+s4], $0x100, $0x38;
	[tilespmem:$0x1E400] =	vst v63  }
0x9b: {  	_ =	swait.ge [sflag:s15], $0x100  }
0x9c: {  	[sflag:s15] =	ssyncset.done $0x0  }
0x9d: {  	[sflag:s15] =	ssyncadd.s32 $0xFFFFFF00  }
0x9e: {  	[tilespmem:s5], [sflag:$0x5] =	stream.indirect.gather [hbm4b:s1+s3], $0x80, s30, s3, $0xb8;
	[tilespmem:$0x1E400] =	vst v63  }
0x9f: {  	_ =	swait.ge [sflag:s16], $0x4000  }
0xa0: {  	[sflag:s16] =	ssyncset.done $0x0  }
0xa1: {  	[sflag:s16] =	ssyncadd.s32 $0xFFFFC000  }
0xa2: {  	[spmem:s2] =	stream.indirect.scatter.add.f32 [tilespmem:s8], [sflag:$0x7], $0x80, s17, s3, $0xb8;
	[tilespmem:$0x1E400] =	vst v63  }
0xa3: {  	_ =	swait.ge [sflag:s11], $0x4000  }
0xa4: {  	[sflag:s11] =	ssyncset.done $0x0  }
0xa5: {  	s12 =	sadd.s32 $0xA0, s26;
	[sflag:s11] =	ssyncadd.s32 $0xFFFFC000  }
0xa6: {  	[tilespmem:s29], [sflag:$0x2] =	stream.linear.gather [hbm4b:s12+s4], $0x100, $0x38;
	[tilespmem:$0x1E400] =	vst v63  }
0xa7: {  	_ =	swait.ge [sflag:s18], $0x100  }
0xa8: {  	[sflag:s18] =	ssyncset.done $0x0  }
0xa9: {  	[sflag:s18] =	ssyncadd.s32 $0xFFFFFF00  }
0xaa: {  	[tilespmem:s8], [sflag:$0x6] =	stream.indirect.gather [hbm4b:s1+s3], $0x80, s31, s3, $0xb8;
	[tilespmem:$0x1E400] =	vst v63  }
0xab: {  	_ =	swait.ge [sflag:s13], $0x4000  }
0xac: {  	[sflag:s13] =	ssyncset.done $0x0  }
0xad: {  	[sflag:s13] =	ssyncadd.s32 $0xFFFFC000  }
0xae: {  	[spmem:s2] =	stream.indirect.scatter.add.f32 [tilespmem:s5], [sflag:$0x7], $0x80, s6, s3, $0xb8;
	[tilespmem:$0x1E400] =	vst v63  }
0xaf: {  	_ =	swait.ge [sflag:s11], $0x4000  }
0xb0: {  	[sflag:s11] =	ssyncset.done $0x0  }
0xb1: {  	s12 =	sadd.s32 $0xC0, s26;
	[sflag:s11] =	ssyncadd.s32 $0xFFFFC000  }
0xb2: {  	[tilespmem:s30], [sflag:$0x3] =	stream.linear.gather [hbm4b:s12+s4], $0x100, $0x38;
	[tilespmem:$0x1E400] =	vst v63  }
0xb3: {  	_ =	swait.ge [sflag:s0], $0x100  }
0xb4: {  	[sflag:s0] =	ssyncset.done $0x0  }
0xb5: {  	[sflag:s0] =	ssyncadd.s32 $0xFFFFFF00  }
0xb6: {  	[tilespmem:s5], [sflag:$0x5] =	stream.indirect.gather [hbm4b:s1+s3], $0x80, s28, s3, $0xb8;
	[tilespmem:$0x1E400] =	vst v63  }
0xb7: {  	_ =	swait.ge [sflag:s16], $0x4000  }
0xb8: {  	[sflag:s16] =	ssyncset.done $0x0  }
0xb9: {  	[sflag:s16] =	ssyncadd.s32 $0xFFFFC000  }
0xba: {  	[spmem:s2] =	stream.indirect.scatter.add.f32 [tilespmem:s8], [sflag:$0x7], $0x80, s20, s3, $0xb8;
	[tilespmem:$0x1E400] =	vst v63  }
0xbb: {  	_ =	swait.ge [sflag:s11], $0x4000  }
0xbc: {  	[sflag:s11] =	ssyncset.done $0x0  }
.Ltmp0:
0xbd: {  	s12 =	sadd.s32 $0xE0, s26;
	[sflag:s11] =	ssyncadd.s32 $0xFFFFC000;
	(pc) =	sbr.rel @p0 .LBB2_2-.Ltmp0, $4  }
0xbe: {  	[tilespmem:s31], [sflag:$0x4] =	stream.linear.gather [hbm4b:s12+s4], $0x100, $0x38;
	[tilespmem:$0x1E400] =	vst v63  }
0xbf: {  	_ =	swait.ge [sflag:s7], $0x100  }
0xc0: {  	[sflag:s7] =	ssyncset.done $0x0  }
0xc1: {  	[sflag:s7] =	ssyncadd.s32 $0xFFFFFF00  }
0xc2: {  	[tilespmem:s8], [sflag:$0x6] =	stream.indirect.gather [hbm4b:s1+s3], $0x80, s29, s3, $0xb8;
	[tilespmem:$0x1E400] =	vst v63  }
0xc3: {  	_ =	swait.ge [sflag:s13], $0x4000  }
0xc4: {  	[sflag:s13] =	ssyncset.done $0x0  }
0xc5: {  	[sflag:s13] =	ssyncadd.s32 $0xFFFFC000  }
0xc6: {  	[spmem:s2] =	stream.indirect.scatter.add.f32 [tilespmem:s5], [sflag:$0x7], $0x80, s14, s3, $0xb8;
	[tilespmem:$0x1E400] =	vst v63  }
0xc7: {  	_ =	swait.ge [sflag:s11], $0x4000  }
0xc8: {  	[sflag:s11] =	ssyncset.done $0x0  }
0xc9: {  	[sflag:s11] =	ssyncadd.s32 $0xFFFFC000  }
0xca: {  	_ =	swait.ge [sflag:s15], $0x100  }
0xcb: {  	[sflag:s15] =	ssyncset.done $0x0  }
0xcc: {  	[sflag:s15] =	ssyncadd.s32 $0xFFFFFF00  }
0xcd: {  	[tilespmem:s5], [sflag:$0x5] =	stream.indirect.gather [hbm4b:s1+s3], $0x80, s30, s3, $0xb8;
	[tilespmem:$0x1E400] =	vst v63  }
0xce: {  	_ =	swait.ge [sflag:s16], $0x4000  }
0xcf: {  	[sflag:s16] =	ssyncset.done $0x0  }
0xd0: {  	[sflag:s16] =	ssyncadd.s32 $0xFFFFC000  }
0xd1: {  	[spmem:s2] =	stream.indirect.scatter.add.f32 [tilespmem:s8], [sflag:$0x7], $0x80, s17, s3, $0xb8;
	[tilespmem:$0x1E400] =	vst v63  }
0xd2: {  	_ =	swait.ge [sflag:s11], $0x4000  }
0xd3: {  	[sflag:s11] =	ssyncset.done $0x0  }
0xd4: {  	[sflag:s11] =	ssyncadd.s32 $0xFFFFC000  }
0xd5: {  	_ =	swait.ge [sflag:s18], $0x100  }
0xd6: {  	[sflag:s18] =	ssyncset.done $0x0  }
0xd7: {  	[sflag:s18] =	ssyncadd.s32 $0xFFFFFF00  }
0xd8: {  	[tilespmem:s8], [sflag:$0x6] =	stream.indirect.gather [hbm4b:s1+s3], $0x80, s31, s3, $0xb8;
	[tilespmem:$0x1E400] =	vst v63  }
0xd9: {  	_ =	swait.ge [sflag:s13], $0x4000  }
0xda: {  	[sflag:s13] =	ssyncset.done $0x0  }
0xdb: {  	[sflag:s13] =	ssyncadd.s32 $0xFFFFC000  }
0xdc: {  	[spmem:s2] =	stream.indirect.scatter.add.f32 [tilespmem:s5], [sflag:$0x7], $0x80, s6, s3, $0xb8;
	[tilespmem:$0x1E400] =	vst v63  }
0xdd: {  	_ =	swait.ge [sflag:s11], $0x4000  }
0xde: {  	[sflag:s11] =	ssyncset.done $0x0  }
0xdf: {  	[sflag:s11] =	ssyncadd.s32 $0xFFFFC000  }
0xe0: {  	_ =	swait.ge [sflag:s16], $0x4000  }
0xe1: {  	[sflag:s16] =	ssyncset.done $0x0  }
0xe2: {  	[sflag:s16] =	ssyncadd.s32 $0xFFFFC000  }
0xe3: {  	[spmem:s2] =	stream.indirect.scatter.add.f32 [tilespmem:s8], [sflag:$0x7], $0x80, s20, s3, $0xb8;
	[tilespmem:$0x1E400] =	vst v63  }
0xe4: {  	_ =	swait.ge [sflag:s11], $0x4000  }
0xe5: {  	[sflag:s11] =	ssyncset.done $0x0  }
0xe6: {  	[sflag:s11] =	ssyncadd.s32 $0xFFFFC000  }
0xe7: {  	[bflag:$0x0] =	sbarrier.arrive $0xFFFF  }
0xe8: {  	[tilespmem:s5], [sflag:$0x7] =	stream.linear.gather [spmem:s21], $0x4000, $0x38;
	[tilespmem:$0x1E400] =	vst v63  }
0xe9: {  	_ =	swait.ge [sflag:s11], $0x4000  }
0xea: {  	[sflag:s11] =	ssyncset.done $0x0  }
0xeb: {  	s12 =	rddreg [dreg:$0xa];
	[sflag:s11] =	ssyncadd.s32 $0xFFFFC000  }
0xec: {  	[hbm4b:s12+s4] =	stream.linear.scatter [tilespmem:s5], [sflag:$0x5], $0x4000, $0x38;
	[tilespmem:$0x1E400] =	vst v63  }
0xed: {  	s25 =	rddreg [dreg:$0x14]  }
0xee: {  	[tilespmem:s8], [sflag:$0x7] =	stream.linear.gather [spmem:s25], $0x4000, $0x38;
	[tilespmem:$0x1E400] =	vst v63  }
0xef: {  	_ =	swait.ge [sflag:s11], $0x4000  }
0xf0: {  	[sflag:s11] =	ssyncset.done $0x0  }
0xf1: {  	s19 =	rddreg [dreg:$0xb];
	[sflag:s11] =	ssyncadd.s32 $0xFFFFC000  }
0xf2: {  	[hbm4b:s19+s4] =	stream.linear.scatter [tilespmem:s8], [sflag:$0x6], $0x4000, $0x38;
	[tilespmem:$0x1E400] =	vst v63  }
0xf3: {  	_ =	swait.ge [sflag:s13], $0x4000  }
0xf4: {  	[sflag:s13] =	ssyncset.done $0x0  }
0xf5: {  	s26 =	smov.u32 s10;
	[sflag:s13] =	ssyncadd.s32 $0xFFFFC000  }
0xf6: {  	[tilespmem:s5], [sflag:$0x7] =	stream.linear.gather [spmem:s26], $0x4000, $0x38;
	[tilespmem:$0x1E400] =	vst v63  }
0xf7: {  	_ =	swait.ge [sflag:s11], $0x4000  }
0xf8: {  	[sflag:s11] =	ssyncset.done $0x0  }
0xf9: {  	s24 =	rddreg [dreg:$0xc];
	[sflag:s11] =	ssyncadd.s32 $0xFFFFC000  }
0xfa: {  	[hbm4b:s24+s4] =	stream.linear.scatter [tilespmem:s5], [sflag:$0x5], $0x4000, $0x38;
	[tilespmem:$0x1E400] =	vst v63  }
0xfb: {  	_ =	swait.ge [sflag:s16], $0x4000  }
0xfc: {  	[sflag:s16] =	ssyncset.done $0x0  }
0xfd: {  	s24 =	rddreg [dreg:$0x11];
	[sflag:s16] =	ssyncadd.s32 $0xFFFFC000  }
0xfe: {  	[tilespmem:s8], [sflag:$0x7] =	stream.linear.gather [spmem:s24], $0x4000, $0x38;
	[tilespmem:$0x1E400] =	vst v63  }
0xff: {  	_ =	swait.ge [sflag:s11], $0x4000  }
0x100: {  	[sflag:s11] =	ssyncset.done $0x0  }
0x101: {  	s19 =	rddreg [dreg:$0xd];
	[sflag:s11] =	ssyncadd.s32 $0xFFFFC000  }
0x102: {  	[hbm4b:s19+s4] =	stream.linear.scatter [tilespmem:s8], [sflag:$0x6], $0x4000, $0x38;
	[tilespmem:$0x1E400] =	vst v63  }
0x103: {  	_ =	swait.ge [sflag:s13], $0x4000  }
0x104: {  	[sflag:s13] =	ssyncset.done $0x0  }
0x105: {  	s19 =	rddreg [dreg:$0x13];
	[sflag:s13] =	ssyncadd.s32 $0xFFFFC000  }
0x106: {  	[tilespmem:s5], [sflag:$0x7] =	stream.linear.gather [spmem:s19], $0x4000, $0x38;
	[tilespmem:$0x1E400] =	vst v63  }
0x107: {  	_ =	swait.ge [sflag:s11], $0x4000  }
0x108: {  	[sflag:s11] =	ssyncset.done $0x0  }
0x109: {  	s10 =	smov.u32 s21;
	s21 =	rddreg [dreg:$0xe];
	[sflag:s11] =	ssyncadd.s32 $0xFFFFC000  }
0x10a: {  	[hbm4b:s21+s4] =	stream.linear.scatter [tilespmem:s5], [sflag:$0x5], $0x4000, $0x38;
	[tilespmem:$0x1E400] =	vst v63  }
0x10b: {  	_ =	swait.ge [sflag:s13], $0x4000  }
0x10c: {  	[sflag:s13] =	ssyncset.done $0x0  }
0x10d: {  	[sflag:s13] =	ssyncadd.s32 $0xFFFFC000  }
0x10e: {  	_ =	swait.ge [sflag:s16], $0x4000  }
0x10f: {  	s23 =	sadd.s32 $0x1, s23;
	s21 =	rddreg [dreg:$0x15]  }
0x110: {  	p0 =	sne.s32 s23, s21  }
.Ltmp1:
0x111: {  	_ = 	snop;
	(pc) =	sbr.rel @p0 .LBB2_1-.Ltmp1, $3  }
0x112: {  	_ =	sdelay $0x1  }
0x113: {  	[sflag:s16] =	ssyncset.done $0x0  }
0x114: {  	[sflag:s16] =	ssyncadd.s32 $0xFFFFC000  }
0x115: {  	_ =	sfence.sel $0x180000  }
0x116: {  	[bflag:$0x0] =	sbarrier.arrive $0xFFFF  }
0x117: {  	_ =	strace $0x9000004A  }
0x118: {  	s0 =	stileid.u32;
	[bflag:$0x2] =	sbarrier.arrive $0xFFFF  }
0x119: {  	p0 =	sne.s32 s0, $0x0;
	s0 =	rddreg [dreg:$0x3]  }
0x11a: {  	s0 =	sadd.s32 @!p0 $0x100000, s0  }
0x11b: {  	[sflag:s0] =	ssyncadd.tile.s32 @!p0 $0x1;
	_ =	shalt  }
.Lfunc_end2:
_tile_overlayer_lowered:
.L_overlay_start_2:
0x11c: {  	(tag) =	ssettag $0x2  }
0x11d: {  	s0 =	rddreg [dreg:$0x0];
	s2 =	stileid.u32  }
0x11e: {  	s1 =	rddreg [dreg:$0x1];
	p0 =	sne.s32 s2, $0x0  }
0x11f: {  	s3 =	rddreg [dreg:$0x2];
	[bflag:$0x3] =	sbarrier.arrive $0xFFFF;
	s2 =	simm.s32 @!p0 $0x1C07  }
0x120: {  	[timem:s3], [sflag:s2] =	dma.local @!p0 [hbm:s0], s1  }
0x121: {  	s0 =	simm.s32 @!p0 $0x7  }
0x122: {  	_ =	swait.ge @!p0 [sflag:s0], s1  }
0x123: {  	s1 =	ssub.s32 @!p0 $0x0, s1;
	[sflag:s0] =	ssyncset.done @!p0 $0x0  }
0x124: {  	[sflag:s0] =	ssyncadd.s32 @!p0 s1  }
0x125: {  	[bflag:$0x3] =	sbarrier.arrive $0xFFFF  }
0x126: {  	_ =	shalt  }

// kernel: kernel.14.cloned.1.call-start
scs
__scs_entry_jumppad:
0x0: {  	(pc) =	sbr.rel $0x88, $3  }
0x1: {  	(tag) =	ssettag $0x0;
	lr =	simm.s32 $0x1  }
0x2: {  	[smem:$0x3F96] =	sst lr;
	_ =	strace $0xD0000000  }
0x3: {  	_ = 	snop  }
0x4: {  	_ = 	snop  }
0x5: {  	_ = 	snop  }
0x6: {  	_ = 	snop  }
0x7: {  	_ = 	snop  }
__scs_overlays_trampoline_lowered:
0x8: {  	[smem:$0x3FA5] =	sst s0  }
0x9: {  	[smem:$0x3FA6] =	sst s1  }
0xa: {  	[smem:$0x3FA7] =	sst s2  }
0xb: {  	[smem:$0x3FA8] =	sst s3  }
0xc: {  	[smem:$0x3FA9] =	sst s4  }
0xd: {  	[smem:$0x3FAA] =	sst s5  }
0xe: {  	[smem:$0x3FAB] =	sst s6  }
0xf: {  	[smem:$0x3FAC] =	sst s7  }
0x10: {  	[smem:$0x3FAD] =	sst s8  }
0x11: {  	[smem:$0x3FAE] =	sst s9;
	s0 =	simm.s32 @!p0 $0x0  }
0x12: {  	s1 =	sld [smem:$0x3F94];
	s0 =	simm.s32 @p0 $0x1  }
0x13: {  	[smem:$0x3FAF] =	sst s0;
	s0 =	simm.s32 @!p1 $0x0  }
0x14: {  	s2 =	sld [smem:$0x3F93];
	s0 =	simm.s32 @p1 $0x1  }
0x15: {  	[smem:$0x3FB0] =	sst s0;
	s0 =	simm.s32 @!p2 $0x0  }
0x16: {  	s3 =	sld [smem:$0x3FDB];
	s0 =	simm.s32 @p2 $0x1  }
0x17: {  	s4 =	simm.s32 $0x1BF5;
	[smem:$0x3FB2] =	sst s0  }
0x18: {  	s0 =	sld [smem:$0x3F95];
	_ =	swait.ge [sflag:s4], $0x0  }
0x19: {  	s7 =	sld [smem:$0x3F96]  }
0x1a: {  	s8 =	sadd.s32 $0xFFFFE003, lr  }
0x1b: {  	s9 =	sadd.s32 $0xFFFFFEF7, lr;
	s5 =	simm.s32 $0xFFFFFFFF;
	p2 =	slt.u32 s8, $0xFFFFF086  }
0x1c: {  	p1 =	slt.u32 s9, $0xF7A;
	s5 =	simm.s32 @!p2 $0x0  }
0x1d: {  	s5 =	simm.s32 @p1 $0x1;
	p0 =	seq.s32 s7, s2  }
0x1e: {  	s7 =	smul.u32 @!p0 $0xF7A, s2;
	p2 =	seq.s32 @!p0 s5, $0x0  }
0x1f: {  	s9 =	smul.u32 $0xF7A, s1;
	s8 =	simm.s32 @!p0 $0x1BF5;
	p2 =	por !p2, p0  }
0x20: {  	[sflag:s8] =	ssyncset.s32 @!p0 $0xFFFFF086;
	s6 =	sadd.s32 @!p0 s3, s7;
	s7 =	simm.s32 @!p0 $0x108  }
0x21: {  	s3 =	sadd.s32 s3, s9;
	s6 =	sadd.s32 @!p0 $0x88, s6;
	s7 =	simm.s32 @p2 $0x1082  }
0x22: {  	[simem:s7], [sflag:s8] =	dma.local @!p0 [hbm:s6], $0xF7A  }
0x23: {  	s9 =	sor.u32 $0xD0000000, s2;
	s6 =	simm.s32 $0x108;
	_ =	swait.ge @!p0 [sflag:s8], $0x0  }
0x24: {  	s3 =	sadd.s32 $0x88, s3;
	s6 =	simm.s32 @!p1 $0x1082;
	[sflag:s4] =	ssyncset.s32 $0xFFFFF086  }
0x25: {  	[simem:s6], [sflag:s4] =	dma.local [hbm:s3], $0xF7A  }
0x26: {  	[smem:$0x3F96] =	sst s1;
	(tag) =	ssettag s2;
	_ =	strace s9  }
0x27: {  	s1 =	sld [smem:$0x3FA6]  }
0x28: {  	s2 =	sld [smem:$0x3FA7]  }
0x29: {  	s4 =	sld [smem:$0x3FA9]  }
0x2a: {  	p0 =	seq.s32 s5, $0x0;
	s5 =	sld [smem:$0x3FAA]  }
0x2b: {  	s6 =	sld [smem:$0x3FAB]  }
0x2c: {  	s7 =	sld [smem:$0x3FAC]  }
0x2d: {  	s3 =	simm.s32 $0x108;
	s8 =	sld [smem:$0x3FAD]  }
0x2e: {  	s3 =	simm.s32 @!p0 $0x1082;
	s9 =	sld [smem:$0x3FAE]  }
0x2f: {  	lr =	sadd.s32 s0, s3;
	s0 =	sld [smem:$0x3FA5]  }
0x30: {  	s3 =	sld [smem:$0x3FA8]  }
0x31: {  	[smem:$0x3FB1] =	sst s10  }
0x32: {  	s10 =	sld [smem:$0x3FAF];
	_ =	sdelay $0x3  }
0x33: {  	p0 =	seq.s32 s10, $0x1;
	s10 =	sld [smem:$0x3FB1];
	_ =	sdelay $0x3  }
0x34: {  	[smem:$0x3FB1] =	sst s10  }
0x35: {  	s10 =	sld [smem:$0x3FB0];
	_ =	sdelay $0x3  }
0x36: {  	p1 =	seq.s32 s10, $0x1;
	s10 =	sld [smem:$0x3FB1];
	_ =	sdelay $0x3  }
0x37: {  	[smem:$0x3FB1] =	sst s10  }
0x38: {  	s10 =	sld [smem:$0x3FB2]  }
0x39: {  	_ = 	snop;
	(pc) =	sbr.ind lr, $3  }
0x3a: {  	_ = 	snop  }
0x3b: {  	_ = 	snop  }
0x3c: {  	p2 =	seq.s32 s10, $0x1;
	s10 =	sld [smem:$0x3FB1]  }
0x3d: {  	_ =	shalt  }
0x3e: {  	_ =	shalt  }
0x3f: {  	_ =	shalt  }
0x40: {  	_ =	shalt  }
0x41: {  	_ =	shalt  }
0x42: {  	_ =	shalt  }
0x43: {  	_ =	shalt  }
0x44: {  	_ =	shalt  }
0x45: {  	_ =	shalt  }
0x46: {  	_ =	shalt  }
0x47: {  	_ =	shalt  }
0x48: {  	_ =	shalt  }
0x49: {  	_ =	shalt  }
0x4a: {  	_ =	shalt  }
0x4b: {  	_ =	shalt  }
0x4c: {  	_ =	shalt  }
0x4d: {  	_ =	shalt  }
0x4e: {  	_ =	shalt  }
0x4f: {  	_ =	shalt  }
0x50: {  	_ =	shalt  }
0x51: {  	_ =	shalt  }
0x52: {  	_ =	shalt  }
0x53: {  	_ =	shalt  }
0x54: {  	_ =	shalt  }
0x55: {  	_ =	shalt  }
0x56: {  	_ =	shalt  }
0x57: {  	_ =	shalt  }
0x58: {  	_ =	shalt  }
0x59: {  	_ =	shalt  }
0x5a: {  	_ =	shalt  }
0x5b: {  	_ =	shalt  }
0x5c: {  	_ =	shalt  }
0x5d: {  	_ =	shalt  }
0x5e: {  	_ =	shalt  }
0x5f: {  	_ =	shalt  }
0x60: {  	_ =	shalt  }
0x61: {  	_ =	shalt  }
0x62: {  	_ =	shalt  }
0x63: {  	_ =	shalt  }
0x64: {  	_ =	shalt  }
0x65: {  	_ =	shalt  }
0x66: {  	_ =	shalt  }
0x67: {  	_ =	shalt  }
0x68: {  	_ =	shalt  }
0x69: {  	_ =	shalt  }
0x6a: {  	_ =	shalt  }
0x6b: {  	_ =	shalt  }
0x6c: {  	_ =	shalt  }
0x6d: {  	_ =	shalt  }
0x6e: {  	_ =	shalt  }
0x6f: {  	_ =	shalt  }
0x70: {  	_ =	shalt  }
0x71: {  	_ =	shalt  }
0x72: {  	_ =	shalt  }
0x73: {  	_ =	shalt  }
0x74: {  	_ =	shalt  }
0x75: {  	_ =	shalt  }
0x76: {  	_ =	shalt  }
0x77: {  	_ =	shalt  }
0x78: {  	_ =	shalt  }
0x79: {  	_ =	shalt  }
0x7a: {  	_ =	shalt  }
0x7b: {  	_ =	shalt  }
0x7c: {  	_ =	shalt  }
0x7d: {  	_ =	shalt  }
0x7e: {  	_ =	shalt  }
0x7f: {  	_ =	shalt  }
0x80: {  	_ =	shalt  }
0x81: {  	_ =	shalt  }
0x82: {  	_ =	shalt  }
0x83: {  	_ =	shalt  }
0x84: {  	_ =	shalt  }
0x85: {  	_ =	shalt  }
0x86: {  	_ =	shalt  }
0x87: {  	_ =	shalt  }
.Lfunc_end0:
.L_simem_size_0:
called_computation.2_lowered:
.L_overlay_start_0:
0x88: {  	s2 =	sld [smem:$0x3FD9]  }
0x89: {  	s3 =	sld [smem:$0x3FFE];
	_ =	sdelay $0x1  }
0x8a: {  	s1 =	srdreg.scid  }
0x8b: {  	s0 =	sand.u32 $0x1, s1  }
0x8c: {  	s17 =	sshll.u32 s0, $0xA;
	s2 =	sadd.s32 s3, s2  }
0x8d: {  	s2 =	sadd.s32 s2, s17  }
0x8e: {  	[smem:$0x3FBD] =	sst s2  }
0x8f: {  	_ = 	snop  }
0x90: {  	s2 =	sld [smem:$0x3FD0];
	(tm) =	ssettm $0x1  }
0x91: {  	s18 =	sld [smem:$0x3FFB];
	_ =	sdelay $0x3  }
0x92: {  	_ =	strace s18  }
0x93: {  	s3 =	sld [smem:$0x3FFC];
	_ =	sdelay $0x3  }
0x94: {  	_ =	strace s3  }
0x95: {  	s3 =	sld [smem:$0x3FFD];
	_ =	sdelay $0x3  }
0x96: {  	_ =	strace s3  }
0x97: {  	_ =	strace $0x8FFFFFFF  }
0x98: {  	s19 =	sld [smem:$0x3FDB];
	_ =	sdelay $0x1  }
0x99: {  	s4 =	simm.s32 $_scs_section_size  }
0x9a: {  	s5 =	simm.s32 $_size__tile_overlayer_lowered;
	s6 =	simm.s32 $_tile_overlayer_lowered  }
0x9b: {  	s22 =	simm.s32 $0x1BFF;
	s21 =	sshll.u32 s6, $0x1;
	s3 =	sadd.s32 s4, s19  }
0x9c: {  	s7 =	simm.s32 $0x0;
	s20 =	sshll.u32 s5, $0x1;
	s5 =	sadd.s32 s21, s3  }
0x9d: {  	[timem:s7], [sflag:s22] =	dma.local [hbm:s5], s20  }
0x9e: {  	_ =	swait.ge [sflag:s22], s20  }
0x9f: {  	s4 =	ssub.s32 $0x0, s20;
	[sflag:s22] =	ssyncset.done $0x0  }
0xa0: {  	[sflag:s22] =	ssyncadd.s32 s4;
	_ =	sdelay $0x1  }
0xa1: {  	s23 =	simm.s32 $0x1B8B  }
0xa2: {  	_ =	swait.ge [sflag:s23], $0x1  }
0xa3: {  	[sflag:s23] =	ssyncset.done $0x0  }
0xa4: {  	s25 =	simm.s32 $0x1B8E;
	s24 =	sld [smem:$0x3FFE];
	[sflag:s23] =	ssyncadd.s32 $0xFFFFFFFF  }
0xa5: {  	s26 =	simm.s32 $execute0_lowered;
	[smem:$0x3FD2] =	sst s25  }
0xa6: {  	s5 =	sshll.u32 s26, $0x1;
	_ =	strace $0x8000004C;
	[dreg:$0x1] =	wrdreg $0xFFFFFFFF  }
0xa7: {  	s28 =	simm.s32 $_size_execute0_lowered;
	s3 =	sadd.s32 s3, s5;
	[dreg:$0x0] =	wrdreg $0x0  }
0xa8: {  	s5 =	sshll.u32 s28, $0x1;
	[dreg:$0x2] =	wrdreg s3  }
0xa9: {  	[dreg:$0x3] =	wrdreg s5  }
0xaa: {  	[dreg:$0x4] =	wrdreg $0xC0  }
0xab: {  	_ =	task [dreg:s7], $0x5FFFF  }
0xac: {  	[dreg:$0x1] =	wrdreg $0xFFFFFFFF  }
0xad: {  	[dreg:$0x0] =	wrdreg $0x60  }
0xae: {  	[dreg:$0x2] =	wrdreg s2  }
0xaf: {  	[dreg:$0x3] =	wrdreg s24  }
0xb0: {  	[dreg:$0x4] =	wrdreg $0x0  }
0xb1: {  	[dreg:$0x5] =	wrdreg $0x9  }
0xb2: {  	_ =	task.clear_ibuf [dreg:s7], $0x6FFFF;
	_ =	strace $0x9000004C  }
0xb3: {  	s29 =	simm.s32 $0x9;
	_ =	strace $0x8000004E  }
0xb4: {  	_ =	swait.ge [sflag:s29], $0x1  }
0xb5: {  	[sflag:s29] =	ssyncadd.s32 $0xFFFFFFFF  }
0xb6: {  	_ =	strace $0x9000004E  }
0xb7: {  	_ =	sfence  }
0xb8: {  	s30 =	sld [smem:$0x0];
	_ =	sdelay $0x2  }
0xb9: {  	s31 =	sshll.u32 s1, $0xD;
	s1 =	sshrl.u32 s1, $0x2  }
0xba: {  	s3 =	sand.u32 $0x4000, s31;
	s1 =	sadd.s32 s1, s30  }
0xbb: {  	s0 =	sor.u32 s3, s0;
	s1 =	sshll.u32 s1, $0x11  }
0xbc: {  	s0 =	sor.u32 s1, s0  }
0xbd: {  	s0 =	sadd.s32 $0x8F2B, s0  }
0xbe: {  	[sflag:s0] =	ssyncadd.remote.s32 $0x1  }
0xbf: {  	_ =	sfence.sel $0xFFFF  }
0xc0: {  	[dreg:$0x0] =	wrdreg $0xFFFFFFFF;
	(pc) =	sbr.abs _section_cstart, $3  }
0xc1: {  	[dreg:$0x1] =	wrdreg $0xFFFFFFFF  }
0xc2: {  	_ =	task.clear_ibuf [dreg:s7], $0x2FFFF;
	_ =	strace $0x9FFFFFFF  }
0xc3: {  	(tm) =	ssettm $0x7FFFFFFF  }
tec
execute0_lowered:
.L_overlay_start_1:
0x0: {  	(tag) =	ssettag $0x1  }
0x1: {  	s1 =	rddreg [dreg:$0x0]  }
0x2: {  	s0 =	rddreg [dreg:$0x1]  }
0x3: {  	s2 =	rddreg [dreg:$0x2]  }
0x4: {  	s3 =	srdreg.scid;
	s4 =	simm.s32 $0x0;
	s12 =	stileid.u32  }
0x5: {  	s28 =	simm.s32 $0x14000;
	s29 =	simm.s32 $0x14100;
	s30 =	simm.s32 $0x14200  }
0x6: {  	s31 =	simm.s32 $0x14300;
	s3 =	sand.u32 $0x1, s3;
	s9 =	smul.u32 $0x50000, s12  }
0x7: {  	[smem:$0x7FF] =	sst s4;
	s6 =	sadd.s32 $0x2E00, s0;
	s21 =	smul.u32 $0x14000, s12  }
0x8: {  	s8 =	sadd.s32 $0x17200, s0;
	s0 =	sadd.s32 $0x17600, s0;
	s17 =	smul.u32 $0xA00, s12  }
0x9: {  	s5 =	sshll.u32 s3, $0x4;
	_ =	strace $0x8000004D;
	s26 =	smul.u32 $0x140000, s3  }
0xa: {  	s7 =	ssub.s32 $0x2, s3;
	[dreg:$0x4] =	wrdreg s8;
	s3 =	smul.u32 $0xA000, s3  }
0xb: {  	s5 =	sor.u32 s12, s5;
	s19 =	sshrl.u32 s7, $0x1;
	s20 =	sshrl.u32 s9, $0x2  }
0xc: {  	s24 =	sadd.s32 $0x4000, s21;
	s11 =	sadd.s32 $0x8000, s21;
	s13 =	sadd.s32 $0xC000, s21  }
0xd: {  	s14 =	sadd.s32 $0x10000, s21;
	s9 =	simm.s32 $0x1C400;
	s5 =	smul.u32 $0xA00, s5  }
0xe: {  	s7 =	ssub.s32 s7, s19;
	s25 =	sadd.s32 s24, s2;
	s8 =	sadd.s32 s21, s26  }
0xf: {  	s15 =	sadd.s32 s26, s11;
	s16 =	sadd.s32 s26, s14;
	s3 =	sadd.s32 s3, s6  }
0x10: {  	s8 =	sshrl.u32 s8, $0x3;
	s21 =	smax.u32 s7, $0x1;
	[dreg:$0x14] =	wrdreg s25  }
0x11: {  	s7 =	simm.s32 $0x2;
	s10 =	sadd.s32 s6, s5;
	[dreg:$0x15] =	wrdreg s21  }
0x12: {  	s8 =	sadd.s32 s0, s8;
	s6 =	simm.s32 $0x14280;
	[dreg:$0x5] =	wrdreg s10  }
0x13: {  	s5 =	sadd.s32 $0x20, s10;
	s22 =	sadd.s32 $0x40, s10;
	[dreg:$0xa] =	wrdreg s8  }
0x14: {  	s23 =	sadd.s32 $0x60, s10;
	s10 =	sadd.s32 s20, s2;
	[dreg:$0x6] =	wrdreg s5  }
0x15: {  	s8 =	sshrl.u32 s15, $0x3;
	s15 =	sadd.s32 s26, s13;
	[dreg:$0x7] =	wrdreg s22  }
0x16: {  	[dreg:$0x8] =	wrdreg s23;
	s5 =	sadd.s32 $0x2000, s10;
	s18 =	sadd.s32 $0x6000, s10  }
0x17: {  	s19 =	sadd.s32 $0xA000, s10;
	s22 =	sadd.s32 s17, s3;
	[dreg:$0x9] =	wrdreg s5  }
0x18: {  	s20 =	sadd.s32 $0xE000, s10;
	s23 =	sadd.s32 $0x12000, s10;
	[dreg:$0xf] =	wrdreg s18  }
0x19: {  	s3 =	simm.s32 $0x80;
	s17 =	simm.s32 $0x14180;
	[dreg:$0x10] =	wrdreg s19  }
0x1a: {  	s5 =	sadd.s32 s26, s24;
	s26 =	sadd.s32 s11, s2;
	[dreg:$0x12] =	wrdreg s20  }
0x1b: {  	s24 =	sadd.s32 s13, s2;
	s19 =	sadd.s32 s14, s2;
	[dreg:$0x16] =	wrdreg s23  }
0x1c: {  	s11 =	simm.s32 $0x7;
	s13 =	simm.s32 $0x5;
	s14 =	simm.s32 $0x14080  }
0x1d: {  	s18 =	simm.s32 $0x4;
	s5 =	sshrl.u32 s5, $0x3;
	[dreg:$0x11] =	wrdreg s24  }
0x1e: {  	s20 =	simm.s32 $0x14380;
	[dreg:$0x13] =	wrdreg s19;
	s5 =	sadd.s32 s0, s5  }
0x1f: {  	s23 =	simm.s32 $0x0;
	[dreg:$0xb] =	wrdreg s5;
	s5 =	sadd.s32 s0, s8  }
0x20: {  	s8 =	sshrl.u32 s16, $0x3;
	[dreg:$0xc] =	wrdreg s5;
	s5 =	sshrl.u32 s15, $0x3  }
0x21: {  	s16 =	simm.s32 $0x6;
	s15 =	simm.s32 $0x3;
	s5 =	sadd.s32 s0, s5  }
0x22: {  	s0 =	sadd.s32 s0, s8;
	s8 =	simm.s32 $0x18400;
	[dreg:$0xd] =	wrdreg s5  }
0x23: {  	[dreg:$0xe] =	wrdreg s0;
	s0 =	simm.s32 $0x1;
	s5 =	simm.s32 $0x14400  }
.LBB2_1:
0x24: {  	s12 =	rddreg [dreg:$0x5]  }
0x25: {  	[tilespmem:s28], [sflag:$0x1] =	stream.linear.gather [hbm4b:s12+s4], $0x100, $0x38;
	[tilespmem:$0x1E400] =	vst v63  }
0x26: {  	s21 =	rddreg [dreg:$0x6]  }
0x27: {  	[tilespmem:s29], [sflag:$0x2] =	stream.linear.gather [hbm4b:s21+s4], $0x100, $0x38;
	[tilespmem:$0x1E400] =	vst v63  }
0x28: {  	s21 =	rddreg [dreg:$0x7]  }
0x29: {  	[tilespmem:s30], [sflag:$0x3] =	stream.linear.gather [hbm4b:s21+s4], $0x100, $0x38;
	[tilespmem:$0x1E400] =	vst v63  }
0x2a: {  	s21 =	rddreg [dreg:$0x8]  }
0x2b: {  	[tilespmem:s31], [sflag:$0x4] =	stream.linear.gather [hbm4b:s21+s4], $0x100, $0x38;
	[tilespmem:$0x1E400] =	vst v63  }
0x2c: {  	_ =	swait.ge [sflag:s0], $0x100  }
0x2d: {  	[sflag:s0] =	ssyncset.done $0x0  }
0x2e: {  	[sflag:s0] =	ssyncadd.s32 $0xFFFFFF00  }
0x2f: {  	[tilespmem:s5], [sflag:$0x5] =	stream.indirect.gather [hbm4b:s1+s3], $0x80, s28, s3, $0xb8;
	[tilespmem:$0x1E400] =	vst v63  }
0x30: {  	_ =	swait.ge [sflag:s7], $0x100  }
0x31: {  	[sflag:s7] =	ssyncset.done $0x0  }
0x32: {  	[sflag:s7] =	ssyncadd.s32 $0xFFFFFF00  }
0x33: {  	[tilespmem:s8], [sflag:$0x6] =	stream.indirect.gather [hbm4b:s1+s3], $0x80, s29, s3, $0xb8;
	[tilespmem:$0x1E400] =	vst v63  }
0x34: {  	s21 =	rddreg [dreg:$0x4]  }
0x35: {  	[tilespmem:s9], [sflag:$0x7] =	stream.linear.gather [hbm4b:s21+s4], $0x2000, $0x38;
	[tilespmem:$0x1E400] =	vst v63  }
0x36: {  	_ =	swait.ge [sflag:s11], $0x2000  }
0x37: {  	[sflag:s11] =	ssyncset.done $0x0  }
0x38: {  	[sflag:s11] =	ssyncadd.s32 $0xFFFFE000  }
0x39: {  	[spmem:s10] =	stream.linear.scatter [tilespmem:s9], [sflag:$0x7], $0x2000, $0x38;
	[tilespmem:$0x1E400] =	vst v63  }
0x3a: {  	_ =	swait.ge [sflag:s11], $0x2000  }
0x3b: {  	[sflag:s11] =	ssyncset.done $0x0  }
0x3c: {  	s21 =	smov.u32 s10;
	s10 =	rddreg [dreg:$0x9];
	[sflag:s11] =	ssyncadd.s32 $0xFFFFE000  }
0x3d: {  	[spmem:s10] =	stream.linear.scatter [tilespmem:s9], [sflag:$0x7], $0x2000, $0x38;
	[tilespmem:$0x1E400] =	vst v63  }
0x3e: {  	_ =	swait.ge [sflag:s11], $0x2000  }
0x3f: {  	[sflag:s11] =	ssyncset.done $0x0  }
0x40: {  	[sflag:s11] =	ssyncadd.s32 $0xFFFFE000  }
0x41: {  	[spmem:s25] =	stream.linear.scatter [tilespmem:s9], [sflag:$0x7], $0x2000, $0x38;
	[tilespmem:$0x1E400] =	vst v63  }
0x42: {  	_ =	swait.ge [sflag:s11], $0x2000  }
0x43: {  	[sflag:s11] =	ssyncset.done $0x0  }
0x44: {  	s25 =	rddreg [dreg:$0xf];
	[sflag:s11] =	ssyncadd.s32 $0xFFFFE000  }
0x45: {  	[spmem:s25] =	stream.linear.scatter [tilespmem:s9], [sflag:$0x7], $0x2000, $0x38;
	[tilespmem:$0x1E400] =	vst v63  }
0x46: {  	_ =	swait.ge [sflag:s11], $0x2000  }
0x47: {  	[sflag:s11] =	ssyncset.done $0x0  }
0x48: {  	[sflag:s11] =	ssyncadd.s32 $0xFFFFE000  }
0x49: {  	[spmem:s26] =	stream.linear.scatter [tilespmem:s9], [sflag:$0x7], $0x2000, $0x38;
	[tilespmem:$0x1E400] =	vst v63  }
0x4a: {  	_ =	swait.ge [sflag:s11], $0x2000  }
0x4b: {  	[sflag:s11] =	ssyncset.done $0x0  }
0x4c: {  	s10 =	smov.u32 s26;
	s26 =	rddreg [dreg:$0x10];
	[sflag:s11] =	ssyncadd.s32 $0xFFFFE000  }
0x4d: {  	[spmem:s26] =	stream.linear.scatter [tilespmem:s9], [sflag:$0x7], $0x2000, $0x38;
	[tilespmem:$0x1E400] =	vst v63  }
0x4e: {  	_ =	swait.ge [sflag:s11], $0x2000  }
0x4f: {  	[sflag:s11] =	ssyncset.done $0x0  }
0x50: {  	[sflag:s11] =	ssyncadd.s32 $0xFFFFE000  }
0x51: {  	[spmem:s24] =	stream.linear.scatter [tilespmem:s9], [sflag:$0x7], $0x2000, $0x38;
	[tilespmem:$0x1E400] =	vst v63  }
0x52: {  	_ =	swait.ge [sflag:s11], $0x2000  }
0x53: {  	[sflag:s11] =	ssyncset.done $0x0  }
0x54: {  	s25 =	rddreg [dreg:$0x12];
	[sflag:s11] =	ssyncadd.s32 $0xFFFFE000  }
0x55: {  	[spmem:s25] =	stream.linear.scatter [tilespmem:s9], [sflag:$0x7], $0x2000, $0x38;
	[tilespmem:$0x1E400] =	vst v63  }
0x56: {  	_ =	swait.ge [sflag:s11], $0x2000  }
0x57: {  	[sflag:s11] =	ssyncset.done $0x0  }
0x58: {  	[sflag:s11] =	ssyncadd.s32 $0xFFFFE000  }
0x59: {  	[spmem:s19] =	stream.linear.scatter [tilespmem:s9], [sflag:$0x7], $0x2000, $0x38;
	[tilespmem:$0x1E400] =	vst v63  }
0x5a: {  	_ =	swait.ge [sflag:s11], $0x2000  }
0x5b: {  	[sflag:s11] =	ssyncset.done $0x0  }
0x5c: {  	s26 =	rddreg [dreg:$0x16];
	[sflag:s11] =	ssyncadd.s32 $0xFFFFE000  }
0x5d: {  	[spmem:s26] =	stream.linear.scatter [tilespmem:s9], [sflag:$0x7], $0x2000, $0x38;
	[tilespmem:$0x1E400] =	vst v63  }
0x5e: {  	_ =	swait.ge [sflag:s11], $0x2000  }
0x5f: {  	[sflag:s11] =	ssyncset.done $0x0  }
0x60: {  	[sflag:s11] =	ssyncadd.s32 $0xFFFFE000  }
0x61: {  	[bflag:$0x0] =	sbarrier.arrive $0xFFFF  }
0x62: {  	_ =	swait.ge [sflag:s13], $0x4000  }
0x63: {  	[sflag:s13] =	ssyncset.done $0x0  }
0x64: {  	[sflag:s13] =	ssyncadd.s32 $0xFFFFC000  }
0x65: {  	[spmem:s2] =	stream.indirect.scatter.add.f32 [tilespmem:s5], [sflag:$0x7], $0x80, s14, s3, $0xb8;
	[tilespmem:$0x1E400] =	vst v63  }
0x66: {  	_ =	swait.ge [sflag:s11], $0x4000  }
0x67: {  	s25 =	sadd.s32 $0x0, s22;
	[sflag:s11] =	ssyncset.done $0x0  }
0x68: {  	s12 =	sadd.s32 $0x80, s25;
	[sflag:s11] =	ssyncadd.s32 $0xFFFFC000  }
0x69: {  	[tilespmem:s28], [sflag:$0x1] =	stream.linear.gather [hbm4b:s12+s4], $0x100, $0x38;
	[tilespmem:$0x1E400] =	vst v63  }
0x6a: {  	_ =	swait.ge [sflag:s15], $0x100  }
0x6b: {  	[sflag:s15] =	ssyncset.done $0x0  }
0x6c: {  	[sflag:s15] =	ssyncadd.s32 $0xFFFFFF00  }
0x6d: {  	[tilespmem:s5], [sflag:$0x5] =	stream.indirect.gather [hbm4b:s1+s3], $0x80, s30, s3, $0xb8;
	[tilespmem:$0x1E400] =	vst v63  }
0x6e: {  	_ =	swait.ge [sflag:s16], $0x4000  }
0x6f: {  	[sflag:s16] =	ssyncset.done $0x0  }
0x70: {  	[sflag:s16] =	ssyncadd.s32 $0xFFFFC000  }
0x71: {  	[spmem:s2] =	stream.indirect.scatter.add.f32 [tilespmem:s8], [sflag:$0x7], $0x80, s17, s3, $0xb8;
	[tilespmem:$0x1E400] =	vst v63  }
0x72: {  	_ =	swait.ge [sflag:s11], $0x4000  }
0x73: {  	[sflag:s11] =	ssyncset.done $0x0  }
0x74: {  	s19 =	sadd.s32 $0xA0, s25;
	[sflag:s11] =	ssyncadd.s32 $0xFFFFC000  }
0x75: {  	[tilespmem:s29], [sflag:$0x2] =	stream.linear.gather [hbm4b:s19+s4], $0x100, $0x38;
	[tilespmem:$0x1E400] =	vst v63  }
0x76: {  	_ =	swait.ge [sflag:s18], $0x100  }
0x77: {  	[sflag:s18] =	ssyncset.done $0x0  }
0x78: {  	[sflag:s18] =	ssyncadd.s32 $0xFFFFFF00  }
0x79: {  	[tilespmem:s8], [sflag:$0x6] =	stream.indirect.gather [hbm4b:s1+s3], $0x80, s31, s3, $0xb8;
	[tilespmem:$0x1E400] =	vst v63  }
0x7a: {  	_ =	swait.ge [sflag:s13], $0x4000  }
0x7b: {  	[sflag:s13] =	ssyncset.done $0x0  }
0x7c: {  	[sflag:s13] =	ssyncadd.s32 $0xFFFFC000  }
0x7d: {  	[spmem:s2] =	stream.indirect.scatter.add.f32 [tilespmem:s5], [sflag:$0x7], $0x80, s6, s3, $0xb8;
	[tilespmem:$0x1E400] =	vst v63  }
0x7e: {  	_ =	swait.ge [sflag:s11], $0x4000  }
0x7f: {  	[sflag:s11] =	ssyncset.done $0x0  }
0x80: {  	s24 =	sadd.s32 $0xC0, s25;
	[sflag:s11] =	ssyncadd.s32 $0xFFFFC000  }
0x81: {  	[tilespmem:s30], [sflag:$0x3] =	stream.linear.gather [hbm4b:s24+s4], $0x100, $0x38;
	[tilespmem:$0x1E400] =	vst v63  }
0x82: {  	_ =	swait.ge [sflag:s0], $0x100  }
0x83: {  	[sflag:s0] =	ssyncset.done $0x0  }
0x84: {  	[sflag:s0] =	ssyncadd.s32 $0xFFFFFF00  }
0x85: {  	[tilespmem:s5], [sflag:$0x5] =	stream.indirect.gather [hbm4b:s1+s3], $0x80, s28, s3, $0xb8;
	[tilespmem:$0x1E400] =	vst v63  }
0x86: {  	_ =	swait.ge [sflag:s16], $0x4000  }
0x87: {  	[sflag:s16] =	ssyncset.done $0x0  }
0x88: {  	[sflag:s16] =	ssyncadd.s32 $0xFFFFC000  }
0x89: {  	[spmem:s2] =	stream.indirect.scatter.add.f32 [tilespmem:s8], [sflag:$0x7], $0x80, s20, s3, $0xb8;
	[tilespmem:$0x1E400] =	vst v63  }
0x8a: {  	_ =	swait.ge [sflag:s11], $0x4000  }
0x8b: {  	[sflag:s11] =	ssyncset.done $0x0  }
0x8c: {  	s25 =	sadd.s32 $0xE0, s25;
	[sflag:s11] =	ssyncadd.s32 $0xFFFFC000  }
0x8d: {  	[tilespmem:s31], [sflag:$0x4] =	stream.linear.gather [hbm4b:s25+s4], $0x100, $0x38;
	[tilespmem:$0x1E400] =	vst v63  }
0x8e: {  	_ =	swait.ge [sflag:s7], $0x100  }
0x8f: {  	[sflag:s7] =	ssyncset.done $0x0  }
0x90: {  	s25 =	simm.s32 $0x80;
	[sflag:s7] =	ssyncadd.s32 $0xFFFFFF00  }
.LBB2_2:
0x91: {  	[tilespmem:s8], [sflag:$0x6] =	stream.indirect.gather [hbm4b:s1+s3], $0x80, s29, s3, $0xb8;
	[tilespmem:$0x1E400] =	vst v63  }
0x92: {  	s26 =	smov.u32 s25  }
0x93: {  	p0 =	sne.s32 s25, $0x900;
	s25 =	sadd.s32 $0x80, s25;
	_ =	swait.ge [sflag:s13], $0x4000  }
0x94: {  	[sflag:s13] =	ssyncset.done $0x0  }
0x95: {  	[sflag:s13] =	ssyncadd.s32 $0xFFFFC000  }
0x96: {  	[spmem:s2] =	stream.indirect.scatter.add.f32 [tilespmem:s5], [sflag:$0x7], $0x80, s14, s3, $0xb8;
	[tilespmem:$0x1E400] =	vst v63  }
0x97: {  	_ =	swait.ge [sflag:s11], $0x4000  }
0x98: {  	s26 =	sadd.s32 s26, s22;
	[sflag:s11] =	ssyncset.done $0x0  }
0x99: {  	s12 =	sadd.s32 $0x80, s26;
	[sflag:s11] =	ssyncadd.s32 $0xFFFFC000  }
0x9a: {  	[tilespmem:s28], [sflag:$0x1] =	stream.linear.gather [hbm4b:s12+s4], $0x100, $0x38;
	[tilespmem:$0x1E400] =	vst v63  }
0x9b: {  	_ =	swait.ge [sflag:s15], $0x100  }
0x9c: {  	[sflag:s15] =	ssyncset.done $0x0  }
0x9d: {  	[sflag:s15] =	ssyncadd.s32 $0xFFFFFF00  }
0x9e: {  	[tilespmem:s5], [sflag:$0x5] =	stream.indirect.gather [hbm4b:s1+s3], $0x80, s30, s3, $0xb8;
	[tilespmem:$0x1E400] =	vst v63  }
0x9f: {  	_ =	swait.ge [sflag:s16], $0x4000  }
0xa0: {  	[sflag:s16] =	ssyncset.done $0x0  }
0xa1: {  	[sflag:s16] =	ssyncadd.s32 $0xFFFFC000  }
0xa2: {  	[spmem:s2] =	stream.indirect.scatter.add.f32 [tilespmem:s8], [sflag:$0x7], $0x80, s17, s3, $0xb8;
	[tilespmem:$0x1E400] =	vst v63  }
0xa3: {  	_ =	swait.ge [sflag:s11], $0x4000  }
0xa4: {  	[sflag:s11] =	ssyncset.done $0x0  }
0xa5: {  	s12 =	sadd.s32 $0xA0, s26;
	[sflag:s11] =	ssyncadd.s32 $0xFFFFC000  }
0xa6: {  	[tilespmem:s29], [sflag:$0x2] =	stream.linear.gather [hbm4b:s12+s4], $0x100, $0x38;
	[tilespmem:$0x1E400] =	vst v63  }
0xa7: {  	_ =	swait.ge [sflag:s18], $0x100  }
0xa8: {  	[sflag:s18] =	ssyncset.done $0x0  }
0xa9: {  	[sflag:s18] =	ssyncadd.s32 $0xFFFFFF00  }
0xaa: {  	[tilespmem:s8], [sflag:$0x6] =	stream.indirect.gather [hbm4b:s1+s3], $0x80, s31, s3, $0xb8;
	[tilespmem:$0x1E400] =	vst v63  }
0xab: {  	_ =	swait.ge [sflag:s13], $0x4000  }
0xac: {  	[sflag:s13] =	ssyncset.done $0x0  }
0xad: {  	[sflag:s13] =	ssyncadd.s32 $0xFFFFC000  }
0xae: {  	[spmem:s2] =	stream.indirect.scatter.add.f32 [tilespmem:s5], [sflag:$0x7], $0x80, s6, s3, $0xb8;
	[tilespmem:$0x1E400] =	vst v63  }
0xaf: {  	_ =	swait.ge [sflag:s11], $0x4000  }
0xb0: {  	[sflag:s11] =	ssyncset.done $0x0  }
0xb1: {  	s12 =	sadd.s32 $0xC0, s26;
	[sflag:s11] =	ssyncadd.s32 $0xFFFFC000  }
0xb2: {  	[tilespmem:s30], [sflag:$0x3] =	stream.linear.gather [hbm4b:s12+s4], $0x100, $0x38;
	[tilespmem:$0x1E400] =	vst v63  }
0xb3: {  	_ =	swait.ge [sflag:s0], $0x100  }
0xb4: {  	[sflag:s0] =	ssyncset.done $0x0  }
0xb5: {  	[sflag:s0] =	ssyncadd.s32 $0xFFFFFF00  }
0xb6: {  	[tilespmem:s5], [sflag:$0x5] =	stream.indirect.gather [hbm4b:s1+s3], $0x80, s28, s3, $0xb8;
	[tilespmem:$0x1E400] =	vst v63  }
0xb7: {  	_ =	swait.ge [sflag:s16], $0x4000  }
0xb8: {  	[sflag:s16] =	ssyncset.done $0x0  }
0xb9: {  	[sflag:s16] =	ssyncadd.s32 $0xFFFFC000  }
0xba: {  	[spmem:s2] =	stream.indirect.scatter.add.f32 [tilespmem:s8], [sflag:$0x7], $0x80, s20, s3, $0xb8;
	[tilespmem:$0x1E400] =	vst v63  }
0xbb: {  	_ =	swait.ge [sflag:s11], $0x4000  }
0xbc: {  	[sflag:s11] =	ssyncset.done $0x0  }
.Ltmp0:
0xbd: {  	s12 =	sadd.s32 $0xE0, s26;
	[sflag:s11] =	ssyncadd.s32 $0xFFFFC000;
	(pc) =	sbr.rel @p0 .LBB2_2-.Ltmp0, $4  }
0xbe: {  	[tilespmem:s31], [sflag:$0x4] =	stream.linear.gather [hbm4b:s12+s4], $0x100, $0x38;
	[tilespmem:$0x1E400] =	vst v63  }
0xbf: {  	_ =	swait.ge [sflag:s7], $0x100  }
0xc0: {  	[sflag:s7] =	ssyncset.done $0x0  }
0xc1: {  	[sflag:s7] =	ssyncadd.s32 $0xFFFFFF00  }
0xc2: {  	[tilespmem:s8], [sflag:$0x6] =	stream.indirect.gather [hbm4b:s1+s3], $0x80, s29, s3, $0xb8;
	[tilespmem:$0x1E400] =	vst v63  }
0xc3: {  	_ =	swait.ge [sflag:s13], $0x4000  }
0xc4: {  	[sflag:s13] =	ssyncset.done $0x0  }
0xc5: {  	[sflag:s13] =	ssyncadd.s32 $0xFFFFC000  }
0xc6: {  	[spmem:s2] =	stream.indirect.scatter.add.f32 [tilespmem:s5], [sflag:$0x7], $0x80, s14, s3, $0xb8;
	[tilespmem:$0x1E400] =	vst v63  }
0xc7: {  	_ =	swait.ge [sflag:s11], $0x4000  }
0xc8: {  	[sflag:s11] =	ssyncset.done $0x0  }
0xc9: {  	[sflag:s11] =	ssyncadd.s32 $0xFFFFC000  }
0xca: {  	_ =	swait.ge [sflag:s15], $0x100  }
0xcb: {  	[sflag:s15] =	ssyncset.done $0x0  }
0xcc: {  	[sflag:s15] =	ssyncadd.s32 $0xFFFFFF00  }
0xcd: {  	[tilespmem:s5], [sflag:$0x5] =	stream.indirect.gather [hbm4b:s1+s3], $0x80, s30, s3, $0xb8;
	[tilespmem:$0x1E400] =	vst v63  }
0xce: {  	_ =	swait.ge [sflag:s16], $0x4000  }
0xcf: {  	[sflag:s16] =	ssyncset.done $0x0  }
0xd0: {  	[sflag:s16] =	ssyncadd.s32 $0xFFFFC000  }
0xd1: {  	[spmem:s2] =	stream.indirect.scatter.add.f32 [tilespmem:s8], [sflag:$0x7], $0x80, s17, s3, $0xb8;
	[tilespmem:$0x1E400] =	vst v63  }
0xd2: {  	_ =	swait.ge [sflag:s11], $0x4000  }
0xd3: {  	[sflag:s11] =	ssyncset.done $0x0  }
0xd4: {  	[sflag:s11] =	ssyncadd.s32 $0xFFFFC000  }
0xd5: {  	_ =	swait.ge [sflag:s18], $0x100  }
0xd6: {  	[sflag:s18] =	ssyncset.done $0x0  }
0xd7: {  	[sflag:s18] =	ssyncadd.s32 $0xFFFFFF00  }
0xd8: {  	[tilespmem:s8], [sflag:$0x6] =	stream.indirect.gather [hbm4b:s1+s3], $0x80, s31, s3, $0xb8;
	[tilespmem:$0x1E400] =	vst v63  }
0xd9: {  	_ =	swait.ge [sflag:s13], $0x4000  }
0xda: {  	[sflag:s13] =	ssyncset.done $0x0  }
0xdb: {  	[sflag:s13] =	ssyncadd.s32 $0xFFFFC000  }
0xdc: {  	[spmem:s2] =	stream.indirect.scatter.add.f32 [tilespmem:s5], [sflag:$0x7], $0x80, s6, s3, $0xb8;
	[tilespmem:$0x1E400] =	vst v63  }
0xdd: {  	_ =	swait.ge [sflag:s11], $0x4000  }
0xde: {  	[sflag:s11] =	ssyncset.done $0x0  }
0xdf: {  	[sflag:s11] =	ssyncadd.s32 $0xFFFFC000  }
0xe0: {  	_ =	swait.ge [sflag:s16], $0x4000  }
0xe1: {  	[sflag:s16] =	ssyncset.done $0x0  }
0xe2: {  	[sflag:s16] =	ssyncadd.s32 $0xFFFFC000  }
0xe3: {  	[spmem:s2] =	stream.indirect.scatter.add.f32 [tilespmem:s8], [sflag:$0x7], $0x80, s20, s3, $0xb8;
	[tilespmem:$0x1E400] =	vst v63  }
0xe4: {  	_ =	swait.ge [sflag:s11], $0x4000  }
0xe5: {  	[sflag:s11] =	ssyncset.done $0x0  }
0xe6: {  	[sflag:s11] =	ssyncadd.s32 $0xFFFFC000  }
0xe7: {  	[bflag:$0x0] =	sbarrier.arrive $0xFFFF  }
0xe8: {  	[tilespmem:s5], [sflag:$0x7] =	stream.linear.gather [spmem:s21], $0x4000, $0x38;
	[tilespmem:$0x1E400] =	vst v63  }
0xe9: {  	_ =	swait.ge [sflag:s11], $0x4000  }
0xea: {  	[sflag:s11] =	ssyncset.done $0x0  }
0xeb: {  	s12 =	rddreg [dreg:$0xa];
	[sflag:s11] =	ssyncadd.s32 $0xFFFFC000  }
0xec: {  	[hbm4b:s12+s4] =	stream.linear.scatter [tilespmem:s5], [sflag:$0x5], $0x4000, $0x38;
	[tilespmem:$0x1E400] =	vst v63  }
0xed: {  	s25 =	rddreg [dreg:$0x14]  }
0xee: {  	[tilespmem:s8], [sflag:$0x7] =	stream.linear.gather [spmem:s25], $0x4000, $0x38;
	[tilespmem:$0x1E400] =	vst v63  }
0xef: {  	_ =	swait.ge [sflag:s11], $0x4000  }
0xf0: {  	[sflag:s11] =	ssyncset.done $0x0  }
0xf1: {  	s19 =	rddreg [dreg:$0xb];
	[sflag:s11] =	ssyncadd.s32 $0xFFFFC000  }
0xf2: {  	[hbm4b:s19+s4] =	stream.linear.scatter [tilespmem:s8], [sflag:$0x6], $0x4000, $0x38;
	[tilespmem:$0x1E400] =	vst v63  }
0xf3: {  	_ =	swait.ge [sflag:s13], $0x4000  }
0xf4: {  	[sflag:s13] =	ssyncset.done $0x0  }
0xf5: {  	s26 =	smov.u32 s10;
	[sflag:s13] =	ssyncadd.s32 $0xFFFFC000  }
0xf6: {  	[tilespmem:s5], [sflag:$0x7] =	stream.linear.gather [spmem:s26], $0x4000, $0x38;
	[tilespmem:$0x1E400] =	vst v63  }
0xf7: {  	_ =	swait.ge [sflag:s11], $0x4000  }
0xf8: {  	[sflag:s11] =	ssyncset.done $0x0  }
0xf9: {  	s24 =	rddreg [dreg:$0xc];
	[sflag:s11] =	ssyncadd.s32 $0xFFFFC000  }
0xfa: {  	[hbm4b:s24+s4] =	stream.linear.scatter [tilespmem:s5], [sflag:$0x5], $0x4000, $0x38;
	[tilespmem:$0x1E400] =	vst v63  }
0xfb: {  	_ =	swait.ge [sflag:s16], $0x4000  }
0xfc: {  	[sflag:s16] =	ssyncset.done $0x0  }
0xfd: {  	s24 =	rddreg [dreg:$0x11];
	[sflag:s16] =	ssyncadd.s32 $0xFFFFC000  }
0xfe: {  	[tilespmem:s8], [sflag:$0x7] =	stream.linear.gather [spmem:s24], $0x4000, $0x38;
	[tilespmem:$0x1E400] =	vst v63  }
0xff: {  	_ =	swait.ge [sflag:s11], $0x4000  }
0x100: {  	[sflag:s11] =	ssyncset.done $0x0  }
0x101: {  	s19 =	rddreg [dreg:$0xd];
	[sflag:s11] =	ssyncadd.s32 $0xFFFFC000  }
0x102: {  	[hbm4b:s19+s4] =	stream.linear.scatter [tilespmem:s8], [sflag:$0x6], $0x4000, $0x38;
	[tilespmem:$0x1E400] =	vst v63  }
0x103: {  	_ =	swait.ge [sflag:s13], $0x4000  }
0x104: {  	[sflag:s13] =	ssyncset.done $0x0  }
0x105: {  	s19 =	rddreg [dreg:$0x13];
	[sflag:s13] =	ssyncadd.s32 $0xFFFFC000  }
0x106: {  	[tilespmem:s5], [sflag:$0x7] =	stream.linear.gather [spmem:s19], $0x4000, $0x38;
	[tilespmem:$0x1E400] =	vst v63  }
0x107: {  	_ =	swait.ge [sflag:s11], $0x4000  }
0x108: {  	[sflag:s11] =	ssyncset.done $0x0  }
0x109: {  	s10 =	smov.u32 s21;
	s21 =	rddreg [dreg:$0xe];
	[sflag:s11] =	ssyncadd.s32 $0xFFFFC000  }
0x10a: {  	[hbm4b:s21+s4] =	stream.linear.scatter [tilespmem:s5], [sflag:$0x5], $0x4000, $0x38;
	[tilespmem:$0x1E400] =	vst v63  }
0x10b: {  	_ =	swait.ge [sflag:s13], $0x4000  }
0x10c: {  	[sflag:s13] =	ssyncset.done $0x0  }
0x10d: {  	[sflag:s13] =	ssyncadd.s32 $0xFFFFC000  }
0x10e: {  	_ =	swait.ge [sflag:s16], $0x4000  }
0x10f: {  	s23 =	sadd.s32 $0x1, s23;
	s21 =	rddreg [dreg:$0x15]  }
0x110: {  	p0 =	sne.s32 s23, s21  }
.Ltmp1:
0x111: {  	_ = 	snop;
	(pc) =	sbr.rel @p0 .LBB2_1-.Ltmp1, $3  }
0x112: {  	_ =	sdelay $0x1  }
0x113: {  	[sflag:s16] =	ssyncset.done $0x0  }
0x114: {  	[sflag:s16] =	ssyncadd.s32 $0xFFFFC000  }
0x115: {  	_ =	sfence.sel $0x180000  }
0x116: {  	[bflag:$0x0] =	sbarrier.arrive $0xFFFF  }
0x117: {  	_ =	strace $0x9000004D  }
0x118: {  	s0 =	stileid.u32;
	[bflag:$0x2] =	sbarrier.arrive $0xFFFF  }
0x119: {  	p0 =	sne.s32 s0, $0x0;
	s0 =	rddreg [dreg:$0x3]  }
0x11a: {  	s0 =	sadd.s32 @!p0 $0x100000, s0  }
0x11b: {  	[sflag:s0] =	ssyncadd.tile.s32 @!p0 $0x1;
	_ =	shalt  }
.Lfunc_end2:
_tile_overlayer_lowered:
.L_overlay_start_2:
0x11c: {  	(tag) =	ssettag $0x2  }
0x11d: {  	s0 =	rddreg [dreg:$0x0];
	s2 =	stileid.u32  }
0x11e: {  	s1 =	rddreg [dreg:$0x1];
	p0 =	sne.s32 s2, $0x0  }
0x11f: {  	s3 =	rddreg [dreg:$0x2];
	[bflag:$0x3] =	sbarrier.arrive $0xFFFF;
	s2 =	simm.s32 @!p0 $0x1C07  }
0x120: {  	[timem:s3], [sflag:s2] =	dma.local @!p0 [hbm:s0], s1  }
0x121: {  	s0 =	simm.s32 @!p0 $0x7  }
0x122: {  	_ =	swait.ge @!p0 [sflag:s0], s1  }
0x123: {  	s1 =	ssub.s32 @!p0 $0x0, s1;
	[sflag:s0] =	ssyncset.done @!p0 $0x0  }
0x124: {  	[sflag:s0] =	ssyncadd.s32 @!p0 s1  }
0x125: {  	[bflag:$0x3] =	sbarrier.arrive $0xFFFF  }
0x126: {  	_ =	shalt  }

// kernel: kernel.8.cloned.1.call-start
scs
__scs_entry_jumppad:
0x0: {  	(pc) =	sbr.rel $0x88, $3  }
0x1: {  	(tag) =	ssettag $0x0;
	lr =	simm.s32 $0x1  }
0x2: {  	[smem:$0x3F96] =	sst lr;
	_ =	strace $0xD0000000  }
0x3: {  	_ = 	snop  }
0x4: {  	_ = 	snop  }
0x5: {  	_ = 	snop  }
0x6: {  	_ = 	snop  }
0x7: {  	_ = 	snop  }
__scs_overlays_trampoline_lowered:
0x8: {  	[smem:$0x3FA5] =	sst s0  }
0x9: {  	[smem:$0x3FA6] =	sst s1  }
0xa: {  	[smem:$0x3FA7] =	sst s2  }
0xb: {  	[smem:$0x3FA8] =	sst s3  }
0xc: {  	[smem:$0x3FA9] =	sst s4  }
0xd: {  	[smem:$0x3FAA] =	sst s5  }
0xe: {  	[smem:$0x3FAB] =	sst s6  }
0xf: {  	[smem:$0x3FAC] =	sst s7  }
0x10: {  	[smem:$0x3FAD] =	sst s8  }
0x11: {  	[smem:$0x3FAE] =	sst s9;
	s0 =	simm.s32 @!p0 $0x0  }
0x12: {  	s1 =	sld [smem:$0x3F94];
	s0 =	simm.s32 @p0 $0x1  }
0x13: {  	[smem:$0x3FAF] =	sst s0;
	s0 =	simm.s32 @!p1 $0x0  }
0x14: {  	s2 =	sld [smem:$0x3F93];
	s0 =	simm.s32 @p1 $0x1  }
0x15: {  	[smem:$0x3FB0] =	sst s0;
	s0 =	simm.s32 @!p2 $0x0  }
0x16: {  	s3 =	sld [smem:$0x3FDB];
	s0 =	simm.s32 @p2 $0x1  }
0x17: {  	s4 =	simm.s32 $0x1BF5;
	[smem:$0x3FB2] =	sst s0  }
0x18: {  	s0 =	sld [smem:$0x3F95];
	_ =	swait.ge [sflag:s4], $0x0  }
0x19: {  	s7 =	sld [smem:$0x3F96]  }
0x1a: {  	s8 =	sadd.s32 $0xFFFFE003, lr  }
0x1b: {  	s9 =	sadd.s32 $0xFFFFFEF7, lr;
	s5 =	simm.s32 $0xFFFFFFFF;
	p2 =	slt.u32 s8, $0xFFFFF086  }
0x1c: {  	p1 =	slt.u32 s9, $0xF7A;
	s5 =	simm.s32 @!p2 $0x0  }
0x1d: {  	s5 =	simm.s32 @p1 $0x1;
	p0 =	seq.s32 s7, s2  }
0x1e: {  	s7 =	smul.u32 @!p0 $0xF7A, s2;
	p2 =	seq.s32 @!p0 s5, $0x0  }
0x1f: {  	s9 =	smul.u32 $0xF7A, s1;
	s8 =	simm.s32 @!p0 $0x1BF5;
	p2 =	por !p2, p0  }
0x20: {  	[sflag:s8] =	ssyncset.s32 @!p0 $0xFFFFF086;
	s6 =	sadd.s32 @!p0 s3, s7;
	s7 =	simm.s32 @!p0 $0x108  }
0x21: {  	s3 =	sadd.s32 s3, s9;
	s6 =	sadd.s32 @!p0 $0x88, s6;
	s7 =	simm.s32 @p2 $0x1082  }
0x22: {  	[simem:s7], [sflag:s8] =	dma.local @!p0 [hbm:s6], $0xF7A  }
0x23: {  	s9 =	sor.u32 $0xD0000000, s2;
	s6 =	simm.s32 $0x108;
	_ =	swait.ge @!p0 [sflag:s8], $0x0  }
0x24: {  	s3 =	sadd.s32 $0x88, s3;
	s6 =	simm.s32 @!p1 $0x1082;
	[sflag:s4] =	ssyncset.s32 $0xFFFFF086  }
0x25: {  	[simem:s6], [sflag:s4] =	dma.local [hbm:s3], $0xF7A  }
0x26: {  	[smem:$0x3F96] =	sst s1;
	(tag) =	ssettag s2;
	_ =	strace s9  }
0x27: {  	s1 =	sld [smem:$0x3FA6]  }
0x28: {  	s2 =	sld [smem:$0x3FA7]  }
0x29: {  	s4 =	sld [smem:$0x3FA9]  }
0x2a: {  	p0 =	seq.s32 s5, $0x0;
	s5 =	sld [smem:$0x3FAA]  }
0x2b: {  	s6 =	sld [smem:$0x3FAB]  }
0x2c: {  	s7 =	sld [smem:$0x3FAC]  }
0x2d: {  	s3 =	simm.s32 $0x108;
	s8 =	sld [smem:$0x3FAD]  }
0x2e: {  	s3 =	simm.s32 @!p0 $0x1082;
	s9 =	sld [smem:$0x3FAE]  }
0x2f: {  	lr =	sadd.s32 s0, s3;
	s0 =	sld [smem:$0x3FA5]  }
0x30: {  	s3 =	sld [smem:$0x3FA8]  }
0x31: {  	[smem:$0x3FB1] =	sst s10  }
0x32: {  	s10 =	sld [smem:$0x3FAF];
	_ =	sdelay $0x3  }
0x33: {  	p0 =	seq.s32 s10, $0x1;
	s10 =	sld [smem:$0x3FB1];
	_ =	sdelay $0x3  }
0x34: {  	[smem:$0x3FB1] =	sst s10  }
0x35: {  	s10 =	sld [smem:$0x3FB0];
	_ =	sdelay $0x3  }
0x36: {  	p1 =	seq.s32 s10, $0x1;
	s10 =	sld [smem:$0x3FB1];
	_ =	sdelay $0x3  }
0x37: {  	[smem:$0x3FB1] =	sst s10  }
0x38: {  	s10 =	sld [smem:$0x3FB2]  }
0x39: {  	_ = 	snop;
	(pc) =	sbr.ind lr, $3  }
0x3a: {  	_ = 	snop  }
0x3b: {  	_ = 	snop  }
0x3c: {  	p2 =	seq.s32 s10, $0x1;
	s10 =	sld [smem:$0x3FB1]  }
0x3d: {  	_ =	shalt  }
0x3e: {  	_ =	shalt  }
0x3f: {  	_ =	shalt  }
0x40: {  	_ =	shalt  }
0x41: {  	_ =	shalt  }
0x42: {  	_ =	shalt  }
0x43: {  	_ =	shalt  }
0x44: {  	_ =	shalt  }
0x45: {  	_ =	shalt  }
0x46: {  	_ =	shalt  }
0x47: {  	_ =	shalt  }
0x48: {  	_ =	shalt  }
0x49: {  	_ =	shalt  }
0x4a: {  	_ =	shalt  }
0x4b: {  	_ =	shalt  }
0x4c: {  	_ =	shalt  }
0x4d: {  	_ =	shalt  }
0x4e: {  	_ =	shalt  }
0x4f: {  	_ =	shalt  }
0x50: {  	_ =	shalt  }
0x51: {  	_ =	shalt  }
0x52: {  	_ =	shalt  }
0x53: {  	_ =	shalt  }
0x54: {  	_ =	shalt  }
0x55: {  	_ =	shalt  }
0x56: {  	_ =	shalt  }
0x57: {  	_ =	shalt  }
0x58: {  	_ =	shalt  }
0x59: {  	_ =	shalt  }
0x5a: {  	_ =	shalt  }
0x5b: {  	_ =	shalt  }
0x5c: {  	_ =	shalt  }
0x5d: {  	_ =	shalt  }
0x5e: {  	_ =	shalt  }
0x5f: {  	_ =	shalt  }
0x60: {  	_ =	shalt  }
0x61: {  	_ =	shalt  }
0x62: {  	_ =	shalt  }
0x63: {  	_ =	shalt  }
0x64: {  	_ =	shalt  }
0x65: {  	_ =	shalt  }
0x66: {  	_ =	shalt  }
0x67: {  	_ =	shalt  }
0x68: {  	_ =	shalt  }
0x69: {  	_ =	shalt  }
0x6a: {  	_ =	shalt  }
0x6b: {  	_ =	shalt  }
0x6c: {  	_ =	shalt  }
0x6d: {  	_ =	shalt  }
0x6e: {  	_ =	shalt  }
0x6f: {  	_ =	shalt  }
0x70: {  	_ =	shalt  }
0x71: {  	_ =	shalt  }
0x72: {  	_ =	shalt  }
0x73: {  	_ =	shalt  }
0x74: {  	_ =	shalt  }
0x75: {  	_ =	shalt  }
0x76: {  	_ =	shalt  }
0x77: {  	_ =	shalt  }
0x78: {  	_ =	shalt  }
0x79: {  	_ =	shalt  }
0x7a: {  	_ =	shalt  }
0x7b: {  	_ =	shalt  }
0x7c: {  	_ =	shalt  }
0x7d: {  	_ =	shalt  }
0x7e: {  	_ =	shalt  }
0x7f: {  	_ =	shalt  }
0x80: {  	_ =	shalt  }
0x81: {  	_ =	shalt  }
0x82: {  	_ =	shalt  }
0x83: {  	_ =	shalt  }
0x84: {  	_ =	shalt  }
0x85: {  	_ =	shalt  }
0x86: {  	_ =	shalt  }
0x87: {  	_ =	shalt  }
.Lfunc_end0:
.L_simem_size_0:
called_computation_lowered:
.L_overlay_start_0:
0x88: {  	s2 =	sld [smem:$0x3FD9]  }
0x89: {  	s3 =	sld [smem:$0x3FFE];
	_ =	sdelay $0x1  }
0x8a: {  	s1 =	srdreg.scid  }
0x8b: {  	s0 =	sand.u32 $0x1, s1  }
0x8c: {  	s17 =	sshll.u32 s0, $0xA;
	s2 =	sadd.s32 s3, s2  }
0x8d: {  	s2 =	sadd.s32 s2, s17  }
0x8e: {  	[smem:$0x3FBD] =	sst s2  }
0x8f: {  	_ = 	snop  }
0x90: {  	s2 =	sld [smem:$0x3FC9]  }
0x91: {  	s18 =	sld [smem:$0x3FD0];
	(tm) =	ssettm $0x1  }
0x92: {  	s4 =	sld [smem:$0x3FFB];
	_ =	sdelay $0x3  }
0x93: {  	_ =	strace s4  }
0x94: {  	s4 =	sld [smem:$0x3FFC];
	_ =	sdelay $0x3  }
0x95: {  	_ =	strace s4  }
0x96: {  	s4 =	sld [smem:$0x3FFD];
	_ =	sdelay $0x3  }
0x97: {  	_ =	strace s4  }
0x98: {  	_ =	strace $0x8FFFFFFF  }
0x99: {  	s19 =	sld [smem:$0x3FDB];
	_ =	sdelay $0x1  }
0x9a: {  	s5 =	simm.s32 $_scs_section_size  }
0x9b: {  	s6 =	simm.s32 $_size__tile_overlayer_lowered;
	s7 =	simm.s32 $_tile_overlayer_lowered  }
0x9c: {  	s22 =	simm.s32 $0x1BFF;
	s21 =	sshll.u32 s7, $0x1;
	s4 =	sadd.s32 s5, s19  }
0x9d: {  	s8 =	simm.s32 $0x0;
	s20 =	sshll.u32 s6, $0x1;
	s6 =	sadd.s32 s21, s4  }
0x9e: {  	[timem:s8], [sflag:s22] =	dma.local [hbm:s6], s20  }
0x9f: {  	_ =	swait.ge [sflag:s22], s20  }
0xa0: {  	s5 =	ssub.s32 $0x0, s20;
	[sflag:s22] =	ssyncset.done $0x0  }
0xa1: {  	[sflag:s22] =	ssyncadd.s32 s5;
	_ =	sdelay $0x1  }
0xa2: {  	s23 =	simm.s32 $0x1B8B  }
0xa3: {  	_ =	swait.ge [sflag:s23], $0x1  }
0xa4: {  	[sflag:s23] =	ssyncset.done $0x0  }
0xa5: {  	s25 =	simm.s32 $0x1B8E;
	s24 =	sld [smem:$0x3FFE];
	[sflag:s23] =	ssyncadd.s32 $0xFFFFFFFF  }
0xa6: {  	s26 =	simm.s32 $execute0_lowered;
	[smem:$0x3FD2] =	sst s25  }
0xa7: {  	s6 =	sshll.u32 s26, $0x1;
	_ =	strace $0x80000046;
	[dreg:$0x1] =	wrdreg $0xFFFFFFFF  }
0xa8: {  	s28 =	simm.s32 $_size_execute0_lowered;
	s4 =	sadd.s32 s4, s6;
	[dreg:$0x0] =	wrdreg $0x0  }
0xa9: {  	s6 =	sshll.u32 s28, $0x1;
	[dreg:$0x2] =	wrdreg s4  }
0xaa: {  	[dreg:$0x3] =	wrdreg s6  }
0xab: {  	[dreg:$0x4] =	wrdreg $0xC0  }
0xac: {  	_ =	task [dreg:s8], $0x5FFFF  }
0xad: {  	[dreg:$0x1] =	wrdreg $0xFFFFFFFF  }
0xae: {  	[dreg:$0x0] =	wrdreg $0x60  }
0xaf: {  	[dreg:$0x2] =	wrdreg s2  }
0xb0: {  	[dreg:$0x3] =	wrdreg s24  }
0xb1: {  	[dreg:$0x4] =	wrdreg s18  }
0xb2: {  	[dreg:$0x5] =	wrdreg $0x0  }
0xb3: {  	[dreg:$0x6] =	wrdreg $0x1E4000  }
0xb4: {  	[dreg:$0x7] =	wrdreg $0x9  }
0xb5: {  	_ =	task.clear_ibuf [dreg:s8], $0x8FFFF;
	_ =	strace $0x90000046  }
0xb6: {  	s29 =	simm.s32 $0x9;
	_ =	strace $0x80000048  }
0xb7: {  	_ =	swait.ge [sflag:s29], $0x1  }
0xb8: {  	[sflag:s29] =	ssyncadd.s32 $0xFFFFFFFF  }
0xb9: {  	_ =	strace $0x90000048  }
0xba: {  	_ =	sfence  }
0xbb: {  	s30 =	sld [smem:$0x0];
	_ =	sdelay $0x2  }
0xbc: {  	s31 =	sshll.u32 s1, $0xD;
	s1 =	sshrl.u32 s1, $0x2  }
0xbd: {  	s3 =	sand.u32 $0x4000, s31;
	s1 =	sadd.s32 s1, s30  }
0xbe: {  	s0 =	sor.u32 s3, s0;
	s1 =	sshll.u32 s1, $0x11  }
0xbf: {  	s0 =	sor.u32 s1, s0  }
0xc0: {  	s0 =	sadd.s32 $0x8F2B, s0  }
0xc1: {  	[sflag:s0] =	ssyncadd.remote.s32 $0x1  }
0xc2: {  	_ =	sfence.sel $0xFFFF  }
0xc3: {  	[dreg:$0x0] =	wrdreg $0xFFFFFFFF;
	(pc) =	sbr.abs _section_cstart, $3  }
0xc4: {  	[dreg:$0x1] =	wrdreg $0xFFFFFFFF  }
0xc5: {  	_ =	task.clear_ibuf [dreg:s8], $0x2FFFF;
	_ =	strace $0x9FFFFFFF  }
0xc6: {  	(tm) =	ssettm $0x7FFFFFFF  }
0xc7: {  	_ =	shalt  }
tec
execute0_lowered:
.L_overlay_start_1:
0x0: {  	(tag) =	ssettag $0x1  }
0x1: {  	s0 =	rddreg [dreg:$0x0]  }
0x2: {  	s2 =	rddreg [dreg:$0x1]  }
0x3: {  	s5 =	rddreg [dreg:$0x2]  }
0x4: {  	s1 =	rddreg [dreg:$0x3]  }
0x5: {  	s6 =	srdreg.scid;
	s23 =	stileid.u32  }
0x6: {  	s3 =	rddreg [dreg:$0x4];
	s4 =	simm.s32 $0x0;
	s10 =	smul.u32 $0x280, s23  }
0x7: {  	s6 =	sand.u32 $0x1, s6;
	s7 =	sadd.s32 $0x17600, s2;
	s13 =	smul.u32 $0x14000, s23  }
0x8: {  	[smem:$0x7FF] =	sst s4;
	s8 =	ssub.s32 $0x2, s6;
	s11 =	sshll.u32 s6, $0x4  }
0x9: {  	s9 =	sshrl.u32 s8, $0x1;
	s22 =	sor.u32 s23, s11;
	s11 =	smul.u32 $0x140000, s6  }
0xa: {  	s12 =	sadd.s32 $0x80, s10;
	s14 =	sadd.s32 $0x100, s10;
	s18 =	sadd.s32 $0x180, s10  }
0xb: {  	s19 =	sadd.s32 $0x200, s10;
	s8 =	ssub.s32 s8, s9;
	s9 =	smul.u32 $0xA00, s22  }
0xc: {  	s15 =	sshll.u32 s12, $0x7;
	s16 =	sshll.u32 s14, $0x7;
	s20 =	sshll.u32 s18, $0x7  }
0xd: {  	s21 =	sshll.u32 s19, $0x7;
	s13 =	sadd.s32 s13, s11;
	s24 =	sadd.s32 s11, s15  }
0xe: {  	s17 =	sadd.s32 s11, s16;
	s22 =	sadd.s32 s11, s20;
	s11 =	sadd.s32 s11, s21  }
0xf: {  	s13 =	sshrl.u32 s13, $0x3;
	s17 =	sshrl.u32 s17, $0x3;
	s26 =	sshrl.u32 s22, $0x3  }
0x10: {  	s11 =	sshrl.u32 s11, $0x3;
	s25 =	sadd.s32 s7, s17;
	s17 =	smul.u32 $0x2800, s6  }
0x11: {  	s22 =	sadd.s32 $0x2E00, s2;
	s13 =	sadd.s32 s7, s13;
	s6 =	smul.u32 $0xA000, s6  }
0x12: {  	s28 =	sadd.s32 s22, s9;
	[dreg:$0x6] =	wrdreg s13;
	s13 =	sshrl.u32 s24, $0x3  }
0x13: {  	[dreg:$0x8] =	wrdreg s25;
	s25 =	smul.u32 $0xA00, s23;
	s13 =	sadd.s32 s7, s13  }
0x14: {  	s24 =	sadd.s32 s10, s17;
	[dreg:$0x7] =	wrdreg s13;
	s13 =	sadd.s32 s7, s26  }
0x15: {  	s6 =	sadd.s32 s6, s22;
	s7 =	sadd.s32 s7, s11;
	[dreg:$0x9] =	wrdreg s13  }
0x16: {  	s22 =	sadd.s32 $0x17200, s2;
	[dreg:$0xa] =	wrdreg s7;
	s7 =	sshrl.u32 s24, $0x3  }
0x17: {  	s24 =	sadd.s32 $0x17000, s2;
	_ =	strace $0x80000047;
	[dreg:$0xd] =	wrdreg s22  }
0x18: {  	s2 =	sadd.s32 $0x16E00, s2;
	[dreg:$0xe] =	wrdreg s24  }
0x19: {  	s13 =	sadd.s32 s25, s6;
	s25 =	sadd.s32 s15, s1;
	[dreg:$0xf] =	wrdreg s2  }
0x1a: {  	s6 =	sadd.s32 s21, s1;
	[dreg:$0x16] =	wrdreg s25  }
0x1b: {  	s9 =	smax.u32 s8, $0x1;
	[dreg:$0x13] =	wrdreg s6  }
0x1c: {  	s26 =	smul.u32 $0x50000, s23;
	s11 =	sadd.s32 $0x40, s28;
	[dreg:$0x1a] =	wrdreg s9  }
0x1d: {  	[dreg:$0x1c] =	wrdreg s11  }
0x1e: {  	s17 =	sshrl.u32 s26, $0x2;
	s26 =	sadd.s32 s16, s1;
	[dreg:$0xb] =	wrdreg s28  }
0x1f: {  	s23 =	sadd.s32 s5, s7;
	s5 =	sadd.s32 s20, s1;
	[dreg:$0x11] =	wrdreg s26  }
0x20: {  	s7 =	sadd.s32 s10, s3;
	[dreg:$0x12] =	wrdreg s5  }
0x21: {  	s10 =	sadd.s32 $0x20, s28;
	[dreg:$0x14] =	wrdreg s7  }
0x22: {  	[dreg:$0x1b] =	wrdreg s10  }
0x23: {  	s29 =	simm.s32 $0x14200;
	s24 =	sadd.s32 s14, s3;
	[dreg:$0xc] =	wrdreg s23  }
0x24: {  	s30 =	simm.s32 $0x14300;
	s25 =	sadd.s32 s18, s3;
	[dreg:$0x17] =	wrdreg s24  }
0x25: {  	s26 =	sadd.s32 s12, s3;
	s12 =	sadd.s32 $0x60, s28;
	[dreg:$0x18] =	wrdreg s25  }
0x26: {  	s31 =	simm.s32 $0x1;
	s20 =	sadd.s32 $0x10, s23;
	[dreg:$0x1d] =	wrdreg s12  }
0x27: {  	s8 =	simm.s32 $0x7;
	s21 =	sadd.s32 $0x20, s23;
	[smem:$0x7FA] =	sst s20  }
0x28: {  	s2 =	simm.s32 $0x14400;
	s22 =	sadd.s32 $0x30, s23;
	[smem:$0x7FB] =	sst s21  }
0x29: {  	s6 =	simm.s32 $0x18400;
	s23 =	sadd.s32 $0x40, s23;
	[smem:$0x7FC] =	sst s22  }
0x2a: {  	s9 =	simm.s32 $0x1E680;
	s17 =	sadd.s32 s17, s1;
	[smem:$0x7FD] =	sst s23  }
0x2b: {  	s11 =	simm.s32 $0x3;
	s7 =	sadd.s32 s19, s3;
	[dreg:$0x10] =	wrdreg s17  }
0x2c: {  	s28 =	simm.s32 $0x14100;
	s10 =	simm.s32 $0x80;
	[dreg:$0x15] =	wrdreg s26  }
0x2d: {  	s5 =	simm.s32 $0x2;
	s14 =	sadd.s32 $0x2000, s17;
	[dreg:$0x19] =	wrdreg s7  }
0x2e: {  	s15 =	sadd.s32 $0x6000, s17;
	s16 =	sadd.s32 $0xA000, s17;
	[dreg:$0x1e] =	wrdreg s14  }
0x2f: {  	s18 =	sadd.s32 $0xE000, s17;
	s19 =	sadd.s32 $0x12000, s17;
	[dreg:$0x1f] =	wrdreg s15  }
0x30: {  	s12 =	simm.s32 $0x6;
	s20 =	simm.s32 $0x14280;
	[smem:$0x7F7] =	sst s16  }
0x31: {  	s21 =	simm.s32 $0x14380;
	s22 =	simm.s32 $0x0;
	[smem:$0x7F8] =	sst s18  }
0x32: {  	[smem:$0x7F9] =	sst s19;
	s16 =	simm.s32 $0x14000;
	s14 =	simm.s32 $0x5  }
0x33: {  	s15 =	simm.s32 $0x14080;
	s18 =	simm.s32 $0x14180;
	s19 =	simm.s32 $0x4  }
.LBB2_1:
0x34: {  	[smem:$0x7F6] =	sst s22  }
0x35: {  	s23 =	rddreg [dreg:$0xb]  }
0x36: {  	[tilespmem:s16], [sflag:$0x1] =	stream.linear.gather [hbm4b:s23+s4], $0x100, $0x38;
	[tilespmem:$0x1E700] =	vst v63  }
0x37: {  	s22 =	rddreg [dreg:$0x1b]  }
0x38: {  	[tilespmem:s28], [sflag:$0x2] =	stream.linear.gather [hbm4b:s22+s4], $0x100, $0x38;
	[tilespmem:$0x1E700] =	vst v63  }
0x39: {  	s22 =	rddreg [dreg:$0x1c]  }
0x3a: {  	[tilespmem:s29], [sflag:$0x3] =	stream.linear.gather [hbm4b:s22+s4], $0x100, $0x38;
	[tilespmem:$0x1E700] =	vst v63  }
0x3b: {  	s22 =	rddreg [dreg:$0x1d]  }
0x3c: {  	[tilespmem:s30], [sflag:$0x4] =	stream.linear.gather [hbm4b:s22+s4], $0x100, $0x38;
	[tilespmem:$0x1E700] =	vst v63  }
0x3d: {  	_ =	swait.ge [sflag:s31], $0x100  }
0x3e: {  	[sflag:s31] =	ssyncset.done $0x0  }
0x3f: {  	[sflag:s31] =	ssyncadd.s32 $0xFFFFFF00  }
0x40: {  	[tilespmem:s2], [sflag:$0x5] =	stream.indirect.gather [hbm4b:s0+s10], $0x80, s16, s10, $0xb8;
	[tilespmem:$0x1E700] =	vst v63  }
0x41: {  	_ =	swait.ge [sflag:s5], $0x100  }
0x42: {  	[sflag:s5] =	ssyncset.done $0x0  }
0x43: {  	[sflag:s5] =	ssyncadd.s32 $0xFFFFFF00  }
0x44: {  	[tilespmem:s6], [sflag:$0x6] =	stream.indirect.gather [hbm4b:s0+s10], $0x80, s28, s10, $0xb8;
	[tilespmem:$0x1E700] =	vst v63  }
0x45: {  	s22 =	simm.s32 $0x1C400;
	s23 =	rddreg [dreg:$0xd]  }
0x46: {  	[tilespmem:s22], [sflag:$0x7] =	stream.linear.gather [hbm4b:s23+s4], $0x2000, $0x38;
	[tilespmem:$0x1E700] =	vst v63  }
0x47: {  	_ =	swait.ge [sflag:s8], $0x2000  }
0x48: {  	[sflag:s8] =	ssyncset.done $0x0  }
0x49: {  	[sflag:s8] =	ssyncadd.s32 $0xFFFFE000  }
0x4a: {  	[spmem:s17] =	stream.linear.scatter [tilespmem:s22], [sflag:$0x7], $0x2000, $0x38;
	[tilespmem:$0x1E700] =	vst v63  }
0x4b: {  	_ =	swait.ge [sflag:s8], $0x2000  }
0x4c: {  	[sflag:s8] =	ssyncset.done $0x0  }
0x4d: {  	s23 =	rddreg [dreg:$0x1e];
	[sflag:s8] =	ssyncadd.s32 $0xFFFFE000  }
0x4e: {  	[spmem:s23] =	stream.linear.scatter [tilespmem:s22], [sflag:$0x7], $0x2000, $0x38;
	[tilespmem:$0x1E700] =	vst v63  }
0x4f: {  	_ =	swait.ge [sflag:s8], $0x2000  }
0x50: {  	[sflag:s8] =	ssyncset.done $0x0  }
0x51: {  	s23 =	rddreg [dreg:$0x16];
	[sflag:s8] =	ssyncadd.s32 $0xFFFFE000  }
0x52: {  	[spmem:s23] =	stream.linear.scatter [tilespmem:s22], [sflag:$0x7], $0x2000, $0x38;
	[tilespmem:$0x1E700] =	vst v63  }
0x53: {  	s17 =	rddreg [dreg:$0x12];
	_ =	swait.ge [sflag:s8], $0x2000  }
0x54: {  	[sflag:s8] =	ssyncset.done $0x0  }
0x55: {  	s23 =	rddreg [dreg:$0x1f];
	[sflag:s8] =	ssyncadd.s32 $0xFFFFE000  }
0x56: {  	[spmem:s23] =	stream.linear.scatter [tilespmem:s22], [sflag:$0x7], $0x2000, $0x38;
	[tilespmem:$0x1E700] =	vst v63  }
0x57: {  	_ =	swait.ge [sflag:s8], $0x2000  }
0x58: {  	[sflag:s8] =	ssyncset.done $0x0  }
0x59: {  	s23 =	rddreg [dreg:$0x11];
	[sflag:s8] =	ssyncadd.s32 $0xFFFFE000  }
0x5a: {  	[spmem:s23] =	stream.linear.scatter [tilespmem:s22], [sflag:$0x7], $0x2000, $0x38;
	[tilespmem:$0x1E700] =	vst v63  }
0x5b: {  	_ =	swait.ge [sflag:s8], $0x2000  }
0x5c: {  	s23 =	sld [smem:$0x7F7]  }
0x5d: {  	[sflag:s8] =	ssyncset.done $0x0  }
0x5e: {  	[sflag:s8] =	ssyncadd.s32 $0xFFFFE000  }
0x5f: {  	[spmem:s23] =	stream.linear.scatter [tilespmem:s22], [sflag:$0x7], $0x2000, $0x38;
	[tilespmem:$0x1E700] =	vst v63  }
0x60: {  	_ =	swait.ge [sflag:s8], $0x2000  }
0x61: {  	[sflag:s8] =	ssyncset.done $0x0  }
0x62: {  	[sflag:s8] =	ssyncadd.s32 $0xFFFFE000  }
0x63: {  	[spmem:s17] =	stream.linear.scatter [tilespmem:s22], [sflag:$0x7], $0x2000, $0x38;
	[tilespmem:$0x1E700] =	vst v63  }
0x64: {  	_ =	swait.ge [sflag:s8], $0x2000  }
0x65: {  	s23 =	sld [smem:$0x7F8]  }
0x66: {  	[sflag:s8] =	ssyncset.done $0x0  }
0x67: {  	[sflag:s8] =	ssyncadd.s32 $0xFFFFE000  }
0x68: {  	[spmem:s23] =	stream.linear.scatter [tilespmem:s22], [sflag:$0x7], $0x2000, $0x38;
	[tilespmem:$0x1E700] =	vst v63  }
0x69: {  	_ =	swait.ge [sflag:s8], $0x2000  }
0x6a: {  	[sflag:s8] =	ssyncset.done $0x0  }
0x6b: {  	s23 =	rddreg [dreg:$0x13];
	[sflag:s8] =	ssyncadd.s32 $0xFFFFE000  }
0x6c: {  	[spmem:s23] =	stream.linear.scatter [tilespmem:s22], [sflag:$0x7], $0x2000, $0x38;
	[tilespmem:$0x1E700] =	vst v63  }
0x6d: {  	_ =	swait.ge [sflag:s8], $0x2000  }
0x6e: {  	s23 =	sld [smem:$0x7F9]  }
0x6f: {  	[sflag:s8] =	ssyncset.done $0x0  }
0x70: {  	[sflag:s8] =	ssyncadd.s32 $0xFFFFE000  }
0x71: {  	[spmem:s23] =	stream.linear.scatter [tilespmem:s22], [sflag:$0x7], $0x2000, $0x38;
	[tilespmem:$0x1E700] =	vst v63  }
0x72: {  	_ =	swait.ge [sflag:s8], $0x2000  }
0x73: {  	[sflag:s8] =	ssyncset.done $0x0  }
0x74: {  	s22 =	rddreg [dreg:$0xe];
	[sflag:s8] =	ssyncadd.s32 $0xFFFFE000  }
0x75: {  	[tilespmem:s9], [sflag:$0x7] =	stream.linear.gather [hbm4b:s22+s4], $0x80, $0x38;
	[tilespmem:$0x1E700] =	vst v63  }
0x76: {  	_ =	swait.ge [sflag:s8], $0x80  }
0x77: {  	[sflag:s8] =	ssyncset.done $0x0  }
0x78: {  	s23 =	rddreg [dreg:$0x14];
	[sflag:s8] =	ssyncadd.s32 $0xFFFFFF80  }
0x79: {  	[spmem:s23] =	stream.linear.scatter [tilespmem:s9], [sflag:$0x7], $0x80, $0x38;
	[tilespmem:$0x1E700] =	vst v63  }
0x7a: {  	_ =	swait.ge [sflag:s8], $0x80  }
0x7b: {  	[sflag:s8] =	ssyncset.done $0x0  }
0x7c: {  	[sflag:s8] =	ssyncadd.s32 $0xFFFFFF80  }
0x7d: {  	[spmem:s26] =	stream.linear.scatter [tilespmem:s9], [sflag:$0x7], $0x80, $0x38;
	[tilespmem:$0x1E700] =	vst v63  }
0x7e: {  	_ =	swait.ge [sflag:s8], $0x80  }
0x7f: {  	[sflag:s8] =	ssyncset.done $0x0  }
0x80: {  	[sflag:s8] =	ssyncadd.s32 $0xFFFFFF80  }
0x81: {  	[spmem:s24] =	stream.linear.scatter [tilespmem:s9], [sflag:$0x7], $0x80, $0x38;
	[tilespmem:$0x1E700] =	vst v63  }
0x82: {  	_ =	swait.ge [sflag:s8], $0x80  }
0x83: {  	[sflag:s8] =	ssyncset.done $0x0  }
0x84: {  	[sflag:s8] =	ssyncadd.s32 $0xFFFFFF80  }
0x85: {  	[spmem:s25] =	stream.linear.scatter [tilespmem:s9], [sflag:$0x7], $0x80, $0x38;
	[tilespmem:$0x1E700] =	vst v63  }
0x86: {  	_ =	swait.ge [sflag:s8], $0x80  }
0x87: {  	[sflag:s8] =	ssyncset.done $0x0  }
0x88: {  	[sflag:s8] =	ssyncadd.s32 $0xFFFFFF80  }
0x89: {  	[spmem:s7] =	stream.linear.scatter [tilespmem:s9], [sflag:$0x7], $0x80, $0x38;
	[tilespmem:$0x1E700] =	vst v63  }
0x8a: {  	_ =	swait.ge [sflag:s8], $0x80  }
0x8b: {  	[sflag:s8] =	ssyncset.done $0x0  }
0x8c: {  	s7 =	rddreg [dreg:$0xf];
	[sflag:s8] =	ssyncadd.s32 $0xFFFFFF80  }
0x8d: {  	[tilespmem:s9], [sflag:$0x7] =	stream.linear.gather [hbm4b:s7+s4], $0x80, $0x38;
	[tilespmem:$0x1E700] =	vst v63  }
0x8e: {  	_ =	swait.ge [sflag:s8], $0x80  }
0x8f: {  	[sflag:s8] =	ssyncset.done $0x0  }
0x90: {  	[sflag:s8] =	ssyncadd.s32 $0xFFFFFF80  }
0x91: {  	[bflag:$0x0] =	sbarrier.arrive $0xFFFF  }
0x92: {  	_ =	swait.ge [sflag:s14], $0x4000  }
0x93: {  	[sflag:s14] =	ssyncset.done $0x0  }
0x94: {  	[sflag:s14] =	ssyncadd.s32 $0xFFFFC000  }
0x95: {  	[spmem:s1] =	stream.indirect.scatter.add.f32 [tilespmem:s2], [sflag:$0x7], $0x80, s15, s10, $0xb8;
	[tilespmem:$0x1E700] =	vst v63  }
0x96: {  	_ =	swait.ge [sflag:s8], $0x4000  }
0x97: {  	[sflag:s8] =	ssyncset.done $0x0  }
0x98: {  	[sflag:s8] =	ssyncadd.s32 $0xFFFFC000  }
0x99: {  	[spmem:s3] =	stream.indirect.scatter.add.f32 [tilespmem:s9], [sflag:$0x7], $0x1, s15, s10, $0xb8;
	[tilespmem:$0x1E700] =	vst v63  }
0x9a: {  	_ =	swait.ge [sflag:s8], $0x80  }
0x9b: {  	s17 =	sadd.s32 $0x0, s13;
	[sflag:s8] =	ssyncset.done $0x0  }
0x9c: {  	s22 =	sadd.s32 $0x80, s17;
	[sflag:s8] =	ssyncadd.s32 $0xFFFFFF80  }
0x9d: {  	[tilespmem:s16], [sflag:$0x1] =	stream.linear.gather [hbm4b:s22+s4], $0x100, $0x38;
	[tilespmem:$0x1E700] =	vst v63  }
0x9e: {  	_ =	swait.ge [sflag:s11], $0x100  }
0x9f: {  	[sflag:s11] =	ssyncset.done $0x0  }
0xa0: {  	[sflag:s11] =	ssyncadd.s32 $0xFFFFFF00  }
0xa1: {  	[tilespmem:s2], [sflag:$0x5] =	stream.indirect.gather [hbm4b:s0+s10], $0x80, s29, s10, $0xb8;
	[tilespmem:$0x1E700] =	vst v63  }
0xa2: {  	_ =	swait.ge [sflag:s12], $0x4000  }
0xa3: {  	[sflag:s12] =	ssyncset.done $0x0  }
0xa4: {  	[sflag:s12] =	ssyncadd.s32 $0xFFFFC000  }
0xa5: {  	[spmem:s1] =	stream.indirect.scatter.add.f32 [tilespmem:s6], [sflag:$0x7], $0x80, s18, s10, $0xb8;
	[tilespmem:$0x1E700] =	vst v63  }
0xa6: {  	_ =	swait.ge [sflag:s8], $0x4000  }
0xa7: {  	[sflag:s8] =	ssyncset.done $0x0  }
0xa8: {  	[sflag:s8] =	ssyncadd.s32 $0xFFFFC000  }
0xa9: {  	[spmem:s3] =	stream.indirect.scatter.add.f32 [tilespmem:s9], [sflag:$0x7], $0x1, s18, s10, $0xb8;
	[tilespmem:$0x1E700] =	vst v63  }
0xaa: {  	_ =	swait.ge [sflag:s8], $0x80  }
0xab: {  	[sflag:s8] =	ssyncset.done $0x0  }
0xac: {  	s25 =	sadd.s32 $0xA0, s17;
	[sflag:s8] =	ssyncadd.s32 $0xFFFFFF80  }
0xad: {  	[tilespmem:s28], [sflag:$0x2] =	stream.linear.gather [hbm4b:s25+s4], $0x100, $0x38;
	[tilespmem:$0x1E700] =	vst v63  }
0xae: {  	_ =	swait.ge [sflag:s19], $0x100  }
0xaf: {  	[sflag:s19] =	ssyncset.done $0x0  }
0xb0: {  	[sflag:s19] =	ssyncadd.s32 $0xFFFFFF00  }
0xb1: {  	[tilespmem:s6], [sflag:$0x6] =	stream.indirect.gather [hbm4b:s0+s10], $0x80, s30, s10, $0xb8;
	[tilespmem:$0x1E700] =	vst v63  }
0xb2: {  	_ =	swait.ge [sflag:s14], $0x4000  }
0xb3: {  	[sflag:s14] =	ssyncset.done $0x0  }
0xb4: {  	[sflag:s14] =	ssyncadd.s32 $0xFFFFC000  }
0xb5: {  	[spmem:s1] =	stream.indirect.scatter.add.f32 [tilespmem:s2], [sflag:$0x7], $0x80, s20, s10, $0xb8;
	[tilespmem:$0x1E700] =	vst v63  }
0xb6: {  	_ =	swait.ge [sflag:s8], $0x4000  }
0xb7: {  	[sflag:s8] =	ssyncset.done $0x0  }
0xb8: {  	[sflag:s8] =	ssyncadd.s32 $0xFFFFC000  }
0xb9: {  	[spmem:s3] =	stream.indirect.scatter.add.f32 [tilespmem:s9], [sflag:$0x7], $0x1, s20, s10, $0xb8;
	[tilespmem:$0x1E700] =	vst v63  }
0xba: {  	_ =	swait.ge [sflag:s8], $0x80  }
0xbb: {  	[sflag:s8] =	ssyncset.done $0x0  }
0xbc: {  	s26 =	sadd.s32 $0xC0, s17;
	[sflag:s8] =	ssyncadd.s32 $0xFFFFFF80  }
0xbd: {  	[tilespmem:s29], [sflag:$0x3] =	stream.linear.gather [hbm4b:s26+s4], $0x100, $0x38;
	[tilespmem:$0x1E700] =	vst v63  }
0xbe: {  	_ =	swait.ge [sflag:s31], $0x100  }
0xbf: {  	[sflag:s31] =	ssyncset.done $0x0  }
0xc0: {  	[sflag:s31] =	ssyncadd.s32 $0xFFFFFF00  }
0xc1: {  	[tilespmem:s2], [sflag:$0x5] =	stream.indirect.gather [hbm4b:s0+s10], $0x80, s16, s10, $0xb8;
	[tilespmem:$0x1E700] =	vst v63  }
0xc2: {  	_ =	swait.ge [sflag:s12], $0x4000  }
0xc3: {  	[sflag:s12] =	ssyncset.done $0x0  }
0xc4: {  	[sflag:s12] =	ssyncadd.s32 $0xFFFFC000  }
0xc5: {  	[spmem:s1] =	stream.indirect.scatter.add.f32 [tilespmem:s6], [sflag:$0x7], $0x80, s21, s10, $0xb8;
	[tilespmem:$0x1E700] =	vst v63  }
0xc6: {  	_ =	swait.ge [sflag:s8], $0x4000  }
0xc7: {  	[sflag:s8] =	ssyncset.done $0x0  }
0xc8: {  	[sflag:s8] =	ssyncadd.s32 $0xFFFFC000  }
0xc9: {  	[spmem:s3] =	stream.indirect.scatter.add.f32 [tilespmem:s9], [sflag:$0x7], $0x1, s21, s10, $0xb8;
	[tilespmem:$0x1E700] =	vst v63  }
0xca: {  	_ =	swait.ge [sflag:s8], $0x80  }
0xcb: {  	[sflag:s8] =	ssyncset.done $0x0  }
0xcc: {  	s23 =	sadd.s32 $0xE0, s17;
	[sflag:s8] =	ssyncadd.s32 $0xFFFFFF80  }
0xcd: {  	[tilespmem:s30], [sflag:$0x4] =	stream.linear.gather [hbm4b:s23+s4], $0x100, $0x38;
	[tilespmem:$0x1E700] =	vst v63  }
0xce: {  	_ =	swait.ge [sflag:s5], $0x100  }
0xcf: {  	[sflag:s5] =	ssyncset.done $0x0  }
0xd0: {  	s23 =	simm.s32 $0x80;
	[sflag:s5] =	ssyncadd.s32 $0xFFFFFF00  }
.LBB2_2:
0xd1: {  	[tilespmem:s6], [sflag:$0x6] =	stream.indirect.gather [hbm4b:s0+s10], $0x80, s28, s10, $0xb8;
	[tilespmem:$0x1E700] =	vst v63  }
0xd2: {  	s24 =	smov.u32 s23  }
0xd3: {  	p0 =	sne.s32 s23, $0x900;
	s23 =	sadd.s32 $0x80, s23;
	_ =	swait.ge [sflag:s14], $0x4000  }
0xd4: {  	[sflag:s14] =	ssyncset.done $0x0  }
0xd5: {  	[sflag:s14] =	ssyncadd.s32 $0xFFFFC000  }
0xd6: {  	[spmem:s1] =	stream.indirect.scatter.add.f32 [tilespmem:s2], [sflag:$0x7], $0x80, s15, s10, $0xb8;
	[tilespmem:$0x1E700] =	vst v63  }
0xd7: {  	_ =	swait.ge [sflag:s8], $0x4000  }
0xd8: {  	[sflag:s8] =	ssyncset.done $0x0  }
0xd9: {  	[sflag:s8] =	ssyncadd.s32 $0xFFFFC000  }
0xda: {  	[spmem:s3] =	stream.indirect.scatter.add.f32 [tilespmem:s9], [sflag:$0x7], $0x1, s15, s10, $0xb8;
	[tilespmem:$0x1E700] =	vst v63  }
0xdb: {  	_ =	swait.ge [sflag:s8], $0x80  }
0xdc: {  	s24 =	sadd.s32 s24, s13;
	[sflag:s8] =	ssyncset.done $0x0  }
0xdd: {  	s25 =	sadd.s32 $0x80, s24;
	[sflag:s8] =	ssyncadd.s32 $0xFFFFFF80  }
0xde: {  	[tilespmem:s16], [sflag:$0x1] =	stream.linear.gather [hbm4b:s25+s4], $0x100, $0x38;
	[tilespmem:$0x1E700] =	vst v63  }
0xdf: {  	_ =	swait.ge [sflag:s11], $0x100  }
0xe0: {  	[sflag:s11] =	ssyncset.done $0x0  }
0xe1: {  	[sflag:s11] =	ssyncadd.s32 $0xFFFFFF00  }
0xe2: {  	[tilespmem:s2], [sflag:$0x5] =	stream.indirect.gather [hbm4b:s0+s10], $0x80, s29, s10, $0xb8;
	[tilespmem:$0x1E700] =	vst v63  }
0xe3: {  	_ =	swait.ge [sflag:s12], $0x4000  }
0xe4: {  	[sflag:s12] =	ssyncset.done $0x0  }
0xe5: {  	[sflag:s12] =	ssyncadd.s32 $0xFFFFC000  }
0xe6: {  	[spmem:s1] =	stream.indirect.scatter.add.f32 [tilespmem:s6], [sflag:$0x7], $0x80, s18, s10, $0xb8;
	[tilespmem:$0x1E700] =	vst v63  }
0xe7: {  	_ =	swait.ge [sflag:s8], $0x4000  }
0xe8: {  	[sflag:s8] =	ssyncset.done $0x0  }
0xe9: {  	[sflag:s8] =	ssyncadd.s32 $0xFFFFC000  }
0xea: {  	[spmem:s3] =	stream.indirect.scatter.add.f32 [tilespmem:s9], [sflag:$0x7], $0x1, s18, s10, $0xb8;
	[tilespmem:$0x1E700] =	vst v63  }
0xeb: {  	_ =	swait.ge [sflag:s8], $0x80  }
0xec: {  	[sflag:s8] =	ssyncset.done $0x0  }
0xed: {  	s25 =	sadd.s32 $0xA0, s24;
	[sflag:s8] =	ssyncadd.s32 $0xFFFFFF80  }
0xee: {  	[tilespmem:s28], [sflag:$0x2] =	stream.linear.gather [hbm4b:s25+s4], $0x100, $0x38;
	[tilespmem:$0x1E700] =	vst v63  }
0xef: {  	_ =	swait.ge [sflag:s19], $0x100  }
0xf0: {  	[sflag:s19] =	ssyncset.done $0x0  }
0xf1: {  	[sflag:s19] =	ssyncadd.s32 $0xFFFFFF00  }
0xf2: {  	[tilespmem:s6], [sflag:$0x6] =	stream.indirect.gather [hbm4b:s0+s10], $0x80, s30, s10, $0xb8;
	[tilespmem:$0x1E700] =	vst v63  }
0xf3: {  	_ =	swait.ge [sflag:s14], $0x4000  }
0xf4: {  	[sflag:s14] =	ssyncset.done $0x0  }
0xf5: {  	[sflag:s14] =	ssyncadd.s32 $0xFFFFC000  }
0xf6: {  	[spmem:s1] =	stream.indirect.scatter.add.f32 [tilespmem:s2], [sflag:$0x7], $0x80, s20, s10, $0xb8;
	[tilespmem:$0x1E700] =	vst v63  }
0xf7: {  	_ =	swait.ge [sflag:s8], $0x4000  }
0xf8: {  	[sflag:s8] =	ssyncset.done $0x0  }
0xf9: {  	[sflag:s8] =	ssyncadd.s32 $0xFFFFC000  }
0xfa: {  	[spmem:s3] =	stream.indirect.scatter.add.f32 [tilespmem:s9], [sflag:$0x7], $0x1, s20, s10, $0xb8;
	[tilespmem:$0x1E700] =	vst v63  }
0xfb: {  	_ =	swait.ge [sflag:s8], $0x80  }
0xfc: {  	[sflag:s8] =	ssyncset.done $0x0  }
0xfd: {  	s25 =	sadd.s32 $0xC0, s24;
	[sflag:s8] =	ssyncadd.s32 $0xFFFFFF80  }
0xfe: {  	[tilespmem:s29], [sflag:$0x3] =	stream.linear.gather [hbm4b:s25+s4], $0x100, $0x38;
	[tilespmem:$0x1E700] =	vst v63  }
0xff: {  	_ =	swait.ge [sflag:s31], $0x100  }
0x100: {  	[sflag:s31] =	ssyncset.done $0x0  }
0x101: {  	[sflag:s31] =	ssyncadd.s32 $0xFFFFFF00  }
0x102: {  	[tilespmem:s2], [sflag:$0x5] =	stream.indirect.gather [hbm4b:s0+s10], $0x80, s16, s10, $0xb8;
	[tilespmem:$0x1E700] =	vst v63  }
0x103: {  	_ =	swait.ge [sflag:s12], $0x4000  }
0x104: {  	[sflag:s12] =	ssyncset.done $0x0  }
0x105: {  	[sflag:s12] =	ssyncadd.s32 $0xFFFFC000  }
0x106: {  	[spmem:s1] =	stream.indirect.scatter.add.f32 [tilespmem:s6], [sflag:$0x7], $0x80, s21, s10, $0xb8;
	[tilespmem:$0x1E700] =	vst v63  }
0x107: {  	_ =	swait.ge [sflag:s8], $0x4000  }
0x108: {  	[sflag:s8] =	ssyncset.done $0x0  }
0x109: {  	[sflag:s8] =	ssyncadd.s32 $0xFFFFC000  }
0x10a: {  	[spmem:s3] =	stream.indirect.scatter.add.f32 [tilespmem:s9], [sflag:$0x7], $0x1, s21, s10, $0xb8;
	[tilespmem:$0x1E700] =	vst v63  }
0x10b: {  	_ =	swait.ge [sflag:s8], $0x80  }
0x10c: {  	[sflag:s8] =	ssyncset.done $0x0  }
.Ltmp0:
0x10d: {  	s24 =	sadd.s32 $0xE0, s24;
	[sflag:s8] =	ssyncadd.s32 $0xFFFFFF80;
	(pc) =	sbr.rel @p0 .LBB2_2-.Ltmp0, $4  }
0x10e: {  	[tilespmem:s30], [sflag:$0x4] =	stream.linear.gather [hbm4b:s24+s4], $0x100, $0x38;
	[tilespmem:$0x1E700] =	vst v63  }
0x10f: {  	_ =	swait.ge [sflag:s5], $0x100  }
0x110: {  	[sflag:s5] =	ssyncset.done $0x0  }
0x111: {  	[sflag:s5] =	ssyncadd.s32 $0xFFFFFF00  }
0x112: {  	[tilespmem:s6], [sflag:$0x6] =	stream.indirect.gather [hbm4b:s0+s10], $0x80, s28, s10, $0xb8;
	[tilespmem:$0x1E700] =	vst v63  }
0x113: {  	_ =	swait.ge [sflag:s14], $0x4000  }
0x114: {  	[sflag:s14] =	ssyncset.done $0x0  }
0x115: {  	[sflag:s14] =	ssyncadd.s32 $0xFFFFC000  }
0x116: {  	[spmem:s1] =	stream.indirect.scatter.add.f32 [tilespmem:s2], [sflag:$0x7], $0x80, s15, s10, $0xb8;
	[tilespmem:$0x1E700] =	vst v63  }
0x117: {  	_ =	swait.ge [sflag:s8], $0x4000  }
0x118: {  	[sflag:s8] =	ssyncset.done $0x0  }
0x119: {  	[sflag:s8] =	ssyncadd.s32 $0xFFFFC000  }
0x11a: {  	[spmem:s3] =	stream.indirect.scatter.add.f32 [tilespmem:s9], [sflag:$0x7], $0x1, s15, s10, $0xb8;
	[tilespmem:$0x1E700] =	vst v63  }
0x11b: {  	_ =	swait.ge [sflag:s8], $0x80  }
0x11c: {  	[sflag:s8] =	ssyncset.done $0x0  }
0x11d: {  	[sflag:s8] =	ssyncadd.s32 $0xFFFFFF80  }
0x11e: {  	_ =	swait.ge [sflag:s11], $0x100  }
0x11f: {  	[sflag:s11] =	ssyncset.done $0x0  }
0x120: {  	[sflag:s11] =	ssyncadd.s32 $0xFFFFFF00  }
0x121: {  	[tilespmem:s2], [sflag:$0x5] =	stream.indirect.gather [hbm4b:s0+s10], $0x80, s29, s10, $0xb8;
	[tilespmem:$0x1E700] =	vst v63  }
0x122: {  	_ =	swait.ge [sflag:s12], $0x4000  }
0x123: {  	[sflag:s12] =	ssyncset.done $0x0  }
0x124: {  	[sflag:s12] =	ssyncadd.s32 $0xFFFFC000  }
0x125: {  	[spmem:s1] =	stream.indirect.scatter.add.f32 [tilespmem:s6], [sflag:$0x7], $0x80, s18, s10, $0xb8;
	[tilespmem:$0x1E700] =	vst v63  }
0x126: {  	_ =	swait.ge [sflag:s8], $0x4000  }
0x127: {  	[sflag:s8] =	ssyncset.done $0x0  }
0x128: {  	[sflag:s8] =	ssyncadd.s32 $0xFFFFC000  }
0x129: {  	[spmem:s3] =	stream.indirect.scatter.add.f32 [tilespmem:s9], [sflag:$0x7], $0x1, s18, s10, $0xb8;
	[tilespmem:$0x1E700] =	vst v63  }
0x12a: {  	_ =	swait.ge [sflag:s8], $0x80  }
0x12b: {  	[sflag:s8] =	ssyncset.done $0x0  }
0x12c: {  	[sflag:s8] =	ssyncadd.s32 $0xFFFFFF80  }
0x12d: {  	_ =	swait.ge [sflag:s19], $0x100  }
0x12e: {  	[sflag:s19] =	ssyncset.done $0x0  }
0x12f: {  	[sflag:s19] =	ssyncadd.s32 $0xFFFFFF00  }
0x130: {  	[tilespmem:s6], [sflag:$0x6] =	stream.indirect.gather [hbm4b:s0+s10], $0x80, s30, s10, $0xb8;
	[tilespmem:$0x1E700] =	vst v63  }
0x131: {  	_ =	swait.ge [sflag:s14], $0x4000  }
0x132: {  	[sflag:s14] =	ssyncset.done $0x0  }
0x133: {  	[sflag:s14] =	ssyncadd.s32 $0xFFFFC000  }
0x134: {  	[spmem:s1] =	stream.indirect.scatter.add.f32 [tilespmem:s2], [sflag:$0x7], $0x80, s20, s10, $0xb8;
	[tilespmem:$0x1E700] =	vst v63  }
0x135: {  	_ =	swait.ge [sflag:s8], $0x4000  }
0x136: {  	[sflag:s8] =	ssyncset.done $0x0  }
0x137: {  	[sflag:s8] =	ssyncadd.s32 $0xFFFFC000  }
0x138: {  	[spmem:s3] =	stream.indirect.scatter.add.f32 [tilespmem:s9], [sflag:$0x7], $0x1, s20, s10, $0xb8;
	[tilespmem:$0x1E700] =	vst v63  }
0x139: {  	_ =	swait.ge [sflag:s8], $0x80  }
0x13a: {  	[sflag:s8] =	ssyncset.done $0x0  }
0x13b: {  	[sflag:s8] =	ssyncadd.s32 $0xFFFFFF80  }
0x13c: {  	_ =	swait.ge [sflag:s12], $0x4000  }
0x13d: {  	[sflag:s12] =	ssyncset.done $0x0  }
0x13e: {  	[sflag:s12] =	ssyncadd.s32 $0xFFFFC000  }
0x13f: {  	[spmem:s1] =	stream.indirect.scatter.add.f32 [tilespmem:s6], [sflag:$0x7], $0x80, s21, s10, $0xb8;
	[tilespmem:$0x1E700] =	vst v63  }
0x140: {  	_ =	swait.ge [sflag:s8], $0x4000  }
0x141: {  	[sflag:s8] =	ssyncset.done $0x0  }
0x142: {  	[sflag:s8] =	ssyncadd.s32 $0xFFFFC000  }
0x143: {  	[spmem:s3] =	stream.indirect.scatter.add.f32 [tilespmem:s9], [sflag:$0x7], $0x1, s21, s10, $0xb8;
	[tilespmem:$0x1E700] =	vst v63  }
0x144: {  	_ =	swait.ge [sflag:s8], $0x80  }
0x145: {  	[sflag:s8] =	ssyncset.done $0x0  }
0x146: {  	[sflag:s8] =	ssyncadd.s32 $0xFFFFFF80  }
0x147: {  	[bflag:$0x0] =	sbarrier.arrive $0xFFFF  }
0x148: {  	s17 =	rddreg [dreg:$0x10]  }
0x149: {  	[tilespmem:s2], [sflag:$0x7] =	stream.linear.gather [spmem:s17], $0x4000, $0x38;
	[tilespmem:$0x1E700] =	vst v63  }
0x14a: {  	_ =	swait.ge [sflag:s8], $0x4000  }
0x14b: {  	[sflag:s8] =	ssyncset.done $0x0  }
0x14c: {  	s23 =	rddreg [dreg:$0x6];
	[sflag:s8] =	ssyncadd.s32 $0xFFFFC000  }
0x14d: {  	[hbm4b:s23+s4] =	stream.linear.scatter [tilespmem:s2], [sflag:$0x5], $0x4000, $0x38;
	[tilespmem:$0x1E700] =	vst v63  }
0x14e: {  	s7 =	rddreg [dreg:$0x16]  }
0x14f: {  	[tilespmem:s6], [sflag:$0x7] =	stream.linear.gather [spmem:s7], $0x4000, $0x38;
	[tilespmem:$0x1E700] =	vst v63  }
0x150: {  	_ =	swait.ge [sflag:s8], $0x4000  }
0x151: {  	[sflag:s8] =	ssyncset.done $0x0  }
0x152: {  	s25 =	rddreg [dreg:$0x7];
	[sflag:s8] =	ssyncadd.s32 $0xFFFFC000  }
0x153: {  	[hbm4b:s25+s4] =	stream.linear.scatter [tilespmem:s6], [sflag:$0x6], $0x4000, $0x38;
	[tilespmem:$0x1E700] =	vst v63  }
0x154: {  	_ =	swait.ge [sflag:s14], $0x4000  }
0x155: {  	[sflag:s14] =	ssyncset.done $0x0  }
0x156: {  	s26 =	rddreg [dreg:$0x11];
	[sflag:s14] =	ssyncadd.s32 $0xFFFFC000  }
0x157: {  	[tilespmem:s2], [sflag:$0x7] =	stream.linear.gather [spmem:s26], $0x4000, $0x38;
	[tilespmem:$0x1E700] =	vst v63  }
0x158: {  	_ =	swait.ge [sflag:s8], $0x4000  }
0x159: {  	[sflag:s8] =	ssyncset.done $0x0  }
0x15a: {  	s22 =	rddreg [dreg:$0x8];
	[sflag:s8] =	ssyncadd.s32 $0xFFFFC000  }
0x15b: {  	[hbm4b:s22+s4] =	stream.linear.scatter [tilespmem:s2], [sflag:$0x5], $0x4000, $0x38;
	[tilespmem:$0x1E700] =	vst v63  }
0x15c: {  	_ =	swait.ge [sflag:s12], $0x4000  }
0x15d: {  	[sflag:s12] =	ssyncset.done $0x0  }
0x15e: {  	s24 =	rddreg [dreg:$0x12];
	[sflag:s12] =	ssyncadd.s32 $0xFFFFC000  }
0x15f: {  	[tilespmem:s6], [sflag:$0x7] =	stream.linear.gather [spmem:s24], $0x4000, $0x38;
	[tilespmem:$0x1E700] =	vst v63  }
0x160: {  	_ =	swait.ge [sflag:s8], $0x4000  }
0x161: {  	[sflag:s8] =	ssyncset.done $0x0  }
0x162: {  	s25 =	rddreg [dreg:$0x9];
	[sflag:s8] =	ssyncadd.s32 $0xFFFFC000  }
0x163: {  	[hbm4b:s25+s4] =	stream.linear.scatter [tilespmem:s6], [sflag:$0x6], $0x4000, $0x38;
	[tilespmem:$0x1E700] =	vst v63  }
0x164: {  	_ =	swait.ge [sflag:s14], $0x4000  }
0x165: {  	[sflag:s14] =	ssyncset.done $0x0  }
0x166: {  	s26 =	rddreg [dreg:$0x13];
	[sflag:s14] =	ssyncadd.s32 $0xFFFFC000  }
0x167: {  	[tilespmem:s2], [sflag:$0x7] =	stream.linear.gather [spmem:s26], $0x4000, $0x38;
	[tilespmem:$0x1E700] =	vst v63  }
0x168: {  	_ =	swait.ge [sflag:s8], $0x4000  }
0x169: {  	[sflag:s8] =	ssyncset.done $0x0  }
0x16a: {  	s22 =	rddreg [dreg:$0xa];
	[sflag:s8] =	ssyncadd.s32 $0xFFFFC000  }
0x16b: {  	[hbm4b:s22+s4] =	stream.linear.scatter [tilespmem:s2], [sflag:$0x5], $0x4000, $0x38;
	[tilespmem:$0x1E700] =	vst v63  }
0x16c: {  	_ =	swait.ge [sflag:s14], $0x4000  }
0x16d: {  	[sflag:s14] =	ssyncset.done $0x0  }
0x16e: {  	[sflag:s14] =	ssyncadd.s32 $0xFFFFC000  }
0x16f: {  	_ =	swait.ge [sflag:s12], $0x4000  }
0x170: {  	[sflag:s12] =	ssyncset.done $0x0  }
0x171: {  	s23 =	rddreg [dreg:$0x14];
	[sflag:s12] =	ssyncadd.s32 $0xFFFFC000  }
0x172: {  	[tilespmem:s9], [sflag:$0x7] =	stream.linear.gather [spmem:s23], $0x80, $0x38;
	[tilespmem:$0x1E700] =	vst v63  }
0x173: {  	_ =	swait.ge [sflag:s8], $0x80  }
0x174: {  	[sflag:s8] =	ssyncset.done $0x0  }
0x175: {  	s24 =	rddreg [dreg:$0xc];
	[sflag:s8] =	ssyncadd.s32 $0xFFFFFF80  }
0x176: {  	[hbm4b:s24+s4] =	stream.linear.scatter [tilespmem:s9], [sflag:$0x7], $0x80, $0x38;
	[tilespmem:$0x1E700] =	vst v63  }
0x177: {  	_ =	swait.ge [sflag:s8], $0x80  }
0x178: {  	[sflag:s8] =	ssyncset.done $0x0  }
0x179: {  	s26 =	rddreg [dreg:$0x15];
	[sflag:s8] =	ssyncadd.s32 $0xFFFFFF80  }
0x17a: {  	[tilespmem:s9], [sflag:$0x7] =	stream.linear.gather [spmem:s26], $0x80, $0x38;
	[tilespmem:$0x1E700] =	vst v63  }
0x17b: {  	_ =	swait.ge [sflag:s8], $0x80  }
0x17c: {  	s25 =	sld [smem:$0x7FA]  }
0x17d: {  	[sflag:s8] =	ssyncset.done $0x0  }
0x17e: {  	[sflag:s8] =	ssyncadd.s32 $0xFFFFFF80  }
0x17f: {  	[hbm4b:s25+s4] =	stream.linear.scatter [tilespmem:s9], [sflag:$0x7], $0x80, $0x38;
	[tilespmem:$0x1E700] =	vst v63  }
0x180: {  	_ =	swait.ge [sflag:s8], $0x80  }
0x181: {  	[sflag:s8] =	ssyncset.done $0x0  }
0x182: {  	s24 =	rddreg [dreg:$0x17];
	[sflag:s8] =	ssyncadd.s32 $0xFFFFFF80  }
0x183: {  	[tilespmem:s9], [sflag:$0x7] =	stream.linear.gather [spmem:s24], $0x80, $0x38;
	[tilespmem:$0x1E700] =	vst v63  }
0x184: {  	_ =	swait.ge [sflag:s8], $0x80  }
0x185: {  	s22 =	sld [smem:$0x7FB]  }
0x186: {  	[sflag:s8] =	ssyncset.done $0x0  }
0x187: {  	[sflag:s8] =	ssyncadd.s32 $0xFFFFFF80  }
0x188: {  	[hbm4b:s22+s4] =	stream.linear.scatter [tilespmem:s9], [sflag:$0x7], $0x80, $0x38;
	[tilespmem:$0x1E700] =	vst v63  }
0x189: {  	_ =	swait.ge [sflag:s8], $0x80  }
0x18a: {  	[sflag:s8] =	ssyncset.done $0x0  }
0x18b: {  	s25 =	rddreg [dreg:$0x18];
	[sflag:s8] =	ssyncadd.s32 $0xFFFFFF80  }
0x18c: {  	[tilespmem:s9], [sflag:$0x7] =	stream.linear.gather [spmem:s25], $0x80, $0x38;
	[tilespmem:$0x1E700] =	vst v63  }
0x18d: {  	_ =	swait.ge [sflag:s8], $0x80  }
0x18e: {  	s23 =	sld [smem:$0x7FC]  }
0x18f: {  	[sflag:s8] =	ssyncset.done $0x0  }
0x190: {  	[sflag:s8] =	ssyncadd.s32 $0xFFFFFF80  }
0x191: {  	[hbm4b:s23+s4] =	stream.linear.scatter [tilespmem:s9], [sflag:$0x7], $0x80, $0x38;
	[tilespmem:$0x1E700] =	vst v63  }
0x192: {  	_ =	swait.ge [sflag:s8], $0x80  }
0x193: {  	[sflag:s8] =	ssyncset.done $0x0  }
0x194: {  	s7 =	rddreg [dreg:$0x19];
	[sflag:s8] =	ssyncadd.s32 $0xFFFFFF80  }
0x195: {  	[tilespmem:s9], [sflag:$0x7] =	stream.linear.gather [spmem:s7], $0x80, $0x38;
	[tilespmem:$0x1E700] =	vst v63  }
0x196: {  	_ =	swait.ge [sflag:s8], $0x80  }
0x197: {  	s22 =	sld [smem:$0x7FD]  }
0x198: {  	[sflag:s8] =	ssyncset.done $0x0  }
0x199: {  	[sflag:s8] =	ssyncadd.s32 $0xFFFFFF80  }
0x19a: {  	[hbm4b:s22+s4] =	stream.linear.scatter [tilespmem:s9], [sflag:$0x7], $0x80, $0x38;
	[tilespmem:$0x1E700] =	vst v63  }
0x19b: {  	_ =	swait.ge [sflag:s8], $0x80  }
0x19c: {  	s22 =	sld [smem:$0x7F6];
	_ =	sdelay $0x2  }
0x19d: {  	s23 =	rddreg [dreg:$0x1a];
	s22 =	sadd.s32 $0x1, s22  }
0x19e: {  	p0 =	sne.s32 s22, s23  }
.Ltmp1:
0x19f: {  	_ = 	snop;
	(pc) =	sbr.rel @p0 .LBB2_1-.Ltmp1, $3  }
0x1a0: {  	_ =	sdelay $0x1  }
0x1a1: {  	[sflag:s8] =	ssyncset.done $0x0  }
0x1a2: {  	[sflag:s8] =	ssyncadd.s32 $0xFFFFFF80  }
0x1a3: {  	_ =	sfence.sel $0x180000  }
0x1a4: {  	[bflag:$0x0] =	sbarrier.arrive $0xFFFF  }
0x1a5: {  	_ =	strace $0x90000047  }
0x1a6: {  	s0 =	stileid.u32;
	[bflag:$0x2] =	sbarrier.arrive $0xFFFF  }
0x1a7: {  	p0 =	sne.s32 s0, $0x0;
	s0 =	rddreg [dreg:$0x5]  }
0x1a8: {  	s0 =	sadd.s32 @!p0 $0x100000, s0  }
0x1a9: {  	[sflag:s0] =	ssyncadd.tile.s32 @!p0 $0x1;
	_ =	shalt  }
.Lfunc_end2:
_tile_overlayer_lowered:
.L_overlay_start_2:
0x1aa: {  	(tag) =	ssettag $0x2  }
0x1ab: {  	s0 =	rddreg [dreg:$0x0];
	s2 =	stileid.u32  }
0x1ac: {  	s1 =	rddreg [dreg:$0x1];
	p0 =	sne.s32 s2, $0x0  }
0x1ad: {  	s3 =	rddreg [dreg:$0x2];
	[bflag:$0x3] =	sbarrier.arrive $0xFFFF;
	s2 =	simm.s32 @!p0 $0x1C07  }
0x1ae: {  	[timem:s3], [sflag:s2] =	dma.local @!p0 [hbm:s0], s1  }
0x1af: {  	s0 =	simm.s32 @!p0 $0x7  }
0x1b0: {  	_ =	swait.ge @!p0 [sflag:s0], s1  }
0x1b1: {  	s1 =	ssub.s32 @!p0 $0x0, s1;
	[sflag:s0] =	ssyncset.done @!p0 $0x0  }
0x1b2: {  	[sflag:s0] =	ssyncadd.s32 @!p0 s1  }
0x1b3: {  	[bflag:$0x3] =	sbarrier.arrive $0xFFFF  }
0x1b4: {  	_ =	shalt  }

</sc_bundles>
